<compile_context>
chip_gen: v7x
topology: tpu7x:2x2x1
jax: 0.10.2.dev20260603
libtpu: 0.0.44.dev20260713+nightly
codegen_flags: <defaults>
</compile_context>

<pallas_src>
import functools
import math

import jax
import jax.numpy as jnp
from jax import lax
from jax.experimental import pallas as pl
from jax.experimental.pallas import tpu as pltpu
from jax.experimental.pallas import tpu_sc as plsc

BS = 2
SLEN = 2048
HS = 2048
INTER = 1024
E = 8
CAP = 256
NTOK = BS * SLEN

F32 = jnp.float32
BF16 = jnp.bfloat16
I32 = jnp.int32


def _router_body(ts_ref, w1_ref, w2_ref, hsu_ref, out_ref):
    tsl = jax.lax.dot_general(
        w1_ref[...].astype(BF16), ts_ref[...].astype(BF16),
        (((1,), (1,)), ((), ())), preferred_element_type=F32)
    logits = jax.lax.dot_general(
        w2_ref[...].astype(BF16), hsu_ref[...].astype(BF16),
        (((1,), (1,)), ((), ())), preferred_element_type=F32)
    b = pl.program_id(0) // 2
    tcol = jnp.where(b == 0, tsl[:, 0:1], tsl[:, 1:2])
    out_ref[...] = jax.nn.sigmoid(logits + tcol)


def _router(hsu_flat, ts, gate_w):
    blk = 1024
    grid = (NTOK // blk,)
    return pl.pallas_call(
        _router_body,
        grid=grid,
        in_specs=[
            pl.BlockSpec((BS, HS), lambda i: (0, 0)),
            pl.BlockSpec((E, HS), lambda i: (0, 0)),
            pl.BlockSpec((E, HS), lambda i: (0, 0)),
            pl.BlockSpec((blk, HS), lambda i: (i, 0)),
        ],
        out_specs=pl.BlockSpec((E, blk), lambda i: (0, i)),
        out_shape=jax.ShapeDtypeStruct((E, NTOK), F32),
    )(ts, gate_w[:, :HS], gate_w[:, HS:], hsu_flat)


def _thresh_body(aff_ref, thr_ref):
    bits = pltpu.bitcast(aff_ref[...], I32)

    def step(_, carry):
        lo, hi = carry
        mid = (lo + hi) // 2
        c = jnp.sum((bits >= mid).astype(I32), axis=1, keepdims=True)
        take = c >= CAP
        return jnp.where(take, mid, lo), jnp.where(take, hi, mid)

    lo0 = jnp.zeros((16, 1), I32)
    hi0 = jnp.full((16, 1), 0x3F800001, I32)
    lo, _ = lax.fori_loop(0, 31, step, (lo0, hi0))
    thr_ref[...] = jnp.broadcast_to(lo, (16, 16))


def _thresh(aff16):
    return pl.pallas_call(
        _thresh_body,
        out_shape=jax.ShapeDtypeStruct((16, 16), I32),
    )(aff16)


def _select_body(aff_hbm, thr_hbm, gti_hbm, gnorm_hbm,
                 row_v, thr_v, idx_v, idx2_v, val_v, zero_v, sums_sh, sem):
    c = lax.axis_index("c")
    s = lax.axis_index("s")
    r = s * 2 + c
    active = s < E

    @pl.when(active)
    def _():
        pltpu.sync_copy(aff_hbm.at[r], row_v)
        pltpu.sync_copy(thr_hbm.at[r], thr_v)

    lanes = lax.iota(I32, 16)

    @pl.when(active)
    def _():
        thrv = thr_v[...]

        def pass1(i, off):
            v = row_v[pl.ds(i * 16, 16)]
            bits = plsc.bitcast(v, I32)
            m = bits > thrv
            mi = jnp.where(m, 1, 0).astype(I32)
            pos = off + plsc.cumsum(mi) - mi
            posw = jnp.where(m, pos, CAP + lanes)
            sidx = i * 16 + lanes
            plsc.store_scatter(idx_v, [posw], sidx)
            plsc.store_scatter(val_v, [posw], v)
            return off + plsc.all_reduce_population_count(m)

        off = lax.fori_loop(0, SLEN // 16, pass1, jnp.zeros((16,), I32))

        def pass2(i, off):
            v = row_v[pl.ds(i * 16, 16)]
            bits = plsc.bitcast(v, I32)
            m = bits == thrv
            mi = jnp.where(m, 1, 0).astype(I32)
            pos = off + plsc.cumsum(mi) - mi
            mw = m & (pos < CAP)
            posw = jnp.where(mw, pos, CAP + lanes)
            sidx = i * 16 + lanes
            plsc.store_scatter(idx_v, [posw], sidx)
            plsc.store_scatter(val_v, [posw], v)
            return off + plsc.all_reduce_population_count(m)

        lax.fori_loop(0, SLEN // 16, pass2, off)

    @pl.when(s == 0)
    def _():
        for j in range(SLEN // 16):
            zero_v[pl.ds(j * 16, 16)] = jnp.zeros((16,), F32)
        pltpu.sync_copy(zero_v, sums_sh)

    plsc.subcore_barrier()

    @pl.when(active)
    def _():
        for j in range(2):
            for k in range(8):
                idx2_v[j, pl.ds(k * 16, 16)] = idx_v[pl.ds(j * 128 + k * 16, 16)]
            pltpu.sync_copy(val_v.at[pl.ds(j * 128, 128)],
                            sums_sh.at[idx2_v.at[j]], add=True)

    plsc.subcore_barrier()

    @pl.when(active)
    def _():
        pltpu.sync_copy(sums_sh, row_v)
        base = jnp.full((16,), c * SLEN, I32)
        for j in range(CAP // 16):
            sl = pl.ds(j * 16, 16)
            idx16 = idx_v[sl]
            s16 = plsc.load_gather(row_v, [idx16])
            val_v[sl] = val_v[sl] / (s16 + 1e-12)
            idx_v[sl] = idx16 + base
        pltpu.sync_copy(idx_v.at[pl.ds(0, CAP)], gti_hbm.at[pl.ds(r * CAP, CAP)])
        pltpu.sync_copy(val_v.at[pl.ds(0, CAP)], gnorm_hbm.at[pl.ds(r * CAP, CAP)])


def _select(aff16, thr):
    mesh = plsc.VectorSubcoreMesh(core_axis_name="c", subcore_axis_name="s")
    f = pl.kernel(
        _select_body,
        out_type=(jax.ShapeDtypeStruct((E * BS * CAP,), I32),
                  jax.ShapeDtypeStruct((E * BS * CAP,), F32)),
        mesh=mesh,
        compiler_params=pltpu.CompilerParams(needs_layout_passes=False),
        scratch_types=[
            pltpu.VMEM((SLEN,), F32),
            pltpu.VMEM((16,), I32),
            pltpu.VMEM((CAP + 16,), I32),
            pltpu.VMEM((2, 128), I32),
            pltpu.VMEM((CAP + 16,), F32),
            pltpu.VMEM((SLEN,), F32),
            pltpu.VMEM_SHARED((SLEN,), F32),
            pltpu.SemaphoreType.DMA,
        ],
    )
    return f(aff16, thr)


NW = 32
RPW = NTOK // NW
GCH = 16
NGCH = RPW // GCH


def _gather_body(x_hbm, gti_hbm, out_hbm, idx_v, buf0, buf1, sem0, sem1):
    c = lax.axis_index("c")
    s = lax.axis_index("s")
    wid = s * 2 + c
    base = wid * RPW
    pltpu.sync_copy(gti_hbm.at[wid], idx_v)

    bufs = (buf0, buf1)
    sems = (sem0, sem1)
    cps = [None, None]
    cps[0] = pltpu.async_copy(x_hbm.at[idx_v.at[0]], buf0, sem0)
    for k in range(1, NGCH + 1):
        if k < NGCH:
            cps[k % 2] = pltpu.async_copy(
                x_hbm.at[idx_v.at[k]], bufs[k % 2], sems[k % 2])
        cps[(k - 1) % 2].wait()
        pltpu.sync_copy(bufs[(k - 1) % 2],
                        out_hbm.at[pl.ds(base + (k - 1) * GCH, GCH)])


def _gather(x_flat, gti):
    mesh = plsc.VectorSubcoreMesh(core_axis_name="c", subcore_axis_name="s")
    f = pl.kernel(
        _gather_body,
        out_type=jax.ShapeDtypeStruct((NTOK, HS), F32),
        mesh=mesh,
        compiler_params=pltpu.CompilerParams(needs_layout_passes=False),
        scratch_types=[
            pltpu.VMEM((NGCH, GCH), I32),
            pltpu.VMEM((GCH, HS), F32),
            pltpu.VMEM((GCH, HS), F32),
            pltpu.SemaphoreType.DMA,
            pltpu.SemaphoreType.DMA,
        ],
    )
    return f(x_flat, gti.reshape(NW, NGCH, GCH))


TPW = NTOK // 16
CCH = 128


def _scatter_body(r_hbm, gti_hbm, z_hbm, o_hbm, idx_v, rbuf, zbuf, img_sh, sem):
    c = lax.axis_index("c")
    s = lax.axis_index("s")
    row0 = s * TPW
    pltpu.sync_copy(gti_hbm.at[s], idx_v)
    pltpu.sync_copy(z_hbm, zbuf)
    for p in range(8):
        k = c * 8 + p
        c0 = k * CCH
        pltpu.sync_copy(zbuf, img_sh.at[pl.ds(row0, TPW)])
        plsc.subcore_barrier()
        pltpu.sync_copy(r_hbm.at[pl.ds(row0, TPW), pl.ds(c0, CCH)], rbuf)
        for j in range(2):
            pltpu.sync_copy(rbuf.at[pl.ds(j * 128, 128)],
                            img_sh.at[idx_v.at[j]], add=True)
        plsc.subcore_barrier()
        pltpu.sync_copy(img_sh.at[pl.ds(row0, TPW)],
                        o_hbm.at[pl.ds(row0, TPW), pl.ds(c0, CCH)])
        if p < 7:
            plsc.subcore_barrier()


def _scatter(routed_flat, gti, zeros_blk):
    mesh = plsc.VectorSubcoreMesh(core_axis_name="c", subcore_axis_name="s")
    f = pl.kernel(
        _scatter_body,
        out_type=jax.ShapeDtypeStruct((NTOK, HS), F32),
        mesh=mesh,
        compiler_params=pltpu.CompilerParams(needs_layout_passes=False),
        scratch_types=[
            pltpu.VMEM((2, 128), I32),
            pltpu.VMEM((TPW, CCH), F32),
            pltpu.VMEM((TPW, CCH), F32),
            pltpu.VMEM_SHARED((NTOK, CCH), F32),
            pltpu.SemaphoreType.DMA,
        ],
    )
    return f(routed_flat, gti.reshape(16, 2, 128), zeros_blk)


def _experts_body(x_ref, g_ref, w1g_ref, w1u_ref, w2_ref, out_ref):
    n = pl.program_id(1)
    xb = x_ref[0].astype(BF16)
    hg = jnp.dot(xb, w1g_ref[0].astype(BF16), preferred_element_type=F32)
    hu = jnp.dot(xb, w1u_ref[0].astype(BF16), preferred_element_type=F32)
    act = (jax.nn.silu(hg) * hu).astype(BF16)
    part = jnp.dot(act, w2_ref[0].astype(BF16), preferred_element_type=F32)

    @pl.when(n == 0)
    def _():
        out_ref[0] = part

    @pl.when(n == 1)
    def _():
        out_ref[0] = (out_ref[0] + part) * g_ref[0]


def _experts(x_routed, gnorm, gate_up_proj, down_proj):
    T = BS * CAP
    ih = INTER // 2
    grid = (E, 2)
    return pl.pallas_call(
        _experts_body,
        grid=grid,
        in_specs=[
            pl.BlockSpec((1, T, HS), lambda e, n: (e, 0, 0)),
            pl.BlockSpec((1, T, 1), lambda e, n: (e, 0, 0)),
            pl.BlockSpec((1, HS, ih), lambda e, n: (e, 0, n)),
            pl.BlockSpec((1, HS, ih), lambda e, n: (e, 0, n + 2)),
            pl.BlockSpec((1, ih, HS), lambda e, n: (e, n, 0)),
        ],
        out_specs=pl.BlockSpec((1, T, HS), lambda e, n: (e, 0, 0)),
        out_shape=jax.ShapeDtypeStruct((E, T, HS), F32),
        compiler_params=pltpu.CompilerParams(
            dimension_semantics=("arbitrary", "arbitrary"),
            vmem_limit_bytes=100 * 1024 * 1024),
    )(x_routed.reshape(E, T, HS), gnorm.reshape(E, T, 1),
      gate_up_proj, gate_up_proj, down_proj)


def _shared_body(x_ref, s_ref, w1h_ref, w1g_ref, w2_ref, out_ref):
    xb = x_ref[...].astype(BF16)
    hh = jax.lax.dot_general(xb, w1h_ref[0].astype(BF16), (((1,), (1,)), ((), ())),
                             preferred_element_type=F32)
    hg = jax.lax.dot_general(xb, w1g_ref[0].astype(BF16), (((1,), (1,)), ((), ())),
                             preferred_element_type=F32)
    act = (hh * jax.nn.silu(hg)).astype(BF16)
    out = jax.lax.dot_general(act, w2_ref[...].astype(BF16), (((1,), (1,)), ((), ())),
                              preferred_element_type=F32)
    out_ref[...] = out + s_ref[...]


def _shared(x_flat, s_img, shared_gate_up_w, shared_down_w):
    blk = 512
    grid = (NTOK // blk,)
    f = pl.pallas_call(
        _shared_body,
        grid=grid,
        in_specs=[
            pl.BlockSpec((blk, HS), lambda i: (i, 0)),
            pl.BlockSpec((blk, HS), lambda i: (i, 0)),
            pl.BlockSpec((1, INTER, HS), lambda i: (0, 0, 0)),
            pl.BlockSpec((1, INTER, HS), lambda i: (1, 0, 0)),
            pl.BlockSpec((HS, INTER), lambda i: (0, 0)),
        ],
        out_specs=pl.BlockSpec((blk, HS), lambda i: (i, 0)),
        out_shape=jax.ShapeDtypeStruct((NTOK, HS), F32),
        compiler_params=pltpu.CompilerParams(
            vmem_limit_bytes=100 * 1024 * 1024),
    )
    w1 = shared_gate_up_w.reshape(2, INTER, HS)
    return f(x_flat, s_img, w1, w1, shared_down_w)


def kernel(hidden_states, hidden_states_unmodulated, timestep, gate_w,
           gate_up_proj, down_proj, shared_gate_up_w, shared_down_w):
    hsu_flat = hidden_states_unmodulated.reshape(NTOK, HS)
    x_flat = hidden_states.reshape(NTOK, HS)

    aff_t = _router(hsu_flat, timestep, gate_w)

    aff16 = aff_t.reshape(16, SLEN)
    thr = _thresh(aff16)
    gti, gnorm = _select(aff16, thr)
    x_routed = _gather(x_flat, gti)

    routed = _experts(x_routed, gnorm, gate_up_proj, down_proj)
    zeros_blk = jnp.zeros((TPW, CCH), dtype=F32)
    s_img = _scatter(routed.reshape(NTOK, HS), gti, zeros_blk)

    out = _shared(x_flat, s_img, shared_gate_up_w, shared_down_w)
    return out.reshape(BS, SLEN, HS)

# --- scband reference (transcript-rebuilt; emitter-appended) ---
"""Pipeline reference for scband-nucleus-mo-elayer-27848567947312 (READ-ONLY COPY).

The authoritative reference and input builder live on the scoring server;
editing this copy changes nothing except your own understanding.
"""

import math
import jax, jax.numpy as jnp
import numpy as np

BS = 2
SLEN = 2048
HS = 2048
INTER = 1024
E = 8
CAP_FACTOR = 1.0
ROUTE_SCALE = 1.0


def setup_inputs(seed: int = 0) -> dict:
    key = jax.random.key(seed)
    ks = jax.random.split(key, 8)
    hidden_states = jax.random.normal(ks[0], (BS, SLEN, HS), dtype=jnp.float32)
    hidden_states_unmodulated = jax.random.normal(ks[1], (BS, SLEN, HS), dtype=jnp.float32)
    timestep = jax.random.normal(ks[2], (BS, HS), dtype=jnp.float32)
    gate_w = jax.random.normal(ks[3], (E, 2 * HS), dtype=jnp.float32) * 0.02
    gate_up_proj = jax.random.normal(ks[4], (E, HS, 2 * INTER), dtype=jnp.float32) * 0.02
    down_proj = jax.random.normal(ks[5], (E, INTER, HS), dtype=jnp.float32) * 0.02
    shared_gate_up_w = jax.random.normal(ks[6], (2 * INTER, HS), dtype=jnp.float32) * 0.02
    shared_down_w = jax.random.normal(ks[7], (HS, INTER), dtype=jnp.float32) * 0.02
    return {
        'hidden_states': hidden_states,
        'hidden_states_unmodulated': hidden_states_unmodulated,
        'timestep': timestep,
        'gate_w': gate_w,
        'gate_up_proj': gate_up_proj,
        'down_proj': down_proj,
        'shared_gate_up_w': shared_gate_up_w,
        'shared_down_w': shared_down_w,
    }


def reference(hidden_states, hidden_states_unmodulated, timestep, gate_w,
              gate_up_proj, down_proj, shared_gate_up_w, shared_down_w):
    bs, slen, dim = hidden_states.shape
    num_experts = gate_up_proj.shape[0]
    # router input: timestep expanded + unmodulated states
    ts = jnp.broadcast_to(timestep[:, None, :], (bs, slen, dim))
    router_input = jnp.concatenate([ts, hidden_states_unmodulated], axis=-1)
    logits = router_input @ gate_w.T  # [bs, slen, E]
    scores = jax.nn.sigmoid(logits.astype(jnp.float32))  # use_sigmoid=True
    affinity = jnp.transpose(scores, (0, 2, 1))  # [bs, E, slen]
    capacity = max(1, math.ceil(CAP_FACTOR * slen / num_experts))
    gating, top_indices = jax.lax.top_k(affinity, capacity)  # [bs, E, cap]
    batch_offsets = (jnp.arange(bs, dtype=jnp.int32) * slen).reshape(bs, 1, 1)
    global_token_indices = jnp.transpose(batch_offsets + top_indices, (1, 0, 2)).reshape(-1)
    gating_flat = jnp.transpose(gating, (1, 0, 2)).reshape(-1)
    token_score_sums = jnp.zeros(bs * slen, dtype=gating_flat.dtype).at[global_token_indices].add(gating_flat)
    gating_flat = gating_flat / (token_score_sums[global_token_indices] + 1e-12)
    gating_flat = gating_flat * ROUTE_SCALE
    x_flat = hidden_states.reshape(bs * slen, dim)
    routed_input = x_flat[global_token_indices]  # [E*bs*cap, dim]
    # experts: tokens are laid out contiguously by expert, bs*cap per expert
    x_e = routed_input.reshape(num_experts, -1, dim)
    gate_up = jnp.einsum('etd,edf->etf', x_e, gate_up_proj)
    g, u = jnp.split(gate_up, 2, axis=-1)
    routed_output = jnp.einsum('etm,emd->etd', jax.nn.silu(g) * u, down_proj).reshape(-1, dim)
    routed_output = routed_output * gating_flat[:, None]
    # shared expert (SwiGLU FeedForward; chunk order: hidden, gate)
    h = hidden_states @ shared_gate_up_w.T
    h_hidden, h_gate = jnp.split(h, 2, axis=-1)
    shared_out = (h_hidden * jax.nn.silu(h_gate)) @ shared_down_w.T
    out = shared_out.reshape(bs * slen, dim).at[global_token_indices].add(routed_output)
    return out.reshape(bs, slen, dim)

if __name__ == "__main__":
    import jax
    _d = setup_inputs()
    print(jax.jit(kernel)(*tuple(_d.values())))

</pallas_src>

<mosaic_0001>
#map = affine_map<(d0, d1) -> (0, 0)>
#map1 = affine_map<(d0, d1) -> (0, 0, 0)>
module attributes {stable_mosaic.version = 14 : i64} {
  func.func @_gather_body(%arg0: i32, %arg1: i32, %arg2: memref<4096x2048xf32, #tpu.memory_space<hbm>>, %arg3: memref<32x8x16xi32, #tpu.memory_space<hbm>>, %arg4: memref<4096x2048xf32, #tpu.memory_space<hbm>>, %arg5: memref<8x16xi32, #tpu.memory_space<vmem>>, %arg6: memref<16x2048xf32, #tpu.memory_space<vmem>>, %arg7: memref<16x2048xf32, #tpu.memory_space<vmem>>, %arg8: memref<!tpu.dma_semaphore, #tpu.memory_space<semaphore_mem>>, %arg9: memref<!tpu.dma_semaphore, #tpu.memory_space<semaphore_mem>>) attributes {dimension_semantics = [#tpu.dimension_semantics<core_parallel>, #tpu.dimension_semantics<subcore_parallel>], iteration_bounds = array<i64: 2, 16>, scalar_prefetch = 0 : i64, scratch_operands = 5 : i64, tpu.core_type = #tpu.core_type<sc_vector_subcore>, window_params = [{transform_indices = #map}, {transform_indices = #map1}, {transform_indices = #map}]} {
    %mul3A = arith.constant 2 : i32
    %mul3A_0 = arith.muli %arg1, %mul3A : i32
    %add3A = arith.addi %mul3A_0, %arg0 : i32
    %mul3A_1 = arith.constant 128 : i32
    %mul3A_2 = arith.muli %add3A, %mul3A_1 : i32
    "tpu.region"() ({
      %run_scoped3A = tpu.sem_alloc : memref<!tpu.dma_semaphore, #tpu.memory_space<semaphore_mem>>
      %dma_start3A_129 = arith.constant 0 : i32
      %dma_start3A_130 = arith.constant 0 : i32
      %dma_start3A_131 = tpu.memref_slice %arg3[%add3A, %dma_start3A_129, %dma_start3A_130] : memref<32x8x16xi32, #tpu.memory_space<hbm>> -> memref<1x8x16xi32, #tpu.memory_space<hbm>>
      %dma_start3A_132 = tpu.memref_squeeze %dma_start3A_131 : memref<1x8x16xi32, #tpu.memory_space<hbm>> -> memref<8x16xi32, #tpu.memory_space<hbm>>
      %dma_start3A_133 = arith.constant 0 : i32
      %dma_start3A_134 = arith.constant 0 : i32
      %dma_start3A_135 = tpu.memref_slice %arg3[%add3A, %dma_start3A_133, %dma_start3A_134] : memref<32x8x16xi32, #tpu.memory_space<hbm>> -> memref<1x8x16xi32, #tpu.memory_space<hbm>>
      %dma_start3A_136 = tpu.memref_squeeze %dma_start3A_135 : memref<1x8x16xi32, #tpu.memory_space<hbm>> -> memref<8x16xi32, #tpu.memory_space<hbm>>
      tpu.enqueue_dma source(%dma_start3A_136 : memref<8x16xi32, #tpu.memory_space<hbm>>) target(%arg5 : memref<8x16xi32, #tpu.memory_space<vmem>>) target_semaphore(%run_scoped3A : memref<!tpu.dma_semaphore, #tpu.memory_space<semaphore_mem>>)
      %dma_wait3A_137 = arith.constant 0 : i32
      %dma_wait3A_138 = arith.constant 0 : i32
      %dma_wait3A_139 = tpu.memref_slice %arg3[%add3A, %dma_wait3A_137, %dma_wait3A_138] : memref<32x8x16xi32, #tpu.memory_space<hbm>> -> memref<1x8x16xi32, #tpu.memory_space<hbm>>
      %dma_wait3A_140 = tpu.memref_squeeze %dma_wait3A_139 : memref<1x8x16xi32, #tpu.memory_space<hbm>> -> memref<8x16xi32, #tpu.memory_space<hbm>>
      %dma_wait3A_141 = arith.constant 0 : i32
      %dma_wait3A_142 = arith.constant 0 : i32
      %dma_wait3A_143 = tpu.memref_slice %arg3[%add3A, %dma_wait3A_141, %dma_wait3A_142] : memref<32x8x16xi32, #tpu.memory_space<hbm>> -> memref<1x8x16xi32, #tpu.memory_space<hbm>>
      %dma_wait3A_144 = tpu.memref_squeeze %dma_wait3A_143 : memref<1x8x16xi32, #tpu.memory_space<hbm>> -> memref<8x16xi32, #tpu.memory_space<hbm>>
      tpu.wait_dma2 semaphore(%run_scoped3A : memref<!tpu.dma_semaphore, #tpu.memory_space<semaphore_mem>>) src(%dma_wait3A_144 : memref<8x16xi32, #tpu.memory_space<hbm>>) dst(%arg5 : memref<8x16xi32, #tpu.memory_space<vmem>>)
      tpu.yield
    }) : () -> ()
    %dma_start3A = arith.constant 0 : i32
    %dma_start3A_3 = arith.constant 0 : i32
    %dma_start3A_4 = tpu.memref_slice %arg5[%dma_start3A, %dma_start3A_3] : memref<8x16xi32, #tpu.memory_space<vmem>> -> memref<1x16xi32, #tpu.memory_space<vmem>>
    %dma_start3A_5 = tpu.memref_squeeze %dma_start3A_4 : memref<1x16xi32, #tpu.memory_space<vmem>> -> memref<16xi32, #tpu.memory_space<vmem>>
    %dma_start3A_6 = arith.constant 0 : i32
    %dma_start3A_7 = arith.constant 0 : i32
    %dma_start3A_8 = tpu.memref_slice %arg2[%dma_start3A_6, %dma_start3A_7] : memref<4096x2048xf32, #tpu.memory_space<hbm>> -> memref<4096x2048xf32, #tpu.memory_space<hbm>>
    tpu.enqueue_indirect_dma source(%dma_start3A_8 : memref<4096x2048xf32, #tpu.memory_space<hbm>>) target(%arg6 : memref<16x2048xf32, #tpu.memory_space<vmem>>) offsets(%dma_start3A_5 : memref<16xi32, #tpu.memory_space<vmem>>) semaphore(%arg8 : memref<!tpu.dma_semaphore, #tpu.memory_space<semaphore_mem>>)
    %dma_start3A_9 = arith.constant 1 : i32
    %dma_start3A_10 = arith.constant 0 : i32
    %dma_start3A_11 = tpu.memref_slice %arg5[%dma_start3A_9, %dma_start3A_10] : memref<8x16xi32, #tpu.memory_space<vmem>> -> memref<1x16xi32, #tpu.memory_space<vmem>>
    %dma_start3A_12 = tpu.memref_squeeze %dma_start3A_11 : memref<1x16xi32, #tpu.memory_space<vmem>> -> memref<16xi32, #tpu.memory_space<vmem>>
    %dma_start3A_13 = arith.constant 0 : i32
    %dma_start3A_14 = arith.constant 0 : i32
    %dma_start3A_15 = tpu.memref_slice %arg2[%dma_start3A_13, %dma_start3A_14] : memref<4096x2048xf32, #tpu.memory_space<hbm>> -> memref<4096x2048xf32, #tpu.memory_space<hbm>>
    tpu.enqueue_indirect_dma source(%dma_start3A_15 : memref<4096x2048xf32, #tpu.memory_space<hbm>>) target(%arg7 : memref<16x2048xf32, #tpu.memory_space<vmem>>) offsets(%dma_start3A_12 : memref<16xi32, #tpu.memory_space<vmem>>) semaphore(%arg9 : memref<!tpu.dma_semaphore, #tpu.memory_space<semaphore_mem>>)
    %dma_wait3A = arith.constant 0 : i32
    %dma_wait3A_16 = arith.constant 0 : i32
    %dma_wait3A_17 = tpu.memref_slice %arg5[%dma_wait3A, %dma_wait3A_16] : memref<8x16xi32, #tpu.memory_space<vmem>> -> memref<1x16xi32, #tpu.memory_space<vmem>>
    %dma_wait3A_18 = tpu.memref_squeeze %dma_wait3A_17 : memref<1x16xi32, #tpu.memory_space<vmem>> -> memref<16xi32, #tpu.memory_space<vmem>>
    %dma_wait3A_19 = arith.constant 0 : i32
    %dma_wait3A_20 = arith.constant 0 : i32
    %dma_wait3A_21 = tpu.memref_slice %arg2[%dma_wait3A_19, %dma_wait3A_20] : memref<4096x2048xf32, #tpu.memory_space<hbm>> -> memref<4096x2048xf32, #tpu.memory_space<hbm>>
    tpu.wait_indirect_dma semaphore(%arg8 : memref<!tpu.dma_semaphore, #tpu.memory_space<semaphore_mem>>) src(%dma_wait3A_21 : memref<4096x2048xf32, #tpu.memory_space<hbm>>) dst(%arg6 : memref<16x2048xf32, #tpu.memory_space<vmem>>)
    %add3A_22 = arith.constant 0 : i32
    %add3A_23 = arith.addi %mul3A_2, %add3A_22 : i32
    "tpu.region"() ({
      %run_scoped3A = tpu.sem_alloc : memref<!tpu.dma_semaphore, #tpu.memory_space<semaphore_mem>>
      %dma_start3A_129 = arith.constant 0 : i32
      %dma_start3A_130 = tpu.memref_slice %arg4[%add3A_23, %dma_start3A_129] : memref<4096x2048xf32, #tpu.memory_space<hbm>> -> memref<16x2048xf32, #tpu.memory_space<hbm>>
      %dma_start3A_131 = arith.constant 0 : i32
      %dma_start3A_132 = tpu.memref_slice %arg4[%add3A_23, %dma_start3A_131] : memref<4096x2048xf32, #tpu.memory_space<hbm>> -> memref<16x2048xf32, #tpu.memory_space<hbm>>
      tpu.enqueue_dma source(%arg6 : memref<16x2048xf32, #tpu.memory_space<vmem>>) target(%dma_start3A_132 : memref<16x2048xf32, #tpu.memory_space<hbm>>) target_semaphore(%run_scoped3A : memref<!tpu.dma_semaphore, #tpu.memory_space<semaphore_mem>>)
      %dma_wait3A_133 = arith.constant 0 : i32
      %dma_wait3A_134 = tpu.memref_slice %arg4[%add3A_23, %dma_wait3A_133] : memref<4096x2048xf32, #tpu.memory_space<hbm>> -> memref<16x2048xf32, #tpu.memory_space<hbm>>
      %dma_wait3A_135 = arith.constant 0 : i32
      %dma_wait3A_136 = tpu.memref_slice %arg4[%add3A_23, %dma_wait3A_135] : memref<4096x2048xf32, #tpu.memory_space<hbm>> -> memref<16x2048xf32, #tpu.memory_space<hbm>>
      tpu.wait_dma2 semaphore(%run_scoped3A : memref<!tpu.dma_semaphore, #tpu.memory_space<semaphore_mem>>) src(%arg6 : memref<16x2048xf32, #tpu.memory_space<vmem>>) dst(%dma_wait3A_136 : memref<16x2048xf32, #tpu.memory_space<hbm>>)
      tpu.yield
    }) : () -> ()
    %dma_start3A_24 = arith.constant 2 : i32
    %dma_start3A_25 = arith.constant 0 : i32
    %dma_start3A_26 = tpu.memref_slice %arg5[%dma_start3A_24, %dma_start3A_25] : memref<8x16xi32, #tpu.memory_space<vmem>> -> memref<1x16xi32, #tpu.memory_space<vmem>>
    %dma_start3A_27 = tpu.memref_squeeze %dma_start3A_26 : memref<1x16xi32, #tpu.memory_space<vmem>> -> memref<16xi32, #tpu.memory_space<vmem>>
    %dma_start3A_28 = arith.constant 0 : i32
    %dma_start3A_29 = arith.constant 0 : i32
    %dma_start3A_30 = tpu.memref_slice %arg2[%dma_start3A_28, %dma_start3A_29] : memref<4096x2048xf32, #tpu.memory_space<hbm>> -> memref<4096x2048xf32, #tpu.memory_space<hbm>>
    tpu.enqueue_indirect_dma source(%dma_start3A_30 : memref<4096x2048xf32, #tpu.memory_space<hbm>>) target(%arg6 : memref<16x2048xf32, #tpu.memory_space<vmem>>) offsets(%dma_start3A_27 : memref<16xi32, #tpu.memory_space<vmem>>) semaphore(%arg8 : memref<!tpu.dma_semaphore, #tpu.memory_space<semaphore_mem>>)
    %dma_wait3A_31 = arith.constant 1 : i32
    %dma_wait3A_32 = arith.constant 0 : i32
    %dma_wait3A_33 = tpu.memref_slice %arg5[%dma_wait3A_31, %dma_wait3A_32] : memref<8x16xi32, #tpu.memory_space<vmem>> -> memref<1x16xi32, #tpu.memory_space<vmem>>
    %dma_wait3A_34 = tpu.memref_squeeze %dma_wait3A_33 : memref<1x16xi32, #tpu.memory_space<vmem>> -> memref<16xi32, #tpu.memory_space<vmem>>
    %dma_wait3A_35 = arith.constant 0 : i32
    %dma_wait3A_36 = arith.constant 0 : i32
    %dma_wait3A_37 = tpu.memref_slice %arg2[%dma_wait3A_35, %dma_wait3A_36] : memref<4096x2048xf32, #tpu.memory_space<hbm>> -> memref<4096x2048xf32, #tpu.memory_space<hbm>>
    tpu.wait_indirect_dma semaphore(%arg9 : memref<!tpu.dma_semaphore, #tpu.memory_space<semaphore_mem>>) src(%dma_wait3A_37 : memref<4096x2048xf32, #tpu.memory_space<hbm>>) dst(%arg7 : memref<16x2048xf32, #tpu.memory_space<vmem>>)
    %add3A_38 = arith.constant 16 : i32
    %add3A_39 = arith.addi %mul3A_2, %add3A_38 : i32
    "tpu.region"() ({
      %run_scoped3A = tpu.sem_alloc : memref<!tpu.dma_semaphore, #tpu.memory_space<semaphore_mem>>
      %dma_start3A_129 = arith.constant 0 : i32
      %dma_start3A_130 = tpu.memref_slice %arg4[%add3A_39, %dma_start3A_129] : memref<4096x2048xf32, #tpu.memory_space<hbm>> -> memref<16x2048xf32, #tpu.memory_space<hbm>>
      %dma_start3A_131 = arith.constant 0 : i32
      %dma_start3A_132 = tpu.memref_slice %arg4[%add3A_39, %dma_start3A_131] : memref<4096x2048xf32, #tpu.memory_space<hbm>> -> memref<16x2048xf32, #tpu.memory_space<hbm>>
      tpu.enqueue_dma source(%arg7 : memref<16x2048xf32, #tpu.memory_space<vmem>>) target(%dma_start3A_132 : memref<16x2048xf32, #tpu.memory_space<hbm>>) target_semaphore(%run_scoped3A : memref<!tpu.dma_semaphore, #tpu.memory_space<semaphore_mem>>)
      %dma_wait3A_133 = arith.constant 0 : i32
      %dma_wait3A_134 = tpu.memref_slice %arg4[%add3A_39, %dma_wait3A_133] : memref<4096x2048xf32, #tpu.memory_space<hbm>> -> memref<16x2048xf32, #tpu.memory_space<hbm>>
      %dma_wait3A_135 = arith.constant 0 : i32
      %dma_wait3A_136 = tpu.memref_slice %arg4[%add3A_39, %dma_wait3A_135] : memref<4096x2048xf32, #tpu.memory_space<hbm>> -> memref<16x2048xf32, #tpu.memory_space<hbm>>
      tpu.wait_dma2 semaphore(%run_scoped3A : memref<!tpu.dma_semaphore, #tpu.memory_space<semaphore_mem>>) src(%arg7 : memref<16x2048xf32, #tpu.memory_space<vmem>>) dst(%dma_wait3A_136 : memref<16x2048xf32, #tpu.memory_space<hbm>>)
      tpu.yield
    }) : () -> ()
    %dma_start3A_40 = arith.constant 3 : i32
    %dma_start3A_41 = arith.constant 0 : i32
    %dma_start3A_42 = tpu.memref_slice %arg5[%dma_start3A_40, %dma_start3A_41] : memref<8x16xi32, #tpu.memory_space<vmem>> -> memref<1x16xi32, #tpu.memory_space<vmem>>
    %dma_start3A_43 = tpu.memref_squeeze %dma_start3A_42 : memref<1x16xi32, #tpu.memory_space<vmem>> -> memref<16xi32, #tpu.memory_space<vmem>>
    %dma_start3A_44 = arith.constant 0 : i32
    %dma_start3A_45 = arith.constant 0 : i32
    %dma_start3A_46 = tpu.memref_slice %arg2[%dma_start3A_44, %dma_start3A_45] : memref<4096x2048xf32, #tpu.memory_space<hbm>> -> memref<4096x2048xf32, #tpu.memory_space<hbm>>
    tpu.enqueue_indirect_dma source(%dma_start3A_46 : memref<4096x2048xf32, #tpu.memory_space<hbm>>) target(%arg7 : memref<16x2048xf32, #tpu.memory_space<vmem>>) offsets(%dma_start3A_43 : memref<16xi32, #tpu.memory_space<vmem>>) semaphore(%arg9 : memref<!tpu.dma_semaphore, #tpu.memory_space<semaphore_mem>>)
    %dma_wait3A_47 = arith.constant 2 : i32
    %dma_wait3A_48 = arith.constant 0 : i32
    %dma_wait3A_49 = tpu.memref_slice %arg5[%dma_wait3A_47, %dma_wait3A_48] : memref<8x16xi32, #tpu.memory_space<vmem>> -> memref<1x16xi32, #tpu.memory_space<vmem>>
    %dma_wait3A_50 = tpu.memref_squeeze %dma_wait3A_49 : memref<1x16xi32, #tpu.memory_space<vmem>> -> memref<16xi32, #tpu.memory_space<vmem>>
    %dma_wait3A_51 = arith.constant 0 : i32
    %dma_wait3A_52 = arith.constant 0 : i32
    %dma_wait3A_53 = tpu.memref_slice %arg2[%dma_wait3A_51, %dma_wait3A_52] : memref<4096x2048xf32, #tpu.memory_space<hbm>> -> memref<4096x2048xf32, #tpu.memory_space<hbm>>
    tpu.wait_indirect_dma semaphore(%arg8 : memref<!tpu.dma_semaphore, #tpu.memory_space<semaphore_mem>>) src(%dma_wait3A_53 : memref<4096x2048xf32, #tpu.memory_space<hbm>>) dst(%arg6 : memref<16x2048xf32, #tpu.memory_space<vmem>>)
    %add3A_54 = arith.constant 32 : i32
    %add3A_55 = arith.addi %mul3A_2, %add3A_54 : i32
    "tpu.region"() ({
      %run_scoped3A = tpu.sem_alloc : memref<!tpu.dma_semaphore, #tpu.memory_space<semaphore_mem>>
      %dma_start3A_129 = arith.constant 0 : i32
      %dma_start3A_130 = tpu.memref_slice %arg4[%add3A_55, %dma_start3A_129] : memref<4096x2048xf32, #tpu.memory_space<hbm>> -> memref<16x2048xf32, #tpu.memory_space<hbm>>
      %dma_start3A_131 = arith.constant 0 : i32
      %dma_start3A_132 = tpu.memref_slice %arg4[%add3A_55, %dma_start3A_131] : memref<4096x2048xf32, #tpu.memory_space<hbm>> -> memref<16x2048xf32, #tpu.memory_space<hbm>>
      tpu.enqueue_dma source(%arg6 : memref<16x2048xf32, #tpu.memory_space<vmem>>) target(%dma_start3A_132 : memref<16x2048xf32, #tpu.memory_space<hbm>>) target_semaphore(%run_scoped3A : memref<!tpu.dma_semaphore, #tpu.memory_space<semaphore_mem>>)
      %dma_wait3A_133 = arith.constant 0 : i32
      %dma_wait3A_134 = tpu.memref_slice %arg4[%add3A_55, %dma_wait3A_133] : memref<4096x2048xf32, #tpu.memory_space<hbm>> -> memref<16x2048xf32, #tpu.memory_space<hbm>>
      %dma_wait3A_135 = arith.constant 0 : i32
      %dma_wait3A_136 = tpu.memref_slice %arg4[%add3A_55, %dma_wait3A_135] : memref<4096x2048xf32, #tpu.memory_space<hbm>> -> memref<16x2048xf32, #tpu.memory_space<hbm>>
      tpu.wait_dma2 semaphore(%run_scoped3A : memref<!tpu.dma_semaphore, #tpu.memory_space<semaphore_mem>>) src(%arg6 : memref<16x2048xf32, #tpu.memory_space<vmem>>) dst(%dma_wait3A_136 : memref<16x2048xf32, #tpu.memory_space<hbm>>)
      tpu.yield
    }) : () -> ()
    %dma_start3A_56 = arith.constant 4 : i32
    %dma_start3A_57 = arith.constant 0 : i32
    %dma_start3A_58 = tpu.memref_slice %arg5[%dma_start3A_56, %dma_start3A_57] : memref<8x16xi32, #tpu.memory_space<vmem>> -> memref<1x16xi32, #tpu.memory_space<vmem>>
    %dma_start3A_59 = tpu.memref_squeeze %dma_start3A_58 : memref<1x16xi32, #tpu.memory_space<vmem>> -> memref<16xi32, #tpu.memory_space<vmem>>
    %dma_start3A_60 = arith.constant 0 : i32
    %dma_start3A_61 = arith.constant 0 : i32
    %dma_start3A_62 = tpu.memref_slice %arg2[%dma_start3A_60, %dma_start3A_61] : memref<4096x2048xf32, #tpu.memory_space<hbm>> -> memref<4096x2048xf32, #tpu.memory_space<hbm>>
    tpu.enqueue_indirect_dma source(%dma_start3A_62 : memref<4096x2048xf32, #tpu.memory_space<hbm>>) target(%arg6 : memref<16x2048xf32, #tpu.memory_space<vmem>>) offsets(%dma_start3A_59 : memref<16xi32, #tpu.memory_space<vmem>>) semaphore(%arg8 : memref<!tpu.dma_semaphore, #tpu.memory_space<semaphore_mem>>)
    %dma_wait3A_63 = arith.constant 3 : i32
    %dma_wait3A_64 = arith.constant 0 : i32
    %dma_wait3A_65 = tpu.memref_slice %arg5[%dma_wait3A_63, %dma_wait3A_64] : memref<8x16xi32, #tpu.memory_space<vmem>> -> memref<1x16xi32, #tpu.memory_space<vmem>>
    %dma_wait3A_66 = tpu.memref_squeeze %dma_wait3A_65 : memref<1x16xi32, #tpu.memory_space<vmem>> -> memref<16xi32, #tpu.memory_space<vmem>>
    %dma_wait3A_67 = arith.constant 0 : i32
    %dma_wait3A_68 = arith.constant 0 : i32
    %dma_wait3A_69 = tpu.memref_slice %arg2[%dma_wait3A_67, %dma_wait3A_68] : memref<4096x2048xf32, #tpu.memory_space<hbm>> -> memref<4096x2048xf32, #tpu.memory_space<hbm>>
    tpu.wait_indirect_dma semaphore(%arg9 : memref<!tpu.dma_semaphore, #tpu.memory_space<semaphore_mem>>) src(%dma_wait3A_69 : memref<4096x2048xf32, #tpu.memory_space<hbm>>) dst(%arg7 : memref<16x2048xf32, #tpu.memory_space<vmem>>)
    %add3A_70 = arith.constant 48 : i32
    %add3A_71 = arith.addi %mul3A_2, %add3A_70 : i32
    "tpu.region"() ({
      %run_scoped3A = tpu.sem_alloc : memref<!tpu.dma_semaphore, #tpu.memory_space<semaphore_mem>>
      %dma_start3A_129 = arith.constant 0 : i32
      %dma_start3A_130 = tpu.memref_slice %arg4[%add3A_71, %dma_start3A_129] : memref<4096x2048xf32, #tpu.memory_space<hbm>> -> memref<16x2048xf32, #tpu.memory_space<hbm>>
      %dma_start3A_131 = arith.constant 0 : i32
      %dma_start3A_132 = tpu.memref_slice %arg4[%add3A_71, %dma_start3A_131] : memref<4096x2048xf32, #tpu.memory_space<hbm>> -> memref<16x2048xf32, #tpu.memory_space<hbm>>
      tpu.enqueue_dma source(%arg7 : memref<16x2048xf32, #tpu.memory_space<vmem>>) target(%dma_start3A_132 : memref<16x2048xf32, #tpu.memory_space<hbm>>) target_semaphore(%run_scoped3A : memref<!tpu.dma_semaphore, #tpu.memory_space<semaphore_mem>>)
      %dma_wait3A_133 = arith.constant 0 : i32
      %dma_wait3A_134 = tpu.memref_slice %arg4[%add3A_71, %dma_wait3A_133] : memref<4096x2048xf32, #tpu.memory_space<hbm>> -> memref<16x2048xf32, #tpu.memory_space<hbm>>
      %dma_wait3A_135 = arith.constant 0 : i32
      %dma_wait3A_136 = tpu.memref_slice %arg4[%add3A_71, %dma_wait3A_135] : memref<4096x2048xf32, #tpu.memory_space<hbm>> -> memref<16x2048xf32, #tpu.memory_space<hbm>>
      tpu.wait_dma2 semaphore(%run_scoped3A : memref<!tpu.dma_semaphore, #tpu.memory_space<semaphore_mem>>) src(%arg7 : memref<16x2048xf32, #tpu.memory_space<vmem>>) dst(%dma_wait3A_136 : memref<16x2048xf32, #tpu.memory_space<hbm>>)
      tpu.yield
    }) : () -> ()
    %dma_start3A_72 = arith.constant 5 : i32
    %dma_start3A_73 = arith.constant 0 : i32
    %dma_start3A_74 = tpu.memref_slice %arg5[%dma_start3A_72, %dma_start3A_73] : memref<8x16xi32, #tpu.memory_space<vmem>> -> memref<1x16xi32, #tpu.memory_space<vmem>>
    %dma_start3A_75 = tpu.memref_squeeze %dma_start3A_74 : memref<1x16xi32, #tpu.memory_space<vmem>> -> memref<16xi32, #tpu.memory_space<vmem>>
    %dma_start3A_76 = arith.constant 0 : i32
    %dma_start3A_77 = arith.constant 0 : i32
    %dma_start3A_78 = tpu.memref_slice %arg2[%dma_start3A_76, %dma_start3A_77] : memref<4096x2048xf32, #tpu.memory_space<hbm>> -> memref<4096x2048xf32, #tpu.memory_space<hbm>>
    tpu.enqueue_indirect_dma source(%dma_start3A_78 : memref<4096x2048xf32, #tpu.memory_space<hbm>>) target(%arg7 : memref<16x2048xf32, #tpu.memory_space<vmem>>) offsets(%dma_start3A_75 : memref<16xi32, #tpu.memory_space<vmem>>) semaphore(%arg9 : memref<!tpu.dma_semaphore, #tpu.memory_space<semaphore_mem>>)
    %dma_wait3A_79 = arith.constant 4 : i32
    %dma_wait3A_80 = arith.constant 0 : i32
    %dma_wait3A_81 = tpu.memref_slice %arg5[%dma_wait3A_79, %dma_wait3A_80] : memref<8x16xi32, #tpu.memory_space<vmem>> -> memref<1x16xi32, #tpu.memory_space<vmem>>
    %dma_wait3A_82 = tpu.memref_squeeze %dma_wait3A_81 : memref<1x16xi32, #tpu.memory_space<vmem>> -> memref<16xi32, #tpu.memory_space<vmem>>
    %dma_wait3A_83 = arith.constant 0 : i32
    %dma_wait3A_84 = arith.constant 0 : i32
    %dma_wait3A_85 = tpu.memref_slice %arg2[%dma_wait3A_83, %dma_wait3A_84] : memref<4096x2048xf32, #tpu.memory_space<hbm>> -> memref<4096x2048xf32, #tpu.memory_space<hbm>>
    tpu.wait_indirect_dma semaphore(%arg8 : memref<!tpu.dma_semaphore, #tpu.memory_space<semaphore_mem>>) src(%dma_wait3A_85 : memref<4096x2048xf32, #tpu.memory_space<hbm>>) dst(%arg6 : memref<16x2048xf32, #tpu.memory_space<vmem>>)
    %add3A_86 = arith.constant 64 : i32
    %add3A_87 = arith.addi %mul3A_2, %add3A_86 : i32
    "tpu.region"() ({
      %run_scoped3A = tpu.sem_alloc : memref<!tpu.dma_semaphore, #tpu.memory_space<semaphore_mem>>
      %dma_start3A_129 = arith.constant 0 : i32
      %dma_start3A_130 = tpu.memref_slice %arg4[%add3A_87, %dma_start3A_129] : memref<4096x2048xf32, #tpu.memory_space<hbm>> -> memref<16x2048xf32, #tpu.memory_space<hbm>>
      %dma_start3A_131 = arith.constant 0 : i32
      %dma_start3A_132 = tpu.memref_slice %arg4[%add3A_87, %dma_start3A_131] : memref<4096x2048xf32, #tpu.memory_space<hbm>> -> memref<16x2048xf32, #tpu.memory_space<hbm>>
      tpu.enqueue_dma source(%arg6 : memref<16x2048xf32, #tpu.memory_space<vmem>>) target(%dma_start3A_132 : memref<16x2048xf32, #tpu.memory_space<hbm>>) target_semaphore(%run_scoped3A : memref<!tpu.dma_semaphore, #tpu.memory_space<semaphore_mem>>)
      %dma_wait3A_133 = arith.constant 0 : i32
      %dma_wait3A_134 = tpu.memref_slice %arg4[%add3A_87, %dma_wait3A_133] : memref<4096x2048xf32, #tpu.memory_space<hbm>> -> memref<16x2048xf32, #tpu.memory_space<hbm>>
      %dma_wait3A_135 = arith.constant 0 : i32
      %dma_wait3A_136 = tpu.memref_slice %arg4[%add3A_87, %dma_wait3A_135] : memref<4096x2048xf32, #tpu.memory_space<hbm>> -> memref<16x2048xf32, #tpu.memory_space<hbm>>
      tpu.wait_dma2 semaphore(%run_scoped3A : memref<!tpu.dma_semaphore, #tpu.memory_space<semaphore_mem>>) src(%arg6 : memref<16x2048xf32, #tpu.memory_space<vmem>>) dst(%dma_wait3A_136 : memref<16x2048xf32, #tpu.memory_space<hbm>>)
      tpu.yield
    }) : () -> ()
    %dma_start3A_88 = arith.constant 6 : i32
    %dma_start3A_89 = arith.constant 0 : i32
    %dma_start3A_90 = tpu.memref_slice %arg5[%dma_start3A_88, %dma_start3A_89] : memref<8x16xi32, #tpu.memory_space<vmem>> -> memref<1x16xi32, #tpu.memory_space<vmem>>
    %dma_start3A_91 = tpu.memref_squeeze %dma_start3A_90 : memref<1x16xi32, #tpu.memory_space<vmem>> -> memref<16xi32, #tpu.memory_space<vmem>>
    %dma_start3A_92 = arith.constant 0 : i32
    %dma_start3A_93 = arith.constant 0 : i32
    %dma_start3A_94 = tpu.memref_slice %arg2[%dma_start3A_92, %dma_start3A_93] : memref<4096x2048xf32, #tpu.memory_space<hbm>> -> memref<4096x2048xf32, #tpu.memory_space<hbm>>
    tpu.enqueue_indirect_dma source(%dma_start3A_94 : memref<4096x2048xf32, #tpu.memory_space<hbm>>) target(%arg6 : memref<16x2048xf32, #tpu.memory_space<vmem>>) offsets(%dma_start3A_91 : memref<16xi32, #tpu.memory_space<vmem>>) semaphore(%arg8 : memref<!tpu.dma_semaphore, #tpu.memory_space<semaphore_mem>>)
    %dma_wait3A_95 = arith.constant 5 : i32
    %dma_wait3A_96 = arith.constant 0 : i32
    %dma_wait3A_97 = tpu.memref_slice %arg5[%dma_wait3A_95, %dma_wait3A_96] : memref<8x16xi32, #tpu.memory_space<vmem>> -> memref<1x16xi32, #tpu.memory_space<vmem>>
    %dma_wait3A_98 = tpu.memref_squeeze %dma_wait3A_97 : memref<1x16xi32, #tpu.memory_space<vmem>> -> memref<16xi32, #tpu.memory_space<vmem>>
    %dma_wait3A_99 = arith.constant 0 : i32
    %dma_wait3A_100 = arith.constant 0 : i32
    %dma_wait3A_101 = tpu.memref_slice %arg2[%dma_wait3A_99, %dma_wait3A_100] : memref<4096x2048xf32, #tpu.memory_space<hbm>> -> memref<4096x2048xf32, #tpu.memory_space<hbm>>
    tpu.wait_indirect_dma semaphore(%arg9 : memref<!tpu.dma_semaphore, #tpu.memory_space<semaphore_mem>>) src(%dma_wait3A_101 : memref<4096x2048xf32, #tpu.memory_space<hbm>>) dst(%arg7 : memref<16x2048xf32, #tpu.memory_space<vmem>>)
    %add3A_102 = arith.constant 80 : i32
    %add3A_103 = arith.addi %mul3A_2, %add3A_102 : i32
    "tpu.region"() ({
      %run_scoped3A = tpu.sem_alloc : memref<!tpu.dma_semaphore, #tpu.memory_space<semaphore_mem>>
      %dma_start3A_129 = arith.constant 0 : i32
      %dma_start3A_130 = tpu.memref_slice %arg4[%add3A_103, %dma_start3A_129] : memref<4096x2048xf32, #tpu.memory_space<hbm>> -> memref<16x2048xf32, #tpu.memory_space<hbm>>
      %dma_start3A_131 = arith.constant 0 : i32
      %dma_start3A_132 = tpu.memref_slice %arg4[%add3A_103, %dma_start3A_131] : memref<4096x2048xf32, #tpu.memory_space<hbm>> -> memref<16x2048xf32, #tpu.memory_space<hbm>>
      tpu.enqueue_dma source(%arg7 : memref<16x2048xf32, #tpu.memory_space<vmem>>) target(%dma_start3A_132 : memref<16x2048xf32, #tpu.memory_space<hbm>>) target_semaphore(%run_scoped3A : memref<!tpu.dma_semaphore, #tpu.memory_space<semaphore_mem>>)
      %dma_wait3A_133 = arith.constant 0 : i32
      %dma_wait3A_134 = tpu.memref_slice %arg4[%add3A_103, %dma_wait3A_133] : memref<4096x2048xf32, #tpu.memory_space<hbm>> -> memref<16x2048xf32, #tpu.memory_space<hbm>>
      %dma_wait3A_135 = arith.constant 0 : i32
      %dma_wait3A_136 = tpu.memref_slice %arg4[%add3A_103, %dma_wait3A_135] : memref<4096x2048xf32, #tpu.memory_space<hbm>> -> memref<16x2048xf32, #tpu.memory_space<hbm>>
      tpu.wait_dma2 semaphore(%run_scoped3A : memref<!tpu.dma_semaphore, #tpu.memory_space<semaphore_mem>>) src(%arg7 : memref<16x2048xf32, #tpu.memory_space<vmem>>) dst(%dma_wait3A_136 : memref<16x2048xf32, #tpu.memory_space<hbm>>)
      tpu.yield
    }) : () -> ()
    %dma_start3A_104 = arith.constant 7 : i32
    %dma_start3A_105 = arith.constant 0 : i32
    %dma_start3A_106 = tpu.memref_slice %arg5[%dma_start3A_104, %dma_start3A_105] : memref<8x16xi32, #tpu.memory_space<vmem>> -> memref<1x16xi32, #tpu.memory_space<vmem>>
    %dma_start3A_107 = tpu.memref_squeeze %dma_start3A_106 : memref<1x16xi32, #tpu.memory_space<vmem>> -> memref<16xi32, #tpu.memory_space<vmem>>
    %dma_start3A_108 = arith.constant 0 : i32
    %dma_start3A_109 = arith.constant 0 : i32
    %dma_start3A_110 = tpu.memref_slice %arg2[%dma_start3A_108, %dma_start3A_109] : memref<4096x2048xf32, #tpu.memory_space<hbm>> -> memref<4096x2048xf32, #tpu.memory_space<hbm>>
    tpu.enqueue_indirect_dma source(%dma_start3A_110 : memref<4096x2048xf32, #tpu.memory_space<hbm>>) target(%arg7 : memref<16x2048xf32, #tpu.memory_space<vmem>>) offsets(%dma_start3A_107 : memref<16xi32, #tpu.memory_space<vmem>>) semaphore(%arg9 : memref<!tpu.dma_semaphore, #tpu.memory_space<semaphore_mem>>)
    %dma_wait3A_111 = arith.constant 6 : i32
    %dma_wait3A_112 = arith.constant 0 : i32
    %dma_wait3A_113 = tpu.memref_slice %arg5[%dma_wait3A_111, %dma_wait3A_112] : memref<8x16xi32, #tpu.memory_space<vmem>> -> memref<1x16xi32, #tpu.memory_space<vmem>>
    %dma_wait3A_114 = tpu.memref_squeeze %dma_wait3A_113 : memref<1x16xi32, #tpu.memory_space<vmem>> -> memref<16xi32, #tpu.memory_space<vmem>>
    %dma_wait3A_115 = arith.constant 0 : i32
    %dma_wait3A_116 = arith.constant 0 : i32
    %dma_wait3A_117 = tpu.memref_slice %arg2[%dma_wait3A_115, %dma_wait3A_116] : memref<4096x2048xf32, #tpu.memory_space<hbm>> -> memref<4096x2048xf32, #tpu.memory_space<hbm>>
    tpu.wait_indirect_dma semaphore(%arg8 : memref<!tpu.dma_semaphore, #tpu.memory_space<semaphore_mem>>) src(%dma_wait3A_117 : memref<4096x2048xf32, #tpu.memory_space<hbm>>) dst(%arg6 : memref<16x2048xf32, #tpu.memory_space<vmem>>)
    %add3A_118 = arith.constant 96 : i32
    %add3A_119 = arith.addi %mul3A_2, %add3A_118 : i32
    "tpu.region"() ({
      %run_scoped3A = tpu.sem_alloc : memref<!tpu.dma_semaphore, #tpu.memory_space<semaphore_mem>>
      %dma_start3A_129 = arith.constant 0 : i32
      %dma_start3A_130 = tpu.memref_slice %arg4[%add3A_119, %dma_start3A_129] : memref<4096x2048xf32, #tpu.memory_space<hbm>> -> memref<16x2048xf32, #tpu.memory_space<hbm>>
      %dma_start3A_131 = arith.constant 0 : i32
      %dma_start3A_132 = tpu.memref_slice %arg4[%add3A_119, %dma_start3A_131] : memref<4096x2048xf32, #tpu.memory_space<hbm>> -> memref<16x2048xf32, #tpu.memory_space<hbm>>
      tpu.enqueue_dma source(%arg6 : memref<16x2048xf32, #tpu.memory_space<vmem>>) target(%dma_start3A_132 : memref<16x2048xf32, #tpu.memory_space<hbm>>) target_semaphore(%run_scoped3A : memref<!tpu.dma_semaphore, #tpu.memory_space<semaphore_mem>>)
      %dma_wait3A_133 = arith.constant 0 : i32
      %dma_wait3A_134 = tpu.memref_slice %arg4[%add3A_119, %dma_wait3A_133] : memref<4096x2048xf32, #tpu.memory_space<hbm>> -> memref<16x2048xf32, #tpu.memory_space<hbm>>
      %dma_wait3A_135 = arith.constant 0 : i32
      %dma_wait3A_136 = tpu.memref_slice %arg4[%add3A_119, %dma_wait3A_135] : memref<4096x2048xf32, #tpu.memory_space<hbm>> -> memref<16x2048xf32, #tpu.memory_space<hbm>>
      tpu.wait_dma2 semaphore(%run_scoped3A : memref<!tpu.dma_semaphore, #tpu.memory_space<semaphore_mem>>) src(%arg6 : memref<16x2048xf32, #tpu.memory_space<vmem>>) dst(%dma_wait3A_136 : memref<16x2048xf32, #tpu.memory_space<hbm>>)
      tpu.yield
    }) : () -> ()
    %dma_wait3A_120 = arith.constant 7 : i32
    %dma_wait3A_121 = arith.constant 0 : i32
    %dma_wait3A_122 = tpu.memref_slice %arg5[%dma_wait3A_120, %dma_wait3A_121] : memref<8x16xi32, #tpu.memory_space<vmem>> -> memref<1x16xi32, #tpu.memory_space<vmem>>
    %dma_wait3A_123 = tpu.memref_squeeze %dma_wait3A_122 : memref<1x16xi32, #tpu.memory_space<vmem>> -> memref<16xi32, #tpu.memory_space<vmem>>
    %dma_wait3A_124 = arith.constant 0 : i32
    %dma_wait3A_125 = arith.constant 0 : i32
    %dma_wait3A_126 = tpu.memref_slice %arg2[%dma_wait3A_124, %dma_wait3A_125] : memref<4096x2048xf32, #tpu.memory_space<hbm>> -> memref<4096x2048xf32, #tpu.memory_space<hbm>>
    tpu.wait_indirect_dma semaphore(%arg9 : memref<!tpu.dma_semaphore, #tpu.memory_space<semaphore_mem>>) src(%dma_wait3A_126 : memref<4096x2048xf32, #tpu.memory_space<hbm>>) dst(%arg7 : memref<16x2048xf32, #tpu.memory_space<vmem>>)
    %add3A_127 = arith.constant 112 : i32
    %add3A_128 = arith.addi %mul3A_2, %add3A_127 : i32
    "tpu.region"() ({
      %run_scoped3A = tpu.sem_alloc : memref<!tpu.dma_semaphore, #tpu.memory_space<semaphore_mem>>
      %dma_start3A_129 = arith.constant 0 : i32
      %dma_start3A_130 = tpu.memref_slice %arg4[%add3A_128, %dma_start3A_129] : memref<4096x2048xf32, #tpu.memory_space<hbm>> -> memref<16x2048xf32, #tpu.memory_space<hbm>>
      %dma_start3A_131 = arith.constant 0 : i32
      %dma_start3A_132 = tpu.memref_slice %arg4[%add3A_128, %dma_start3A_131] : memref<4096x2048xf32, #tpu.memory_space<hbm>> -> memref<16x2048xf32, #tpu.memory_space<hbm>>
      tpu.enqueue_dma source(%arg7 : memref<16x2048xf32, #tpu.memory_space<vmem>>) target(%dma_start3A_132 : memref<16x2048xf32, #tpu.memory_space<hbm>>) target_semaphore(%run_scoped3A : memref<!tpu.dma_semaphore, #tpu.memory_space<semaphore_mem>>)
      %dma_wait3A_133 = arith.constant 0 : i32
      %dma_wait3A_134 = tpu.memref_slice %arg4[%add3A_128, %dma_wait3A_133] : memref<4096x2048xf32, #tpu.memory_space<hbm>> -> memref<16x2048xf32, #tpu.memory_space<hbm>>
      %dma_wait3A_135 = arith.constant 0 : i32
      %dma_wait3A_136 = tpu.memref_slice %arg4[%add3A_128, %dma_wait3A_135] : memref<4096x2048xf32, #tpu.memory_space<hbm>> -> memref<16x2048xf32, #tpu.memory_space<hbm>>
      tpu.wait_dma2 semaphore(%run_scoped3A : memref<!tpu.dma_semaphore, #tpu.memory_space<semaphore_mem>>) src(%arg7 : memref<16x2048xf32, #tpu.memory_space<vmem>>) dst(%dma_wait3A_136 : memref<16x2048xf32, #tpu.memory_space<hbm>>)
      tpu.yield
    }) : () -> ()
    return
  }
}

#map = affine_map<(d0, d1) -> (0, 0)>
#map1 = affine_map<(d0, d1) -> (0, 0, 0)>
module attributes {stable_mosaic.version = 14 : i64} {
  func.func @_scatter_body(%arg0: i32, %arg1: i32, %arg2: memref<4096x2048xf32, #tpu.memory_space<hbm>>, %arg3: memref<16x2x128xi32, #tpu.memory_space<hbm>>, %arg4: memref<256x128xf32, #tpu.memory_space<hbm>>, %arg5: memref<4096x2048xf32, #tpu.memory_space<hbm>>, %arg6: memref<2x128xi32, #tpu.memory_space<vmem>>, %arg7: memref<256x128xf32, #tpu.memory_space<vmem>>, %arg8: memref<256x128xf32, #tpu.memory_space<vmem>>, %arg9: memref<4096x128xf32, #tpu.memory_space<vmem_shared>>, %arg10: memref<!tpu.dma_semaphore, #tpu.memory_space<semaphore_mem>>) attributes {dimension_semantics = [#tpu.dimension_semantics<core_parallel>, #tpu.dimension_semantics<subcore_parallel>], iteration_bounds = array<i64: 2, 16>, scalar_prefetch = 0 : i64, scratch_operands = 5 : i64, tpu.core_type = #tpu.core_type<sc_vector_subcore>, window_params = [{transform_indices = #map}, {transform_indices = #map1}, {transform_indices = #map}, {transform_indices = #map}]} {
    %mul3A = arith.constant 256 : i32
    %mul3A_0 = arith.muli %arg1, %mul3A : i32
    "tpu.region"() ({
      %run_scoped3A_85 = tpu.sem_alloc : memref<!tpu.dma_semaphore, #tpu.memory_space<semaphore_mem>>
      %dma_start3A = arith.constant 0 : i32
      %dma_start3A_86 = arith.constant 0 : i32
      %dma_start3A_87 = tpu.memref_slice %arg3[%arg1, %dma_start3A, %dma_start3A_86] : memref<16x2x128xi32, #tpu.memory_space<hbm>> -> memref<1x2x128xi32, #tpu.memory_space<hbm>>
      %dma_start3A_88 = tpu.memref_squeeze %dma_start3A_87 : memref<1x2x128xi32, #tpu.memory_space<hbm>> -> memref<2x128xi32, #tpu.memory_space<hbm>>
      %dma_start3A_89 = arith.constant 0 : i32
      %dma_start3A_90 = arith.constant 0 : i32
      %dma_start3A_91 = tpu.memref_slice %arg3[%arg1, %dma_start3A_89, %dma_start3A_90] : memref<16x2x128xi32, #tpu.memory_space<hbm>> -> memref<1x2x128xi32, #tpu.memory_space<hbm>>
      %dma_start3A_92 = tpu.memref_squeeze %dma_start3A_91 : memref<1x2x128xi32, #tpu.memory_space<hbm>> -> memref<2x128xi32, #tpu.memory_space<hbm>>
      tpu.enqueue_dma source(%dma_start3A_92 : memref<2x128xi32, #tpu.memory_space<hbm>>) target(%arg6 : memref<2x128xi32, #tpu.memory_space<vmem>>) target_semaphore(%run_scoped3A_85 : memref<!tpu.dma_semaphore, #tpu.memory_space<semaphore_mem>>)
      %dma_wait3A = arith.constant 0 : i32
      %dma_wait3A_93 = arith.constant 0 : i32
      %dma_wait3A_94 = tpu.memref_slice %arg3[%arg1, %dma_wait3A, %dma_wait3A_93] : memref<16x2x128xi32, #tpu.memory_space<hbm>> -> memref<1x2x128xi32, #tpu.memory_space<hbm>>
      %dma_wait3A_95 = tpu.memref_squeeze %dma_wait3A_94 : memref<1x2x128xi32, #tpu.memory_space<hbm>> -> memref<2x128xi32, #tpu.memory_space<hbm>>
      %dma_wait3A_96 = arith.constant 0 : i32
      %dma_wait3A_97 = arith.constant 0 : i32
      %dma_wait3A_98 = tpu.memref_slice %arg3[%arg1, %dma_wait3A_96, %dma_wait3A_97] : memref<16x2x128xi32, #tpu.memory_space<hbm>> -> memref<1x2x128xi32, #tpu.memory_space<hbm>>
      %dma_wait3A_99 = tpu.memref_squeeze %dma_wait3A_98 : memref<1x2x128xi32, #tpu.memory_space<hbm>> -> memref<2x128xi32, #tpu.memory_space<hbm>>
      tpu.wait_dma2 semaphore(%run_scoped3A_85 : memref<!tpu.dma_semaphore, #tpu.memory_space<semaphore_mem>>) src(%dma_wait3A_99 : memref<2x128xi32, #tpu.memory_space<hbm>>) dst(%arg6 : memref<2x128xi32, #tpu.memory_space<vmem>>)
      tpu.yield
    }) : () -> ()
    "tpu.region"() ({
      %run_scoped3A_85 = tpu.sem_alloc : memref<!tpu.dma_semaphore, #tpu.memory_space<semaphore_mem>>
      tpu.enqueue_dma source(%arg4 : memref<256x128xf32, #tpu.memory_space<hbm>>) target(%arg8 : memref<256x128xf32, #tpu.memory_space<vmem>>) target_semaphore(%run_scoped3A_85 : memref<!tpu.dma_semaphore, #tpu.memory_space<semaphore_mem>>)
      tpu.wait_dma2 semaphore(%run_scoped3A_85 : memref<!tpu.dma_semaphore, #tpu.memory_space<semaphore_mem>>) src(%arg4 : memref<256x128xf32, #tpu.memory_space<hbm>>) dst(%arg8 : memref<256x128xf32, #tpu.memory_space<vmem>>)
      tpu.yield
    }) : () -> ()
    %mul3A_1 = arith.constant 8 : i32
    %mul3A_2 = arith.muli %arg0, %mul3A_1 : i32
    %add3A = arith.constant 0 : i32
    %add3A_3 = arith.addi %mul3A_2, %add3A : i32
    %mul3A_4 = arith.constant 128 : i32
    %mul3A_5 = arith.muli %add3A_3, %mul3A_4 : i32
    "tpu.region"() ({
      %run_scoped3A_85 = tpu.sem_alloc : memref<!tpu.dma_semaphore, #tpu.memory_space<semaphore_mem>>
      %dma_start3A = arith.constant 0 : i32
      %dma_start3A_86 = tpu.memref_slice %arg9[%mul3A_0, %dma_start3A] : memref<4096x128xf32, #tpu.memory_space<vmem_shared>> -> memref<256x128xf32, #tpu.memory_space<vmem_shared>>
      %dma_start3A_87 = arith.constant 0 : i32
      %dma_start3A_88 = tpu.memref_slice %arg9[%mul3A_0, %dma_start3A_87] : memref<4096x128xf32, #tpu.memory_space<vmem_shared>> -> memref<256x128xf32, #tpu.memory_space<vmem_shared>>
      tpu.enqueue_dma source(%arg8 : memref<256x128xf32, #tpu.memory_space<vmem>>) target(%dma_start3A_88 : memref<256x128xf32, #tpu.memory_space<vmem_shared>>) target_semaphore(%run_scoped3A_85 : memref<!tpu.dma_semaphore, #tpu.memory_space<semaphore_mem>>)
      %dma_wait3A = arith.constant 0 : i32
      %dma_wait3A_89 = tpu.memref_slice %arg9[%mul3A_0, %dma_wait3A] : memref<4096x128xf32, #tpu.memory_space<vmem_shared>> -> memref<256x128xf32, #tpu.memory_space<vmem_shared>>
      %dma_wait3A_90 = arith.constant 0 : i32
      %dma_wait3A_91 = tpu.memref_slice %arg9[%mul3A_0, %dma_wait3A_90] : memref<4096x128xf32, #tpu.memory_space<vmem_shared>> -> memref<256x128xf32, #tpu.memory_space<vmem_shared>>
      tpu.wait_dma2 semaphore(%run_scoped3A_85 : memref<!tpu.dma_semaphore, #tpu.memory_space<semaphore_mem>>) src(%arg8 : memref<256x128xf32, #tpu.memory_space<vmem>>) dst(%dma_wait3A_91 : memref<256x128xf32, #tpu.memory_space<vmem_shared>>)
      tpu.yield
    }) : () -> ()
    %barrier3A = arith.constant 0 : index
    tpu.barrier barrier_id(%barrier3A)
    "tpu.region"() ({
      %run_scoped3A_85 = tpu.sem_alloc : memref<!tpu.dma_semaphore, #tpu.memory_space<semaphore_mem>>
      %dma_start3A = tpu.memref_slice %arg2[%mul3A_0, %mul3A_5] : memref<4096x2048xf32, #tpu.memory_space<hbm>> -> memref<256x128xf32, #tpu.memory_space<hbm>>
      %dma_start3A_86 = tpu.memref_slice %arg2[%mul3A_0, %mul3A_5] : memref<4096x2048xf32, #tpu.memory_space<hbm>> -> memref<256x128xf32, #tpu.memory_space<hbm>>
      tpu.enqueue_dma source(%dma_start3A_86 : memref<256x128xf32, #tpu.memory_space<hbm>>) target(%arg7 : memref<256x128xf32, #tpu.memory_space<vmem>>) target_semaphore(%run_scoped3A_85 : memref<!tpu.dma_semaphore, #tpu.memory_space<semaphore_mem>>)
      %dma_wait3A = tpu.memref_slice %arg2[%mul3A_0, %mul3A_5] : memref<4096x2048xf32, #tpu.memory_space<hbm>> -> memref<256x128xf32, #tpu.memory_space<hbm>>
      %dma_wait3A_87 = tpu.memref_slice %arg2[%mul3A_0, %mul3A_5] : memref<4096x2048xf32, #tpu.memory_space<hbm>> -> memref<256x128xf32, #tpu.memory_space<hbm>>
      tpu.wait_dma2 semaphore(%run_scoped3A_85 : memref<!tpu.dma_semaphore, #tpu.memory_space<semaphore_mem>>) src(%dma_wait3A_87 : memref<256x128xf32, #tpu.memory_space<hbm>>) dst(%arg7 : memref<256x128xf32, #tpu.memory_space<vmem>>)
      tpu.yield
    }) : () -> ()
    %run_scoped3A = arith.constant 0 : i32
    "tpu.region"() ({
      %run_scoped3A_85 = tpu.sem_alloc : memref<!tpu.dma_semaphore, #tpu.memory_space<semaphore_mem>>
      %dma_start3A = arith.constant 0 : i32
      %dma_start3A_86 = arith.constant 0 : i32
      %dma_start3A_87 = tpu.memref_slice %arg7[%dma_start3A, %dma_start3A_86] : memref<256x128xf32, #tpu.memory_space<vmem>> -> memref<128x128xf32, #tpu.memory_space<vmem>>
      %dma_start3A_88 = arith.constant 0 : i32
      %dma_start3A_89 = tpu.memref_slice %arg6[%run_scoped3A, %dma_start3A_88] : memref<2x128xi32, #tpu.memory_space<vmem>> -> memref<1x128xi32, #tpu.memory_space<vmem>>
      %dma_start3A_90 = tpu.memref_squeeze %dma_start3A_89 : memref<1x128xi32, #tpu.memory_space<vmem>> -> memref<128xi32, #tpu.memory_space<vmem>>
      %dma_start3A_91 = arith.constant 0 : i32
      %dma_start3A_92 = arith.constant 0 : i32
      %dma_start3A_93 = tpu.memref_slice %arg9[%dma_start3A_91, %dma_start3A_92] : memref<4096x128xf32, #tpu.memory_space<vmem_shared>> -> memref<4096x128xf32, #tpu.memory_space<vmem_shared>>
      tpu.enqueue_indirect_dma source(%dma_start3A_87 : memref<128x128xf32, #tpu.memory_space<vmem>>) target(%dma_start3A_93 : memref<4096x128xf32, #tpu.memory_space<vmem_shared>>) offsets(%dma_start3A_90 : memref<128xi32, #tpu.memory_space<vmem>>) semaphore(%run_scoped3A_85 : memref<!tpu.dma_semaphore, #tpu.memory_space<semaphore_mem>>) {add = true}
      %dma_wait3A = arith.constant 0 : i32
      %dma_wait3A_94 = arith.constant 0 : i32
      %dma_wait3A_95 = tpu.memref_slice %arg7[%dma_wait3A, %dma_wait3A_94] : memref<256x128xf32, #tpu.memory_space<vmem>> -> memref<128x128xf32, #tpu.memory_space<vmem>>
      %dma_wait3A_96 = arith.constant 0 : i32
      %dma_wait3A_97 = tpu.memref_slice %arg6[%run_scoped3A, %dma_wait3A_96] : memref<2x128xi32, #tpu.memory_space<vmem>> -> memref<1x128xi32, #tpu.memory_space<vmem>>
      %dma_wait3A_98 = tpu.memref_squeeze %dma_wait3A_97 : memref<1x128xi32, #tpu.memory_space<vmem>> -> memref<128xi32, #tpu.memory_space<vmem>>
      %dma_wait3A_99 = arith.constant 0 : i32
      %dma_wait3A_100 = arith.constant 0 : i32
      %dma_wait3A_101 = tpu.memref_slice %arg9[%dma_wait3A_99, %dma_wait3A_100] : memref<4096x128xf32, #tpu.memory_space<vmem_shared>> -> memref<4096x128xf32, #tpu.memory_space<vmem_shared>>
      tpu.wait_indirect_dma semaphore(%run_scoped3A_85 : memref<!tpu.dma_semaphore, #tpu.memory_space<semaphore_mem>>) src(%dma_wait3A_95 : memref<128x128xf32, #tpu.memory_space<vmem>>) dst(%dma_wait3A_101 : memref<4096x128xf32, #tpu.memory_space<vmem_shared>>)
      tpu.yield
    }) : () -> ()
    %run_scoped3A_6 = arith.constant 1 : i32
    "tpu.region"() ({
      %run_scoped3A_85 = tpu.sem_alloc : memref<!tpu.dma_semaphore, #tpu.memory_space<semaphore_mem>>
      %dma_start3A = arith.constant 128 : i32
      %dma_start3A_86 = arith.constant 0 : i32
      %dma_start3A_87 = tpu.memref_slice %arg7[%dma_start3A, %dma_start3A_86] : memref<256x128xf32, #tpu.memory_space<vmem>> -> memref<128x128xf32, #tpu.memory_space<vmem>>
      %dma_start3A_88 = arith.constant 0 : i32
      %dma_start3A_89 = tpu.memref_slice %arg6[%run_scoped3A_6, %dma_start3A_88] : memref<2x128xi32, #tpu.memory_space<vmem>> -> memref<1x128xi32, #tpu.memory_space<vmem>>
      %dma_start3A_90 = tpu.memref_squeeze %dma_start3A_89 : memref<1x128xi32, #tpu.memory_space<vmem>> -> memref<128xi32, #tpu.memory_space<vmem>>
      %dma_start3A_91 = arith.constant 0 : i32
      %dma_start3A_92 = arith.constant 0 : i32
      %dma_start3A_93 = tpu.memref_slice %arg9[%dma_start3A_91, %dma_start3A_92] : memref<4096x128xf32, #tpu.memory_space<vmem_shared>> -> memref<4096x128xf32, #tpu.memory_space<vmem_shared>>
      tpu.enqueue_indirect_dma source(%dma_start3A_87 : memref<128x128xf32, #tpu.memory_space<vmem>>) target(%dma_start3A_93 : memref<4096x128xf32, #tpu.memory_space<vmem_shared>>) offsets(%dma_start3A_90 : memref<128xi32, #tpu.memory_space<vmem>>) semaphore(%run_scoped3A_85 : memref<!tpu.dma_semaphore, #tpu.memory_space<semaphore_mem>>) {add = true}
      %dma_wait3A = arith.constant 128 : i32
      %dma_wait3A_94 = arith.constant 0 : i32
      %dma_wait3A_95 = tpu.memref_slice %arg7[%dma_wait3A, %dma_wait3A_94] : memref<256x128xf32, #tpu.memory_space<vmem>> -> memref<128x128xf32, #tpu.memory_space<vmem>>
      %dma_wait3A_96 = arith.constant 0 : i32
      %dma_wait3A_97 = tpu.memref_slice %arg6[%run_scoped3A_6, %dma_wait3A_96] : memref<2x128xi32, #tpu.memory_space<vmem>> -> memref<1x128xi32, #tpu.memory_space<vmem>>
      %dma_wait3A_98 = tpu.memref_squeeze %dma_wait3A_97 : memref<1x128xi32, #tpu.memory_space<vmem>> -> memref<128xi32, #tpu.memory_space<vmem>>
      %dma_wait3A_99 = arith.constant 0 : i32
      %dma_wait3A_100 = arith.constant 0 : i32
      %dma_wait3A_101 = tpu.memref_slice %arg9[%dma_wait3A_99, %dma_wait3A_100] : memref<4096x128xf32, #tpu.memory_space<vmem_shared>> -> memref<4096x128xf32, #tpu.memory_space<vmem_shared>>
      tpu.wait_indirect_dma semaphore(%run_scoped3A_85 : memref<!tpu.dma_semaphore, #tpu.memory_space<semaphore_mem>>) src(%dma_wait3A_95 : memref<128x128xf32, #tpu.memory_space<vmem>>) dst(%dma_wait3A_101 : memref<4096x128xf32, #tpu.memory_space<vmem_shared>>)
      tpu.yield
    }) : () -> ()
    %barrier3A_7 = arith.constant 0 : index
    tpu.barrier barrier_id(%barrier3A_7)
    "tpu.region"() ({
      %run_scoped3A_85 = tpu.sem_alloc : memref<!tpu.dma_semaphore, #tpu.memory_space<semaphore_mem>>
      %dma_start3A = tpu.memref_slice %arg5[%mul3A_0, %mul3A_5] : memref<4096x2048xf32, #tpu.memory_space<hbm>> -> memref<256x128xf32, #tpu.memory_space<hbm>>
      %dma_start3A_86 = arith.constant 0 : i32
      %dma_start3A_87 = tpu.memref_slice %arg9[%mul3A_0, %dma_start3A_86] : memref<4096x128xf32, #tpu.memory_space<vmem_shared>> -> memref<256x128xf32, #tpu.memory_space<vmem_shared>>
      tpu.enqueue_dma source(%dma_start3A_87 : memref<256x128xf32, #tpu.memory_space<vmem_shared>>) target(%dma_start3A : memref<256x128xf32, #tpu.memory_space<hbm>>) target_semaphore(%run_scoped3A_85 : memref<!tpu.dma_semaphore, #tpu.memory_space<semaphore_mem>>)
      %dma_wait3A = tpu.memref_slice %arg5[%mul3A_0, %mul3A_5] : memref<4096x2048xf32, #tpu.memory_space<hbm>> -> memref<256x128xf32, #tpu.memory_space<hbm>>
      %dma_wait3A_88 = arith.constant 0 : i32
      %dma_wait3A_89 = tpu.memref_slice %arg9[%mul3A_0, %dma_wait3A_88] : memref<4096x128xf32, #tpu.memory_space<vmem_shared>> -> memref<256x128xf32, #tpu.memory_space<vmem_shared>>
      tpu.wait_dma2 semaphore(%run_scoped3A_85 : memref<!tpu.dma_semaphore, #tpu.memory_space<semaphore_mem>>) src(%dma_wait3A_89 : memref<256x128xf32, #tpu.memory_space<vmem_shared>>) dst(%dma_wait3A : memref<256x128xf32, #tpu.memory_space<hbm>>)
      tpu.yield
    }) : () -> ()
    %barrier3A_8 = arith.constant 0 : index
    tpu.barrier barrier_id(%barrier3A_8)
    %mul3A_9 = arith.constant 8 : i32
    %mul3A_10 = arith.muli %arg0, %mul3A_9 : i32
    %add3A_11 = arith.constant 1 : i32
    %add3A_12 = arith.addi %mul3A_10, %add3A_11 : i32
    %mul3A_13 = arith.constant 128 : i32
    %mul3A_14 = arith.muli %add3A_12, %mul3A_13 : i32
    "tpu.region"() ({
      %run_scoped3A_85 = tpu.sem_alloc : memref<!tpu.dma_semaphore, #tpu.memory_space<semaphore_mem>>
      %dma_start3A = arith.constant 0 : i32
      %dma_start3A_86 = tpu.memref_slice %arg9[%mul3A_0, %dma_start3A] : memref<4096x128xf32, #tpu.memory_space<vmem_shared>> -> memref<256x128xf32, #tpu.memory_space<vmem_shared>>
      %dma_start3A_87 = arith.constant 0 : i32
      %dma_start3A_88 = tpu.memref_slice %arg9[%mul3A_0, %dma_start3A_87] : memref<4096x128xf32, #tpu.memory_space<vmem_shared>> -> memref<256x128xf32, #tpu.memory_space<vmem_shared>>
      tpu.enqueue_dma source(%arg8 : memref<256x128xf32, #tpu.memory_space<vmem>>) target(%dma_start3A_88 : memref<256x128xf32, #tpu.memory_space<vmem_shared>>) target_semaphore(%run_scoped3A_85 : memref<!tpu.dma_semaphore, #tpu.memory_space<semaphore_mem>>)
      %dma_wait3A = arith.constant 0 : i32
      %dma_wait3A_89 = tpu.memref_slice %arg9[%mul3A_0, %dma_wait3A] : memref<4096x128xf32, #tpu.memory_space<vmem_shared>> -> memref<256x128xf32, #tpu.memory_space<vmem_shared>>
      %dma_wait3A_90 = arith.constant 0 : i32
      %dma_wait3A_91 = tpu.memref_slice %arg9[%mul3A_0, %dma_wait3A_90] : memref<4096x128xf32, #tpu.memory_space<vmem_shared>> -> memref<256x128xf32, #tpu.memory_space<vmem_shared>>
      tpu.wait_dma2 semaphore(%run_scoped3A_85 : memref<!tpu.dma_semaphore, #tpu.memory_space<semaphore_mem>>) src(%arg8 : memref<256x128xf32, #tpu.memory_space<vmem>>) dst(%dma_wait3A_91 : memref<256x128xf32, #tpu.memory_space<vmem_shared>>)
      tpu.yield
    }) : () -> ()
    %barrier3A_15 = arith.constant 0 : index
    tpu.barrier barrier_id(%barrier3A_15)
    "tpu.region"() ({
      %run_scoped3A_85 = tpu.sem_alloc : memref<!tpu.dma_semaphore, #tpu.memory_space<semaphore_mem>>
      %dma_start3A = tpu.memref_slice %arg2[%mul3A_0, %mul3A_14] : memref<4096x2048xf32, #tpu.memory_space<hbm>> -> memref<256x128xf32, #tpu.memory_space<hbm>>
      %dma_start3A_86 = tpu.memref_slice %arg2[%mul3A_0, %mul3A_14] : memref<4096x2048xf32, #tpu.memory_space<hbm>> -> memref<256x128xf32, #tpu.memory_space<hbm>>
      tpu.enqueue_dma source(%dma_start3A_86 : memref<256x128xf32, #tpu.memory_space<hbm>>) target(%arg7 : memref<256x128xf32, #tpu.memory_space<vmem>>) target_semaphore(%run_scoped3A_85 : memref<!tpu.dma_semaphore, #tpu.memory_space<semaphore_mem>>)
      %dma_wait3A = tpu.memref_slice %arg2[%mul3A_0, %mul3A_14] : memref<4096x2048xf32, #tpu.memory_space<hbm>> -> memref<256x128xf32, #tpu.memory_space<hbm>>
      %dma_wait3A_87 = tpu.memref_slice %arg2[%mul3A_0, %mul3A_14] : memref<4096x2048xf32, #tpu.memory_space<hbm>> -> memref<256x128xf32, #tpu.memory_space<hbm>>
      tpu.wait_dma2 semaphore(%run_scoped3A_85 : memref<!tpu.dma_semaphore, #tpu.memory_space<semaphore_mem>>) src(%dma_wait3A_87 : memref<256x128xf32, #tpu.memory_space<hbm>>) dst(%arg7 : memref<256x128xf32, #tpu.memory_space<vmem>>)
      tpu.yield
    }) : () -> ()
    %run_scoped3A_16 = arith.constant 0 : i32
    "tpu.region"() ({
      %run_scoped3A_85 = tpu.sem_alloc : memref<!tpu.dma_semaphore, #tpu.memory_space<semaphore_mem>>
      %dma_start3A = arith.constant 0 : i32
      %dma_start3A_86 = arith.constant 0 : i32
      %dma_start3A_87 = tpu.memref_slice %arg7[%dma_start3A, %dma_start3A_86] : memref<256x128xf32, #tpu.memory_space<vmem>> -> memref<128x128xf32, #tpu.memory_space<vmem>>
      %dma_start3A_88 = arith.constant 0 : i32
      %dma_start3A_89 = tpu.memref_slice %arg6[%run_scoped3A_16, %dma_start3A_88] : memref<2x128xi32, #tpu.memory_space<vmem>> -> memref<1x128xi32, #tpu.memory_space<vmem>>
      %dma_start3A_90 = tpu.memref_squeeze %dma_start3A_89 : memref<1x128xi32, #tpu.memory_space<vmem>> -> memref<128xi32, #tpu.memory_space<vmem>>
      %dma_start3A_91 = arith.constant 0 : i32
      %dma_start3A_92 = arith.constant 0 : i32
      %dma_start3A_93 = tpu.memref_slice %arg9[%dma_start3A_91, %dma_start3A_92] : memref<4096x128xf32, #tpu.memory_space<vmem_shared>> -> memref<4096x128xf32, #tpu.memory_space<vmem_shared>>
      tpu.enqueue_indirect_dma source(%dma_start3A_87 : memref<128x128xf32, #tpu.memory_space<vmem>>) target(%dma_start3A_93 : memref<4096x128xf32, #tpu.memory_space<vmem_shared>>) offsets(%dma_start3A_90 : memref<128xi32, #tpu.memory_space<vmem>>) semaphore(%run_scoped3A_85 : memref<!tpu.dma_semaphore, #tpu.memory_space<semaphore_mem>>) {add = true}
      %dma_wait3A = arith.constant 0 : i32
      %dma_wait3A_94 = arith.constant 0 : i32
      %dma_wait3A_95 = tpu.memref_slice %arg7[%dma_wait3A, %dma_wait3A_94] : memref<256x128xf32, #tpu.memory_space<vmem>> -> memref<128x128xf32, #tpu.memory_space<vmem>>
      %dma_wait3A_96 = arith.constant 0 : i32
      %dma_wait3A_97 = tpu.memref_slice %arg6[%run_scoped3A_16, %dma_wait3A_96] : memref<2x128xi32, #tpu.memory_space<vmem>> -> memref<1x128xi32, #tpu.memory_space<vmem>>
      %dma_wait3A_98 = tpu.memref_squeeze %dma_wait3A_97 : memref<1x128xi32, #tpu.memory_space<vmem>> -> memref<128xi32, #tpu.memory_space<vmem>>
      %dma_wait3A_99 = arith.constant 0 : i32
      %dma_wait3A_100 = arith.constant 0 : i32
      %dma_wait3A_101 = tpu.memref_slice %arg9[%dma_wait3A_99, %dma_wait3A_100] : memref<4096x128xf32, #tpu.memory_space<vmem_shared>> -> memref<4096x128xf32, #tpu.memory_space<vmem_shared>>
      tpu.wait_indirect_dma semaphore(%run_scoped3A_85 : memref<!tpu.dma_semaphore, #tpu.memory_space<semaphore_mem>>) src(%dma_wait3A_95 : memref<128x128xf32, #tpu.memory_space<vmem>>) dst(%dma_wait3A_101 : memref<4096x128xf32, #tpu.memory_space<vmem_shared>>)
      tpu.yield
    }) : () -> ()
    %run_scoped3A_17 = arith.constant 1 : i32
    "tpu.region"() ({
      %run_scoped3A_85 = tpu.sem_alloc : memref<!tpu.dma_semaphore, #tpu.memory_space<semaphore_mem>>
      %dma_start3A = arith.constant 128 : i32
      %dma_start3A_86 = arith.constant 0 : i32
      %dma_start3A_87 = tpu.memref_slice %arg7[%dma_start3A, %dma_start3A_86] : memref<256x128xf32, #tpu.memory_space<vmem>> -> memref<128x128xf32, #tpu.memory_space<vmem>>
      %dma_start3A_88 = arith.constant 0 : i32
      %dma_start3A_89 = tpu.memref_slice %arg6[%run_scoped3A_17, %dma_start3A_88] : memref<2x128xi32, #tpu.memory_space<vmem>> -> memref<1x128xi32, #tpu.memory_space<vmem>>
      %dma_start3A_90 = tpu.memref_squeeze %dma_start3A_89 : memref<1x128xi32, #tpu.memory_space<vmem>> -> memref<128xi32, #tpu.memory_space<vmem>>
      %dma_start3A_91 = arith.constant 0 : i32
      %dma_start3A_92 = arith.constant 0 : i32
      %dma_start3A_93 = tpu.memref_slice %arg9[%dma_start3A_91, %dma_start3A_92] : memref<4096x128xf32, #tpu.memory_space<vmem_shared>> -> memref<4096x128xf32, #tpu.memory_space<vmem_shared>>
      tpu.enqueue_indirect_dma source(%dma_start3A_87 : memref<128x128xf32, #tpu.memory_space<vmem>>) target(%dma_start3A_93 : memref<4096x128xf32, #tpu.memory_space<vmem_shared>>) offsets(%dma_start3A_90 : memref<128xi32, #tpu.memory_space<vmem>>) semaphore(%run_scoped3A_85 : memref<!tpu.dma_semaphore, #tpu.memory_space<semaphore_mem>>) {add = true}
      %dma_wait3A = arith.constant 128 : i32
      %dma_wait3A_94 = arith.constant 0 : i32
      %dma_wait3A_95 = tpu.memref_slice %arg7[%dma_wait3A, %dma_wait3A_94] : memref<256x128xf32, #tpu.memory_space<vmem>> -> memref<128x128xf32, #tpu.memory_space<vmem>>
      %dma_wait3A_96 = arith.constant 0 : i32
      %dma_wait3A_97 = tpu.memref_slice %arg6[%run_scoped3A_17, %dma_wait3A_96] : memref<2x128xi32, #tpu.memory_space<vmem>> -> memref<1x128xi32, #tpu.memory_space<vmem>>
      %dma_wait3A_98 = tpu.memref_squeeze %dma_wait3A_97 : memref<1x128xi32, #tpu.memory_space<vmem>> -> memref<128xi32, #tpu.memory_space<vmem>>
      %dma_wait3A_99 = arith.constant 0 : i32
      %dma_wait3A_100 = arith.constant 0 : i32
      %dma_wait3A_101 = tpu.memref_slice %arg9[%dma_wait3A_99, %dma_wait3A_100] : memref<4096x128xf32, #tpu.memory_space<vmem_shared>> -> memref<4096x128xf32, #tpu.memory_space<vmem_shared>>
      tpu.wait_indirect_dma semaphore(%run_scoped3A_85 : memref<!tpu.dma_semaphore, #tpu.memory_space<semaphore_mem>>) src(%dma_wait3A_95 : memref<128x128xf32, #tpu.memory_space<vmem>>) dst(%dma_wait3A_101 : memref<4096x128xf32, #tpu.memory_space<vmem_shared>>)
      tpu.yield
    }) : () -> ()
    %barrier3A_18 = arith.constant 0 : index
    tpu.barrier barrier_id(%barrier3A_18)
    "tpu.region"() ({
      %run_scoped3A_85 = tpu.sem_alloc : memref<!tpu.dma_semaphore, #tpu.memory_space<semaphore_mem>>
      %dma_start3A = tpu.memref_slice %arg5[%mul3A_0, %mul3A_14] : memref<4096x2048xf32, #tpu.memory_space<hbm>> -> memref<256x128xf32, #tpu.memory_space<hbm>>
      %dma_start3A_86 = arith.constant 0 : i32
      %dma_start3A_87 = tpu.memref_slice %arg9[%mul3A_0, %dma_start3A_86] : memref<4096x128xf32, #tpu.memory_space<vmem_shared>> -> memref<256x128xf32, #tpu.memory_space<vmem_shared>>
      tpu.enqueue_dma source(%dma_start3A_87 : memref<256x128xf32, #tpu.memory_space<vmem_shared>>) target(%dma_start3A : memref<256x128xf32, #tpu.memory_space<hbm>>) target_semaphore(%run_scoped3A_85 : memref<!tpu.dma_semaphore, #tpu.memory_space<semaphore_mem>>)
      %dma_wait3A = tpu.memref_slice %arg5[%mul3A_0, %mul3A_14] : memref<4096x2048xf32, #tpu.memory_space<hbm>> -> memref<256x128xf32, #tpu.memory_space<hbm>>
      %dma_wait3A_88 = arith.constant 0 : i32
      %dma_wait3A_89 = tpu.memref_slice %arg9[%mul3A_0, %dma_wait3A_88] : memref<4096x128xf32, #tpu.memory_space<vmem_shared>> -> memref<256x128xf32, #tpu.memory_space<vmem_shared>>
      tpu.wait_dma2 semaphore(%run_scoped3A_85 : memref<!tpu.dma_semaphore, #tpu.memory_space<semaphore_mem>>) src(%dma_wait3A_89 : memref<256x128xf32, #tpu.memory_space<vmem_shared>>) dst(%dma_wait3A : memref<256x128xf32, #tpu.memory_space<hbm>>)
      tpu.yield
    }) : () -> ()
    %barrier3A_19 = arith.constant 0 : index
    tpu.barrier barrier_id(%barrier3A_19)
    %mul3A_20 = arith.constant 8 : i32
    %mul3A_21 = arith.muli %arg0, %mul3A_20 : i32
    %add3A_22 = arith.constant 2 : i32
    %add3A_23 = arith.addi %mul3A_21, %add3A_22 : i32
    %mul3A_24 = arith.constant 128 : i32
    %mul3A_25 = arith.muli %add3A_23, %mul3A_24 : i32
    "tpu.region"() ({
      %run_scoped3A_85 = tpu.sem_alloc : memref<!tpu.dma_semaphore, #tpu.memory_space<semaphore_mem>>
      %dma_start3A = arith.constant 0 : i32
      %dma_start3A_86 = tpu.memref_slice %arg9[%mul3A_0, %dma_start3A] : memref<4096x128xf32, #tpu.memory_space<vmem_shared>> -> memref<256x128xf32, #tpu.memory_space<vmem_shared>>
      %dma_start3A_87 = arith.constant 0 : i32
      %dma_start3A_88 = tpu.memref_slice %arg9[%mul3A_0, %dma_start3A_87] : memref<4096x128xf32, #tpu.memory_space<vmem_shared>> -> memref<256x128xf32, #tpu.memory_space<vmem_shared>>
      tpu.enqueue_dma source(%arg8 : memref<256x128xf32, #tpu.memory_space<vmem>>) target(%dma_start3A_88 : memref<256x128xf32, #tpu.memory_space<vmem_shared>>) target_semaphore(%run_scoped3A_85 : memref<!tpu.dma_semaphore, #tpu.memory_space<semaphore_mem>>)
      %dma_wait3A = arith.constant 0 : i32
      %dma_wait3A_89 = tpu.memref_slice %arg9[%mul3A_0, %dma_wait3A] : memref<4096x128xf32, #tpu.memory_space<vmem_shared>> -> memref<256x128xf32, #tpu.memory_space<vmem_shared>>
      %dma_wait3A_90 = arith.constant 0 : i32
      %dma_wait3A_91 = tpu.memref_slice %arg9[%mul3A_0, %dma_wait3A_90] : memref<4096x128xf32, #tpu.memory_space<vmem_shared>> -> memref<256x128xf32, #tpu.memory_space<vmem_shared>>
      tpu.wait_dma2 semaphore(%run_scoped3A_85 : memref<!tpu.dma_semaphore, #tpu.memory_space<semaphore_mem>>) src(%arg8 : memref<256x128xf32, #tpu.memory_space<vmem>>) dst(%dma_wait3A_91 : memref<256x128xf32, #tpu.memory_space<vmem_shared>>)
      tpu.yield
    }) : () -> ()
    %barrier3A_26 = arith.constant 0 : index
    tpu.barrier barrier_id(%barrier3A_26)
    "tpu.region"() ({
      %run_scoped3A_85 = tpu.sem_alloc : memref<!tpu.dma_semaphore, #tpu.memory_space<semaphore_mem>>
      %dma_start3A = tpu.memref_slice %arg2[%mul3A_0, %mul3A_25] : memref<4096x2048xf32, #tpu.memory_space<hbm>> -> memref<256x128xf32, #tpu.memory_space<hbm>>
      %dma_start3A_86 = tpu.memref_slice %arg2[%mul3A_0, %mul3A_25] : memref<4096x2048xf32, #tpu.memory_space<hbm>> -> memref<256x128xf32, #tpu.memory_space<hbm>>
      tpu.enqueue_dma source(%dma_start3A_86 : memref<256x128xf32, #tpu.memory_space<hbm>>) target(%arg7 : memref<256x128xf32, #tpu.memory_space<vmem>>) target_semaphore(%run_scoped3A_85 : memref<!tpu.dma_semaphore, #tpu.memory_space<semaphore_mem>>)
      %dma_wait3A = tpu.memref_slice %arg2[%mul3A_0, %mul3A_25] : memref<4096x2048xf32, #tpu.memory_space<hbm>> -> memref<256x128xf32, #tpu.memory_space<hbm>>
      %dma_wait3A_87 = tpu.memref_slice %arg2[%mul3A_0, %mul3A_25] : memref<4096x2048xf32, #tpu.memory_space<hbm>> -> memref<256x128xf32, #tpu.memory_space<hbm>>
      tpu.wait_dma2 semaphore(%run_scoped3A_85 : memref<!tpu.dma_semaphore, #tpu.memory_space<semaphore_mem>>) src(%dma_wait3A_87 : memref<256x128xf32, #tpu.memory_space<hbm>>) dst(%arg7 : memref<256x128xf32, #tpu.memory_space<vmem>>)
      tpu.yield
    }) : () -> ()
    %run_scoped3A_27 = arith.constant 0 : i32
    "tpu.region"() ({
      %run_scoped3A_85 = tpu.sem_alloc : memref<!tpu.dma_semaphore, #tpu.memory_space<semaphore_mem>>
      %dma_start3A = arith.constant 0 : i32
      %dma_start3A_86 = arith.constant 0 : i32
      %dma_start3A_87 = tpu.memref_slice %arg7[%dma_start3A, %dma_start3A_86] : memref<256x128xf32, #tpu.memory_space<vmem>> -> memref<128x128xf32, #tpu.memory_space<vmem>>
      %dma_start3A_88 = arith.constant 0 : i32
      %dma_start3A_89 = tpu.memref_slice %arg6[%run_scoped3A_27, %dma_start3A_88] : memref<2x128xi32, #tpu.memory_space<vmem>> -> memref<1x128xi32, #tpu.memory_space<vmem>>
      %dma_start3A_90 = tpu.memref_squeeze %dma_start3A_89 : memref<1x128xi32, #tpu.memory_space<vmem>> -> memref<128xi32, #tpu.memory_space<vmem>>
      %dma_start3A_91 = arith.constant 0 : i32
      %dma_start3A_92 = arith.constant 0 : i32
      %dma_start3A_93 = tpu.memref_slice %arg9[%dma_start3A_91, %dma_start3A_92] : memref<4096x128xf32, #tpu.memory_space<vmem_shared>> -> memref<4096x128xf32, #tpu.memory_space<vmem_shared>>
      tpu.enqueue_indirect_dma source(%dma_start3A_87 : memref<128x128xf32, #tpu.memory_space<vmem>>) target(%dma_start3A_93 : memref<4096x128xf32, #tpu.memory_space<vmem_shared>>) offsets(%dma_start3A_90 : memref<128xi32, #tpu.memory_space<vmem>>) semaphore(%run_scoped3A_85 : memref<!tpu.dma_semaphore, #tpu.memory_space<semaphore_mem>>) {add = true}
      %dma_wait3A = arith.constant 0 : i32
      %dma_wait3A_94 = arith.constant 0 : i32
      %dma_wait3A_95 = tpu.memref_slice %arg7[%dma_wait3A, %dma_wait3A_94] : memref<256x128xf32, #tpu.memory_space<vmem>> -> memref<128x128xf32, #tpu.memory_space<vmem>>
      %dma_wait3A_96 = arith.constant 0 : i32
      %dma_wait3A_97 = tpu.memref_slice %arg6[%run_scoped3A_27, %dma_wait3A_96] : memref<2x128xi32, #tpu.memory_space<vmem>> -> memref<1x128xi32, #tpu.memory_space<vmem>>
      %dma_wait3A_98 = tpu.memref_squeeze %dma_wait3A_97 : memref<1x128xi32, #tpu.memory_space<vmem>> -> memref<128xi32, #tpu.memory_space<vmem>>
      %dma_wait3A_99 = arith.constant 0 : i32
      %dma_wait3A_100 = arith.constant 0 : i32
      %dma_wait3A_101 = tpu.memref_slice %arg9[%dma_wait3A_99, %dma_wait3A_100] : memref<4096x128xf32, #tpu.memory_space<vmem_shared>> -> memref<4096x128xf32, #tpu.memory_space<vmem_shared>>
      tpu.wait_indirect_dma semaphore(%run_scoped3A_85 : memref<!tpu.dma_semaphore, #tpu.memory_space<semaphore_mem>>) src(%dma_wait3A_95 : memref<128x128xf32, #tpu.memory_space<vmem>>) dst(%dma_wait3A_101 : memref<4096x128xf32, #tpu.memory_space<vmem_shared>>)
      tpu.yield
    }) : () -> ()
    %run_scoped3A_28 = arith.constant 1 : i32
    "tpu.region"() ({
      %run_scoped3A_85 = tpu.sem_alloc : memref<!tpu.dma_semaphore, #tpu.memory_space<semaphore_mem>>
      %dma_start3A = arith.constant 128 : i32
      %dma_start3A_86 = arith.constant 0 : i32
      %dma_start3A_87 = tpu.memref_slice %arg7[%dma_start3A, %dma_start3A_86] : memref<256x128xf32, #tpu.memory_space<vmem>> -> memref<128x128xf32, #tpu.memory_space<vmem>>
      %dma_start3A_88 = arith.constant 0 : i32
      %dma_start3A_89 = tpu.memref_slice %arg6[%run_scoped3A_28, %dma_start3A_88] : memref<2x128xi32, #tpu.memory_space<vmem>> -> memref<1x128xi32, #tpu.memory_space<vmem>>
      %dma_start3A_90 = tpu.memref_squeeze %dma_start3A_89 : memref<1x128xi32, #tpu.memory_space<vmem>> -> memref<128xi32, #tpu.memory_space<vmem>>
      %dma_start3A_91 = arith.constant 0 : i32
      %dma_start3A_92 = arith.constant 0 : i32
      %dma_start3A_93 = tpu.memref_slice %arg9[%dma_start3A_91, %dma_start3A_92] : memref<4096x128xf32, #tpu.memory_space<vmem_shared>> -> memref<4096x128xf32, #tpu.memory_space<vmem_shared>>
      tpu.enqueue_indirect_dma source(%dma_start3A_87 : memref<128x128xf32, #tpu.memory_space<vmem>>) target(%dma_start3A_93 : memref<4096x128xf32, #tpu.memory_space<vmem_shared>>) offsets(%dma_start3A_90 : memref<128xi32, #tpu.memory_space<vmem>>) semaphore(%run_scoped3A_85 : memref<!tpu.dma_semaphore, #tpu.memory_space<semaphore_mem>>) {add = true}
      %dma_wait3A = arith.constant 128 : i32
      %dma_wait3A_94 = arith.constant 0 : i32
      %dma_wait3A_95 = tpu.memref_slice %arg7[%dma_wait3A, %dma_wait3A_94] : memref<256x128xf32, #tpu.memory_space<vmem>> -> memref<128x128xf32, #tpu.memory_space<vmem>>
      %dma_wait3A_96 = arith.constant 0 : i32
      %dma_wait3A_97 = tpu.memref_slice %arg6[%run_scoped3A_28, %dma_wait3A_96] : memref<2x128xi32, #tpu.memory_space<vmem>> -> memref<1x128xi32, #tpu.memory_space<vmem>>
      %dma_wait3A_98 = tpu.memref_squeeze %dma_wait3A_97 : memref<1x128xi32, #tpu.memory_space<vmem>> -> memref<128xi32, #tpu.memory_space<vmem>>
      %dma_wait3A_99 = arith.constant 0 : i32
      %dma_wait3A_100 = arith.constant 0 : i32
      %dma_wait3A_101 = tpu.memref_slice %arg9[%dma_wait3A_99, %dma_wait3A_100] : memref<4096x128xf32, #tpu.memory_space<vmem_shared>> -> memref<4096x128xf32, #tpu.memory_space<vmem_shared>>
      tpu.wait_indirect_dma semaphore(%run_scoped3A_85 : memref<!tpu.dma_semaphore, #tpu.memory_space<semaphore_mem>>) src(%dma_wait3A_95 : memref<128x128xf32, #tpu.memory_space<vmem>>) dst(%dma_wait3A_101 : memref<4096x128xf32, #tpu.memory_space<vmem_shared>>)
      tpu.yield
    }) : () -> ()
    %barrier3A_29 = arith.constant 0 : index
    tpu.barrier barrier_id(%barrier3A_29)
    "tpu.region"() ({
      %run_scoped3A_85 = tpu.sem_alloc : memref<!tpu.dma_semaphore, #tpu.memory_space<semaphore_mem>>
      %dma_start3A = tpu.memref_slice %arg5[%mul3A_0, %mul3A_25] : memref<4096x2048xf32, #tpu.memory_space<hbm>> -> memref<256x128xf32, #tpu.memory_space<hbm>>
      %dma_start3A_86 = arith.constant 0 : i32
      %dma_start3A_87 = tpu.memref_slice %arg9[%mul3A_0, %dma_start3A_86] : memref<4096x128xf32, #tpu.memory_space<vmem_shared>> -> memref<256x128xf32, #tpu.memory_space<vmem_shared>>
      tpu.enqueue_dma source(%dma_start3A_87 : memref<256x128xf32, #tpu.memory_space<vmem_shared>>) target(%dma_start3A : memref<256x128xf32, #tpu.memory_space<hbm>>) target_semaphore(%run_scoped3A_85 : memref<!tpu.dma_semaphore, #tpu.memory_space<semaphore_mem>>)
      %dma_wait3A = tpu.memref_slice %arg5[%mul3A_0, %mul3A_25] : memref<4096x2048xf32, #tpu.memory_space<hbm>> -> memref<256x128xf32, #tpu.memory_space<hbm>>
      %dma_wait3A_88 = arith.constant 0 : i32
      %dma_wait3A_89 = tpu.memref_slice %arg9[%mul3A_0, %dma_wait3A_88] : memref<4096x128xf32, #tpu.memory_space<vmem_shared>> -> memref<256x128xf32, #tpu.memory_space<vmem_shared>>
      tpu.wait_dma2 semaphore(%run_scoped3A_85 : memref<!tpu.dma_semaphore, #tpu.memory_space<semaphore_mem>>) src(%dma_wait3A_89 : memref<256x128xf32, #tpu.memory_space<vmem_shared>>) dst(%dma_wait3A : memref<256x128xf32, #tpu.memory_space<hbm>>)
      tpu.yield
    }) : () -> ()
    %barrier3A_30 = arith.constant 0 : index
    tpu.barrier barrier_id(%barrier3A_30)
    %mul3A_31 = arith.constant 8 : i32
    %mul3A_32 = arith.muli %arg0, %mul3A_31 : i32
    %add3A_33 = arith.constant 3 : i32
    %add3A_34 = arith.addi %mul3A_32, %add3A_33 : i32
    %mul3A_35 = arith.constant 128 : i32
    %mul3A_36 = arith.muli %add3A_34, %mul3A_35 : i32
    "tpu.region"() ({
      %run_scoped3A_85 = tpu.sem_alloc : memref<!tpu.dma_semaphore, #tpu.memory_space<semaphore_mem>>
      %dma_start3A = arith.constant 0 : i32
      %dma_start3A_86 = tpu.memref_slice %arg9[%mul3A_0, %dma_start3A] : memref<4096x128xf32, #tpu.memory_space<vmem_shared>> -> memref<256x128xf32, #tpu.memory_space<vmem_shared>>
      %dma_start3A_87 = arith.constant 0 : i32
      %dma_start3A_88 = tpu.memref_slice %arg9[%mul3A_0, %dma_start3A_87] : memref<4096x128xf32, #tpu.memory_space<vmem_shared>> -> memref<256x128xf32, #tpu.memory_space<vmem_shared>>
      tpu.enqueue_dma source(%arg8 : memref<256x128xf32, #tpu.memory_space<vmem>>) target(%dma_start3A_88 : memref<256x128xf32, #tpu.memory_space<vmem_shared>>) target_semaphore(%run_scoped3A_85 : memref<!tpu.dma_semaphore, #tpu.memory_space<semaphore_mem>>)
      %dma_wait3A = arith.constant 0 : i32
      %dma_wait3A_89 = tpu.memref_slice %arg9[%mul3A_0, %dma_wait3A] : memref<4096x128xf32, #tpu.memory_space<vmem_shared>> -> memref<256x128xf32, #tpu.memory_space<vmem_shared>>
      %dma_wait3A_90 = arith.constant 0 : i32
      %dma_wait3A_91 = tpu.memref_slice %arg9[%mul3A_0, %dma_wait3A_90] : memref<4096x128xf32, #tpu.memory_space<vmem_shared>> -> memref<256x128xf32, #tpu.memory_space<vmem_shared>>
      tpu.wait_dma2 semaphore(%run_scoped3A_85 : memref<!tpu.dma_semaphore, #tpu.memory_space<semaphore_mem>>) src(%arg8 : memref<256x128xf32, #tpu.memory_space<vmem>>) dst(%dma_wait3A_91 : memref<256x128xf32, #tpu.memory_space<vmem_shared>>)
      tpu.yield
    }) : () -> ()
    %barrier3A_37 = arith.constant 0 : index
    tpu.barrier barrier_id(%barrier3A_37)
    "tpu.region"() ({
      %run_scoped3A_85 = tpu.sem_alloc : memref<!tpu.dma_semaphore, #tpu.memory_space<semaphore_mem>>
      %dma_start3A = tpu.memref_slice %arg2[%mul3A_0, %mul3A_36] : memref<4096x2048xf32, #tpu.memory_space<hbm>> -> memref<256x128xf32, #tpu.memory_space<hbm>>
      %dma_start3A_86 = tpu.memref_slice %arg2[%mul3A_0, %mul3A_36] : memref<4096x2048xf32, #tpu.memory_space<hbm>> -> memref<256x128xf32, #tpu.memory_space<hbm>>
      tpu.enqueue_dma source(%dma_start3A_86 : memref<256x128xf32, #tpu.memory_space<hbm>>) target(%arg7 : memref<256x128xf32, #tpu.memory_space<vmem>>) target_semaphore(%run_scoped3A_85 : memref<!tpu.dma_semaphore, #tpu.memory_space<semaphore_mem>>)
      %dma_wait3A = tpu.memref_slice %arg2[%mul3A_0, %mul3A_36] : memref<4096x2048xf32, #tpu.memory_space<hbm>> -> memref<256x128xf32, #tpu.memory_space<hbm>>
      %dma_wait3A_87 = tpu.memref_slice %arg2[%mul3A_0, %mul3A_36] : memref<4096x2048xf32, #tpu.memory_space<hbm>> -> memref<256x128xf32, #tpu.memory_space<hbm>>
      tpu.wait_dma2 semaphore(%run_scoped3A_85 : memref<!tpu.dma_semaphore, #tpu.memory_space<semaphore_mem>>) src(%dma_wait3A_87 : memref<256x128xf32, #tpu.memory_space<hbm>>) dst(%arg7 : memref<256x128xf32, #tpu.memory_space<vmem>>)
      tpu.yield
    }) : () -> ()
    %run_scoped3A_38 = arith.constant 0 : i32
    "tpu.region"() ({
      %run_scoped3A_85 = tpu.sem_alloc : memref<!tpu.dma_semaphore, #tpu.memory_space<semaphore_mem>>
      %dma_start3A = arith.constant 0 : i32
      %dma_start3A_86 = arith.constant 0 : i32
      %dma_start3A_87 = tpu.memref_slice %arg7[%dma_start3A, %dma_start3A_86] : memref<256x128xf32, #tpu.memory_space<vmem>> -> memref<128x128xf32, #tpu.memory_space<vmem>>
      %dma_start3A_88 = arith.constant 0 : i32
      %dma_start3A_89 = tpu.memref_slice %arg6[%run_scoped3A_38, %dma_start3A_88] : memref<2x128xi32, #tpu.memory_space<vmem>> -> memref<1x128xi32, #tpu.memory_space<vmem>>
      %dma_start3A_90 = tpu.memref_squeeze %dma_start3A_89 : memref<1x128xi32, #tpu.memory_space<vmem>> -> memref<128xi32, #tpu.memory_space<vmem>>
      %dma_start3A_91 = arith.constant 0 : i32
      %dma_start3A_92 = arith.constant 0 : i32
      %dma_start3A_93 = tpu.memref_slice %arg9[%dma_start3A_91, %dma_start3A_92] : memref<4096x128xf32, #tpu.memory_space<vmem_shared>> -> memref<4096x128xf32, #tpu.memory_space<vmem_shared>>
      tpu.enqueue_indirect_dma source(%dma_start3A_87 : memref<128x128xf32, #tpu.memory_space<vmem>>) target(%dma_start3A_93 : memref<4096x128xf32, #tpu.memory_space<vmem_shared>>) offsets(%dma_start3A_90 : memref<128xi32, #tpu.memory_space<vmem>>) semaphore(%run_scoped3A_85 : memref<!tpu.dma_semaphore, #tpu.memory_space<semaphore_mem>>) {add = true}
      %dma_wait3A = arith.constant 0 : i32
      %dma_wait3A_94 = arith.constant 0 : i32
      %dma_wait3A_95 = tpu.memref_slice %arg7[%dma_wait3A, %dma_wait3A_94] : memref<256x128xf32, #tpu.memory_space<vmem>> -> memref<128x128xf32, #tpu.memory_space<vmem>>
      %dma_wait3A_96 = arith.constant 0 : i32
      %dma_wait3A_97 = tpu.memref_slice %arg6[%run_scoped3A_38, %dma_wait3A_96] : memref<2x128xi32, #tpu.memory_space<vmem>> -> memref<1x128xi32, #tpu.memory_space<vmem>>
      %dma_wait3A_98 = tpu.memref_squeeze %dma_wait3A_97 : memref<1x128xi32, #tpu.memory_space<vmem>> -> memref<128xi32, #tpu.memory_space<vmem>>
      %dma_wait3A_99 = arith.constant 0 : i32
      %dma_wait3A_100 = arith.constant 0 : i32
      %dma_wait3A_101 = tpu.memref_slice %arg9[%dma_wait3A_99, %dma_wait3A_100] : memref<4096x128xf32, #tpu.memory_space<vmem_shared>> -> memref<4096x128xf32, #tpu.memory_space<vmem_shared>>
      tpu.wait_indirect_dma semaphore(%run_scoped3A_85 : memref<!tpu.dma_semaphore, #tpu.memory_space<semaphore_mem>>) src(%dma_wait3A_95 : memref<128x128xf32, #tpu.memory_space<vmem>>) dst(%dma_wait3A_101 : memref<4096x128xf32, #tpu.memory_space<vmem_shared>>)
      tpu.yield
    }) : () -> ()
    %run_scoped3A_39 = arith.constant 1 : i32
    "tpu.region"() ({
      %run_scoped3A_85 = tpu.sem_alloc : memref<!tpu.dma_semaphore, #tpu.memory_space<semaphore_mem>>
      %dma_start3A = arith.constant 128 : i32
      %dma_start3A_86 = arith.constant 0 : i32
      %dma_start3A_87 = tpu.memref_slice %arg7[%dma_start3A, %dma_start3A_86] : memref<256x128xf32, #tpu.memory_space<vmem>> -> memref<128x128xf32, #tpu.memory_space<vmem>>
      %dma_start3A_88 = arith.constant 0 : i32
      %dma_start3A_89 = tpu.memref_slice %arg6[%run_scoped3A_39, %dma_start3A_88] : memref<2x128xi32, #tpu.memory_space<vmem>> -> memref<1x128xi32, #tpu.memory_space<vmem>>
      %dma_start3A_90 = tpu.memref_squeeze %dma_start3A_89 : memref<1x128xi32, #tpu.memory_space<vmem>> -> memref<128xi32, #tpu.memory_space<vmem>>
      %dma_start3A_91 = arith.constant 0 : i32
      %dma_start3A_92 = arith.constant 0 : i32
      %dma_start3A_93 = tpu.memref_slice %arg9[%dma_start3A_91, %dma_start3A_92] : memref<4096x128xf32, #tpu.memory_space<vmem_shared>> -> memref<4096x128xf32, #tpu.memory_space<vmem_shared>>
      tpu.enqueue_indirect_dma source(%dma_start3A_87 : memref<128x128xf32, #tpu.memory_space<vmem>>) target(%dma_start3A_93 : memref<4096x128xf32, #tpu.memory_space<vmem_shared>>) offsets(%dma_start3A_90 : memref<128xi32, #tpu.memory_space<vmem>>) semaphore(%run_scoped3A_85 : memref<!tpu.dma_semaphore, #tpu.memory_space<semaphore_mem>>) {add = true}
      %dma_wait3A = arith.constant 128 : i32
      %dma_wait3A_94 = arith.constant 0 : i32
      %dma_wait3A_95 = tpu.memref_slice %arg7[%dma_wait3A, %dma_wait3A_94] : memref<256x128xf32, #tpu.memory_space<vmem>> -> memref<128x128xf32, #tpu.memory_space<vmem>>
      %dma_wait3A_96 = arith.constant 0 : i32
      %dma_wait3A_97 = tpu.memref_slice %arg6[%run_scoped3A_39, %dma_wait3A_96] : memref<2x128xi32, #tpu.memory_space<vmem>> -> memref<1x128xi32, #tpu.memory_space<vmem>>
      %dma_wait3A_98 = tpu.memref_squeeze %dma_wait3A_97 : memref<1x128xi32, #tpu.memory_space<vmem>> -> memref<128xi32, #tpu.memory_space<vmem>>
      %dma_wait3A_99 = arith.constant 0 : i32
      %dma_wait3A_100 = arith.constant 0 : i32
      %dma_wait3A_101 = tpu.memref_slice %arg9[%dma_wait3A_99, %dma_wait3A_100] : memref<4096x128xf32, #tpu.memory_space<vmem_shared>> -> memref<4096x128xf32, #tpu.memory_space<vmem_shared>>
      tpu.wait_indirect_dma semaphore(%run_scoped3A_85 : memref<!tpu.dma_semaphore, #tpu.memory_space<semaphore_mem>>) src(%dma_wait3A_95 : memref<128x128xf32, #tpu.memory_space<vmem>>) dst(%dma_wait3A_101 : memref<4096x128xf32, #tpu.memory_space<vmem_shared>>)
      tpu.yield
    }) : () -> ()
    %barrier3A_40 = arith.constant 0 : index
    tpu.barrier barrier_id(%barrier3A_40)
    "tpu.region"() ({
      %run_scoped3A_85 = tpu.sem_alloc : memref<!tpu.dma_semaphore, #tpu.memory_space<semaphore_mem>>
      %dma_start3A = tpu.memref_slice %arg5[%mul3A_0, %mul3A_36] : memref<4096x2048xf32, #tpu.memory_space<hbm>> -> memref<256x128xf32, #tpu.memory_space<hbm>>
      %dma_start3A_86 = arith.constant 0 : i32
      %dma_start3A_87 = tpu.memref_slice %arg9[%mul3A_0, %dma_start3A_86] : memref<4096x128xf32, #tpu.memory_space<vmem_shared>> -> memref<256x128xf32, #tpu.memory_space<vmem_shared>>
      tpu.enqueue_dma source(%dma_start3A_87 : memref<256x128xf32, #tpu.memory_space<vmem_shared>>) target(%dma_start3A : memref<256x128xf32, #tpu.memory_space<hbm>>) target_semaphore(%run_scoped3A_85 : memref<!tpu.dma_semaphore, #tpu.memory_space<semaphore_mem>>)
      %dma_wait3A = tpu.memref_slice %arg5[%mul3A_0, %mul3A_36] : memref<4096x2048xf32, #tpu.memory_space<hbm>> -> memref<256x128xf32, #tpu.memory_space<hbm>>
      %dma_wait3A_88 = arith.constant 0 : i32
      %dma_wait3A_89 = tpu.memref_slice %arg9[%mul3A_0, %dma_wait3A_88] : memref<4096x128xf32, #tpu.memory_space<vmem_shared>> -> memref<256x128xf32, #tpu.memory_space<vmem_shared>>
      tpu.wait_dma2 semaphore(%run_scoped3A_85 : memref<!tpu.dma_semaphore, #tpu.memory_space<semaphore_mem>>) src(%dma_wait3A_89 : memref<256x128xf32, #tpu.memory_space<vmem_shared>>) dst(%dma_wait3A : memref<256x128xf32, #tpu.memory_space<hbm>>)
      tpu.yield
    }) : () -> ()
    %barrier3A_41 = arith.constant 0 : index
    tpu.barrier barrier_id(%barrier3A_41)
    %mul3A_42 = arith.constant 8 : i32
    %mul3A_43 = arith.muli %arg0, %mul3A_42 : i32
    %add3A_44 = arith.constant 4 : i32
    %add3A_45 = arith.addi %mul3A_43, %add3A_44 : i32
    %mul3A_46 = arith.constant 128 : i32
    %mul3A_47 = arith.muli %add3A_45, %mul3A_46 : i32
    "tpu.region"() ({
      %run_scoped3A_85 = tpu.sem_alloc : memref<!tpu.dma_semaphore, #tpu.memory_space<semaphore_mem>>
      %dma_start3A = arith.constant 0 : i32
      %dma_start3A_86 = tpu.memref_slice %arg9[%mul3A_0, %dma_start3A] : memref<4096x128xf32, #tpu.memory_space<vmem_shared>> -> memref<256x128xf32, #tpu.memory_space<vmem_shared>>
      %dma_start3A_87 = arith.constant 0 : i32
      %dma_start3A_88 = tpu.memref_slice %arg9[%mul3A_0, %dma_start3A_87] : memref<4096x128xf32, #tpu.memory_space<vmem_shared>> -> memref<256x128xf32, #tpu.memory_space<vmem_shared>>
      tpu.enqueue_dma source(%arg8 : memref<256x128xf32, #tpu.memory_space<vmem>>) target(%dma_start3A_88 : memref<256x128xf32, #tpu.memory_space<vmem_shared>>) target_semaphore(%run_scoped3A_85 : memref<!tpu.dma_semaphore, #tpu.memory_space<semaphore_mem>>)
      %dma_wait3A = arith.constant 0 : i32
      %dma_wait3A_89 = tpu.memref_slice %arg9[%mul3A_0, %dma_wait3A] : memref<4096x128xf32, #tpu.memory_space<vmem_shared>> -> memref<256x128xf32, #tpu.memory_space<vmem_shared>>
      %dma_wait3A_90 = arith.constant 0 : i32
      %dma_wait3A_91 = tpu.memref_slice %arg9[%mul3A_0, %dma_wait3A_90] : memref<4096x128xf32, #tpu.memory_space<vmem_shared>> -> memref<256x128xf32, #tpu.memory_space<vmem_shared>>
      tpu.wait_dma2 semaphore(%run_scoped3A_85 : memref<!tpu.dma_semaphore, #tpu.memory_space<semaphore_mem>>) src(%arg8 : memref<256x128xf32, #tpu.memory_space<vmem>>) dst(%dma_wait3A_91 : memref<256x128xf32, #tpu.memory_space<vmem_shared>>)
      tpu.yield
    }) : () -> ()
    %barrier3A_48 = arith.constant 0 : index
    tpu.barrier barrier_id(%barrier3A_48)
    "tpu.region"() ({
      %run_scoped3A_85 = tpu.sem_alloc : memref<!tpu.dma_semaphore, #tpu.memory_space<semaphore_mem>>
      %dma_start3A = tpu.memref_slice %arg2[%mul3A_0, %mul3A_47] : memref<4096x2048xf32, #tpu.memory_space<hbm>> -> memref<256x128xf32, #tpu.memory_space<hbm>>
      %dma_start3A_86 = tpu.memref_slice %arg2[%mul3A_0, %mul3A_47] : memref<4096x2048xf32, #tpu.memory_space<hbm>> -> memref<256x128xf32, #tpu.memory_space<hbm>>
      tpu.enqueue_dma source(%dma_start3A_86 : memref<256x128xf32, #tpu.memory_space<hbm>>) target(%arg7 : memref<256x128xf32, #tpu.memory_space<vmem>>) target_semaphore(%run_scoped3A_85 : memref<!tpu.dma_semaphore, #tpu.memory_space<semaphore_mem>>)
      %dma_wait3A = tpu.memref_slice %arg2[%mul3A_0, %mul3A_47] : memref<4096x2048xf32, #tpu.memory_space<hbm>> -> memref<256x128xf32, #tpu.memory_space<hbm>>
      %dma_wait3A_87 = tpu.memref_slice %arg2[%mul3A_0, %mul3A_47] : memref<4096x2048xf32, #tpu.memory_space<hbm>> -> memref<256x128xf32, #tpu.memory_space<hbm>>
      tpu.wait_dma2 semaphore(%run_scoped3A_85 : memref<!tpu.dma_semaphore, #tpu.memory_space<semaphore_mem>>) src(%dma_wait3A_87 : memref<256x128xf32, #tpu.memory_space<hbm>>) dst(%arg7 : memref<256x128xf32, #tpu.memory_space<vmem>>)
      tpu.yield
    }) : () -> ()
    %run_scoped3A_49 = arith.constant 0 : i32
    "tpu.region"() ({
      %run_scoped3A_85 = tpu.sem_alloc : memref<!tpu.dma_semaphore, #tpu.memory_space<semaphore_mem>>
      %dma_start3A = arith.constant 0 : i32
      %dma_start3A_86 = arith.constant 0 : i32
      %dma_start3A_87 = tpu.memref_slice %arg7[%dma_start3A, %dma_start3A_86] : memref<256x128xf32, #tpu.memory_space<vmem>> -> memref<128x128xf32, #tpu.memory_space<vmem>>
      %dma_start3A_88 = arith.constant 0 : i32
      %dma_start3A_89 = tpu.memref_slice %arg6[%run_scoped3A_49, %dma_start3A_88] : memref<2x128xi32, #tpu.memory_space<vmem>> -> memref<1x128xi32, #tpu.memory_space<vmem>>
      %dma_start3A_90 = tpu.memref_squeeze %dma_start3A_89 : memref<1x128xi32, #tpu.memory_space<vmem>> -> memref<128xi32, #tpu.memory_space<vmem>>
      %dma_start3A_91 = arith.constant 0 : i32
      %dma_start3A_92 = arith.constant 0 : i32
      %dma_start3A_93 = tpu.memref_slice %arg9[%dma_start3A_91, %dma_start3A_92] : memref<4096x128xf32, #tpu.memory_space<vmem_shared>> -> memref<4096x128xf32, #tpu.memory_space<vmem_shared>>
      tpu.enqueue_indirect_dma source(%dma_start3A_87 : memref<128x128xf32, #tpu.memory_space<vmem>>) target(%dma_start3A_93 : memref<4096x128xf32, #tpu.memory_space<vmem_shared>>) offsets(%dma_start3A_90 : memref<128xi32, #tpu.memory_space<vmem>>) semaphore(%run_scoped3A_85 : memref<!tpu.dma_semaphore, #tpu.memory_space<semaphore_mem>>) {add = true}
      %dma_wait3A = arith.constant 0 : i32
      %dma_wait3A_94 = arith.constant 0 : i32
      %dma_wait3A_95 = tpu.memref_slice %arg7[%dma_wait3A, %dma_wait3A_94] : memref<256x128xf32, #tpu.memory_space<vmem>> -> memref<128x128xf32, #tpu.memory_space<vmem>>
      %dma_wait3A_96 = arith.constant 0 : i32
      %dma_wait3A_97 = tpu.memref_slice %arg6[%run_scoped3A_49, %dma_wait3A_96] : memref<2x128xi32, #tpu.memory_space<vmem>> -> memref<1x128xi32, #tpu.memory_space<vmem>>
      %dma_wait3A_98 = tpu.memref_squeeze %dma_wait3A_97 : memref<1x128xi32, #tpu.memory_space<vmem>> -> memref<128xi32, #tpu.memory_space<vmem>>
      %dma_wait3A_99 = arith.constant 0 : i32
      %dma_wait3A_100 = arith.constant 0 : i32
      %dma_wait3A_101 = tpu.memref_slice %arg9[%dma_wait3A_99, %dma_wait3A_100] : memref<4096x128xf32, #tpu.memory_space<vmem_shared>> -> memref<4096x128xf32, #tpu.memory_space<vmem_shared>>
      tpu.wait_indirect_dma semaphore(%run_scoped3A_85 : memref<!tpu.dma_semaphore, #tpu.memory_space<semaphore_mem>>) src(%dma_wait3A_95 : memref<128x128xf32, #tpu.memory_space<vmem>>) dst(%dma_wait3A_101 : memref<4096x128xf32, #tpu.memory_space<vmem_shared>>)
      tpu.yield
    }) : () -> ()
    %run_scoped3A_50 = arith.constant 1 : i32
    "tpu.region"() ({
      %run_scoped3A_85 = tpu.sem_alloc : memref<!tpu.dma_semaphore, #tpu.memory_space<semaphore_mem>>
      %dma_start3A = arith.constant 128 : i32
      %dma_start3A_86 = arith.constant 0 : i32
      %dma_start3A_87 = tpu.memref_slice %arg7[%dma_start3A, %dma_start3A_86] : memref<256x128xf32, #tpu.memory_space<vmem>> -> memref<128x128xf32, #tpu.memory_space<vmem>>
      %dma_start3A_88 = arith.constant 0 : i32
      %dma_start3A_89 = tpu.memref_slice %arg6[%run_scoped3A_50, %dma_start3A_88] : memref<2x128xi32, #tpu.memory_space<vmem>> -> memref<1x128xi32, #tpu.memory_space<vmem>>
      %dma_start3A_90 = tpu.memref_squeeze %dma_start3A_89 : memref<1x128xi32, #tpu.memory_space<vmem>> -> memref<128xi32, #tpu.memory_space<vmem>>
      %dma_start3A_91 = arith.constant 0 : i32
      %dma_start3A_92 = arith.constant 0 : i32
      %dma_start3A_93 = tpu.memref_slice %arg9[%dma_start3A_91, %dma_start3A_92] : memref<4096x128xf32, #tpu.memory_space<vmem_shared>> -> memref<4096x128xf32, #tpu.memory_space<vmem_shared>>
      tpu.enqueue_indirect_dma source(%dma_start3A_87 : memref<128x128xf32, #tpu.memory_space<vmem>>) target(%dma_start3A_93 : memref<4096x128xf32, #tpu.memory_space<vmem_shared>>) offsets(%dma_start3A_90 : memref<128xi32, #tpu.memory_space<vmem>>) semaphore(%run_scoped3A_85 : memref<!tpu.dma_semaphore, #tpu.memory_space<semaphore_mem>>) {add = true}
      %dma_wait3A = arith.constant 128 : i32
      %dma_wait3A_94 = arith.constant 0 : i32
      %dma_wait3A_95 = tpu.memref_slice %arg7[%dma_wait3A, %dma_wait3A_94] : memref<256x128xf32, #tpu.memory_space<vmem>> -> memref<128x128xf32, #tpu.memory_space<vmem>>
      %dma_wait3A_96 = arith.constant 0 : i32
      %dma_wait3A_97 = tpu.memref_slice %arg6[%run_scoped3A_50, %dma_wait3A_96] : memref<2x128xi32, #tpu.memory_space<vmem>> -> memref<1x128xi32, #tpu.memory_space<vmem>>
      %dma_wait3A_98 = tpu.memref_squeeze %dma_wait3A_97 : memref<1x128xi32, #tpu.memory_space<vmem>> -> memref<128xi32, #tpu.memory_space<vmem>>
      %dma_wait3A_99 = arith.constant 0 : i32
      %dma_wait3A_100 = arith.constant 0 : i32
      %dma_wait3A_101 = tpu.memref_slice %arg9[%dma_wait3A_99, %dma_wait3A_100] : memref<4096x128xf32, #tpu.memory_space<vmem_shared>> -> memref<4096x128xf32, #tpu.memory_space<vmem_shared>>
      tpu.wait_indirect_dma semaphore(%run_scoped3A_85 : memref<!tpu.dma_semaphore, #tpu.memory_space<semaphore_mem>>) src(%dma_wait3A_95 : memref<128x128xf32, #tpu.memory_space<vmem>>) dst(%dma_wait3A_101 : memref<4096x128xf32, #tpu.memory_space<vmem_shared>>)
      tpu.yield
    }) : () -> ()
    %barrier3A_51 = arith.constant 0 : index
    tpu.barrier barrier_id(%barrier3A_51)
    "tpu.region"() ({
      %run_scoped3A_85 = tpu.sem_alloc : memref<!tpu.dma_semaphore, #tpu.memory_space<semaphore_mem>>
      %dma_start3A = tpu.memref_slice %arg5[%mul3A_0, %mul3A_47] : memref<4096x2048xf32, #tpu.memory_space<hbm>> -> memref<256x128xf32, #tpu.memory_space<hbm>>
      %dma_start3A_86 = arith.constant 0 : i32
      %dma_start3A_87 = tpu.memref_slice %arg9[%mul3A_0, %dma_start3A_86] : memref<4096x128xf32, #tpu.memory_space<vmem_shared>> -> memref<256x128xf32, #tpu.memory_space<vmem_shared>>
      tpu.enqueue_dma source(%dma_start3A_87 : memref<256x128xf32, #tpu.memory_space<vmem_shared>>) target(%dma_start3A : memref<256x128xf32, #tpu.memory_space<hbm>>) target_semaphore(%run_scoped3A_85 : memref<!tpu.dma_semaphore, #tpu.memory_space<semaphore_mem>>)
      %dma_wait3A = tpu.memref_slice %arg5[%mul3A_0, %mul3A_47] : memref<4096x2048xf32, #tpu.memory_space<hbm>> -> memref<256x128xf32, #tpu.memory_space<hbm>>
      %dma_wait3A_88 = arith.constant 0 : i32
      %dma_wait3A_89 = tpu.memref_slice %arg9[%mul3A_0, %dma_wait3A_88] : memref<4096x128xf32, #tpu.memory_space<vmem_shared>> -> memref<256x128xf32, #tpu.memory_space<vmem_shared>>
      tpu.wait_dma2 semaphore(%run_scoped3A_85 : memref<!tpu.dma_semaphore, #tpu.memory_space<semaphore_mem>>) src(%dma_wait3A_89 : memref<256x128xf32, #tpu.memory_space<vmem_shared>>) dst(%dma_wait3A : memref<256x128xf32, #tpu.memory_space<hbm>>)
      tpu.yield
    }) : () -> ()
    %barrier3A_52 = arith.constant 0 : index
    tpu.barrier barrier_id(%barrier3A_52)
    %mul3A_53 = arith.constant 8 : i32
    %mul3A_54 = arith.muli %arg0, %mul3A_53 : i32
    %add3A_55 = arith.constant 5 : i32
    %add3A_56 = arith.addi %mul3A_54, %add3A_55 : i32
    %mul3A_57 = arith.constant 128 : i32
    %mul3A_58 = arith.muli %add3A_56, %mul3A_57 : i32
    "tpu.region"() ({
      %run_scoped3A_85 = tpu.sem_alloc : memref<!tpu.dma_semaphore, #tpu.memory_space<semaphore_mem>>
      %dma_start3A = arith.constant 0 : i32
      %dma_start3A_86 = tpu.memref_slice %arg9[%mul3A_0, %dma_start3A] : memref<4096x128xf32, #tpu.memory_space<vmem_shared>> -> memref<256x128xf32, #tpu.memory_space<vmem_shared>>
      %dma_start3A_87 = arith.constant 0 : i32
      %dma_start3A_88 = tpu.memref_slice %arg9[%mul3A_0, %dma_start3A_87] : memref<4096x128xf32, #tpu.memory_space<vmem_shared>> -> memref<256x128xf32, #tpu.memory_space<vmem_shared>>
      tpu.enqueue_dma source(%arg8 : memref<256x128xf32, #tpu.memory_space<vmem>>) target(%dma_start3A_88 : memref<256x128xf32, #tpu.memory_space<vmem_shared>>) target_semaphore(%run_scoped3A_85 : memref<!tpu.dma_semaphore, #tpu.memory_space<semaphore_mem>>)
      %dma_wait3A = arith.constant 0 : i32
      %dma_wait3A_89 = tpu.memref_slice %arg9[%mul3A_0, %dma_wait3A] : memref<4096x128xf32, #tpu.memory_space<vmem_shared>> -> memref<256x128xf32, #tpu.memory_space<vmem_shared>>
      %dma_wait3A_90 = arith.constant 0 : i32
      %dma_wait3A_91 = tpu.memref_slice %arg9[%mul3A_0, %dma_wait3A_90] : memref<4096x128xf32, #tpu.memory_space<vmem_shared>> -> memref<256x128xf32, #tpu.memory_space<vmem_shared>>
      tpu.wait_dma2 semaphore(%run_scoped3A_85 : memref<!tpu.dma_semaphore, #tpu.memory_space<semaphore_mem>>) src(%arg8 : memref<256x128xf32, #tpu.memory_space<vmem>>) dst(%dma_wait3A_91 : memref<256x128xf32, #tpu.memory_space<vmem_shared>>)
      tpu.yield
    }) : () -> ()
    %barrier3A_59 = arith.constant 0 : index
    tpu.barrier barrier_id(%barrier3A_59)
    "tpu.region"() ({
      %run_scoped3A_85 = tpu.sem_alloc : memref<!tpu.dma_semaphore, #tpu.memory_space<semaphore_mem>>
      %dma_start3A = tpu.memref_slice %arg2[%mul3A_0, %mul3A_58] : memref<4096x2048xf32, #tpu.memory_space<hbm>> -> memref<256x128xf32, #tpu.memory_space<hbm>>
      %dma_start3A_86 = tpu.memref_slice %arg2[%mul3A_0, %mul3A_58] : memref<4096x2048xf32, #tpu.memory_space<hbm>> -> memref<256x128xf32, #tpu.memory_space<hbm>>
      tpu.enqueue_dma source(%dma_start3A_86 : memref<256x128xf32, #tpu.memory_space<hbm>>) target(%arg7 : memref<256x128xf32, #tpu.memory_space<vmem>>) target_semaphore(%run_scoped3A_85 : memref<!tpu.dma_semaphore, #tpu.memory_space<semaphore_mem>>)
      %dma_wait3A = tpu.memref_slice %arg2[%mul3A_0, %mul3A_58] : memref<4096x2048xf32, #tpu.memory_space<hbm>> -> memref<256x128xf32, #tpu.memory_space<hbm>>
      %dma_wait3A_87 = tpu.memref_slice %arg2[%mul3A_0, %mul3A_58] : memref<4096x2048xf32, #tpu.memory_space<hbm>> -> memref<256x128xf32, #tpu.memory_space<hbm>>
      tpu.wait_dma2 semaphore(%run_scoped3A_85 : memref<!tpu.dma_semaphore, #tpu.memory_space<semaphore_mem>>) src(%dma_wait3A_87 : memref<256x128xf32, #tpu.memory_space<hbm>>) dst(%arg7 : memref<256x128xf32, #tpu.memory_space<vmem>>)
      tpu.yield
    }) : () -> ()
    %run_scoped3A_60 = arith.constant 0 : i32
    "tpu.region"() ({
      %run_scoped3A_85 = tpu.sem_alloc : memref<!tpu.dma_semaphore, #tpu.memory_space<semaphore_mem>>
      %dma_start3A = arith.constant 0 : i32
      %dma_start3A_86 = arith.constant 0 : i32
      %dma_start3A_87 = tpu.memref_slice %arg7[%dma_start3A, %dma_start3A_86] : memref<256x128xf32, #tpu.memory_space<vmem>> -> memref<128x128xf32, #tpu.memory_space<vmem>>
      %dma_start3A_88 = arith.constant 0 : i32
      %dma_start3A_89 = tpu.memref_slice %arg6[%run_scoped3A_60, %dma_start3A_88] : memref<2x128xi32, #tpu.memory_space<vmem>> -> memref<1x128xi32, #tpu.memory_space<vmem>>
      %dma_start3A_90 = tpu.memref_squeeze %dma_start3A_89 : memref<1x128xi32, #tpu.memory_space<vmem>> -> memref<128xi32, #tpu.memory_space<vmem>>
      %dma_start3A_91 = arith.constant 0 : i32
      %dma_start3A_92 = arith.constant 0 : i32
      %dma_start3A_93 = tpu.memref_slice %arg9[%dma_start3A_91, %dma_start3A_92] : memref<4096x128xf32, #tpu.memory_space<vmem_shared>> -> memref<4096x128xf32, #tpu.memory_space<vmem_shared>>
      tpu.enqueue_indirect_dma source(%dma_start3A_87 : memref<128x128xf32, #tpu.memory_space<vmem>>) target(%dma_start3A_93 : memref<4096x128xf32, #tpu.memory_space<vmem_shared>>) offsets(%dma_start3A_90 : memref<128xi32, #tpu.memory_space<vmem>>) semaphore(%run_scoped3A_85 : memref<!tpu.dma_semaphore, #tpu.memory_space<semaphore_mem>>) {add = true}
      %dma_wait3A = arith.constant 0 : i32
      %dma_wait3A_94 = arith.constant 0 : i32
      %dma_wait3A_95 = tpu.memref_slice %arg7[%dma_wait3A, %dma_wait3A_94] : memref<256x128xf32, #tpu.memory_space<vmem>> -> memref<128x128xf32, #tpu.memory_space<vmem>>
      %dma_wait3A_96 = arith.constant 0 : i32
      %dma_wait3A_97 = tpu.memref_slice %arg6[%run_scoped3A_60, %dma_wait3A_96] : memref<2x128xi32, #tpu.memory_space<vmem>> -> memref<1x128xi32, #tpu.memory_space<vmem>>
      %dma_wait3A_98 = tpu.memref_squeeze %dma_wait3A_97 : memref<1x128xi32, #tpu.memory_space<vmem>> -> memref<128xi32, #tpu.memory_space<vmem>>
      %dma_wait3A_99 = arith.constant 0 : i32
      %dma_wait3A_100 = arith.constant 0 : i32
      %dma_wait3A_101 = tpu.memref_slice %arg9[%dma_wait3A_99, %dma_wait3A_100] : memref<4096x128xf32, #tpu.memory_space<vmem_shared>> -> memref<4096x128xf32, #tpu.memory_space<vmem_shared>>
      tpu.wait_indirect_dma semaphore(%run_scoped3A_85 : memref<!tpu.dma_semaphore, #tpu.memory_space<semaphore_mem>>) src(%dma_wait3A_95 : memref<128x128xf32, #tpu.memory_space<vmem>>) dst(%dma_wait3A_101 : memref<4096x128xf32, #tpu.memory_space<vmem_shared>>)
      tpu.yield
    }) : () -> ()
    %run_scoped3A_61 = arith.constant 1 : i32
    "tpu.region"() ({
      %run_scoped3A_85 = tpu.sem_alloc : memref<!tpu.dma_semaphore, #tpu.memory_space<semaphore_mem>>
      %dma_start3A = arith.constant 128 : i32
      %dma_start3A_86 = arith.constant 0 : i32
      %dma_start3A_87 = tpu.memref_slice %arg7[%dma_start3A, %dma_start3A_86] : memref<256x128xf32, #tpu.memory_space<vmem>> -> memref<128x128xf32, #tpu.memory_space<vmem>>
      %dma_start3A_88 = arith.constant 0 : i32
      %dma_start3A_89 = tpu.memref_slice %arg6[%run_scoped3A_61, %dma_start3A_88] : memref<2x128xi32, #tpu.memory_space<vmem>> -> memref<1x128xi32, #tpu.memory_space<vmem>>
      %dma_start3A_90 = tpu.memref_squeeze %dma_start3A_89 : memref<1x128xi32, #tpu.memory_space<vmem>> -> memref<128xi32, #tpu.memory_space<vmem>>
      %dma_start3A_91 = arith.constant 0 : i32
      %dma_start3A_92 = arith.constant 0 : i32
      %dma_start3A_93 = tpu.memref_slice %arg9[%dma_start3A_91, %dma_start3A_92] : memref<4096x128xf32, #tpu.memory_space<vmem_shared>> -> memref<4096x128xf32, #tpu.memory_space<vmem_shared>>
      tpu.enqueue_indirect_dma source(%dma_start3A_87 : memref<128x128xf32, #tpu.memory_space<vmem>>) target(%dma_start3A_93 : memref<4096x128xf32, #tpu.memory_space<vmem_shared>>) offsets(%dma_start3A_90 : memref<128xi32, #tpu.memory_space<vmem>>) semaphore(%run_scoped3A_85 : memref<!tpu.dma_semaphore, #tpu.memory_space<semaphore_mem>>) {add = true}
      %dma_wait3A = arith.constant 128 : i32
      %dma_wait3A_94 = arith.constant 0 : i32
      %dma_wait3A_95 = tpu.memref_slice %arg7[%dma_wait3A, %dma_wait3A_94] : memref<256x128xf32, #tpu.memory_space<vmem>> -> memref<128x128xf32, #tpu.memory_space<vmem>>
      %dma_wait3A_96 = arith.constant 0 : i32
      %dma_wait3A_97 = tpu.memref_slice %arg6[%run_scoped3A_61, %dma_wait3A_96] : memref<2x128xi32, #tpu.memory_space<vmem>> -> memref<1x128xi32, #tpu.memory_space<vmem>>
      %dma_wait3A_98 = tpu.memref_squeeze %dma_wait3A_97 : memref<1x128xi32, #tpu.memory_space<vmem>> -> memref<128xi32, #tpu.memory_space<vmem>>
      %dma_wait3A_99 = arith.constant 0 : i32
      %dma_wait3A_100 = arith.constant 0 : i32
      %dma_wait3A_101 = tpu.memref_slice %arg9[%dma_wait3A_99, %dma_wait3A_100] : memref<4096x128xf32, #tpu.memory_space<vmem_shared>> -> memref<4096x128xf32, #tpu.memory_space<vmem_shared>>
      tpu.wait_indirect_dma semaphore(%run_scoped3A_85 : memref<!tpu.dma_semaphore, #tpu.memory_space<semaphore_mem>>) src(%dma_wait3A_95 : memref<128x128xf32, #tpu.memory_space<vmem>>) dst(%dma_wait3A_101 : memref<4096x128xf32, #tpu.memory_space<vmem_shared>>)
      tpu.yield
    }) : () -> ()
    %barrier3A_62 = arith.constant 0 : index
    tpu.barrier barrier_id(%barrier3A_62)
    "tpu.region"() ({
      %run_scoped3A_85 = tpu.sem_alloc : memref<!tpu.dma_semaphore, #tpu.memory_space<semaphore_mem>>
      %dma_start3A = tpu.memref_slice %arg5[%mul3A_0, %mul3A_58] : memref<4096x2048xf32, #tpu.memory_space<hbm>> -> memref<256x128xf32, #tpu.memory_space<hbm>>
      %dma_start3A_86 = arith.constant 0 : i32
      %dma_start3A_87 = tpu.memref_slice %arg9[%mul3A_0, %dma_start3A_86] : memref<4096x128xf32, #tpu.memory_space<vmem_shared>> -> memref<256x128xf32, #tpu.memory_space<vmem_shared>>
      tpu.enqueue_dma source(%dma_start3A_87 : memref<256x128xf32, #tpu.memory_space<vmem_shared>>) target(%dma_start3A : memref<256x128xf32, #tpu.memory_space<hbm>>) target_semaphore(%run_scoped3A_85 : memref<!tpu.dma_semaphore, #tpu.memory_space<semaphore_mem>>)
      %dma_wait3A = tpu.memref_slice %arg5[%mul3A_0, %mul3A_58] : memref<4096x2048xf32, #tpu.memory_space<hbm>> -> memref<256x128xf32, #tpu.memory_space<hbm>>
      %dma_wait3A_88 = arith.constant 0 : i32
      %dma_wait3A_89 = tpu.memref_slice %arg9[%mul3A_0, %dma_wait3A_88] : memref<4096x128xf32, #tpu.memory_space<vmem_shared>> -> memref<256x128xf32, #tpu.memory_space<vmem_shared>>
      tpu.wait_dma2 semaphore(%run_scoped3A_85 : memref<!tpu.dma_semaphore, #tpu.memory_space<semaphore_mem>>) src(%dma_wait3A_89 : memref<256x128xf32, #tpu.memory_space<vmem_shared>>) dst(%dma_wait3A : memref<256x128xf32, #tpu.memory_space<hbm>>)
      tpu.yield
    }) : () -> ()
    %barrier3A_63 = arith.constant 0 : index
    tpu.barrier barrier_id(%barrier3A_63)
    %mul3A_64 = arith.constant 8 : i32
    %mul3A_65 = arith.muli %arg0, %mul3A_64 : i32
    %add3A_66 = arith.constant 6 : i32
    %add3A_67 = arith.addi %mul3A_65, %add3A_66 : i32
    %mul3A_68 = arith.constant 128 : i32
    %mul3A_69 = arith.muli %add3A_67, %mul3A_68 : i32
    "tpu.region"() ({
      %run_scoped3A_85 = tpu.sem_alloc : memref<!tpu.dma_semaphore, #tpu.memory_space<semaphore_mem>>
      %dma_start3A = arith.constant 0 : i32
      %dma_start3A_86 = tpu.memref_slice %arg9[%mul3A_0, %dma_start3A] : memref<4096x128xf32, #tpu.memory_space<vmem_shared>> -> memref<256x128xf32, #tpu.memory_space<vmem_shared>>
      %dma_start3A_87 = arith.constant 0 : i32
      %dma_start3A_88 = tpu.memref_slice %arg9[%mul3A_0, %dma_start3A_87] : memref<4096x128xf32, #tpu.memory_space<vmem_shared>> -> memref<256x128xf32, #tpu.memory_space<vmem_shared>>
      tpu.enqueue_dma source(%arg8 : memref<256x128xf32, #tpu.memory_space<vmem>>) target(%dma_start3A_88 : memref<256x128xf32, #tpu.memory_space<vmem_shared>>) target_semaphore(%run_scoped3A_85 : memref<!tpu.dma_semaphore, #tpu.memory_space<semaphore_mem>>)
      %dma_wait3A = arith.constant 0 : i32
      %dma_wait3A_89 = tpu.memref_slice %arg9[%mul3A_0, %dma_wait3A] : memref<4096x128xf32, #tpu.memory_space<vmem_shared>> -> memref<256x128xf32, #tpu.memory_space<vmem_shared>>
      %dma_wait3A_90 = arith.constant 0 : i32
      %dma_wait3A_91 = tpu.memref_slice %arg9[%mul3A_0, %dma_wait3A_90] : memref<4096x128xf32, #tpu.memory_space<vmem_shared>> -> memref<256x128xf32, #tpu.memory_space<vmem_shared>>
      tpu.wait_dma2 semaphore(%run_scoped3A_85 : memref<!tpu.dma_semaphore, #tpu.memory_space<semaphore_mem>>) src(%arg8 : memref<256x128xf32, #tpu.memory_space<vmem>>) dst(%dma_wait3A_91 : memref<256x128xf32, #tpu.memory_space<vmem_shared>>)
      tpu.yield
    }) : () -> ()
    %barrier3A_70 = arith.constant 0 : index
    tpu.barrier barrier_id(%barrier3A_70)
    "tpu.region"() ({
      %run_scoped3A_85 = tpu.sem_alloc : memref<!tpu.dma_semaphore, #tpu.memory_space<semaphore_mem>>
      %dma_start3A = tpu.memref_slice %arg2[%mul3A_0, %mul3A_69] : memref<4096x2048xf32, #tpu.memory_space<hbm>> -> memref<256x128xf32, #tpu.memory_space<hbm>>
      %dma_start3A_86 = tpu.memref_slice %arg2[%mul3A_0, %mul3A_69] : memref<4096x2048xf32, #tpu.memory_space<hbm>> -> memref<256x128xf32, #tpu.memory_space<hbm>>
      tpu.enqueue_dma source(%dma_start3A_86 : memref<256x128xf32, #tpu.memory_space<hbm>>) target(%arg7 : memref<256x128xf32, #tpu.memory_space<vmem>>) target_semaphore(%run_scoped3A_85 : memref<!tpu.dma_semaphore, #tpu.memory_space<semaphore_mem>>)
      %dma_wait3A = tpu.memref_slice %arg2[%mul3A_0, %mul3A_69] : memref<4096x2048xf32, #tpu.memory_space<hbm>> -> memref<256x128xf32, #tpu.memory_space<hbm>>
      %dma_wait3A_87 = tpu.memref_slice %arg2[%mul3A_0, %mul3A_69] : memref<4096x2048xf32, #tpu.memory_space<hbm>> -> memref<256x128xf32, #tpu.memory_space<hbm>>
      tpu.wait_dma2 semaphore(%run_scoped3A_85 : memref<!tpu.dma_semaphore, #tpu.memory_space<semaphore_mem>>) src(%dma_wait3A_87 : memref<256x128xf32, #tpu.memory_space<hbm>>) dst(%arg7 : memref<256x128xf32, #tpu.memory_space<vmem>>)
      tpu.yield
    }) : () -> ()
    %run_scoped3A_71 = arith.constant 0 : i32
    "tpu.region"() ({
      %run_scoped3A_85 = tpu.sem_alloc : memref<!tpu.dma_semaphore, #tpu.memory_space<semaphore_mem>>
      %dma_start3A = arith.constant 0 : i32
      %dma_start3A_86 = arith.constant 0 : i32
      %dma_start3A_87 = tpu.memref_slice %arg7[%dma_start3A, %dma_start3A_86] : memref<256x128xf32, #tpu.memory_space<vmem>> -> memref<128x128xf32, #tpu.memory_space<vmem>>
      %dma_start3A_88 = arith.constant 0 : i32
      %dma_start3A_89 = tpu.memref_slice %arg6[%run_scoped3A_71, %dma_start3A_88] : memref<2x128xi32, #tpu.memory_space<vmem>> -> memref<1x128xi32, #tpu.memory_space<vmem>>
      %dma_start3A_90 = tpu.memref_squeeze %dma_start3A_89 : memref<1x128xi32, #tpu.memory_space<vmem>> -> memref<128xi32, #tpu.memory_space<vmem>>
      %dma_start3A_91 = arith.constant 0 : i32
      %dma_start3A_92 = arith.constant 0 : i32
      %dma_start3A_93 = tpu.memref_slice %arg9[%dma_start3A_91, %dma_start3A_92] : memref<4096x128xf32, #tpu.memory_space<vmem_shared>> -> memref<4096x128xf32, #tpu.memory_space<vmem_shared>>
      tpu.enqueue_indirect_dma source(%dma_start3A_87 : memref<128x128xf32, #tpu.memory_space<vmem>>) target(%dma_start3A_93 : memref<4096x128xf32, #tpu.memory_space<vmem_shared>>) offsets(%dma_start3A_90 : memref<128xi32, #tpu.memory_space<vmem>>) semaphore(%run_scoped3A_85 : memref<!tpu.dma_semaphore, #tpu.memory_space<semaphore_mem>>) {add = true}
      %dma_wait3A = arith.constant 0 : i32
      %dma_wait3A_94 = arith.constant 0 : i32
      %dma_wait3A_95 = tpu.memref_slice %arg7[%dma_wait3A, %dma_wait3A_94] : memref<256x128xf32, #tpu.memory_space<vmem>> -> memref<128x128xf32, #tpu.memory_space<vmem>>
      %dma_wait3A_96 = arith.constant 0 : i32
      %dma_wait3A_97 = tpu.memref_slice %arg6[%run_scoped3A_71, %dma_wait3A_96] : memref<2x128xi32, #tpu.memory_space<vmem>> -> memref<1x128xi32, #tpu.memory_space<vmem>>
      %dma_wait3A_98 = tpu.memref_squeeze %dma_wait3A_97 : memref<1x128xi32, #tpu.memory_space<vmem>> -> memref<128xi32, #tpu.memory_space<vmem>>
      %dma_wait3A_99 = arith.constant 0 : i32
      %dma_wait3A_100 = arith.constant 0 : i32
      %dma_wait3A_101 = tpu.memref_slice %arg9[%dma_wait3A_99, %dma_wait3A_100] : memref<4096x128xf32, #tpu.memory_space<vmem_shared>> -> memref<4096x128xf32, #tpu.memory_space<vmem_shared>>
      tpu.wait_indirect_dma semaphore(%run_scoped3A_85 : memref<!tpu.dma_semaphore, #tpu.memory_space<semaphore_mem>>) src(%dma_wait3A_95 : memref<128x128xf32, #tpu.memory_space<vmem>>) dst(%dma_wait3A_101 : memref<4096x128xf32, #tpu.memory_space<vmem_shared>>)
      tpu.yield
    }) : () -> ()
    %run_scoped3A_72 = arith.constant 1 : i32
    "tpu.region"() ({
      %run_scoped3A_85 = tpu.sem_alloc : memref<!tpu.dma_semaphore, #tpu.memory_space<semaphore_mem>>
      %dma_start3A = arith.constant 128 : i32
      %dma_start3A_86 = arith.constant 0 : i32
      %dma_start3A_87 = tpu.memref_slice %arg7[%dma_start3A, %dma_start3A_86] : memref<256x128xf32, #tpu.memory_space<vmem>> -> memref<128x128xf32, #tpu.memory_space<vmem>>
      %dma_start3A_88 = arith.constant 0 : i32
      %dma_start3A_89 = tpu.memref_slice %arg6[%run_scoped3A_72, %dma_start3A_88] : memref<2x128xi32, #tpu.memory_space<vmem>> -> memref<1x128xi32, #tpu.memory_space<vmem>>
      %dma_start3A_90 = tpu.memref_squeeze %dma_start3A_89 : memref<1x128xi32, #tpu.memory_space<vmem>> -> memref<128xi32, #tpu.memory_space<vmem>>
      %dma_start3A_91 = arith.constant 0 : i32
      %dma_start3A_92 = arith.constant 0 : i32
      %dma_start3A_93 = tpu.memref_slice %arg9[%dma_start3A_91, %dma_start3A_92] : memref<4096x128xf32, #tpu.memory_space<vmem_shared>> -> memref<4096x128xf32, #tpu.memory_space<vmem_shared>>
      tpu.enqueue_indirect_dma source(%dma_start3A_87 : memref<128x128xf32, #tpu.memory_space<vmem>>) target(%dma_start3A_93 : memref<4096x128xf32, #tpu.memory_space<vmem_shared>>) offsets(%dma_start3A_90 : memref<128xi32, #tpu.memory_space<vmem>>) semaphore(%run_scoped3A_85 : memref<!tpu.dma_semaphore, #tpu.memory_space<semaphore_mem>>) {add = true}
      %dma_wait3A = arith.constant 128 : i32
      %dma_wait3A_94 = arith.constant 0 : i32
      %dma_wait3A_95 = tpu.memref_slice %arg7[%dma_wait3A, %dma_wait3A_94] : memref<256x128xf32, #tpu.memory_space<vmem>> -> memref<128x128xf32, #tpu.memory_space<vmem>>
      %dma_wait3A_96 = arith.constant 0 : i32
      %dma_wait3A_97 = tpu.memref_slice %arg6[%run_scoped3A_72, %dma_wait3A_96] : memref<2x128xi32, #tpu.memory_space<vmem>> -> memref<1x128xi32, #tpu.memory_space<vmem>>
      %dma_wait3A_98 = tpu.memref_squeeze %dma_wait3A_97 : memref<1x128xi32, #tpu.memory_space<vmem>> -> memref<128xi32, #tpu.memory_space<vmem>>
      %dma_wait3A_99 = arith.constant 0 : i32
      %dma_wait3A_100 = arith.constant 0 : i32
      %dma_wait3A_101 = tpu.memref_slice %arg9[%dma_wait3A_99, %dma_wait3A_100] : memref<4096x128xf32, #tpu.memory_space<vmem_shared>> -> memref<4096x128xf32, #tpu.memory_space<vmem_shared>>
      tpu.wait_indirect_dma semaphore(%run_scoped3A_85 : memref<!tpu.dma_semaphore, #tpu.memory_space<semaphore_mem>>) src(%dma_wait3A_95 : memref<128x128xf32, #tpu.memory_space<vmem>>) dst(%dma_wait3A_101 : memref<4096x128xf32, #tpu.memory_space<vmem_shared>>)
      tpu.yield
    }) : () -> ()
    %barrier3A_73 = arith.constant 0 : index
    tpu.barrier barrier_id(%barrier3A_73)
    "tpu.region"() ({
      %run_scoped3A_85 = tpu.sem_alloc : memref<!tpu.dma_semaphore, #tpu.memory_space<semaphore_mem>>
      %dma_start3A = tpu.memref_slice %arg5[%mul3A_0, %mul3A_69] : memref<4096x2048xf32, #tpu.memory_space<hbm>> -> memref<256x128xf32, #tpu.memory_space<hbm>>
      %dma_start3A_86 = arith.constant 0 : i32
      %dma_start3A_87 = tpu.memref_slice %arg9[%mul3A_0, %dma_start3A_86] : memref<4096x128xf32, #tpu.memory_space<vmem_shared>> -> memref<256x128xf32, #tpu.memory_space<vmem_shared>>
      tpu.enqueue_dma source(%dma_start3A_87 : memref<256x128xf32, #tpu.memory_space<vmem_shared>>) target(%dma_start3A : memref<256x128xf32, #tpu.memory_space<hbm>>) target_semaphore(%run_scoped3A_85 : memref<!tpu.dma_semaphore, #tpu.memory_space<semaphore_mem>>)
      %dma_wait3A = tpu.memref_slice %arg5[%mul3A_0, %mul3A_69] : memref<4096x2048xf32, #tpu.memory_space<hbm>> -> memref<256x128xf32, #tpu.memory_space<hbm>>
      %dma_wait3A_88 = arith.constant 0 : i32
      %dma_wait3A_89 = tpu.memref_slice %arg9[%mul3A_0, %dma_wait3A_88] : memref<4096x128xf32, #tpu.memory_space<vmem_shared>> -> memref<256x128xf32, #tpu.memory_space<vmem_shared>>
      tpu.wait_dma2 semaphore(%run_scoped3A_85 : memref<!tpu.dma_semaphore, #tpu.memory_space<semaphore_mem>>) src(%dma_wait3A_89 : memref<256x128xf32, #tpu.memory_space<vmem_shared>>) dst(%dma_wait3A : memref<256x128xf32, #tpu.memory_space<hbm>>)
      tpu.yield
    }) : () -> ()
    %barrier3A_74 = arith.constant 0 : index
    tpu.barrier barrier_id(%barrier3A_74)
    %mul3A_75 = arith.constant 8 : i32
    %mul3A_76 = arith.muli %arg0, %mul3A_75 : i32
    %add3A_77 = arith.constant 7 : i32
    %add3A_78 = arith.addi %mul3A_76, %add3A_77 : i32
    %mul3A_79 = arith.constant 128 : i32
    %mul3A_80 = arith.muli %add3A_78, %mul3A_79 : i32
    "tpu.region"() ({
      %run_scoped3A_85 = tpu.sem_alloc : memref<!tpu.dma_semaphore, #tpu.memory_space<semaphore_mem>>
      %dma_start3A = arith.constant 0 : i32
      %dma_start3A_86 = tpu.memref_slice %arg9[%mul3A_0, %dma_start3A] : memref<4096x128xf32, #tpu.memory_space<vmem_shared>> -> memref<256x128xf32, #tpu.memory_space<vmem_shared>>
      %dma_start3A_87 = arith.constant 0 : i32
      %dma_start3A_88 = tpu.memref_slice %arg9[%mul3A_0, %dma_start3A_87] : memref<4096x128xf32, #tpu.memory_space<vmem_shared>> -> memref<256x128xf32, #tpu.memory_space<vmem_shared>>
      tpu.enqueue_dma source(%arg8 : memref<256x128xf32, #tpu.memory_space<vmem>>) target(%dma_start3A_88 : memref<256x128xf32, #tpu.memory_space<vmem_shared>>) target_semaphore(%run_scoped3A_85 : memref<!tpu.dma_semaphore, #tpu.memory_space<semaphore_mem>>)
      %dma_wait3A = arith.constant 0 : i32
      %dma_wait3A_89 = tpu.memref_slice %arg9[%mul3A_0, %dma_wait3A] : memref<4096x128xf32, #tpu.memory_space<vmem_shared>> -> memref<256x128xf32, #tpu.memory_space<vmem_shared>>
      %dma_wait3A_90 = arith.constant 0 : i32
      %dma_wait3A_91 = tpu.memref_slice %arg9[%mul3A_0, %dma_wait3A_90] : memref<4096x128xf32, #tpu.memory_space<vmem_shared>> -> memref<256x128xf32, #tpu.memory_space<vmem_shared>>
      tpu.wait_dma2 semaphore(%run_scoped3A_85 : memref<!tpu.dma_semaphore, #tpu.memory_space<semaphore_mem>>) src(%arg8 : memref<256x128xf32, #tpu.memory_space<vmem>>) dst(%dma_wait3A_91 : memref<256x128xf32, #tpu.memory_space<vmem_shared>>)
      tpu.yield
    }) : () -> ()
    %barrier3A_81 = arith.constant 0 : index
    tpu.barrier barrier_id(%barrier3A_81)
    "tpu.region"() ({
      %run_scoped3A_85 = tpu.sem_alloc : memref<!tpu.dma_semaphore, #tpu.memory_space<semaphore_mem>>
      %dma_start3A = tpu.memref_slice %arg2[%mul3A_0, %mul3A_80] : memref<4096x2048xf32, #tpu.memory_space<hbm>> -> memref<256x128xf32, #tpu.memory_space<hbm>>
      %dma_start3A_86 = tpu.memref_slice %arg2[%mul3A_0, %mul3A_80] : memref<4096x2048xf32, #tpu.memory_space<hbm>> -> memref<256x128xf32, #tpu.memory_space<hbm>>
      tpu.enqueue_dma source(%dma_start3A_86 : memref<256x128xf32, #tpu.memory_space<hbm>>) target(%arg7 : memref<256x128xf32, #tpu.memory_space<vmem>>) target_semaphore(%run_scoped3A_85 : memref<!tpu.dma_semaphore, #tpu.memory_space<semaphore_mem>>)
      %dma_wait3A = tpu.memref_slice %arg2[%mul3A_0, %mul3A_80] : memref<4096x2048xf32, #tpu.memory_space<hbm>> -> memref<256x128xf32, #tpu.memory_space<hbm>>
      %dma_wait3A_87 = tpu.memref_slice %arg2[%mul3A_0, %mul3A_80] : memref<4096x2048xf32, #tpu.memory_space<hbm>> -> memref<256x128xf32, #tpu.memory_space<hbm>>
      tpu.wait_dma2 semaphore(%run_scoped3A_85 : memref<!tpu.dma_semaphore, #tpu.memory_space<semaphore_mem>>) src(%dma_wait3A_87 : memref<256x128xf32, #tpu.memory_space<hbm>>) dst(%arg7 : memref<256x128xf32, #tpu.memory_space<vmem>>)
      tpu.yield
    }) : () -> ()
    %run_scoped3A_82 = arith.constant 0 : i32
    "tpu.region"() ({
      %run_scoped3A_85 = tpu.sem_alloc : memref<!tpu.dma_semaphore, #tpu.memory_space<semaphore_mem>>
      %dma_start3A = arith.constant 0 : i32
      %dma_start3A_86 = arith.constant 0 : i32
      %dma_start3A_87 = tpu.memref_slice %arg7[%dma_start3A, %dma_start3A_86] : memref<256x128xf32, #tpu.memory_space<vmem>> -> memref<128x128xf32, #tpu.memory_space<vmem>>
      %dma_start3A_88 = arith.constant 0 : i32
      %dma_start3A_89 = tpu.memref_slice %arg6[%run_scoped3A_82, %dma_start3A_88] : memref<2x128xi32, #tpu.memory_space<vmem>> -> memref<1x128xi32, #tpu.memory_space<vmem>>
      %dma_start3A_90 = tpu.memref_squeeze %dma_start3A_89 : memref<1x128xi32, #tpu.memory_space<vmem>> -> memref<128xi32, #tpu.memory_space<vmem>>
      %dma_start3A_91 = arith.constant 0 : i32
      %dma_start3A_92 = arith.constant 0 : i32
      %dma_start3A_93 = tpu.memref_slice %arg9[%dma_start3A_91, %dma_start3A_92] : memref<4096x128xf32, #tpu.memory_space<vmem_shared>> -> memref<4096x128xf32, #tpu.memory_space<vmem_shared>>
      tpu.enqueue_indirect_dma source(%dma_start3A_87 : memref<128x128xf32, #tpu.memory_space<vmem>>) target(%dma_start3A_93 : memref<4096x128xf32, #tpu.memory_space<vmem_shared>>) offsets(%dma_start3A_90 : memref<128xi32, #tpu.memory_space<vmem>>) semaphore(%run_scoped3A_85 : memref<!tpu.dma_semaphore, #tpu.memory_space<semaphore_mem>>) {add = true}
      %dma_wait3A = arith.constant 0 : i32
      %dma_wait3A_94 = arith.constant 0 : i32
      %dma_wait3A_95 = tpu.memref_slice %arg7[%dma_wait3A, %dma_wait3A_94] : memref<256x128xf32, #tpu.memory_space<vmem>> -> memref<128x128xf32, #tpu.memory_space<vmem>>
      %dma_wait3A_96 = arith.constant 0 : i32
      %dma_wait3A_97 = tpu.memref_slice %arg6[%run_scoped3A_82, %dma_wait3A_96] : memref<2x128xi32, #tpu.memory_space<vmem>> -> memref<1x128xi32, #tpu.memory_space<vmem>>
      %dma_wait3A_98 = tpu.memref_squeeze %dma_wait3A_97 : memref<1x128xi32, #tpu.memory_space<vmem>> -> memref<128xi32, #tpu.memory_space<vmem>>
      %dma_wait3A_99 = arith.constant 0 : i32
      %dma_wait3A_100 = arith.constant 0 : i32
      %dma_wait3A_101 = tpu.memref_slice %arg9[%dma_wait3A_99, %dma_wait3A_100] : memref<4096x128xf32, #tpu.memory_space<vmem_shared>> -> memref<4096x128xf32, #tpu.memory_space<vmem_shared>>
      tpu.wait_indirect_dma semaphore(%run_scoped3A_85 : memref<!tpu.dma_semaphore, #tpu.memory_space<semaphore_mem>>) src(%dma_wait3A_95 : memref<128x128xf32, #tpu.memory_space<vmem>>) dst(%dma_wait3A_101 : memref<4096x128xf32, #tpu.memory_space<vmem_shared>>)
      tpu.yield
    }) : () -> ()
    %run_scoped3A_83 = arith.constant 1 : i32
    "tpu.region"() ({
      %run_scoped3A_85 = tpu.sem_alloc : memref<!tpu.dma_semaphore, #tpu.memory_space<semaphore_mem>>
      %dma_start3A = arith.constant 128 : i32
      %dma_start3A_86 = arith.constant 0 : i32
      %dma_start3A_87 = tpu.memref_slice %arg7[%dma_start3A, %dma_start3A_86] : memref<256x128xf32, #tpu.memory_space<vmem>> -> memref<128x128xf32, #tpu.memory_space<vmem>>
      %dma_start3A_88 = arith.constant 0 : i32
      %dma_start3A_89 = tpu.memref_slice %arg6[%run_scoped3A_83, %dma_start3A_88] : memref<2x128xi32, #tpu.memory_space<vmem>> -> memref<1x128xi32, #tpu.memory_space<vmem>>
      %dma_start3A_90 = tpu.memref_squeeze %dma_start3A_89 : memref<1x128xi32, #tpu.memory_space<vmem>> -> memref<128xi32, #tpu.memory_space<vmem>>
      %dma_start3A_91 = arith.constant 0 : i32
      %dma_start3A_92 = arith.constant 0 : i32
      %dma_start3A_93 = tpu.memref_slice %arg9[%dma_start3A_91, %dma_start3A_92] : memref<4096x128xf32, #tpu.memory_space<vmem_shared>> -> memref<4096x128xf32, #tpu.memory_space<vmem_shared>>
      tpu.enqueue_indirect_dma source(%dma_start3A_87 : memref<128x128xf32, #tpu.memory_space<vmem>>) target(%dma_start3A_93 : memref<4096x128xf32, #tpu.memory_space<vmem_shared>>) offsets(%dma_start3A_90 : memref<128xi32, #tpu.memory_space<vmem>>) semaphore(%run_scoped3A_85 : memref<!tpu.dma_semaphore, #tpu.memory_space<semaphore_mem>>) {add = true}
      %dma_wait3A = arith.constant 128 : i32
      %dma_wait3A_94 = arith.constant 0 : i32
      %dma_wait3A_95 = tpu.memref_slice %arg7[%dma_wait3A, %dma_wait3A_94] : memref<256x128xf32, #tpu.memory_space<vmem>> -> memref<128x128xf32, #tpu.memory_space<vmem>>
      %dma_wait3A_96 = arith.constant 0 : i32
      %dma_wait3A_97 = tpu.memref_slice %arg6[%run_scoped3A_83, %dma_wait3A_96] : memref<2x128xi32, #tpu.memory_space<vmem>> -> memref<1x128xi32, #tpu.memory_space<vmem>>
      %dma_wait3A_98 = tpu.memref_squeeze %dma_wait3A_97 : memref<1x128xi32, #tpu.memory_space<vmem>> -> memref<128xi32, #tpu.memory_space<vmem>>
      %dma_wait3A_99 = arith.constant 0 : i32
      %dma_wait3A_100 = arith.constant 0 : i32
      %dma_wait3A_101 = tpu.memref_slice %arg9[%dma_wait3A_99, %dma_wait3A_100] : memref<4096x128xf32, #tpu.memory_space<vmem_shared>> -> memref<4096x128xf32, #tpu.memory_space<vmem_shared>>
      tpu.wait_indirect_dma semaphore(%run_scoped3A_85 : memref<!tpu.dma_semaphore, #tpu.memory_space<semaphore_mem>>) src(%dma_wait3A_95 : memref<128x128xf32, #tpu.memory_space<vmem>>) dst(%dma_wait3A_101 : memref<4096x128xf32, #tpu.memory_space<vmem_shared>>)
      tpu.yield
    }) : () -> ()
    %barrier3A_84 = arith.constant 0 : index
    tpu.barrier barrier_id(%barrier3A_84)
    "tpu.region"() ({
      %run_scoped3A_85 = tpu.sem_alloc : memref<!tpu.dma_semaphore, #tpu.memory_space<semaphore_mem>>
      %dma_start3A = tpu.memref_slice %arg5[%mul3A_0, %mul3A_80] : memref<4096x2048xf32, #tpu.memory_space<hbm>> -> memref<256x128xf32, #tpu.memory_space<hbm>>
      %dma_start3A_86 = arith.constant 0 : i32
      %dma_start3A_87 = tpu.memref_slice %arg9[%mul3A_0, %dma_start3A_86] : memref<4096x128xf32, #tpu.memory_space<vmem_shared>> -> memref<256x128xf32, #tpu.memory_space<vmem_shared>>
      tpu.enqueue_dma source(%dma_start3A_87 : memref<256x128xf32, #tpu.memory_space<vmem_shared>>) target(%dma_start3A : memref<256x128xf32, #tpu.memory_space<hbm>>) target_semaphore(%run_scoped3A_85 : memref<!tpu.dma_semaphore, #tpu.memory_space<semaphore_mem>>)
      %dma_wait3A = tpu.memref_slice %arg5[%mul3A_0, %mul3A_80] : memref<4096x2048xf32, #tpu.memory_space<hbm>> -> memref<256x128xf32, #tpu.memory_space<hbm>>
      %dma_wait3A_88 = arith.constant 0 : i32
      %dma_wait3A_89 = tpu.memref_slice %arg9[%mul3A_0, %dma_wait3A_88] : memref<4096x128xf32, #tpu.memory_space<vmem_shared>> -> memref<256x128xf32, #tpu.memory_space<vmem_shared>>
      tpu.wait_dma2 semaphore(%run_scoped3A_85 : memref<!tpu.dma_semaphore, #tpu.memory_space<semaphore_mem>>) src(%dma_wait3A_89 : memref<256x128xf32, #tpu.memory_space<vmem_shared>>) dst(%dma_wait3A : memref<256x128xf32, #tpu.memory_space<hbm>>)
      tpu.yield
    }) : () -> ()
    return
  }
}

#map = affine_map<(d0, d1) -> (0, 0)>
#map1 = affine_map<(d0, d1) -> (0)>
module attributes {stable_mosaic.version = 14 : i64} {
  func.func @_select_body(%arg0: i32, %arg1: i32, %arg2: memref<16x2048xf32, #tpu.memory_space<hbm>>, %arg3: memref<16x16xi32, #tpu.memory_space<hbm>>, %arg4: memref<4096xi32, #tpu.memory_space<hbm>>, %arg5: memref<4096xf32, #tpu.memory_space<hbm>>, %arg6: memref<2048xf32, #tpu.memory_space<vmem>>, %arg7: memref<16xi32, #tpu.memory_space<vmem>>, %arg8: memref<272xi32, #tpu.memory_space<vmem>>, %arg9: memref<2x128xi32, #tpu.memory_space<vmem>>, %arg10: memref<272xf32, #tpu.memory_space<vmem>>, %arg11: memref<2048xf32, #tpu.memory_space<vmem>>, %arg12: memref<2048xf32, #tpu.memory_space<vmem_shared>>, %arg13: memref<!tpu.dma_semaphore, #tpu.memory_space<semaphore_mem>>) attributes {dimension_semantics = [#tpu.dimension_semantics<core_parallel>, #tpu.dimension_semantics<subcore_parallel>], iteration_bounds = array<i64: 2, 16>, scalar_prefetch = 0 : i64, scratch_operands = 8 : i64, tpu.core_type = #tpu.core_type<sc_vector_subcore>, window_params = [{transform_indices = #map}, {transform_indices = #map}, {transform_indices = #map1}, {transform_indices = #map1}]} {
    %mul3A = arith.constant 2 : i32
    %mul3A_0 = arith.muli %arg1, %mul3A : i32
    %add3A = arith.addi %mul3A_0, %arg0 : i32
    %lt3A = arith.constant 8 : i32
    %lt3A_1 = arith.cmpi slt, %arg1, %lt3A : i32
    %convert_element_type3A = arith.extui %lt3A_1 : i1 to i32
    %cond3A = arith.constant 0 : i32
    %cond3A_2 = arith.cmpi ne, %convert_element_type3A, %cond3A : i32
    scf.if %cond3A_2 {
      "tpu.region"() ({
        %run_scoped3A = tpu.sem_alloc : memref<!tpu.dma_semaphore, #tpu.memory_space<semaphore_mem>>
        %dma_start3A = arith.constant 0 : i32
        %dma_start3A_17 = tpu.memref_slice %arg2[%add3A, %dma_start3A] : memref<16x2048xf32, #tpu.memory_space<hbm>> -> memref<1x2048xf32, #tpu.memory_space<hbm>>
        %dma_start3A_18 = tpu.memref_squeeze %dma_start3A_17 : memref<1x2048xf32, #tpu.memory_space<hbm>> -> memref<2048xf32, #tpu.memory_space<hbm>>
        %dma_start3A_19 = arith.constant 0 : i32
        %dma_start3A_20 = tpu.memref_slice %arg2[%add3A, %dma_start3A_19] : memref<16x2048xf32, #tpu.memory_space<hbm>> -> memref<1x2048xf32, #tpu.memory_space<hbm>>
        %dma_start3A_21 = tpu.memref_squeeze %dma_start3A_20 : memref<1x2048xf32, #tpu.memory_space<hbm>> -> memref<2048xf32, #tpu.memory_space<hbm>>
        tpu.enqueue_dma source(%dma_start3A_21 : memref<2048xf32, #tpu.memory_space<hbm>>) target(%arg6 : memref<2048xf32, #tpu.memory_space<vmem>>) target_semaphore(%run_scoped3A : memref<!tpu.dma_semaphore, #tpu.memory_space<semaphore_mem>>)
        %dma_wait3A = arith.constant 0 : i32
        %dma_wait3A_22 = tpu.memref_slice %arg2[%add3A, %dma_wait3A] : memref<16x2048xf32, #tpu.memory_space<hbm>> -> memref<1x2048xf32, #tpu.memory_space<hbm>>
        %dma_wait3A_23 = tpu.memref_squeeze %dma_wait3A_22 : memref<1x2048xf32, #tpu.memory_space<hbm>> -> memref<2048xf32, #tpu.memory_space<hbm>>
        %dma_wait3A_24 = arith.constant 0 : i32
        %dma_wait3A_25 = tpu.memref_slice %arg2[%add3A, %dma_wait3A_24] : memref<16x2048xf32, #tpu.memory_space<hbm>> -> memref<1x2048xf32, #tpu.memory_space<hbm>>
        %dma_wait3A_26 = tpu.memref_squeeze %dma_wait3A_25 : memref<1x2048xf32, #tpu.memory_space<hbm>> -> memref<2048xf32, #tpu.memory_space<hbm>>
        tpu.wait_dma2 semaphore(%run_scoped3A : memref<!tpu.dma_semaphore, #tpu.memory_space<semaphore_mem>>) src(%dma_wait3A_26 : memref<2048xf32, #tpu.memory_space<hbm>>) dst(%arg6 : memref<2048xf32, #tpu.memory_space<vmem>>)
        tpu.yield
      }) : () -> ()
      "tpu.region"() ({
        %run_scoped3A = tpu.sem_alloc : memref<!tpu.dma_semaphore, #tpu.memory_space<semaphore_mem>>
        %dma_start3A = arith.constant 0 : i32
        %dma_start3A_17 = tpu.memref_slice %arg3[%add3A, %dma_start3A] : memref<16x16xi32, #tpu.memory_space<hbm>> -> memref<1x16xi32, #tpu.memory_space<hbm>>
        %dma_start3A_18 = tpu.memref_squeeze %dma_start3A_17 : memref<1x16xi32, #tpu.memory_space<hbm>> -> memref<16xi32, #tpu.memory_space<hbm>>
        %dma_start3A_19 = arith.constant 0 : i32
        %dma_start3A_20 = tpu.memref_slice %arg3[%add3A, %dma_start3A_19] : memref<16x16xi32, #tpu.memory_space<hbm>> -> memref<1x16xi32, #tpu.memory_space<hbm>>
        %dma_start3A_21 = tpu.memref_squeeze %dma_start3A_20 : memref<1x16xi32, #tpu.memory_space<hbm>> -> memref<16xi32, #tpu.memory_space<hbm>>
        tpu.enqueue_dma source(%dma_start3A_21 : memref<16xi32, #tpu.memory_space<hbm>>) target(%arg7 : memref<16xi32, #tpu.memory_space<vmem>>) target_semaphore(%run_scoped3A : memref<!tpu.dma_semaphore, #tpu.memory_space<semaphore_mem>>)
        %dma_wait3A = arith.constant 0 : i32
        %dma_wait3A_22 = tpu.memref_slice %arg3[%add3A, %dma_wait3A] : memref<16x16xi32, #tpu.memory_space<hbm>> -> memref<1x16xi32, #tpu.memory_space<hbm>>
        %dma_wait3A_23 = tpu.memref_squeeze %dma_wait3A_22 : memref<1x16xi32, #tpu.memory_space<hbm>> -> memref<16xi32, #tpu.memory_space<hbm>>
        %dma_wait3A_24 = arith.constant 0 : i32
        %dma_wait3A_25 = tpu.memref_slice %arg3[%add3A, %dma_wait3A_24] : memref<16x16xi32, #tpu.memory_space<hbm>> -> memref<1x16xi32, #tpu.memory_space<hbm>>
        %dma_wait3A_26 = tpu.memref_squeeze %dma_wait3A_25 : memref<1x16xi32, #tpu.memory_space<hbm>> -> memref<16xi32, #tpu.memory_space<hbm>>
        tpu.wait_dma2 semaphore(%run_scoped3A : memref<!tpu.dma_semaphore, #tpu.memory_space<semaphore_mem>>) src(%dma_wait3A_26 : memref<16xi32, #tpu.memory_space<hbm>>) dst(%arg7 : memref<16xi32, #tpu.memory_space<vmem>>)
        tpu.yield
      }) : () -> ()
    } else {
    }
    %iota3A = tpu.iota {dimensions = array<i32: 0>} : vector<16xi32>
    %convert_element_type3A_3 = arith.extui %lt3A_1 : i1 to i32
    %cond3A_4 = arith.constant 0 : i32
    %cond3A_5 = arith.cmpi ne, %convert_element_type3A_3, %cond3A_4 : i32
    scf.if %cond3A_5 {
      %get3A = arith.constant 0 : index
      %get3A_17 = tpu.vector_load %arg7[%get3A] {strides = array<i32>} : memref<16xi32, #tpu.memory_space<vmem>>, vector<16xi32>,
      %broadcast_in_dim3A = arith.constant 0 : i32
      %broadcast_in_dim3A_18 = vector.broadcast %broadcast_in_dim3A : i32 to vector<16xi32>
      %scan3A = arith.constant 0 : i32
      %scan3A_19 = arith.constant 128 : i32
      %scan3A_20 = arith.addi %scan3A, %scan3A_19 : i32
      %scan3A_21 = arith.constant 1 : i32
      %scan3A_22 = scf.for %scan3A_30 = %scan3A to %scan3A_20 step %scan3A_21 iter_args(%scan3A_31 = %broadcast_in_dim3A_18) -> (vector<16xi32>)  : i32 {
        %mul3A_32 = arith.constant 16 : i32
        %mul3A_33 = arith.muli %scan3A_30, %mul3A_32 : i32
        %get3A_34 = arith.index_cast %mul3A_33 : i32 to index
        %get3A_35 = tpu.vector_load %arg6[%get3A_34] {strides = array<i32>} : memref<2048xf32, #tpu.memory_space<vmem>>, vector<16xf32>,
        %bitcast3A = vector.bitcast %get3A_35 : vector<16xf32> to vector<16xi32>
        %gt3A = arith.cmpi sgt, %bitcast3A, %get3A_17 : vector<16xi32>
        %jit3A = arith.constant 1 : i32
        %jit3A_36 = arith.constant 0 : i32
        %broadcast_in_dim3A_37 = vector.broadcast %jit3A : i32 to vector<16xi32>
        %broadcast_in_dim3A_38 = vector.broadcast %jit3A_36 : i32 to vector<16xi32>
        %select_n3A = arith.select %gt3A, %broadcast_in_dim3A_37, %broadcast_in_dim3A_38 : vector<16xi1>, vector<16xi32>
        %broadcast_in_dim3A_39 = arith.constant true
        %broadcast_in_dim3A_40 = vector.broadcast %broadcast_in_dim3A_39 : i1 to vector<16xi1>
        %masked_cumsum3A = tpu.scan <sum>, %select_n3A masked %broadcast_in_dim3A_40 : vector<16xi32>, vector<16xi1> -> vector<16xi32>
        %add3A_41 = arith.addi %scan3A_31, %masked_cumsum3A : vector<16xi32>
        %sub3A = arith.subi %add3A_41, %select_n3A : vector<16xi32>
        %add3A_42 = arith.constant 256 : i32
        %add3A_43 = vector.broadcast %add3A_42 : i32 to vector<16xi32>
        %add3A_44 = arith.addi %add3A_43, %iota3A : vector<16xi32>
        %select_n3A_45 = arith.select %gt3A, %sub3A, %add3A_44 : vector<16xi1>, vector<16xi32>
        %mul3A_46 = arith.constant 16 : i32
        %mul3A_47 = arith.muli %scan3A_30, %mul3A_46 : i32
        %add3A_48 = vector.broadcast %mul3A_47 : i32 to vector<16xi32>
        %add3A_49 = arith.addi %add3A_48, %iota3A : vector<16xi32>
        tpu.vector_store_idx %arg8[%select_n3A_45], %add3A_49 : memref<272xi32, #tpu.memory_space<vmem>>[vector<16xi32>], vector<16xi32>,
        tpu.vector_store_idx %arg10[%select_n3A_45], %get3A_35 : memref<272xf32, #tpu.memory_space<vmem>>[vector<16xi32>], vector<16xf32>,
        %all_reduce_population_count3A = tpu.all_reduce %gt3A {dim = 0 : i64, kind = #tpu.reduction_kind<sum>} : vector<16xi1> -> vector<16xi32>
        %add3A_50 = arith.addi %scan3A_31, %all_reduce_population_count3A : vector<16xi32>
        scf.yield %add3A_50 : vector<16xi32>
      }
      %scan3A_23 = arith.constant 128 : i32
      %scan3A_24 = arith.constant 0 : i32
      %scan3A_25 = arith.constant 128 : i32
      %scan3A_26 = arith.addi %scan3A_24, %scan3A_25 : i32
      %scan3A_27 = arith.constant 1 : i32
      %scan3A_28 = scf.for %scan3A_30 = %scan3A_24 to %scan3A_26 step %scan3A_27 iter_args(%scan3A_31 = %scan3A_22) -> (vector<16xi32>)  : i32 {
        %mul3A_32 = arith.constant 16 : i32
        %mul3A_33 = arith.muli %scan3A_30, %mul3A_32 : i32
        %get3A_34 = arith.index_cast %mul3A_33 : i32 to index
        %get3A_35 = tpu.vector_load %arg6[%get3A_34] {strides = array<i32>} : memref<2048xf32, #tpu.memory_space<vmem>>, vector<16xf32>,
        %bitcast3A = vector.bitcast %get3A_35 : vector<16xf32> to vector<16xi32>
        %eq3A_36 = arith.cmpi eq, %bitcast3A, %get3A_17 : vector<16xi32>
        %jit3A = arith.constant 1 : i32
        %jit3A_37 = arith.constant 0 : i32
        %broadcast_in_dim3A_38 = vector.broadcast %jit3A : i32 to vector<16xi32>
        %broadcast_in_dim3A_39 = vector.broadcast %jit3A_37 : i32 to vector<16xi32>
        %select_n3A = arith.select %eq3A_36, %broadcast_in_dim3A_38, %broadcast_in_dim3A_39 : vector<16xi1>, vector<16xi32>
        %broadcast_in_dim3A_40 = arith.constant true
        %broadcast_in_dim3A_41 = vector.broadcast %broadcast_in_dim3A_40 : i1 to vector<16xi1>
        %masked_cumsum3A = tpu.scan <sum>, %select_n3A masked %broadcast_in_dim3A_41 : vector<16xi32>, vector<16xi1> -> vector<16xi32>
        %add3A_42 = arith.addi %scan3A_31, %masked_cumsum3A : vector<16xi32>
        %sub3A = arith.subi %add3A_42, %select_n3A : vector<16xi32>
        %lt3A_43 = arith.constant 256 : i32
        %lt3A_44 = vector.broadcast %lt3A_43 : i32 to vector<16xi32>
        %lt3A_45 = arith.cmpi slt, %sub3A, %lt3A_44 : vector<16xi32>
        %and3A = arith.andi %eq3A_36, %lt3A_45 : vector<16xi1>
        %add3A_46 = arith.constant 256 : i32
        %add3A_47 = vector.broadcast %add3A_46 : i32 to vector<16xi32>
        %add3A_48 = arith.addi %add3A_47, %iota3A : vector<16xi32>
        %select_n3A_49 = arith.select %and3A, %sub3A, %add3A_48 : vector<16xi1>, vector<16xi32>
        %mul3A_50 = arith.constant 16 : i32
        %mul3A_51 = arith.muli %scan3A_30, %mul3A_50 : i32
        %add3A_52 = vector.broadcast %mul3A_51 : i32 to vector<16xi32>
        %add3A_53 = arith.addi %add3A_52, %iota3A : vector<16xi32>
        tpu.vector_store_idx %arg8[%select_n3A_49], %add3A_53 : memref<272xi32, #tpu.memory_space<vmem>>[vector<16xi32>], vector<16xi32>,
        tpu.vector_store_idx %arg10[%select_n3A_49], %get3A_35 : memref<272xf32, #tpu.memory_space<vmem>>[vector<16xi32>], vector<16xf32>,
        %all_reduce_population_count3A = tpu.all_reduce %eq3A_36 {dim = 0 : i64, kind = #tpu.reduction_kind<sum>} : vector<16xi1> -> vector<16xi32>
        %add3A_54 = arith.addi %scan3A_31, %all_reduce_population_count3A : vector<16xi32>
        scf.yield %add3A_54 : vector<16xi32>
      }
      %scan3A_29 = arith.constant 128 : i32
    } else {
    }
    %eq3A = arith.constant 0 : i32
    %eq3A_6 = arith.cmpi eq, %arg1, %eq3A : i32
    %convert_element_type3A_7 = arith.extui %eq3A_6 : i1 to i32
    %cond3A_8 = arith.constant 0 : i32
    %cond3A_9 = arith.cmpi ne, %convert_element_type3A_7, %cond3A_8 : i32
    scf.if %cond3A_9 {
      %broadcast_in_dim3A = arith.constant 0.000000e+00 : f32
      %broadcast_in_dim3A_17 = vector.broadcast %broadcast_in_dim3A : f32 to vector<16xf32>
      %swap3A = arith.constant 0 : index
      %swap3A_18 = tpu.vector_load %arg11[%swap3A] {strides = array<i32>} : memref<2048xf32, #tpu.memory_space<vmem>>, vector<16xf32>,
      tpu.vector_store %arg11[%swap3A], %broadcast_in_dim3A_17 {strides = array<i32>} : memref<2048xf32, #tpu.memory_space<vmem>>, vector<16xf32>,
      %broadcast_in_dim3A_19 = arith.constant 0.000000e+00 : f32
      %broadcast_in_dim3A_20 = vector.broadcast %broadcast_in_dim3A_19 : f32 to vector<16xf32>
      %swap3A_21 = arith.constant 16 : index
      %swap3A_22 = tpu.vector_load %arg11[%swap3A_21] {strides = array<i32>} : memref<2048xf32, #tpu.memory_space<vmem>>, vector<16xf32>,
      tpu.vector_store %arg11[%swap3A_21], %broadcast_in_dim3A_20 {strides = array<i32>} : memref<2048xf32, #tpu.memory_space<vmem>>, vector<16xf32>,
      %broadcast_in_dim3A_23 = arith.constant 0.000000e+00 : f32
      %broadcast_in_dim3A_24 = vector.broadcast %broadcast_in_dim3A_23 : f32 to vector<16xf32>
      %swap3A_25 = arith.constant 32 : index
      %swap3A_26 = tpu.vector_load %arg11[%swap3A_25] {strides = array<i32>} : memref<2048xf32, #tpu.memory_space<vmem>>, vector<16xf32>,
      tpu.vector_store %arg11[%swap3A_25], %broadcast_in_dim3A_24 {strides = array<i32>} : memref<2048xf32, #tpu.memory_space<vmem>>, vector<16xf32>,
      %broadcast_in_dim3A_27 = arith.constant 0.000000e+00 : f32
      %broadcast_in_dim3A_28 = vector.broadcast %broadcast_in_dim3A_27 : f32 to vector<16xf32>
      %swap3A_29 = arith.constant 48 : index
      %swap3A_30 = tpu.vector_load %arg11[%swap3A_29] {strides = array<i32>} : memref<2048xf32, #tpu.memory_space<vmem>>, vector<16xf32>,
      tpu.vector_store %arg11[%swap3A_29], %broadcast_in_dim3A_28 {strides = array<i32>} : memref<2048xf32, #tpu.memory_space<vmem>>, vector<16xf32>,
      %broadcast_in_dim3A_31 = arith.constant 0.000000e+00 : f32
      %broadcast_in_dim3A_32 = vector.broadcast %broadcast_in_dim3A_31 : f32 to vector<16xf32>
      %swap3A_33 = arith.constant 64 : index
      %swap3A_34 = tpu.vector_load %arg11[%swap3A_33] {strides = array<i32>} : memref<2048xf32, #tpu.memory_space<vmem>>, vector<16xf32>,
      tpu.vector_store %arg11[%swap3A_33], %broadcast_in_dim3A_32 {strides = array<i32>} : memref<2048xf32, #tpu.memory_space<vmem>>, vector<16xf32>,
      %broadcast_in_dim3A_35 = arith.constant 0.000000e+00 : f32
      %broadcast_in_dim3A_36 = vector.broadcast %broadcast_in_dim3A_35 : f32 to vector<16xf32>
      %swap3A_37 = arith.constant 80 : index
      %swap3A_38 = tpu.vector_load %arg11[%swap3A_37] {strides = array<i32>} : memref<2048xf32, #tpu.memory_space<vmem>>, vector<16xf32>,
      tpu.vector_store %arg11[%swap3A_37], %broadcast_in_dim3A_36 {strides = array<i32>} : memref<2048xf32, #tpu.memory_space<vmem>>, vector<16xf32>,
      %broadcast_in_dim3A_39 = arith.constant 0.000000e+00 : f32
      %broadcast_in_dim3A_40 = vector.broadcast %broadcast_in_dim3A_39 : f32 to vector<16xf32>
      %swap3A_41 = arith.constant 96 : index
      %swap3A_42 = tpu.vector_load %arg11[%swap3A_41] {strides = array<i32>} : memref<2048xf32, #tpu.memory_space<vmem>>, vector<16xf32>,
      tpu.vector_store %arg11[%swap3A_41], %broadcast_in_dim3A_40 {strides = array<i32>} : memref<2048xf32, #tpu.memory_space<vmem>>, vector<16xf32>,
      %broadcast_in_dim3A_43 = arith.constant 0.000000e+00 : f32
      %broadcast_in_dim3A_44 = vector.broadcast %broadcast_in_dim3A_43 : f32 to vector<16xf32>
      %swap3A_45 = arith.constant 112 : index
      %swap3A_46 = tpu.vector_load %arg11[%swap3A_45] {strides = array<i32>} : memref<2048xf32, #tpu.memory_space<vmem>>, vector<16xf32>,
      tpu.vector_store %arg11[%swap3A_45], %broadcast_in_dim3A_44 {strides = array<i32>} : memref<2048xf32, #tpu.memory_space<vmem>>, vector<16xf32>,
      %broadcast_in_dim3A_47 = arith.constant 0.000000e+00 : f32
      %broadcast_in_dim3A_48 = vector.broadcast %broadcast_in_dim3A_47 : f32 to vector<16xf32>
      %swap3A_49 = arith.constant 128 : index
      %swap3A_50 = tpu.vector_load %arg11[%swap3A_49] {strides = array<i32>} : memref<2048xf32, #tpu.memory_space<vmem>>, vector<16xf32>,
      tpu.vector_store %arg11[%swap3A_49], %broadcast_in_dim3A_48 {strides = array<i32>} : memref<2048xf32, #tpu.memory_space<vmem>>, vector<16xf32>,
      %broadcast_in_dim3A_51 = arith.constant 0.000000e+00 : f32
      %broadcast_in_dim3A_52 = vector.broadcast %broadcast_in_dim3A_51 : f32 to vector<16xf32>
      %swap3A_53 = arith.constant 144 : index
      %swap3A_54 = tpu.vector_load %arg11[%swap3A_53] {strides = array<i32>} : memref<2048xf32, #tpu.memory_space<vmem>>, vector<16xf32>,
      tpu.vector_store %arg11[%swap3A_53], %broadcast_in_dim3A_52 {strides = array<i32>} : memref<2048xf32, #tpu.memory_space<vmem>>, vector<16xf32>,
      %broadcast_in_dim3A_55 = arith.constant 0.000000e+00 : f32
      %broadcast_in_dim3A_56 = vector.broadcast %broadcast_in_dim3A_55 : f32 to vector<16xf32>
      %swap3A_57 = arith.constant 160 : index
      %swap3A_58 = tpu.vector_load %arg11[%swap3A_57] {strides = array<i32>} : memref<2048xf32, #tpu.memory_space<vmem>>, vector<16xf32>,
      tpu.vector_store %arg11[%swap3A_57], %broadcast_in_dim3A_56 {strides = array<i32>} : memref<2048xf32, #tpu.memory_space<vmem>>, vector<16xf32>,
      %broadcast_in_dim3A_59 = arith.constant 0.000000e+00 : f32
      %broadcast_in_dim3A_60 = vector.broadcast %broadcast_in_dim3A_59 : f32 to vector<16xf32>
      %swap3A_61 = arith.constant 176 : index
      %swap3A_62 = tpu.vector_load %arg11[%swap3A_61] {strides = array<i32>} : memref<2048xf32, #tpu.memory_space<vmem>>, vector<16xf32>,
      tpu.vector_store %arg11[%swap3A_61], %broadcast_in_dim3A_60 {strides = array<i32>} : memref<2048xf32, #tpu.memory_space<vmem>>, vector<16xf32>,
      %broadcast_in_dim3A_63 = arith.constant 0.000000e+00 : f32
      %broadcast_in_dim3A_64 = vector.broadcast %broadcast_in_dim3A_63 : f32 to vector<16xf32>
      %swap3A_65 = arith.constant 192 : index
      %swap3A_66 = tpu.vector_load %arg11[%swap3A_65] {strides = array<i32>} : memref<2048xf32, #tpu.memory_space<vmem>>, vector<16xf32>,
      tpu.vector_store %arg11[%swap3A_65], %broadcast_in_dim3A_64 {strides = array<i32>} : memref<2048xf32, #tpu.memory_space<vmem>>, vector<16xf32>,
      %broadcast_in_dim3A_67 = arith.constant 0.000000e+00 : f32
      %broadcast_in_dim3A_68 = vector.broadcast %broadcast_in_dim3A_67 : f32 to vector<16xf32>
      %swap3A_69 = arith.constant 208 : index
      %swap3A_70 = tpu.vector_load %arg11[%swap3A_69] {strides = array<i32>} : memref<2048xf32, #tpu.memory_space<vmem>>, vector<16xf32>,
      tpu.vector_store %arg11[%swap3A_69], %broadcast_in_dim3A_68 {strides = array<i32>} : memref<2048xf32, #tpu.memory_space<vmem>>, vector<16xf32>,
      %broadcast_in_dim3A_71 = arith.constant 0.000000e+00 : f32
      %broadcast_in_dim3A_72 = vector.broadcast %broadcast_in_dim3A_71 : f32 to vector<16xf32>
      %swap3A_73 = arith.constant 224 : index
      %swap3A_74 = tpu.vector_load %arg11[%swap3A_73] {strides = array<i32>} : memref<2048xf32, #tpu.memory_space<vmem>>, vector<16xf32>,
      tpu.vector_store %arg11[%swap3A_73], %broadcast_in_dim3A_72 {strides = array<i32>} : memref<2048xf32, #tpu.memory_space<vmem>>, vector<16xf32>,
      %broadcast_in_dim3A_75 = arith.constant 0.000000e+00 : f32
      %broadcast_in_dim3A_76 = vector.broadcast %broadcast_in_dim3A_75 : f32 to vector<16xf32>
      %swap3A_77 = arith.constant 240 : index
      %swap3A_78 = tpu.vector_load %arg11[%swap3A_77] {strides = array<i32>} : memref<2048xf32, #tpu.memory_space<vmem>>, vector<16xf32>,
      tpu.vector_store %arg11[%swap3A_77], %broadcast_in_dim3A_76 {strides = array<i32>} : memref<2048xf32, #tpu.memory_space<vmem>>, vector<16xf32>,
      %broadcast_in_dim3A_79 = arith.constant 0.000000e+00 : f32
      %broadcast_in_dim3A_80 = vector.broadcast %broadcast_in_dim3A_79 : f32 to vector<16xf32>
      %swap3A_81 = arith.constant 256 : index
      %swap3A_82 = tpu.vector_load %arg11[%swap3A_81] {strides = array<i32>} : memref<2048xf32, #tpu.memory_space<vmem>>, vector<16xf32>,
      tpu.vector_store %arg11[%swap3A_81], %broadcast_in_dim3A_80 {strides = array<i32>} : memref<2048xf32, #tpu.memory_space<vmem>>, vector<16xf32>,
      %broadcast_in_dim3A_83 = arith.constant 0.000000e+00 : f32
      %broadcast_in_dim3A_84 = vector.broadcast %broadcast_in_dim3A_83 : f32 to vector<16xf32>
      %swap3A_85 = arith.constant 272 : index
      %swap3A_86 = tpu.vector_load %arg11[%swap3A_85] {strides = array<i32>} : memref<2048xf32, #tpu.memory_space<vmem>>, vector<16xf32>,
      tpu.vector_store %arg11[%swap3A_85], %broadcast_in_dim3A_84 {strides = array<i32>} : memref<2048xf32, #tpu.memory_space<vmem>>, vector<16xf32>,
      %broadcast_in_dim3A_87 = arith.constant 0.000000e+00 : f32
      %broadcast_in_dim3A_88 = vector.broadcast %broadcast_in_dim3A_87 : f32 to vector<16xf32>
      %swap3A_89 = arith.constant 288 : index
      %swap3A_90 = tpu.vector_load %arg11[%swap3A_89] {strides = array<i32>} : memref<2048xf32, #tpu.memory_space<vmem>>, vector<16xf32>,
      tpu.vector_store %arg11[%swap3A_89], %broadcast_in_dim3A_88 {strides = array<i32>} : memref<2048xf32, #tpu.memory_space<vmem>>, vector<16xf32>,
      %broadcast_in_dim3A_91 = arith.constant 0.000000e+00 : f32
      %broadcast_in_dim3A_92 = vector.broadcast %broadcast_in_dim3A_91 : f32 to vector<16xf32>
      %swap3A_93 = arith.constant 304 : index
      %swap3A_94 = tpu.vector_load %arg11[%swap3A_93] {strides = array<i32>} : memref<2048xf32, #tpu.memory_space<vmem>>, vector<16xf32>,
      tpu.vector_store %arg11[%swap3A_93], %broadcast_in_dim3A_92 {strides = array<i32>} : memref<2048xf32, #tpu.memory_space<vmem>>, vector<16xf32>,
      %broadcast_in_dim3A_95 = arith.constant 0.000000e+00 : f32
      %broadcast_in_dim3A_96 = vector.broadcast %broadcast_in_dim3A_95 : f32 to vector<16xf32>
      %swap3A_97 = arith.constant 320 : index
      %swap3A_98 = tpu.vector_load %arg11[%swap3A_97] {strides = array<i32>} : memref<2048xf32, #tpu.memory_space<vmem>>, vector<16xf32>,
      tpu.vector_store %arg11[%swap3A_97], %broadcast_in_dim3A_96 {strides = array<i32>} : memref<2048xf32, #tpu.memory_space<vmem>>, vector<16xf32>,
      %broadcast_in_dim3A_99 = arith.constant 0.000000e+00 : f32
      %broadcast_in_dim3A_100 = vector.broadcast %broadcast_in_dim3A_99 : f32 to vector<16xf32>
      %swap3A_101 = arith.constant 336 : index
      %swap3A_102 = tpu.vector_load %arg11[%swap3A_101] {strides = array<i32>} : memref<2048xf32, #tpu.memory_space<vmem>>, vector<16xf32>,
      tpu.vector_store %arg11[%swap3A_101], %broadcast_in_dim3A_100 {strides = array<i32>} : memref<2048xf32, #tpu.memory_space<vmem>>, vector<16xf32>,
      %broadcast_in_dim3A_103 = arith.constant 0.000000e+00 : f32
      %broadcast_in_dim3A_104 = vector.broadcast %broadcast_in_dim3A_103 : f32 to vector<16xf32>
      %swap3A_105 = arith.constant 352 : index
      %swap3A_106 = tpu.vector_load %arg11[%swap3A_105] {strides = array<i32>} : memref<2048xf32, #tpu.memory_space<vmem>>, vector<16xf32>,
      tpu.vector_store %arg11[%swap3A_105], %broadcast_in_dim3A_104 {strides = array<i32>} : memref<2048xf32, #tpu.memory_space<vmem>>, vector<16xf32>,
      %broadcast_in_dim3A_107 = arith.constant 0.000000e+00 : f32
      %broadcast_in_dim3A_108 = vector.broadcast %broadcast_in_dim3A_107 : f32 to vector<16xf32>
      %swap3A_109 = arith.constant 368 : index
      %swap3A_110 = tpu.vector_load %arg11[%swap3A_109] {strides = array<i32>} : memref<2048xf32, #tpu.memory_space<vmem>>, vector<16xf32>,
      tpu.vector_store %arg11[%swap3A_109], %broadcast_in_dim3A_108 {strides = array<i32>} : memref<2048xf32, #tpu.memory_space<vmem>>, vector<16xf32>,
      %broadcast_in_dim3A_111 = arith.constant 0.000000e+00 : f32
      %broadcast_in_dim3A_112 = vector.broadcast %broadcast_in_dim3A_111 : f32 to vector<16xf32>
      %swap3A_113 = arith.constant 384 : index
      %swap3A_114 = tpu.vector_load %arg11[%swap3A_113] {strides = array<i32>} : memref<2048xf32, #tpu.memory_space<vmem>>, vector<16xf32>,
      tpu.vector_store %arg11[%swap3A_113], %broadcast_in_dim3A_112 {strides = array<i32>} : memref<2048xf32, #tpu.memory_space<vmem>>, vector<16xf32>,
      %broadcast_in_dim3A_115 = arith.constant 0.000000e+00 : f32
      %broadcast_in_dim3A_116 = vector.broadcast %broadcast_in_dim3A_115 : f32 to vector<16xf32>
      %swap3A_117 = arith.constant 400 : index
      %swap3A_118 = tpu.vector_load %arg11[%swap3A_117] {strides = array<i32>} : memref<2048xf32, #tpu.memory_space<vmem>>, vector<16xf32>,
      tpu.vector_store %arg11[%swap3A_117], %broadcast_in_dim3A_116 {strides = array<i32>} : memref<2048xf32, #tpu.memory_space<vmem>>, vector<16xf32>,
      %broadcast_in_dim3A_119 = arith.constant 0.000000e+00 : f32
      %broadcast_in_dim3A_120 = vector.broadcast %broadcast_in_dim3A_119 : f32 to vector<16xf32>
      %swap3A_121 = arith.constant 416 : index
      %swap3A_122 = tpu.vector_load %arg11[%swap3A_121] {strides = array<i32>} : memref<2048xf32, #tpu.memory_space<vmem>>, vector<16xf32>,
      tpu.vector_store %arg11[%swap3A_121], %broadcast_in_dim3A_120 {strides = array<i32>} : memref<2048xf32, #tpu.memory_space<vmem>>, vector<16xf32>,
      %broadcast_in_dim3A_123 = arith.constant 0.000000e+00 : f32
      %broadcast_in_dim3A_124 = vector.broadcast %broadcast_in_dim3A_123 : f32 to vector<16xf32>
      %swap3A_125 = arith.constant 432 : index
      %swap3A_126 = tpu.vector_load %arg11[%swap3A_125] {strides = array<i32>} : memref<2048xf32, #tpu.memory_space<vmem>>, vector<16xf32>,
      tpu.vector_store %arg11[%swap3A_125], %broadcast_in_dim3A_124 {strides = array<i32>} : memref<2048xf32, #tpu.memory_space<vmem>>, vector<16xf32>,
      %broadcast_in_dim3A_127 = arith.constant 0.000000e+00 : f32
      %broadcast_in_dim3A_128 = vector.broadcast %broadcast_in_dim3A_127 : f32 to vector<16xf32>
      %swap3A_129 = arith.constant 448 : index
      %swap3A_130 = tpu.vector_load %arg11[%swap3A_129] {strides = array<i32>} : memref<2048xf32, #tpu.memory_space<vmem>>, vector<16xf32>,
      tpu.vector_store %arg11[%swap3A_129], %broadcast_in_dim3A_128 {strides = array<i32>} : memref<2048xf32, #tpu.memory_space<vmem>>, vector<16xf32>,
      %broadcast_in_dim3A_131 = arith.constant 0.000000e+00 : f32
      %broadcast_in_dim3A_132 = vector.broadcast %broadcast_in_dim3A_131 : f32 to vector<16xf32>
      %swap3A_133 = arith.constant 464 : index
      %swap3A_134 = tpu.vector_load %arg11[%swap3A_133] {strides = array<i32>} : memref<2048xf32, #tpu.memory_space<vmem>>, vector<16xf32>,
      tpu.vector_store %arg11[%swap3A_133], %broadcast_in_dim3A_132 {strides = array<i32>} : memref<2048xf32, #tpu.memory_space<vmem>>, vector<16xf32>,
      %broadcast_in_dim3A_135 = arith.constant 0.000000e+00 : f32
      %broadcast_in_dim3A_136 = vector.broadcast %broadcast_in_dim3A_135 : f32 to vector<16xf32>
      %swap3A_137 = arith.constant 480 : index
      %swap3A_138 = tpu.vector_load %arg11[%swap3A_137] {strides = array<i32>} : memref<2048xf32, #tpu.memory_space<vmem>>, vector<16xf32>,
      tpu.vector_store %arg11[%swap3A_137], %broadcast_in_dim3A_136 {strides = array<i32>} : memref<2048xf32, #tpu.memory_space<vmem>>, vector<16xf32>,
      %broadcast_in_dim3A_139 = arith.constant 0.000000e+00 : f32
      %broadcast_in_dim3A_140 = vector.broadcast %broadcast_in_dim3A_139 : f32 to vector<16xf32>
      %swap3A_141 = arith.constant 496 : index
      %swap3A_142 = tpu.vector_load %arg11[%swap3A_141] {strides = array<i32>} : memref<2048xf32, #tpu.memory_space<vmem>>, vector<16xf32>,
      tpu.vector_store %arg11[%swap3A_141], %broadcast_in_dim3A_140 {strides = array<i32>} : memref<2048xf32, #tpu.memory_space<vmem>>, vector<16xf32>,
      %broadcast_in_dim3A_143 = arith.constant 0.000000e+00 : f32
      %broadcast_in_dim3A_144 = vector.broadcast %broadcast_in_dim3A_143 : f32 to vector<16xf32>
      %swap3A_145 = arith.constant 512 : index
      %swap3A_146 = tpu.vector_load %arg11[%swap3A_145] {strides = array<i32>} : memref<2048xf32, #tpu.memory_space<vmem>>, vector<16xf32>,
      tpu.vector_store %arg11[%swap3A_145], %broadcast_in_dim3A_144 {strides = array<i32>} : memref<2048xf32, #tpu.memory_space<vmem>>, vector<16xf32>,
      %broadcast_in_dim3A_147 = arith.constant 0.000000e+00 : f32
      %broadcast_in_dim3A_148 = vector.broadcast %broadcast_in_dim3A_147 : f32 to vector<16xf32>
      %swap3A_149 = arith.constant 528 : index
      %swap3A_150 = tpu.vector_load %arg11[%swap3A_149] {strides = array<i32>} : memref<2048xf32, #tpu.memory_space<vmem>>, vector<16xf32>,
      tpu.vector_store %arg11[%swap3A_149], %broadcast_in_dim3A_148 {strides = array<i32>} : memref<2048xf32, #tpu.memory_space<vmem>>, vector<16xf32>,
      %broadcast_in_dim3A_151 = arith.constant 0.000000e+00 : f32
      %broadcast_in_dim3A_152 = vector.broadcast %broadcast_in_dim3A_151 : f32 to vector<16xf32>
      %swap3A_153 = arith.constant 544 : index
      %swap3A_154 = tpu.vector_load %arg11[%swap3A_153] {strides = array<i32>} : memref<2048xf32, #tpu.memory_space<vmem>>, vector<16xf32>,
      tpu.vector_store %arg11[%swap3A_153], %broadcast_in_dim3A_152 {strides = array<i32>} : memref<2048xf32, #tpu.memory_space<vmem>>, vector<16xf32>,
      %broadcast_in_dim3A_155 = arith.constant 0.000000e+00 : f32
      %broadcast_in_dim3A_156 = vector.broadcast %broadcast_in_dim3A_155 : f32 to vector<16xf32>
      %swap3A_157 = arith.constant 560 : index
      %swap3A_158 = tpu.vector_load %arg11[%swap3A_157] {strides = array<i32>} : memref<2048xf32, #tpu.memory_space<vmem>>, vector<16xf32>,
      tpu.vector_store %arg11[%swap3A_157], %broadcast_in_dim3A_156 {strides = array<i32>} : memref<2048xf32, #tpu.memory_space<vmem>>, vector<16xf32>,
      %broadcast_in_dim3A_159 = arith.constant 0.000000e+00 : f32
      %broadcast_in_dim3A_160 = vector.broadcast %broadcast_in_dim3A_159 : f32 to vector<16xf32>
      %swap3A_161 = arith.constant 576 : index
      %swap3A_162 = tpu.vector_load %arg11[%swap3A_161] {strides = array<i32>} : memref<2048xf32, #tpu.memory_space<vmem>>, vector<16xf32>,
      tpu.vector_store %arg11[%swap3A_161], %broadcast_in_dim3A_160 {strides = array<i32>} : memref<2048xf32, #tpu.memory_space<vmem>>, vector<16xf32>,
      %broadcast_in_dim3A_163 = arith.constant 0.000000e+00 : f32
      %broadcast_in_dim3A_164 = vector.broadcast %broadcast_in_dim3A_163 : f32 to vector<16xf32>
      %swap3A_165 = arith.constant 592 : index
      %swap3A_166 = tpu.vector_load %arg11[%swap3A_165] {strides = array<i32>} : memref<2048xf32, #tpu.memory_space<vmem>>, vector<16xf32>,
      tpu.vector_store %arg11[%swap3A_165], %broadcast_in_dim3A_164 {strides = array<i32>} : memref<2048xf32, #tpu.memory_space<vmem>>, vector<16xf32>,
      %broadcast_in_dim3A_167 = arith.constant 0.000000e+00 : f32
      %broadcast_in_dim3A_168 = vector.broadcast %broadcast_in_dim3A_167 : f32 to vector<16xf32>
      %swap3A_169 = arith.constant 608 : index
      %swap3A_170 = tpu.vector_load %arg11[%swap3A_169] {strides = array<i32>} : memref<2048xf32, #tpu.memory_space<vmem>>, vector<16xf32>,
      tpu.vector_store %arg11[%swap3A_169], %broadcast_in_dim3A_168 {strides = array<i32>} : memref<2048xf32, #tpu.memory_space<vmem>>, vector<16xf32>,
      %broadcast_in_dim3A_171 = arith.constant 0.000000e+00 : f32
      %broadcast_in_dim3A_172 = vector.broadcast %broadcast_in_dim3A_171 : f32 to vector<16xf32>
      %swap3A_173 = arith.constant 624 : index
      %swap3A_174 = tpu.vector_load %arg11[%swap3A_173] {strides = array<i32>} : memref<2048xf32, #tpu.memory_space<vmem>>, vector<16xf32>,
      tpu.vector_store %arg11[%swap3A_173], %broadcast_in_dim3A_172 {strides = array<i32>} : memref<2048xf32, #tpu.memory_space<vmem>>, vector<16xf32>,
      %broadcast_in_dim3A_175 = arith.constant 0.000000e+00 : f32
      %broadcast_in_dim3A_176 = vector.broadcast %broadcast_in_dim3A_175 : f32 to vector<16xf32>
      %swap3A_177 = arith.constant 640 : index
      %swap3A_178 = tpu.vector_load %arg11[%swap3A_177] {strides = array<i32>} : memref<2048xf32, #tpu.memory_space<vmem>>, vector<16xf32>,
      tpu.vector_store %arg11[%swap3A_177], %broadcast_in_dim3A_176 {strides = array<i32>} : memref<2048xf32, #tpu.memory_space<vmem>>, vector<16xf32>,
      %broadcast_in_dim3A_179 = arith.constant 0.000000e+00 : f32
      %broadcast_in_dim3A_180 = vector.broadcast %broadcast_in_dim3A_179 : f32 to vector<16xf32>
      %swap3A_181 = arith.constant 656 : index
      %swap3A_182 = tpu.vector_load %arg11[%swap3A_181] {strides = array<i32>} : memref<2048xf32, #tpu.memory_space<vmem>>, vector<16xf32>,
      tpu.vector_store %arg11[%swap3A_181], %broadcast_in_dim3A_180 {strides = array<i32>} : memref<2048xf32, #tpu.memory_space<vmem>>, vector<16xf32>,
      %broadcast_in_dim3A_183 = arith.constant 0.000000e+00 : f32
      %broadcast_in_dim3A_184 = vector.broadcast %broadcast_in_dim3A_183 : f32 to vector<16xf32>
      %swap3A_185 = arith.constant 672 : index
      %swap3A_186 = tpu.vector_load %arg11[%swap3A_185] {strides = array<i32>} : memref<2048xf32, #tpu.memory_space<vmem>>, vector<16xf32>,
      tpu.vector_store %arg11[%swap3A_185], %broadcast_in_dim3A_184 {strides = array<i32>} : memref<2048xf32, #tpu.memory_space<vmem>>, vector<16xf32>,
      %broadcast_in_dim3A_187 = arith.constant 0.000000e+00 : f32
      %broadcast_in_dim3A_188 = vector.broadcast %broadcast_in_dim3A_187 : f32 to vector<16xf32>
      %swap3A_189 = arith.constant 688 : index
      %swap3A_190 = tpu.vector_load %arg11[%swap3A_189] {strides = array<i32>} : memref<2048xf32, #tpu.memory_space<vmem>>, vector<16xf32>,
      tpu.vector_store %arg11[%swap3A_189], %broadcast_in_dim3A_188 {strides = array<i32>} : memref<2048xf32, #tpu.memory_space<vmem>>, vector<16xf32>,
      %broadcast_in_dim3A_191 = arith.constant 0.000000e+00 : f32
      %broadcast_in_dim3A_192 = vector.broadcast %broadcast_in_dim3A_191 : f32 to vector<16xf32>
      %swap3A_193 = arith.constant 704 : index
      %swap3A_194 = tpu.vector_load %arg11[%swap3A_193] {strides = array<i32>} : memref<2048xf32, #tpu.memory_space<vmem>>, vector<16xf32>,
      tpu.vector_store %arg11[%swap3A_193], %broadcast_in_dim3A_192 {strides = array<i32>} : memref<2048xf32, #tpu.memory_space<vmem>>, vector<16xf32>,
      %broadcast_in_dim3A_195 = arith.constant 0.000000e+00 : f32
      %broadcast_in_dim3A_196 = vector.broadcast %broadcast_in_dim3A_195 : f32 to vector<16xf32>
      %swap3A_197 = arith.constant 720 : index
      %swap3A_198 = tpu.vector_load %arg11[%swap3A_197] {strides = array<i32>} : memref<2048xf32, #tpu.memory_space<vmem>>, vector<16xf32>,
      tpu.vector_store %arg11[%swap3A_197], %broadcast_in_dim3A_196 {strides = array<i32>} : memref<2048xf32, #tpu.memory_space<vmem>>, vector<16xf32>,
      %broadcast_in_dim3A_199 = arith.constant 0.000000e+00 : f32
      %broadcast_in_dim3A_200 = vector.broadcast %broadcast_in_dim3A_199 : f32 to vector<16xf32>
      %swap3A_201 = arith.constant 736 : index
      %swap3A_202 = tpu.vector_load %arg11[%swap3A_201] {strides = array<i32>} : memref<2048xf32, #tpu.memory_space<vmem>>, vector<16xf32>,
      tpu.vector_store %arg11[%swap3A_201], %broadcast_in_dim3A_200 {strides = array<i32>} : memref<2048xf32, #tpu.memory_space<vmem>>, vector<16xf32>,
      %broadcast_in_dim3A_203 = arith.constant 0.000000e+00 : f32
      %broadcast_in_dim3A_204 = vector.broadcast %broadcast_in_dim3A_203 : f32 to vector<16xf32>
      %swap3A_205 = arith.constant 752 : index
      %swap3A_206 = tpu.vector_load %arg11[%swap3A_205] {strides = array<i32>} : memref<2048xf32, #tpu.memory_space<vmem>>, vector<16xf32>,
      tpu.vector_store %arg11[%swap3A_205], %broadcast_in_dim3A_204 {strides = array<i32>} : memref<2048xf32, #tpu.memory_space<vmem>>, vector<16xf32>,
      %broadcast_in_dim3A_207 = arith.constant 0.000000e+00 : f32
      %broadcast_in_dim3A_208 = vector.broadcast %broadcast_in_dim3A_207 : f32 to vector<16xf32>
      %swap3A_209 = arith.constant 768 : index
      %swap3A_210 = tpu.vector_load %arg11[%swap3A_209] {strides = array<i32>} : memref<2048xf32, #tpu.memory_space<vmem>>, vector<16xf32>,
      tpu.vector_store %arg11[%swap3A_209], %broadcast_in_dim3A_208 {strides = array<i32>} : memref<2048xf32, #tpu.memory_space<vmem>>, vector<16xf32>,
      %broadcast_in_dim3A_211 = arith.constant 0.000000e+00 : f32
      %broadcast_in_dim3A_212 = vector.broadcast %broadcast_in_dim3A_211 : f32 to vector<16xf32>
      %swap3A_213 = arith.constant 784 : index
      %swap3A_214 = tpu.vector_load %arg11[%swap3A_213] {strides = array<i32>} : memref<2048xf32, #tpu.memory_space<vmem>>, vector<16xf32>,
      tpu.vector_store %arg11[%swap3A_213], %broadcast_in_dim3A_212 {strides = array<i32>} : memref<2048xf32, #tpu.memory_space<vmem>>, vector<16xf32>,
      %broadcast_in_dim3A_215 = arith.constant 0.000000e+00 : f32
      %broadcast_in_dim3A_216 = vector.broadcast %broadcast_in_dim3A_215 : f32 to vector<16xf32>
      %swap3A_217 = arith.constant 800 : index
      %swap3A_218 = tpu.vector_load %arg11[%swap3A_217] {strides = array<i32>} : memref<2048xf32, #tpu.memory_space<vmem>>, vector<16xf32>,
      tpu.vector_store %arg11[%swap3A_217], %broadcast_in_dim3A_216 {strides = array<i32>} : memref<2048xf32, #tpu.memory_space<vmem>>, vector<16xf32>,
      %broadcast_in_dim3A_219 = arith.constant 0.000000e+00 : f32
      %broadcast_in_dim3A_220 = vector.broadcast %broadcast_in_dim3A_219 : f32 to vector<16xf32>
      %swap3A_221 = arith.constant 816 : index
      %swap3A_222 = tpu.vector_load %arg11[%swap3A_221] {strides = array<i32>} : memref<2048xf32, #tpu.memory_space<vmem>>, vector<16xf32>,
      tpu.vector_store %arg11[%swap3A_221], %broadcast_in_dim3A_220 {strides = array<i32>} : memref<2048xf32, #tpu.memory_space<vmem>>, vector<16xf32>,
      %broadcast_in_dim3A_223 = arith.constant 0.000000e+00 : f32
      %broadcast_in_dim3A_224 = vector.broadcast %broadcast_in_dim3A_223 : f32 to vector<16xf32>
      %swap3A_225 = arith.constant 832 : index
      %swap3A_226 = tpu.vector_load %arg11[%swap3A_225] {strides = array<i32>} : memref<2048xf32, #tpu.memory_space<vmem>>, vector<16xf32>,
      tpu.vector_store %arg11[%swap3A_225], %broadcast_in_dim3A_224 {strides = array<i32>} : memref<2048xf32, #tpu.memory_space<vmem>>, vector<16xf32>,
      %broadcast_in_dim3A_227 = arith.constant 0.000000e+00 : f32
      %broadcast_in_dim3A_228 = vector.broadcast %broadcast_in_dim3A_227 : f32 to vector<16xf32>
      %swap3A_229 = arith.constant 848 : index
      %swap3A_230 = tpu.vector_load %arg11[%swap3A_229] {strides = array<i32>} : memref<2048xf32, #tpu.memory_space<vmem>>, vector<16xf32>,
      tpu.vector_store %arg11[%swap3A_229], %broadcast_in_dim3A_228 {strides = array<i32>} : memref<2048xf32, #tpu.memory_space<vmem>>, vector<16xf32>,
      %broadcast_in_dim3A_231 = arith.constant 0.000000e+00 : f32
      %broadcast_in_dim3A_232 = vector.broadcast %broadcast_in_dim3A_231 : f32 to vector<16xf32>
      %swap3A_233 = arith.constant 864 : index
      %swap3A_234 = tpu.vector_load %arg11[%swap3A_233] {strides = array<i32>} : memref<2048xf32, #tpu.memory_space<vmem>>, vector<16xf32>,
      tpu.vector_store %arg11[%swap3A_233], %broadcast_in_dim3A_232 {strides = array<i32>} : memref<2048xf32, #tpu.memory_space<vmem>>, vector<16xf32>,
      %broadcast_in_dim3A_235 = arith.constant 0.000000e+00 : f32
      %broadcast_in_dim3A_236 = vector.broadcast %broadcast_in_dim3A_235 : f32 to vector<16xf32>
      %swap3A_237 = arith.constant 880 : index
      %swap3A_238 = tpu.vector_load %arg11[%swap3A_237] {strides = array<i32>} : memref<2048xf32, #tpu.memory_space<vmem>>, vector<16xf32>,
      tpu.vector_store %arg11[%swap3A_237], %broadcast_in_dim3A_236 {strides = array<i32>} : memref<2048xf32, #tpu.memory_space<vmem>>, vector<16xf32>,
      %broadcast_in_dim3A_239 = arith.constant 0.000000e+00 : f32
      %broadcast_in_dim3A_240 = vector.broadcast %broadcast_in_dim3A_239 : f32 to vector<16xf32>
      %swap3A_241 = arith.constant 896 : index
      %swap3A_242 = tpu.vector_load %arg11[%swap3A_241] {strides = array<i32>} : memref<2048xf32, #tpu.memory_space<vmem>>, vector<16xf32>,
      tpu.vector_store %arg11[%swap3A_241], %broadcast_in_dim3A_240 {strides = array<i32>} : memref<2048xf32, #tpu.memory_space<vmem>>, vector<16xf32>,
      %broadcast_in_dim3A_243 = arith.constant 0.000000e+00 : f32
      %broadcast_in_dim3A_244 = vector.broadcast %broadcast_in_dim3A_243 : f32 to vector<16xf32>
      %swap3A_245 = arith.constant 912 : index
      %swap3A_246 = tpu.vector_load %arg11[%swap3A_245] {strides = array<i32>} : memref<2048xf32, #tpu.memory_space<vmem>>, vector<16xf32>,
      tpu.vector_store %arg11[%swap3A_245], %broadcast_in_dim3A_244 {strides = array<i32>} : memref<2048xf32, #tpu.memory_space<vmem>>, vector<16xf32>,
      %broadcast_in_dim3A_247 = arith.constant 0.000000e+00 : f32
      %broadcast_in_dim3A_248 = vector.broadcast %broadcast_in_dim3A_247 : f32 to vector<16xf32>
      %swap3A_249 = arith.constant 928 : index
      %swap3A_250 = tpu.vector_load %arg11[%swap3A_249] {strides = array<i32>} : memref<2048xf32, #tpu.memory_space<vmem>>, vector<16xf32>,
      tpu.vector_store %arg11[%swap3A_249], %broadcast_in_dim3A_248 {strides = array<i32>} : memref<2048xf32, #tpu.memory_space<vmem>>, vector<16xf32>,
      %broadcast_in_dim3A_251 = arith.constant 0.000000e+00 : f32
      %broadcast_in_dim3A_252 = vector.broadcast %broadcast_in_dim3A_251 : f32 to vector<16xf32>
      %swap3A_253 = arith.constant 944 : index
      %swap3A_254 = tpu.vector_load %arg11[%swap3A_253] {strides = array<i32>} : memref<2048xf32, #tpu.memory_space<vmem>>, vector<16xf32>,
      tpu.vector_store %arg11[%swap3A_253], %broadcast_in_dim3A_252 {strides = array<i32>} : memref<2048xf32, #tpu.memory_space<vmem>>, vector<16xf32>,
      %broadcast_in_dim3A_255 = arith.constant 0.000000e+00 : f32
      %broadcast_in_dim3A_256 = vector.broadcast %broadcast_in_dim3A_255 : f32 to vector<16xf32>
      %swap3A_257 = arith.constant 960 : index
      %swap3A_258 = tpu.vector_load %arg11[%swap3A_257] {strides = array<i32>} : memref<2048xf32, #tpu.memory_space<vmem>>, vector<16xf32>,
      tpu.vector_store %arg11[%swap3A_257], %broadcast_in_dim3A_256 {strides = array<i32>} : memref<2048xf32, #tpu.memory_space<vmem>>, vector<16xf32>,
      %broadcast_in_dim3A_259 = arith.constant 0.000000e+00 : f32
      %broadcast_in_dim3A_260 = vector.broadcast %broadcast_in_dim3A_259 : f32 to vector<16xf32>
      %swap3A_261 = arith.constant 976 : index
      %swap3A_262 = tpu.vector_load %arg11[%swap3A_261] {strides = array<i32>} : memref<2048xf32, #tpu.memory_space<vmem>>, vector<16xf32>,
      tpu.vector_store %arg11[%swap3A_261], %broadcast_in_dim3A_260 {strides = array<i32>} : memref<2048xf32, #tpu.memory_space<vmem>>, vector<16xf32>,
      %broadcast_in_dim3A_263 = arith.constant 0.000000e+00 : f32
      %broadcast_in_dim3A_264 = vector.broadcast %broadcast_in_dim3A_263 : f32 to vector<16xf32>
      %swap3A_265 = arith.constant 992 : index
      %swap3A_266 = tpu.vector_load %arg11[%swap3A_265] {strides = array<i32>} : memref<2048xf32, #tpu.memory_space<vmem>>, vector<16xf32>,
      tpu.vector_store %arg11[%swap3A_265], %broadcast_in_dim3A_264 {strides = array<i32>} : memref<2048xf32, #tpu.memory_space<vmem>>, vector<16xf32>,
      %broadcast_in_dim3A_267 = arith.constant 0.000000e+00 : f32
      %broadcast_in_dim3A_268 = vector.broadcast %broadcast_in_dim3A_267 : f32 to vector<16xf32>
      %swap3A_269 = arith.constant 1008 : index
      %swap3A_270 = tpu.vector_load %arg11[%swap3A_269] {strides = array<i32>} : memref<2048xf32, #tpu.memory_space<vmem>>, vector<16xf32>,
      tpu.vector_store %arg11[%swap3A_269], %broadcast_in_dim3A_268 {strides = array<i32>} : memref<2048xf32, #tpu.memory_space<vmem>>, vector<16xf32>,
      %broadcast_in_dim3A_271 = arith.constant 0.000000e+00 : f32
      %broadcast_in_dim3A_272 = vector.broadcast %broadcast_in_dim3A_271 : f32 to vector<16xf32>
      %swap3A_273 = arith.constant 1024 : index
      %swap3A_274 = tpu.vector_load %arg11[%swap3A_273] {strides = array<i32>} : memref<2048xf32, #tpu.memory_space<vmem>>, vector<16xf32>,
      tpu.vector_store %arg11[%swap3A_273], %broadcast_in_dim3A_272 {strides = array<i32>} : memref<2048xf32, #tpu.memory_space<vmem>>, vector<16xf32>,
      %broadcast_in_dim3A_275 = arith.constant 0.000000e+00 : f32
      %broadcast_in_dim3A_276 = vector.broadcast %broadcast_in_dim3A_275 : f32 to vector<16xf32>
      %swap3A_277 = arith.constant 1040 : index
      %swap3A_278 = tpu.vector_load %arg11[%swap3A_277] {strides = array<i32>} : memref<2048xf32, #tpu.memory_space<vmem>>, vector<16xf32>,
      tpu.vector_store %arg11[%swap3A_277], %broadcast_in_dim3A_276 {strides = array<i32>} : memref<2048xf32, #tpu.memory_space<vmem>>, vector<16xf32>,
      %broadcast_in_dim3A_279 = arith.constant 0.000000e+00 : f32
      %broadcast_in_dim3A_280 = vector.broadcast %broadcast_in_dim3A_279 : f32 to vector<16xf32>
      %swap3A_281 = arith.constant 1056 : index
      %swap3A_282 = tpu.vector_load %arg11[%swap3A_281] {strides = array<i32>} : memref<2048xf32, #tpu.memory_space<vmem>>, vector<16xf32>,
      tpu.vector_store %arg11[%swap3A_281], %broadcast_in_dim3A_280 {strides = array<i32>} : memref<2048xf32, #tpu.memory_space<vmem>>, vector<16xf32>,
      %broadcast_in_dim3A_283 = arith.constant 0.000000e+00 : f32
      %broadcast_in_dim3A_284 = vector.broadcast %broadcast_in_dim3A_283 : f32 to vector<16xf32>
      %swap3A_285 = arith.constant 1072 : index
      %swap3A_286 = tpu.vector_load %arg11[%swap3A_285] {strides = array<i32>} : memref<2048xf32, #tpu.memory_space<vmem>>, vector<16xf32>,
      tpu.vector_store %arg11[%swap3A_285], %broadcast_in_dim3A_284 {strides = array<i32>} : memref<2048xf32, #tpu.memory_space<vmem>>, vector<16xf32>,
      %broadcast_in_dim3A_287 = arith.constant 0.000000e+00 : f32
      %broadcast_in_dim3A_288 = vector.broadcast %broadcast_in_dim3A_287 : f32 to vector<16xf32>
      %swap3A_289 = arith.constant 1088 : index
      %swap3A_290 = tpu.vector_load %arg11[%swap3A_289] {strides = array<i32>} : memref<2048xf32, #tpu.memory_space<vmem>>, vector<16xf32>,
      tpu.vector_store %arg11[%swap3A_289], %broadcast_in_dim3A_288 {strides = array<i32>} : memref<2048xf32, #tpu.memory_space<vmem>>, vector<16xf32>,
      %broadcast_in_dim3A_291 = arith.constant 0.000000e+00 : f32
      %broadcast_in_dim3A_292 = vector.broadcast %broadcast_in_dim3A_291 : f32 to vector<16xf32>
      %swap3A_293 = arith.constant 1104 : index
      %swap3A_294 = tpu.vector_load %arg11[%swap3A_293] {strides = array<i32>} : memref<2048xf32, #tpu.memory_space<vmem>>, vector<16xf32>,
      tpu.vector_store %arg11[%swap3A_293], %broadcast_in_dim3A_292 {strides = array<i32>} : memref<2048xf32, #tpu.memory_space<vmem>>, vector<16xf32>,
      %broadcast_in_dim3A_295 = arith.constant 0.000000e+00 : f32
      %broadcast_in_dim3A_296 = vector.broadcast %broadcast_in_dim3A_295 : f32 to vector<16xf32>
      %swap3A_297 = arith.constant 1120 : index
      %swap3A_298 = tpu.vector_load %arg11[%swap3A_297] {strides = array<i32>} : memref<2048xf32, #tpu.memory_space<vmem>>, vector<16xf32>,
      tpu.vector_store %arg11[%swap3A_297], %broadcast_in_dim3A_296 {strides = array<i32>} : memref<2048xf32, #tpu.memory_space<vmem>>, vector<16xf32>,
      %broadcast_in_dim3A_299 = arith.constant 0.000000e+00 : f32
      %broadcast_in_dim3A_300 = vector.broadcast %broadcast_in_dim3A_299 : f32 to vector<16xf32>
      %swap3A_301 = arith.constant 1136 : index
      %swap3A_302 = tpu.vector_load %arg11[%swap3A_301] {strides = array<i32>} : memref<2048xf32, #tpu.memory_space<vmem>>, vector<16xf32>,
      tpu.vector_store %arg11[%swap3A_301], %broadcast_in_dim3A_300 {strides = array<i32>} : memref<2048xf32, #tpu.memory_space<vmem>>, vector<16xf32>,
      %broadcast_in_dim3A_303 = arith.constant 0.000000e+00 : f32
      %broadcast_in_dim3A_304 = vector.broadcast %broadcast_in_dim3A_303 : f32 to vector<16xf32>
      %swap3A_305 = arith.constant 1152 : index
      %swap3A_306 = tpu.vector_load %arg11[%swap3A_305] {strides = array<i32>} : memref<2048xf32, #tpu.memory_space<vmem>>, vector<16xf32>,
      tpu.vector_store %arg11[%swap3A_305], %broadcast_in_dim3A_304 {strides = array<i32>} : memref<2048xf32, #tpu.memory_space<vmem>>, vector<16xf32>,
      %broadcast_in_dim3A_307 = arith.constant 0.000000e+00 : f32
      %broadcast_in_dim3A_308 = vector.broadcast %broadcast_in_dim3A_307 : f32 to vector<16xf32>
      %swap3A_309 = arith.constant 1168 : index
      %swap3A_310 = tpu.vector_load %arg11[%swap3A_309] {strides = array<i32>} : memref<2048xf32, #tpu.memory_space<vmem>>, vector<16xf32>,
      tpu.vector_store %arg11[%swap3A_309], %broadcast_in_dim3A_308 {strides = array<i32>} : memref<2048xf32, #tpu.memory_space<vmem>>, vector<16xf32>,
      %broadcast_in_dim3A_311 = arith.constant 0.000000e+00 : f32
      %broadcast_in_dim3A_312 = vector.broadcast %broadcast_in_dim3A_311 : f32 to vector<16xf32>
      %swap3A_313 = arith.constant 1184 : index
      %swap3A_314 = tpu.vector_load %arg11[%swap3A_313] {strides = array<i32>} : memref<2048xf32, #tpu.memory_space<vmem>>, vector<16xf32>,
      tpu.vector_store %arg11[%swap3A_313], %broadcast_in_dim3A_312 {strides = array<i32>} : memref<2048xf32, #tpu.memory_space<vmem>>, vector<16xf32>,
      %broadcast_in_dim3A_315 = arith.constant 0.000000e+00 : f32
      %broadcast_in_dim3A_316 = vector.broadcast %broadcast_in_dim3A_315 : f32 to vector<16xf32>
      %swap3A_317 = arith.constant 1200 : index
      %swap3A_318 = tpu.vector_load %arg11[%swap3A_317] {strides = array<i32>} : memref<2048xf32, #tpu.memory_space<vmem>>, vector<16xf32>,
      tpu.vector_store %arg11[%swap3A_317], %broadcast_in_dim3A_316 {strides = array<i32>} : memref<2048xf32, #tpu.memory_space<vmem>>, vector<16xf32>,
      %broadcast_in_dim3A_319 = arith.constant 0.000000e+00 : f32
      %broadcast_in_dim3A_320 = vector.broadcast %broadcast_in_dim3A_319 : f32 to vector<16xf32>
      %swap3A_321 = arith.constant 1216 : index
      %swap3A_322 = tpu.vector_load %arg11[%swap3A_321] {strides = array<i32>} : memref<2048xf32, #tpu.memory_space<vmem>>, vector<16xf32>,
      tpu.vector_store %arg11[%swap3A_321], %broadcast_in_dim3A_320 {strides = array<i32>} : memref<2048xf32, #tpu.memory_space<vmem>>, vector<16xf32>,
      %broadcast_in_dim3A_323 = arith.constant 0.000000e+00 : f32
      %broadcast_in_dim3A_324 = vector.broadcast %broadcast_in_dim3A_323 : f32 to vector<16xf32>
      %swap3A_325 = arith.constant 1232 : index
      %swap3A_326 = tpu.vector_load %arg11[%swap3A_325] {strides = array<i32>} : memref<2048xf32, #tpu.memory_space<vmem>>, vector<16xf32>,
      tpu.vector_store %arg11[%swap3A_325], %broadcast_in_dim3A_324 {strides = array<i32>} : memref<2048xf32, #tpu.memory_space<vmem>>, vector<16xf32>,
      %broadcast_in_dim3A_327 = arith.constant 0.000000e+00 : f32
      %broadcast_in_dim3A_328 = vector.broadcast %broadcast_in_dim3A_327 : f32 to vector<16xf32>
      %swap3A_329 = arith.constant 1248 : index
      %swap3A_330 = tpu.vector_load %arg11[%swap3A_329] {strides = array<i32>} : memref<2048xf32, #tpu.memory_space<vmem>>, vector<16xf32>,
      tpu.vector_store %arg11[%swap3A_329], %broadcast_in_dim3A_328 {strides = array<i32>} : memref<2048xf32, #tpu.memory_space<vmem>>, vector<16xf32>,
      %broadcast_in_dim3A_331 = arith.constant 0.000000e+00 : f32
      %broadcast_in_dim3A_332 = vector.broadcast %broadcast_in_dim3A_331 : f32 to vector<16xf32>
      %swap3A_333 = arith.constant 1264 : index
      %swap3A_334 = tpu.vector_load %arg11[%swap3A_333] {strides = array<i32>} : memref<2048xf32, #tpu.memory_space<vmem>>, vector<16xf32>,
      tpu.vector_store %arg11[%swap3A_333], %broadcast_in_dim3A_332 {strides = array<i32>} : memref<2048xf32, #tpu.memory_space<vmem>>, vector<16xf32>,
      %broadcast_in_dim3A_335 = arith.constant 0.000000e+00 : f32
      %broadcast_in_dim3A_336 = vector.broadcast %broadcast_in_dim3A_335 : f32 to vector<16xf32>
      %swap3A_337 = arith.constant 1280 : index
      %swap3A_338 = tpu.vector_load %arg11[%swap3A_337] {strides = array<i32>} : memref<2048xf32, #tpu.memory_space<vmem>>, vector<16xf32>,
      tpu.vector_store %arg11[%swap3A_337], %broadcast_in_dim3A_336 {strides = array<i32>} : memref<2048xf32, #tpu.memory_space<vmem>>, vector<16xf32>,
      %broadcast_in_dim3A_339 = arith.constant 0.000000e+00 : f32
      %broadcast_in_dim3A_340 = vector.broadcast %broadcast_in_dim3A_339 : f32 to vector<16xf32>
      %swap3A_341 = arith.constant 1296 : index
      %swap3A_342 = tpu.vector_load %arg11[%swap3A_341] {strides = array<i32>} : memref<2048xf32, #tpu.memory_space<vmem>>, vector<16xf32>,
      tpu.vector_store %arg11[%swap3A_341], %broadcast_in_dim3A_340 {strides = array<i32>} : memref<2048xf32, #tpu.memory_space<vmem>>, vector<16xf32>,
      %broadcast_in_dim3A_343 = arith.constant 0.000000e+00 : f32
      %broadcast_in_dim3A_344 = vector.broadcast %broadcast_in_dim3A_343 : f32 to vector<16xf32>
      %swap3A_345 = arith.constant 1312 : index
      %swap3A_346 = tpu.vector_load %arg11[%swap3A_345] {strides = array<i32>} : memref<2048xf32, #tpu.memory_space<vmem>>, vector<16xf32>,
      tpu.vector_store %arg11[%swap3A_345], %broadcast_in_dim3A_344 {strides = array<i32>} : memref<2048xf32, #tpu.memory_space<vmem>>, vector<16xf32>,
      %broadcast_in_dim3A_347 = arith.constant 0.000000e+00 : f32
      %broadcast_in_dim3A_348 = vector.broadcast %broadcast_in_dim3A_347 : f32 to vector<16xf32>
      %swap3A_349 = arith.constant 1328 : index
      %swap3A_350 = tpu.vector_load %arg11[%swap3A_349] {strides = array<i32>} : memref<2048xf32, #tpu.memory_space<vmem>>, vector<16xf32>,
      tpu.vector_store %arg11[%swap3A_349], %broadcast_in_dim3A_348 {strides = array<i32>} : memref<2048xf32, #tpu.memory_space<vmem>>, vector<16xf32>,
      %broadcast_in_dim3A_351 = arith.constant 0.000000e+00 : f32
      %broadcast_in_dim3A_352 = vector.broadcast %broadcast_in_dim3A_351 : f32 to vector<16xf32>
      %swap3A_353 = arith.constant 1344 : index
      %swap3A_354 = tpu.vector_load %arg11[%swap3A_353] {strides = array<i32>} : memref<2048xf32, #tpu.memory_space<vmem>>, vector<16xf32>,
      tpu.vector_store %arg11[%swap3A_353], %broadcast_in_dim3A_352 {strides = array<i32>} : memref<2048xf32, #tpu.memory_space<vmem>>, vector<16xf32>,
      %broadcast_in_dim3A_355 = arith.constant 0.000000e+00 : f32
      %broadcast_in_dim3A_356 = vector.broadcast %broadcast_in_dim3A_355 : f32 to vector<16xf32>
      %swap3A_357 = arith.constant 1360 : index
      %swap3A_358 = tpu.vector_load %arg11[%swap3A_357] {strides = array<i32>} : memref<2048xf32, #tpu.memory_space<vmem>>, vector<16xf32>,
      tpu.vector_store %arg11[%swap3A_357], %broadcast_in_dim3A_356 {strides = array<i32>} : memref<2048xf32, #tpu.memory_space<vmem>>, vector<16xf32>,
      %broadcast_in_dim3A_359 = arith.constant 0.000000e+00 : f32
      %broadcast_in_dim3A_360 = vector.broadcast %broadcast_in_dim3A_359 : f32 to vector<16xf32>
      %swap3A_361 = arith.constant 1376 : index
      %swap3A_362 = tpu.vector_load %arg11[%swap3A_361] {strides = array<i32>} : memref<2048xf32, #tpu.memory_space<vmem>>, vector<16xf32>,
      tpu.vector_store %arg11[%swap3A_361], %broadcast_in_dim3A_360 {strides = array<i32>} : memref<2048xf32, #tpu.memory_space<vmem>>, vector<16xf32>,
      %broadcast_in_dim3A_363 = arith.constant 0.000000e+00 : f32
      %broadcast_in_dim3A_364 = vector.broadcast %broadcast_in_dim3A_363 : f32 to vector<16xf32>
      %swap3A_365 = arith.constant 1392 : index
      %swap3A_366 = tpu.vector_load %arg11[%swap3A_365] {strides = array<i32>} : memref<2048xf32, #tpu.memory_space<vmem>>, vector<16xf32>,
      tpu.vector_store %arg11[%swap3A_365], %broadcast_in_dim3A_364 {strides = array<i32>} : memref<2048xf32, #tpu.memory_space<vmem>>, vector<16xf32>,
      %broadcast_in_dim3A_367 = arith.constant 0.000000e+00 : f32
      %broadcast_in_dim3A_368 = vector.broadcast %broadcast_in_dim3A_367 : f32 to vector<16xf32>
      %swap3A_369 = arith.constant 1408 : index
      %swap3A_370 = tpu.vector_load %arg11[%swap3A_369] {strides = array<i32>} : memref<2048xf32, #tpu.memory_space<vmem>>, vector<16xf32>,
      tpu.vector_store %arg11[%swap3A_369], %broadcast_in_dim3A_368 {strides = array<i32>} : memref<2048xf32, #tpu.memory_space<vmem>>, vector<16xf32>,
      %broadcast_in_dim3A_371 = arith.constant 0.000000e+00 : f32
      %broadcast_in_dim3A_372 = vector.broadcast %broadcast_in_dim3A_371 : f32 to vector<16xf32>
      %swap3A_373 = arith.constant 1424 : index
      %swap3A_374 = tpu.vector_load %arg11[%swap3A_373] {strides = array<i32>} : memref<2048xf32, #tpu.memory_space<vmem>>, vector<16xf32>,
      tpu.vector_store %arg11[%swap3A_373], %broadcast_in_dim3A_372 {strides = array<i32>} : memref<2048xf32, #tpu.memory_space<vmem>>, vector<16xf32>,
      %broadcast_in_dim3A_375 = arith.constant 0.000000e+00 : f32
      %broadcast_in_dim3A_376 = vector.broadcast %broadcast_in_dim3A_375 : f32 to vector<16xf32>
      %swap3A_377 = arith.constant 1440 : index
      %swap3A_378 = tpu.vector_load %arg11[%swap3A_377] {strides = array<i32>} : memref<2048xf32, #tpu.memory_space<vmem>>, vector<16xf32>,
      tpu.vector_store %arg11[%swap3A_377], %broadcast_in_dim3A_376 {strides = array<i32>} : memref<2048xf32, #tpu.memory_space<vmem>>, vector<16xf32>,
      %broadcast_in_dim3A_379 = arith.constant 0.000000e+00 : f32
      %broadcast_in_dim3A_380 = vector.broadcast %broadcast_in_dim3A_379 : f32 to vector<16xf32>
      %swap3A_381 = arith.constant 1456 : index
      %swap3A_382 = tpu.vector_load %arg11[%swap3A_381] {strides = array<i32>} : memref<2048xf32, #tpu.memory_space<vmem>>, vector<16xf32>,
      tpu.vector_store %arg11[%swap3A_381], %broadcast_in_dim3A_380 {strides = array<i32>} : memref<2048xf32, #tpu.memory_space<vmem>>, vector<16xf32>,
      %broadcast_in_dim3A_383 = arith.constant 0.000000e+00 : f32
      %broadcast_in_dim3A_384 = vector.broadcast %broadcast_in_dim3A_383 : f32 to vector<16xf32>
      %swap3A_385 = arith.constant 1472 : index
      %swap3A_386 = tpu.vector_load %arg11[%swap3A_385] {strides = array<i32>} : memref<2048xf32, #tpu.memory_space<vmem>>, vector<16xf32>,
      tpu.vector_store %arg11[%swap3A_385], %broadcast_in_dim3A_384 {strides = array<i32>} : memref<2048xf32, #tpu.memory_space<vmem>>, vector<16xf32>,
      %broadcast_in_dim3A_387 = arith.constant 0.000000e+00 : f32
      %broadcast_in_dim3A_388 = vector.broadcast %broadcast_in_dim3A_387 : f32 to vector<16xf32>
      %swap3A_389 = arith.constant 1488 : index
      %swap3A_390 = tpu.vector_load %arg11[%swap3A_389] {strides = array<i32>} : memref<2048xf32, #tpu.memory_space<vmem>>, vector<16xf32>,
      tpu.vector_store %arg11[%swap3A_389], %broadcast_in_dim3A_388 {strides = array<i32>} : memref<2048xf32, #tpu.memory_space<vmem>>, vector<16xf32>,
      %broadcast_in_dim3A_391 = arith.constant 0.000000e+00 : f32
      %broadcast_in_dim3A_392 = vector.broadcast %broadcast_in_dim3A_391 : f32 to vector<16xf32>
      %swap3A_393 = arith.constant 1504 : index
      %swap3A_394 = tpu.vector_load %arg11[%swap3A_393] {strides = array<i32>} : memref<2048xf32, #tpu.memory_space<vmem>>, vector<16xf32>,
      tpu.vector_store %arg11[%swap3A_393], %broadcast_in_dim3A_392 {strides = array<i32>} : memref<2048xf32, #tpu.memory_space<vmem>>, vector<16xf32>,
      %broadcast_in_dim3A_395 = arith.constant 0.000000e+00 : f32
      %broadcast_in_dim3A_396 = vector.broadcast %broadcast_in_dim3A_395 : f32 to vector<16xf32>
      %swap3A_397 = arith.constant 1520 : index
      %swap3A_398 = tpu.vector_load %arg11[%swap3A_397] {strides = array<i32>} : memref<2048xf32, #tpu.memory_space<vmem>>, vector<16xf32>,
      tpu.vector_store %arg11[%swap3A_397], %broadcast_in_dim3A_396 {strides = array<i32>} : memref<2048xf32, #tpu.memory_space<vmem>>, vector<16xf32>,
      %broadcast_in_dim3A_399 = arith.constant 0.000000e+00 : f32
      %broadcast_in_dim3A_400 = vector.broadcast %broadcast_in_dim3A_399 : f32 to vector<16xf32>
      %swap3A_401 = arith.constant 1536 : index
      %swap3A_402 = tpu.vector_load %arg11[%swap3A_401] {strides = array<i32>} : memref<2048xf32, #tpu.memory_space<vmem>>, vector<16xf32>,
      tpu.vector_store %arg11[%swap3A_401], %broadcast_in_dim3A_400 {strides = array<i32>} : memref<2048xf32, #tpu.memory_space<vmem>>, vector<16xf32>,
      %broadcast_in_dim3A_403 = arith.constant 0.000000e+00 : f32
      %broadcast_in_dim3A_404 = vector.broadcast %broadcast_in_dim3A_403 : f32 to vector<16xf32>
      %swap3A_405 = arith.constant 1552 : index
      %swap3A_406 = tpu.vector_load %arg11[%swap3A_405] {strides = array<i32>} : memref<2048xf32, #tpu.memory_space<vmem>>, vector<16xf32>,
      tpu.vector_store %arg11[%swap3A_405], %broadcast_in_dim3A_404 {strides = array<i32>} : memref<2048xf32, #tpu.memory_space<vmem>>, vector<16xf32>,
      %broadcast_in_dim3A_407 = arith.constant 0.000000e+00 : f32
      %broadcast_in_dim3A_408 = vector.broadcast %broadcast_in_dim3A_407 : f32 to vector<16xf32>
      %swap3A_409 = arith.constant 1568 : index
      %swap3A_410 = tpu.vector_load %arg11[%swap3A_409] {strides = array<i32>} : memref<2048xf32, #tpu.memory_space<vmem>>, vector<16xf32>,
      tpu.vector_store %arg11[%swap3A_409], %broadcast_in_dim3A_408 {strides = array<i32>} : memref<2048xf32, #tpu.memory_space<vmem>>, vector<16xf32>,
      %broadcast_in_dim3A_411 = arith.constant 0.000000e+00 : f32
      %broadcast_in_dim3A_412 = vector.broadcast %broadcast_in_dim3A_411 : f32 to vector<16xf32>
      %swap3A_413 = arith.constant 1584 : index
      %swap3A_414 = tpu.vector_load %arg11[%swap3A_413] {strides = array<i32>} : memref<2048xf32, #tpu.memory_space<vmem>>, vector<16xf32>,
      tpu.vector_store %arg11[%swap3A_413], %broadcast_in_dim3A_412 {strides = array<i32>} : memref<2048xf32, #tpu.memory_space<vmem>>, vector<16xf32>,
      %broadcast_in_dim3A_415 = arith.constant 0.000000e+00 : f32
      %broadcast_in_dim3A_416 = vector.broadcast %broadcast_in_dim3A_415 : f32 to vector<16xf32>
      %swap3A_417 = arith.constant 1600 : index
      %swap3A_418 = tpu.vector_load %arg11[%swap3A_417] {strides = array<i32>} : memref<2048xf32, #tpu.memory_space<vmem>>, vector<16xf32>,
      tpu.vector_store %arg11[%swap3A_417], %broadcast_in_dim3A_416 {strides = array<i32>} : memref<2048xf32, #tpu.memory_space<vmem>>, vector<16xf32>,
      %broadcast_in_dim3A_419 = arith.constant 0.000000e+00 : f32
      %broadcast_in_dim3A_420 = vector.broadcast %broadcast_in_dim3A_419 : f32 to vector<16xf32>
      %swap3A_421 = arith.constant 1616 : index
      %swap3A_422 = tpu.vector_load %arg11[%swap3A_421] {strides = array<i32>} : memref<2048xf32, #tpu.memory_space<vmem>>, vector<16xf32>,
      tpu.vector_store %arg11[%swap3A_421], %broadcast_in_dim3A_420 {strides = array<i32>} : memref<2048xf32, #tpu.memory_space<vmem>>, vector<16xf32>,
      %broadcast_in_dim3A_423 = arith.constant 0.000000e+00 : f32
      %broadcast_in_dim3A_424 = vector.broadcast %broadcast_in_dim3A_423 : f32 to vector<16xf32>
      %swap3A_425 = arith.constant 1632 : index
      %swap3A_426 = tpu.vector_load %arg11[%swap3A_425] {strides = array<i32>} : memref<2048xf32, #tpu.memory_space<vmem>>, vector<16xf32>,
      tpu.vector_store %arg11[%swap3A_425], %broadcast_in_dim3A_424 {strides = array<i32>} : memref<2048xf32, #tpu.memory_space<vmem>>, vector<16xf32>,
      %broadcast_in_dim3A_427 = arith.constant 0.000000e+00 : f32
      %broadcast_in_dim3A_428 = vector.broadcast %broadcast_in_dim3A_427 : f32 to vector<16xf32>
      %swap3A_429 = arith.constant 1648 : index
      %swap3A_430 = tpu.vector_load %arg11[%swap3A_429] {strides = array<i32>} : memref<2048xf32, #tpu.memory_space<vmem>>, vector<16xf32>,
      tpu.vector_store %arg11[%swap3A_429], %broadcast_in_dim3A_428 {strides = array<i32>} : memref<2048xf32, #tpu.memory_space<vmem>>, vector<16xf32>,
      %broadcast_in_dim3A_431 = arith.constant 0.000000e+00 : f32
      %broadcast_in_dim3A_432 = vector.broadcast %broadcast_in_dim3A_431 : f32 to vector<16xf32>
      %swap3A_433 = arith.constant 1664 : index
      %swap3A_434 = tpu.vector_load %arg11[%swap3A_433] {strides = array<i32>} : memref<2048xf32, #tpu.memory_space<vmem>>, vector<16xf32>,
      tpu.vector_store %arg11[%swap3A_433], %broadcast_in_dim3A_432 {strides = array<i32>} : memref<2048xf32, #tpu.memory_space<vmem>>, vector<16xf32>,
      %broadcast_in_dim3A_435 = arith.constant 0.000000e+00 : f32
      %broadcast_in_dim3A_436 = vector.broadcast %broadcast_in_dim3A_435 : f32 to vector<16xf32>
      %swap3A_437 = arith.constant 1680 : index
      %swap3A_438 = tpu.vector_load %arg11[%swap3A_437] {strides = array<i32>} : memref<2048xf32, #tpu.memory_space<vmem>>, vector<16xf32>,
      tpu.vector_store %arg11[%swap3A_437], %broadcast_in_dim3A_436 {strides = array<i32>} : memref<2048xf32, #tpu.memory_space<vmem>>, vector<16xf32>,
      %broadcast_in_dim3A_439 = arith.constant 0.000000e+00 : f32
      %broadcast_in_dim3A_440 = vector.broadcast %broadcast_in_dim3A_439 : f32 to vector<16xf32>
      %swap3A_441 = arith.constant 1696 : index
      %swap3A_442 = tpu.vector_load %arg11[%swap3A_441] {strides = array<i32>} : memref<2048xf32, #tpu.memory_space<vmem>>, vector<16xf32>,
      tpu.vector_store %arg11[%swap3A_441], %broadcast_in_dim3A_440 {strides = array<i32>} : memref<2048xf32, #tpu.memory_space<vmem>>, vector<16xf32>,
      %broadcast_in_dim3A_443 = arith.constant 0.000000e+00 : f32
      %broadcast_in_dim3A_444 = vector.broadcast %broadcast_in_dim3A_443 : f32 to vector<16xf32>
      %swap3A_445 = arith.constant 1712 : index
      %swap3A_446 = tpu.vector_load %arg11[%swap3A_445] {strides = array<i32>} : memref<2048xf32, #tpu.memory_space<vmem>>, vector<16xf32>,
      tpu.vector_store %arg11[%swap3A_445], %broadcast_in_dim3A_444 {strides = array<i32>} : memref<2048xf32, #tpu.memory_space<vmem>>, vector<16xf32>,
      %broadcast_in_dim3A_447 = arith.constant 0.000000e+00 : f32
      %broadcast_in_dim3A_448 = vector.broadcast %broadcast_in_dim3A_447 : f32 to vector<16xf32>
      %swap3A_449 = arith.constant 1728 : index
      %swap3A_450 = tpu.vector_load %arg11[%swap3A_449] {strides = array<i32>} : memref<2048xf32, #tpu.memory_space<vmem>>, vector<16xf32>,
      tpu.vector_store %arg11[%swap3A_449], %broadcast_in_dim3A_448 {strides = array<i32>} : memref<2048xf32, #tpu.memory_space<vmem>>, vector<16xf32>,
      %broadcast_in_dim3A_451 = arith.constant 0.000000e+00 : f32
      %broadcast_in_dim3A_452 = vector.broadcast %broadcast_in_dim3A_451 : f32 to vector<16xf32>
      %swap3A_453 = arith.constant 1744 : index
      %swap3A_454 = tpu.vector_load %arg11[%swap3A_453] {strides = array<i32>} : memref<2048xf32, #tpu.memory_space<vmem>>, vector<16xf32>,
      tpu.vector_store %arg11[%swap3A_453], %broadcast_in_dim3A_452 {strides = array<i32>} : memref<2048xf32, #tpu.memory_space<vmem>>, vector<16xf32>,
      %broadcast_in_dim3A_455 = arith.constant 0.000000e+00 : f32
      %broadcast_in_dim3A_456 = vector.broadcast %broadcast_in_dim3A_455 : f32 to vector<16xf32>
      %swap3A_457 = arith.constant 1760 : index
      %swap3A_458 = tpu.vector_load %arg11[%swap3A_457] {strides = array<i32>} : memref<2048xf32, #tpu.memory_space<vmem>>, vector<16xf32>,
      tpu.vector_store %arg11[%swap3A_457], %broadcast_in_dim3A_456 {strides = array<i32>} : memref<2048xf32, #tpu.memory_space<vmem>>, vector<16xf32>,
      %broadcast_in_dim3A_459 = arith.constant 0.000000e+00 : f32
      %broadcast_in_dim3A_460 = vector.broadcast %broadcast_in_dim3A_459 : f32 to vector<16xf32>
      %swap3A_461 = arith.constant 1776 : index
      %swap3A_462 = tpu.vector_load %arg11[%swap3A_461] {strides = array<i32>} : memref<2048xf32, #tpu.memory_space<vmem>>, vector<16xf32>,
      tpu.vector_store %arg11[%swap3A_461], %broadcast_in_dim3A_460 {strides = array<i32>} : memref<2048xf32, #tpu.memory_space<vmem>>, vector<16xf32>,
      %broadcast_in_dim3A_463 = arith.constant 0.000000e+00 : f32
      %broadcast_in_dim3A_464 = vector.broadcast %broadcast_in_dim3A_463 : f32 to vector<16xf32>
      %swap3A_465 = arith.constant 1792 : index
      %swap3A_466 = tpu.vector_load %arg11[%swap3A_465] {strides = array<i32>} : memref<2048xf32, #tpu.memory_space<vmem>>, vector<16xf32>,
      tpu.vector_store %arg11[%swap3A_465], %broadcast_in_dim3A_464 {strides = array<i32>} : memref<2048xf32, #tpu.memory_space<vmem>>, vector<16xf32>,
      %broadcast_in_dim3A_467 = arith.constant 0.000000e+00 : f32
      %broadcast_in_dim3A_468 = vector.broadcast %broadcast_in_dim3A_467 : f32 to vector<16xf32>
      %swap3A_469 = arith.constant 1808 : index
      %swap3A_470 = tpu.vector_load %arg11[%swap3A_469] {strides = array<i32>} : memref<2048xf32, #tpu.memory_space<vmem>>, vector<16xf32>,
      tpu.vector_store %arg11[%swap3A_469], %broadcast_in_dim3A_468 {strides = array<i32>} : memref<2048xf32, #tpu.memory_space<vmem>>, vector<16xf32>,
      %broadcast_in_dim3A_471 = arith.constant 0.000000e+00 : f32
      %broadcast_in_dim3A_472 = vector.broadcast %broadcast_in_dim3A_471 : f32 to vector<16xf32>
      %swap3A_473 = arith.constant 1824 : index
      %swap3A_474 = tpu.vector_load %arg11[%swap3A_473] {strides = array<i32>} : memref<2048xf32, #tpu.memory_space<vmem>>, vector<16xf32>,
      tpu.vector_store %arg11[%swap3A_473], %broadcast_in_dim3A_472 {strides = array<i32>} : memref<2048xf32, #tpu.memory_space<vmem>>, vector<16xf32>,
      %broadcast_in_dim3A_475 = arith.constant 0.000000e+00 : f32
      %broadcast_in_dim3A_476 = vector.broadcast %broadcast_in_dim3A_475 : f32 to vector<16xf32>
      %swap3A_477 = arith.constant 1840 : index
      %swap3A_478 = tpu.vector_load %arg11[%swap3A_477] {strides = array<i32>} : memref<2048xf32, #tpu.memory_space<vmem>>, vector<16xf32>,
      tpu.vector_store %arg11[%swap3A_477], %broadcast_in_dim3A_476 {strides = array<i32>} : memref<2048xf32, #tpu.memory_space<vmem>>, vector<16xf32>,
      %broadcast_in_dim3A_479 = arith.constant 0.000000e+00 : f32
      %broadcast_in_dim3A_480 = vector.broadcast %broadcast_in_dim3A_479 : f32 to vector<16xf32>
      %swap3A_481 = arith.constant 1856 : index
      %swap3A_482 = tpu.vector_load %arg11[%swap3A_481] {strides = array<i32>} : memref<2048xf32, #tpu.memory_space<vmem>>, vector<16xf32>,
      tpu.vector_store %arg11[%swap3A_481], %broadcast_in_dim3A_480 {strides = array<i32>} : memref<2048xf32, #tpu.memory_space<vmem>>, vector<16xf32>,
      %broadcast_in_dim3A_483 = arith.constant 0.000000e+00 : f32
      %broadcast_in_dim3A_484 = vector.broadcast %broadcast_in_dim3A_483 : f32 to vector<16xf32>
      %swap3A_485 = arith.constant 1872 : index
      %swap3A_486 = tpu.vector_load %arg11[%swap3A_485] {strides = array<i32>} : memref<2048xf32, #tpu.memory_space<vmem>>, vector<16xf32>,
      tpu.vector_store %arg11[%swap3A_485], %broadcast_in_dim3A_484 {strides = array<i32>} : memref<2048xf32, #tpu.memory_space<vmem>>, vector<16xf32>,
      %broadcast_in_dim3A_487 = arith.constant 0.000000e+00 : f32
      %broadcast_in_dim3A_488 = vector.broadcast %broadcast_in_dim3A_487 : f32 to vector<16xf32>
      %swap3A_489 = arith.constant 1888 : index
      %swap3A_490 = tpu.vector_load %arg11[%swap3A_489] {strides = array<i32>} : memref<2048xf32, #tpu.memory_space<vmem>>, vector<16xf32>,
      tpu.vector_store %arg11[%swap3A_489], %broadcast_in_dim3A_488 {strides = array<i32>} : memref<2048xf32, #tpu.memory_space<vmem>>, vector<16xf32>,
      %broadcast_in_dim3A_491 = arith.constant 0.000000e+00 : f32
      %broadcast_in_dim3A_492 = vector.broadcast %broadcast_in_dim3A_491 : f32 to vector<16xf32>
      %swap3A_493 = arith.constant 1904 : index
      %swap3A_494 = tpu.vector_load %arg11[%swap3A_493] {strides = array<i32>} : memref<2048xf32, #tpu.memory_space<vmem>>, vector<16xf32>,
      tpu.vector_store %arg11[%swap3A_493], %broadcast_in_dim3A_492 {strides = array<i32>} : memref<2048xf32, #tpu.memory_space<vmem>>, vector<16xf32>,
      %broadcast_in_dim3A_495 = arith.constant 0.000000e+00 : f32
      %broadcast_in_dim3A_496 = vector.broadcast %broadcast_in_dim3A_495 : f32 to vector<16xf32>
      %swap3A_497 = arith.constant 1920 : index
      %swap3A_498 = tpu.vector_load %arg11[%swap3A_497] {strides = array<i32>} : memref<2048xf32, #tpu.memory_space<vmem>>, vector<16xf32>,
      tpu.vector_store %arg11[%swap3A_497], %broadcast_in_dim3A_496 {strides = array<i32>} : memref<2048xf32, #tpu.memory_space<vmem>>, vector<16xf32>,
      %broadcast_in_dim3A_499 = arith.constant 0.000000e+00 : f32
      %broadcast_in_dim3A_500 = vector.broadcast %broadcast_in_dim3A_499 : f32 to vector<16xf32>
      %swap3A_501 = arith.constant 1936 : index
      %swap3A_502 = tpu.vector_load %arg11[%swap3A_501] {strides = array<i32>} : memref<2048xf32, #tpu.memory_space<vmem>>, vector<16xf32>,
      tpu.vector_store %arg11[%swap3A_501], %broadcast_in_dim3A_500 {strides = array<i32>} : memref<2048xf32, #tpu.memory_space<vmem>>, vector<16xf32>,
      %broadcast_in_dim3A_503 = arith.constant 0.000000e+00 : f32
      %broadcast_in_dim3A_504 = vector.broadcast %broadcast_in_dim3A_503 : f32 to vector<16xf32>
      %swap3A_505 = arith.constant 1952 : index
      %swap3A_506 = tpu.vector_load %arg11[%swap3A_505] {strides = array<i32>} : memref<2048xf32, #tpu.memory_space<vmem>>, vector<16xf32>,
      tpu.vector_store %arg11[%swap3A_505], %broadcast_in_dim3A_504 {strides = array<i32>} : memref<2048xf32, #tpu.memory_space<vmem>>, vector<16xf32>,
      %broadcast_in_dim3A_507 = arith.constant 0.000000e+00 : f32
      %broadcast_in_dim3A_508 = vector.broadcast %broadcast_in_dim3A_507 : f32 to vector<16xf32>
      %swap3A_509 = arith.constant 1968 : index
      %swap3A_510 = tpu.vector_load %arg11[%swap3A_509] {strides = array<i32>} : memref<2048xf32, #tpu.memory_space<vmem>>, vector<16xf32>,
      tpu.vector_store %arg11[%swap3A_509], %broadcast_in_dim3A_508 {strides = array<i32>} : memref<2048xf32, #tpu.memory_space<vmem>>, vector<16xf32>,
      %broadcast_in_dim3A_511 = arith.constant 0.000000e+00 : f32
      %broadcast_in_dim3A_512 = vector.broadcast %broadcast_in_dim3A_511 : f32 to vector<16xf32>
      %swap3A_513 = arith.constant 1984 : index
      %swap3A_514 = tpu.vector_load %arg11[%swap3A_513] {strides = array<i32>} : memref<2048xf32, #tpu.memory_space<vmem>>, vector<16xf32>,
      tpu.vector_store %arg11[%swap3A_513], %broadcast_in_dim3A_512 {strides = array<i32>} : memref<2048xf32, #tpu.memory_space<vmem>>, vector<16xf32>,
      %broadcast_in_dim3A_515 = arith.constant 0.000000e+00 : f32
      %broadcast_in_dim3A_516 = vector.broadcast %broadcast_in_dim3A_515 : f32 to vector<16xf32>
      %swap3A_517 = arith.constant 2000 : index
      %swap3A_518 = tpu.vector_load %arg11[%swap3A_517] {strides = array<i32>} : memref<2048xf32, #tpu.memory_space<vmem>>, vector<16xf32>,
      tpu.vector_store %arg11[%swap3A_517], %broadcast_in_dim3A_516 {strides = array<i32>} : memref<2048xf32, #tpu.memory_space<vmem>>, vector<16xf32>,
      %broadcast_in_dim3A_519 = arith.constant 0.000000e+00 : f32
      %broadcast_in_dim3A_520 = vector.broadcast %broadcast_in_dim3A_519 : f32 to vector<16xf32>
      %swap3A_521 = arith.constant 2016 : index
      %swap3A_522 = tpu.vector_load %arg11[%swap3A_521] {strides = array<i32>} : memref<2048xf32, #tpu.memory_space<vmem>>, vector<16xf32>,
      tpu.vector_store %arg11[%swap3A_521], %broadcast_in_dim3A_520 {strides = array<i32>} : memref<2048xf32, #tpu.memory_space<vmem>>, vector<16xf32>,
      %broadcast_in_dim3A_523 = arith.constant 0.000000e+00 : f32
      %broadcast_in_dim3A_524 = vector.broadcast %broadcast_in_dim3A_523 : f32 to vector<16xf32>
      %swap3A_525 = arith.constant 2032 : index
      %swap3A_526 = tpu.vector_load %arg11[%swap3A_525] {strides = array<i32>} : memref<2048xf32, #tpu.memory_space<vmem>>, vector<16xf32>,
      tpu.vector_store %arg11[%swap3A_525], %broadcast_in_dim3A_524 {strides = array<i32>} : memref<2048xf32, #tpu.memory_space<vmem>>, vector<16xf32>,
      "tpu.region"() ({
        %run_scoped3A = tpu.sem_alloc : memref<!tpu.dma_semaphore, #tpu.memory_space<semaphore_mem>>
        tpu.enqueue_dma source(%arg11 : memref<2048xf32, #tpu.memory_space<vmem>>) target(%arg12 : memref<2048xf32, #tpu.memory_space<vmem_shared>>) target_semaphore(%run_scoped3A : memref<!tpu.dma_semaphore, #tpu.memory_space<semaphore_mem>>)
        tpu.wait_dma2 semaphore(%run_scoped3A : memref<!tpu.dma_semaphore, #tpu.memory_space<semaphore_mem>>) src(%arg11 : memref<2048xf32, #tpu.memory_space<vmem>>) dst(%arg12 : memref<2048xf32, #tpu.memory_space<vmem_shared>>)
        tpu.yield
      }) : () -> ()
    } else {
    }
    %barrier3A = arith.constant 0 : index
    tpu.barrier barrier_id(%barrier3A)
    %convert_element_type3A_10 = arith.extui %lt3A_1 : i1 to i32
    %cond3A_11 = arith.constant 0 : i32
    %cond3A_12 = arith.cmpi ne, %convert_element_type3A_10, %cond3A_11 : i32
    scf.if %cond3A_12 {
      %get3A = arith.constant 0 : index
      %get3A_17 = tpu.vector_load %arg8[%get3A] {strides = array<i32>} : memref<272xi32, #tpu.memory_space<vmem>>, vector<16xi32>,
      %swap3A = arith.constant 0 : i32
      %swap3A_18 = arith.index_cast %swap3A : i32 to index
      %swap3A_19 = arith.constant 0 : index
      %swap3A_20 = tpu.vector_load %arg9[%swap3A_18, %swap3A_19] {strides = array<i32>} : memref<2x128xi32, #tpu.memory_space<vmem>>, vector<16xi32>,
      tpu.vector_store %arg9[%swap3A_18, %swap3A_19], %get3A_17 {strides = array<i32>} : memref<2x128xi32, #tpu.memory_space<vmem>>, vector<16xi32>,
      %get3A_21 = arith.constant 16 : index
      %get3A_22 = tpu.vector_load %arg8[%get3A_21] {strides = array<i32>} : memref<272xi32, #tpu.memory_space<vmem>>, vector<16xi32>,
      %swap3A_23 = arith.constant 0 : i32
      %swap3A_24 = arith.index_cast %swap3A_23 : i32 to index
      %swap3A_25 = arith.constant 16 : index
      %swap3A_26 = tpu.vector_load %arg9[%swap3A_24, %swap3A_25] {strides = array<i32>} : memref<2x128xi32, #tpu.memory_space<vmem>>, vector<16xi32>,
      tpu.vector_store %arg9[%swap3A_24, %swap3A_25], %get3A_22 {strides = array<i32>} : memref<2x128xi32, #tpu.memory_space<vmem>>, vector<16xi32>,
      %get3A_27 = arith.constant 32 : index
      %get3A_28 = tpu.vector_load %arg8[%get3A_27] {strides = array<i32>} : memref<272xi32, #tpu.memory_space<vmem>>, vector<16xi32>,
      %swap3A_29 = arith.constant 0 : i32
      %swap3A_30 = arith.index_cast %swap3A_29 : i32 to index
      %swap3A_31 = arith.constant 32 : index
      %swap3A_32 = tpu.vector_load %arg9[%swap3A_30, %swap3A_31] {strides = array<i32>} : memref<2x128xi32, #tpu.memory_space<vmem>>, vector<16xi32>,
      tpu.vector_store %arg9[%swap3A_30, %swap3A_31], %get3A_28 {strides = array<i32>} : memref<2x128xi32, #tpu.memory_space<vmem>>, vector<16xi32>,
      %get3A_33 = arith.constant 48 : index
      %get3A_34 = tpu.vector_load %arg8[%get3A_33] {strides = array<i32>} : memref<272xi32, #tpu.memory_space<vmem>>, vector<16xi32>,
      %swap3A_35 = arith.constant 0 : i32
      %swap3A_36 = arith.index_cast %swap3A_35 : i32 to index
      %swap3A_37 = arith.constant 48 : index
      %swap3A_38 = tpu.vector_load %arg9[%swap3A_36, %swap3A_37] {strides = array<i32>} : memref<2x128xi32, #tpu.memory_space<vmem>>, vector<16xi32>,
      tpu.vector_store %arg9[%swap3A_36, %swap3A_37], %get3A_34 {strides = array<i32>} : memref<2x128xi32, #tpu.memory_space<vmem>>, vector<16xi32>,
      %get3A_39 = arith.constant 64 : index
      %get3A_40 = tpu.vector_load %arg8[%get3A_39] {strides = array<i32>} : memref<272xi32, #tpu.memory_space<vmem>>, vector<16xi32>,
      %swap3A_41 = arith.constant 0 : i32
      %swap3A_42 = arith.index_cast %swap3A_41 : i32 to index
      %swap3A_43 = arith.constant 64 : index
      %swap3A_44 = tpu.vector_load %arg9[%swap3A_42, %swap3A_43] {strides = array<i32>} : memref<2x128xi32, #tpu.memory_space<vmem>>, vector<16xi32>,
      tpu.vector_store %arg9[%swap3A_42, %swap3A_43], %get3A_40 {strides = array<i32>} : memref<2x128xi32, #tpu.memory_space<vmem>>, vector<16xi32>,
      %get3A_45 = arith.constant 80 : index
      %get3A_46 = tpu.vector_load %arg8[%get3A_45] {strides = array<i32>} : memref<272xi32, #tpu.memory_space<vmem>>, vector<16xi32>,
      %swap3A_47 = arith.constant 0 : i32
      %swap3A_48 = arith.index_cast %swap3A_47 : i32 to index
      %swap3A_49 = arith.constant 80 : index
      %swap3A_50 = tpu.vector_load %arg9[%swap3A_48, %swap3A_49] {strides = array<i32>} : memref<2x128xi32, #tpu.memory_space<vmem>>, vector<16xi32>,
      tpu.vector_store %arg9[%swap3A_48, %swap3A_49], %get3A_46 {strides = array<i32>} : memref<2x128xi32, #tpu.memory_space<vmem>>, vector<16xi32>,
      %get3A_51 = arith.constant 96 : index
      %get3A_52 = tpu.vector_load %arg8[%get3A_51] {strides = array<i32>} : memref<272xi32, #tpu.memory_space<vmem>>, vector<16xi32>,
      %swap3A_53 = arith.constant 0 : i32
      %swap3A_54 = arith.index_cast %swap3A_53 : i32 to index
      %swap3A_55 = arith.constant 96 : index
      %swap3A_56 = tpu.vector_load %arg9[%swap3A_54, %swap3A_55] {strides = array<i32>} : memref<2x128xi32, #tpu.memory_space<vmem>>, vector<16xi32>,
      tpu.vector_store %arg9[%swap3A_54, %swap3A_55], %get3A_52 {strides = array<i32>} : memref<2x128xi32, #tpu.memory_space<vmem>>, vector<16xi32>,
      %get3A_57 = arith.constant 112 : index
      %get3A_58 = tpu.vector_load %arg8[%get3A_57] {strides = array<i32>} : memref<272xi32, #tpu.memory_space<vmem>>, vector<16xi32>,
      %swap3A_59 = arith.constant 0 : i32
      %swap3A_60 = arith.index_cast %swap3A_59 : i32 to index
      %swap3A_61 = arith.constant 112 : index
      %swap3A_62 = tpu.vector_load %arg9[%swap3A_60, %swap3A_61] {strides = array<i32>} : memref<2x128xi32, #tpu.memory_space<vmem>>, vector<16xi32>,
      tpu.vector_store %arg9[%swap3A_60, %swap3A_61], %get3A_58 {strides = array<i32>} : memref<2x128xi32, #tpu.memory_space<vmem>>, vector<16xi32>,
      %run_scoped3A = arith.constant 0 : i32
      "tpu.region"() ({
        %run_scoped3A_112 = tpu.sem_alloc : memref<!tpu.dma_semaphore, #tpu.memory_space<semaphore_mem>>
        %dma_start3A = arith.constant 0 : i32
        %dma_start3A_113 = tpu.memref_slice %arg10[%dma_start3A] : memref<272xf32, #tpu.memory_space<vmem>> -> memref<128xf32, #tpu.memory_space<vmem>>
        %dma_start3A_114 = arith.constant 0 : i32
        %dma_start3A_115 = tpu.memref_slice %arg9[%run_scoped3A, %dma_start3A_114] : memref<2x128xi32, #tpu.memory_space<vmem>> -> memref<1x128xi32, #tpu.memory_space<vmem>>
        %dma_start3A_116 = tpu.memref_squeeze %dma_start3A_115 : memref<1x128xi32, #tpu.memory_space<vmem>> -> memref<128xi32, #tpu.memory_space<vmem>>
        %dma_start3A_117 = arith.constant 0 : i32
        %dma_start3A_118 = tpu.memref_slice %arg12[%dma_start3A_117] : memref<2048xf32, #tpu.memory_space<vmem_shared>> -> memref<2048xf32, #tpu.memory_space<vmem_shared>>
        tpu.enqueue_indirect_dma source(%dma_start3A_113 : memref<128xf32, #tpu.memory_space<vmem>>) target(%dma_start3A_118 : memref<2048xf32, #tpu.memory_space<vmem_shared>>) offsets(%dma_start3A_116 : memref<128xi32, #tpu.memory_space<vmem>>) semaphore(%run_scoped3A_112 : memref<!tpu.dma_semaphore, #tpu.memory_space<semaphore_mem>>) {add = true}
        %dma_wait3A = arith.constant 0 : i32
        %dma_wait3A_119 = tpu.memref_slice %arg10[%dma_wait3A] : memref<272xf32, #tpu.memory_space<vmem>> -> memref<128xf32, #tpu.memory_space<vmem>>
        %dma_wait3A_120 = arith.constant 0 : i32
        %dma_wait3A_121 = tpu.memref_slice %arg9[%run_scoped3A, %dma_wait3A_120] : memref<2x128xi32, #tpu.memory_space<vmem>> -> memref<1x128xi32, #tpu.memory_space<vmem>>
        %dma_wait3A_122 = tpu.memref_squeeze %dma_wait3A_121 : memref<1x128xi32, #tpu.memory_space<vmem>> -> memref<128xi32, #tpu.memory_space<vmem>>
        %dma_wait3A_123 = arith.constant 0 : i32
        %dma_wait3A_124 = tpu.memref_slice %arg12[%dma_wait3A_123] : memref<2048xf32, #tpu.memory_space<vmem_shared>> -> memref<2048xf32, #tpu.memory_space<vmem_shared>>
        tpu.wait_indirect_dma semaphore(%run_scoped3A_112 : memref<!tpu.dma_semaphore, #tpu.memory_space<semaphore_mem>>) src(%dma_wait3A_119 : memref<128xf32, #tpu.memory_space<vmem>>) dst(%dma_wait3A_124 : memref<2048xf32, #tpu.memory_space<vmem_shared>>)
        tpu.yield
      }) : () -> ()
      %get3A_63 = arith.constant 128 : index
      %get3A_64 = tpu.vector_load %arg8[%get3A_63] {strides = array<i32>} : memref<272xi32, #tpu.memory_space<vmem>>, vector<16xi32>,
      %swap3A_65 = arith.constant 1 : i32
      %swap3A_66 = arith.index_cast %swap3A_65 : i32 to index
      %swap3A_67 = arith.constant 0 : index
      %swap3A_68 = tpu.vector_load %arg9[%swap3A_66, %swap3A_67] {strides = array<i32>} : memref<2x128xi32, #tpu.memory_space<vmem>>, vector<16xi32>,
      tpu.vector_store %arg9[%swap3A_66, %swap3A_67], %get3A_64 {strides = array<i32>} : memref<2x128xi32, #tpu.memory_space<vmem>>, vector<16xi32>,
      %get3A_69 = arith.constant 144 : index
      %get3A_70 = tpu.vector_load %arg8[%get3A_69] {strides = array<i32>} : memref<272xi32, #tpu.memory_space<vmem>>, vector<16xi32>,
      %swap3A_71 = arith.constant 1 : i32
      %swap3A_72 = arith.index_cast %swap3A_71 : i32 to index
      %swap3A_73 = arith.constant 16 : index
      %swap3A_74 = tpu.vector_load %arg9[%swap3A_72, %swap3A_73] {strides = array<i32>} : memref<2x128xi32, #tpu.memory_space<vmem>>, vector<16xi32>,
      tpu.vector_store %arg9[%swap3A_72, %swap3A_73], %get3A_70 {strides = array<i32>} : memref<2x128xi32, #tpu.memory_space<vmem>>, vector<16xi32>,
      %get3A_75 = arith.constant 160 : index
      %get3A_76 = tpu.vector_load %arg8[%get3A_75] {strides = array<i32>} : memref<272xi32, #tpu.memory_space<vmem>>, vector<16xi32>,
      %swap3A_77 = arith.constant 1 : i32
      %swap3A_78 = arith.index_cast %swap3A_77 : i32 to index
      %swap3A_79 = arith.constant 32 : index
      %swap3A_80 = tpu.vector_load %arg9[%swap3A_78, %swap3A_79] {strides = array<i32>} : memref<2x128xi32, #tpu.memory_space<vmem>>, vector<16xi32>,
      tpu.vector_store %arg9[%swap3A_78, %swap3A_79], %get3A_76 {strides = array<i32>} : memref<2x128xi32, #tpu.memory_space<vmem>>, vector<16xi32>,
      %get3A_81 = arith.constant 176 : index
      %get3A_82 = tpu.vector_load %arg8[%get3A_81] {strides = array<i32>} : memref<272xi32, #tpu.memory_space<vmem>>, vector<16xi32>,
      %swap3A_83 = arith.constant 1 : i32
      %swap3A_84 = arith.index_cast %swap3A_83 : i32 to index
      %swap3A_85 = arith.constant 48 : index
      %swap3A_86 = tpu.vector_load %arg9[%swap3A_84, %swap3A_85] {strides = array<i32>} : memref<2x128xi32, #tpu.memory_space<vmem>>, vector<16xi32>,
      tpu.vector_store %arg9[%swap3A_84, %swap3A_85], %get3A_82 {strides = array<i32>} : memref<2x128xi32, #tpu.memory_space<vmem>>, vector<16xi32>,
      %get3A_87 = arith.constant 192 : index
      %get3A_88 = tpu.vector_load %arg8[%get3A_87] {strides = array<i32>} : memref<272xi32, #tpu.memory_space<vmem>>, vector<16xi32>,
      %swap3A_89 = arith.constant 1 : i32
      %swap3A_90 = arith.index_cast %swap3A_89 : i32 to index
      %swap3A_91 = arith.constant 64 : index
      %swap3A_92 = tpu.vector_load %arg9[%swap3A_90, %swap3A_91] {strides = array<i32>} : memref<2x128xi32, #tpu.memory_space<vmem>>, vector<16xi32>,
      tpu.vector_store %arg9[%swap3A_90, %swap3A_91], %get3A_88 {strides = array<i32>} : memref<2x128xi32, #tpu.memory_space<vmem>>, vector<16xi32>,
      %get3A_93 = arith.constant 208 : index
      %get3A_94 = tpu.vector_load %arg8[%get3A_93] {strides = array<i32>} : memref<272xi32, #tpu.memory_space<vmem>>, vector<16xi32>,
      %swap3A_95 = arith.constant 1 : i32
      %swap3A_96 = arith.index_cast %swap3A_95 : i32 to index
      %swap3A_97 = arith.constant 80 : index
      %swap3A_98 = tpu.vector_load %arg9[%swap3A_96, %swap3A_97] {strides = array<i32>} : memref<2x128xi32, #tpu.memory_space<vmem>>, vector<16xi32>,
      tpu.vector_store %arg9[%swap3A_96, %swap3A_97], %get3A_94 {strides = array<i32>} : memref<2x128xi32, #tpu.memory_space<vmem>>, vector<16xi32>,
      %get3A_99 = arith.constant 224 : index
      %get3A_100 = tpu.vector_load %arg8[%get3A_99] {strides = array<i32>} : memref<272xi32, #tpu.memory_space<vmem>>, vector<16xi32>,
      %swap3A_101 = arith.constant 1 : i32
      %swap3A_102 = arith.index_cast %swap3A_101 : i32 to index
      %swap3A_103 = arith.constant 96 : index
      %swap3A_104 = tpu.vector_load %arg9[%swap3A_102, %swap3A_103] {strides = array<i32>} : memref<2x128xi32, #tpu.memory_space<vmem>>, vector<16xi32>,
      tpu.vector_store %arg9[%swap3A_102, %swap3A_103], %get3A_100 {strides = array<i32>} : memref<2x128xi32, #tpu.memory_space<vmem>>, vector<16xi32>,
      %get3A_105 = arith.constant 240 : index
      %get3A_106 = tpu.vector_load %arg8[%get3A_105] {strides = array<i32>} : memref<272xi32, #tpu.memory_space<vmem>>, vector<16xi32>,
      %swap3A_107 = arith.constant 1 : i32
      %swap3A_108 = arith.index_cast %swap3A_107 : i32 to index
      %swap3A_109 = arith.constant 112 : index
      %swap3A_110 = tpu.vector_load %arg9[%swap3A_108, %swap3A_109] {strides = array<i32>} : memref<2x128xi32, #tpu.memory_space<vmem>>, vector<16xi32>,
      tpu.vector_store %arg9[%swap3A_108, %swap3A_109], %get3A_106 {strides = array<i32>} : memref<2x128xi32, #tpu.memory_space<vmem>>, vector<16xi32>,
      %run_scoped3A_111 = arith.constant 1 : i32
      "tpu.region"() ({
        %run_scoped3A_112 = tpu.sem_alloc : memref<!tpu.dma_semaphore, #tpu.memory_space<semaphore_mem>>
        %dma_start3A = arith.constant 128 : i32
        %dma_start3A_113 = tpu.memref_slice %arg10[%dma_start3A] : memref<272xf32, #tpu.memory_space<vmem>> -> memref<128xf32, #tpu.memory_space<vmem>>
        %dma_start3A_114 = arith.constant 0 : i32
        %dma_start3A_115 = tpu.memref_slice %arg9[%run_scoped3A_111, %dma_start3A_114] : memref<2x128xi32, #tpu.memory_space<vmem>> -> memref<1x128xi32, #tpu.memory_space<vmem>>
        %dma_start3A_116 = tpu.memref_squeeze %dma_start3A_115 : memref<1x128xi32, #tpu.memory_space<vmem>> -> memref<128xi32, #tpu.memory_space<vmem>>
        %dma_start3A_117 = arith.constant 0 : i32
        %dma_start3A_118 = tpu.memref_slice %arg12[%dma_start3A_117] : memref<2048xf32, #tpu.memory_space<vmem_shared>> -> memref<2048xf32, #tpu.memory_space<vmem_shared>>
        tpu.enqueue_indirect_dma source(%dma_start3A_113 : memref<128xf32, #tpu.memory_space<vmem>>) target(%dma_start3A_118 : memref<2048xf32, #tpu.memory_space<vmem_shared>>) offsets(%dma_start3A_116 : memref<128xi32, #tpu.memory_space<vmem>>) semaphore(%run_scoped3A_112 : memref<!tpu.dma_semaphore, #tpu.memory_space<semaphore_mem>>) {add = true}
        %dma_wait3A = arith.constant 128 : i32
        %dma_wait3A_119 = tpu.memref_slice %arg10[%dma_wait3A] : memref<272xf32, #tpu.memory_space<vmem>> -> memref<128xf32, #tpu.memory_space<vmem>>
        %dma_wait3A_120 = arith.constant 0 : i32
        %dma_wait3A_121 = tpu.memref_slice %arg9[%run_scoped3A_111, %dma_wait3A_120] : memref<2x128xi32, #tpu.memory_space<vmem>> -> memref<1x128xi32, #tpu.memory_space<vmem>>
        %dma_wait3A_122 = tpu.memref_squeeze %dma_wait3A_121 : memref<1x128xi32, #tpu.memory_space<vmem>> -> memref<128xi32, #tpu.memory_space<vmem>>
        %dma_wait3A_123 = arith.constant 0 : i32
        %dma_wait3A_124 = tpu.memref_slice %arg12[%dma_wait3A_123] : memref<2048xf32, #tpu.memory_space<vmem_shared>> -> memref<2048xf32, #tpu.memory_space<vmem_shared>>
        tpu.wait_indirect_dma semaphore(%run_scoped3A_112 : memref<!tpu.dma_semaphore, #tpu.memory_space<semaphore_mem>>) src(%dma_wait3A_119 : memref<128xf32, #tpu.memory_space<vmem>>) dst(%dma_wait3A_124 : memref<2048xf32, #tpu.memory_space<vmem_shared>>)
        tpu.yield
      }) : () -> ()
    } else {
    }
    %barrier3A_13 = arith.constant 0 : index
    tpu.barrier barrier_id(%barrier3A_13)
    %convert_element_type3A_14 = arith.extui %lt3A_1 : i1 to i32
    %cond3A_15 = arith.constant 0 : i32
    %cond3A_16 = arith.cmpi ne, %convert_element_type3A_14, %cond3A_15 : i32
    scf.if %cond3A_16 {
      "tpu.region"() ({
        %run_scoped3A = tpu.sem_alloc : memref<!tpu.dma_semaphore, #tpu.memory_space<semaphore_mem>>
        tpu.enqueue_dma source(%arg12 : memref<2048xf32, #tpu.memory_space<vmem_shared>>) target(%arg6 : memref<2048xf32, #tpu.memory_space<vmem>>) target_semaphore(%run_scoped3A : memref<!tpu.dma_semaphore, #tpu.memory_space<semaphore_mem>>)
        tpu.wait_dma2 semaphore(%run_scoped3A : memref<!tpu.dma_semaphore, #tpu.memory_space<semaphore_mem>>) src(%arg12 : memref<2048xf32, #tpu.memory_space<vmem_shared>>) dst(%arg6 : memref<2048xf32, #tpu.memory_space<vmem>>)
        tpu.yield
      }) : () -> ()
      %mul3A_17 = arith.constant 2048 : i32
      %mul3A_18 = arith.muli %arg0, %mul3A_17 : i32
      %broadcast_in_dim3A = vector.broadcast %mul3A_18 : i32 to vector<16xi32>
      %get3A = arith.constant 0 : index
      %get3A_19 = tpu.vector_load %arg8[%get3A] {strides = array<i32>} : memref<272xi32, #tpu.memory_space<vmem>>, vector<16xi32>,
      %gather3A = tpu.vector_load_idx %arg6[%get3A_19] : memref<2048xf32, #tpu.memory_space<vmem>>[vector<16xi32>], vector<16xf32>,
      %get3A_20 = arith.constant 0 : index
      %get3A_21 = tpu.vector_load %arg10[%get3A_20] {strides = array<i32>} : memref<272xf32, #tpu.memory_space<vmem>>, vector<16xf32>,
      %add3A_22 = arith.constant 9.99999996E-13 : f32
      %add3A_23 = vector.broadcast %add3A_22 : f32 to vector<16xf32>
      %add3A_24 = arith.addf %gather3A, %add3A_23 : vector<16xf32>
      %div3A = arith.divf %get3A_21, %add3A_24 : vector<16xf32>
      %swap3A = arith.constant 0 : index
      %swap3A_25 = tpu.vector_load %arg10[%swap3A] {strides = array<i32>} : memref<272xf32, #tpu.memory_space<vmem>>, vector<16xf32>,
      tpu.vector_store %arg10[%swap3A], %div3A {strides = array<i32>} : memref<272xf32, #tpu.memory_space<vmem>>, vector<16xf32>,
      %add3A_26 = arith.addi %get3A_19, %broadcast_in_dim3A : vector<16xi32>
      %swap3A_27 = arith.constant 0 : index
      %swap3A_28 = tpu.vector_load %arg8[%swap3A_27] {strides = array<i32>} : memref<272xi32, #tpu.memory_space<vmem>>, vector<16xi32>,
      tpu.vector_store %arg8[%swap3A_27], %add3A_26 {strides = array<i32>} : memref<272xi32, #tpu.memory_space<vmem>>, vector<16xi32>,
      %get3A_29 = arith.constant 16 : index
      %get3A_30 = tpu.vector_load %arg8[%get3A_29] {strides = array<i32>} : memref<272xi32, #tpu.memory_space<vmem>>, vector<16xi32>,
      %gather3A_31 = tpu.vector_load_idx %arg6[%get3A_30] : memref<2048xf32, #tpu.memory_space<vmem>>[vector<16xi32>], vector<16xf32>,
      %get3A_32 = arith.constant 16 : index
      %get3A_33 = tpu.vector_load %arg10[%get3A_32] {strides = array<i32>} : memref<272xf32, #tpu.memory_space<vmem>>, vector<16xf32>,
      %add3A_34 = arith.constant 9.99999996E-13 : f32
      %add3A_35 = vector.broadcast %add3A_34 : f32 to vector<16xf32>
      %add3A_36 = arith.addf %gather3A_31, %add3A_35 : vector<16xf32>
      %div3A_37 = arith.divf %get3A_33, %add3A_36 : vector<16xf32>
      %swap3A_38 = arith.constant 16 : index
      %swap3A_39 = tpu.vector_load %arg10[%swap3A_38] {strides = array<i32>} : memref<272xf32, #tpu.memory_space<vmem>>, vector<16xf32>,
      tpu.vector_store %arg10[%swap3A_38], %div3A_37 {strides = array<i32>} : memref<272xf32, #tpu.memory_space<vmem>>, vector<16xf32>,
      %add3A_40 = arith.addi %get3A_30, %broadcast_in_dim3A : vector<16xi32>
      %swap3A_41 = arith.constant 16 : index
      %swap3A_42 = tpu.vector_load %arg8[%swap3A_41] {strides = array<i32>} : memref<272xi32, #tpu.memory_space<vmem>>, vector<16xi32>,
      tpu.vector_store %arg8[%swap3A_41], %add3A_40 {strides = array<i32>} : memref<272xi32, #tpu.memory_space<vmem>>, vector<16xi32>,
      %get3A_43 = arith.constant 32 : index
      %get3A_44 = tpu.vector_load %arg8[%get3A_43] {strides = array<i32>} : memref<272xi32, #tpu.memory_space<vmem>>, vector<16xi32>,
      %gather3A_45 = tpu.vector_load_idx %arg6[%get3A_44] : memref<2048xf32, #tpu.memory_space<vmem>>[vector<16xi32>], vector<16xf32>,
      %get3A_46 = arith.constant 32 : index
      %get3A_47 = tpu.vector_load %arg10[%get3A_46] {strides = array<i32>} : memref<272xf32, #tpu.memory_space<vmem>>, vector<16xf32>,
      %add3A_48 = arith.constant 9.99999996E-13 : f32
      %add3A_49 = vector.broadcast %add3A_48 : f32 to vector<16xf32>
      %add3A_50 = arith.addf %gather3A_45, %add3A_49 : vector<16xf32>
      %div3A_51 = arith.divf %get3A_47, %add3A_50 : vector<16xf32>
      %swap3A_52 = arith.constant 32 : index
      %swap3A_53 = tpu.vector_load %arg10[%swap3A_52] {strides = array<i32>} : memref<272xf32, #tpu.memory_space<vmem>>, vector<16xf32>,
      tpu.vector_store %arg10[%swap3A_52], %div3A_51 {strides = array<i32>} : memref<272xf32, #tpu.memory_space<vmem>>, vector<16xf32>,
      %add3A_54 = arith.addi %get3A_44, %broadcast_in_dim3A : vector<16xi32>
      %swap3A_55 = arith.constant 32 : index
      %swap3A_56 = tpu.vector_load %arg8[%swap3A_55] {strides = array<i32>} : memref<272xi32, #tpu.memory_space<vmem>>, vector<16xi32>,
      tpu.vector_store %arg8[%swap3A_55], %add3A_54 {strides = array<i32>} : memref<272xi32, #tpu.memory_space<vmem>>, vector<16xi32>,
      %get3A_57 = arith.constant 48 : index
      %get3A_58 = tpu.vector_load %arg8[%get3A_57] {strides = array<i32>} : memref<272xi32, #tpu.memory_space<vmem>>, vector<16xi32>,
      %gather3A_59 = tpu.vector_load_idx %arg6[%get3A_58] : memref<2048xf32, #tpu.memory_space<vmem>>[vector<16xi32>], vector<16xf32>,
      %get3A_60 = arith.constant 48 : index
      %get3A_61 = tpu.vector_load %arg10[%get3A_60] {strides = array<i32>} : memref<272xf32, #tpu.memory_space<vmem>>, vector<16xf32>,
      %add3A_62 = arith.constant 9.99999996E-13 : f32
      %add3A_63 = vector.broadcast %add3A_62 : f32 to vector<16xf32>
      %add3A_64 = arith.addf %gather3A_59, %add3A_63 : vector<16xf32>
      %div3A_65 = arith.divf %get3A_61, %add3A_64 : vector<16xf32>
      %swap3A_66 = arith.constant 48 : index
      %swap3A_67 = tpu.vector_load %arg10[%swap3A_66] {strides = array<i32>} : memref<272xf32, #tpu.memory_space<vmem>>, vector<16xf32>,
      tpu.vector_store %arg10[%swap3A_66], %div3A_65 {strides = array<i32>} : memref<272xf32, #tpu.memory_space<vmem>>, vector<16xf32>,
      %add3A_68 = arith.addi %get3A_58, %broadcast_in_dim3A : vector<16xi32>
      %swap3A_69 = arith.constant 48 : index
      %swap3A_70 = tpu.vector_load %arg8[%swap3A_69] {strides = array<i32>} : memref<272xi32, #tpu.memory_space<vmem>>, vector<16xi32>,
      tpu.vector_store %arg8[%swap3A_69], %add3A_68 {strides = array<i32>} : memref<272xi32, #tpu.memory_space<vmem>>, vector<16xi32>,
      %get3A_71 = arith.constant 64 : index
      %get3A_72 = tpu.vector_load %arg8[%get3A_71] {strides = array<i32>} : memref<272xi32, #tpu.memory_space<vmem>>, vector<16xi32>,
      %gather3A_73 = tpu.vector_load_idx %arg6[%get3A_72] : memref<2048xf32, #tpu.memory_space<vmem>>[vector<16xi32>], vector<16xf32>,
      %get3A_74 = arith.constant 64 : index
      %get3A_75 = tpu.vector_load %arg10[%get3A_74] {strides = array<i32>} : memref<272xf32, #tpu.memory_space<vmem>>, vector<16xf32>,
      %add3A_76 = arith.constant 9.99999996E-13 : f32
      %add3A_77 = vector.broadcast %add3A_76 : f32 to vector<16xf32>
      %add3A_78 = arith.addf %gather3A_73, %add3A_77 : vector<16xf32>
      %div3A_79 = arith.divf %get3A_75, %add3A_78 : vector<16xf32>
      %swap3A_80 = arith.constant 64 : index
      %swap3A_81 = tpu.vector_load %arg10[%swap3A_80] {strides = array<i32>} : memref<272xf32, #tpu.memory_space<vmem>>, vector<16xf32>,
      tpu.vector_store %arg10[%swap3A_80], %div3A_79 {strides = array<i32>} : memref<272xf32, #tpu.memory_space<vmem>>, vector<16xf32>,
      %add3A_82 = arith.addi %get3A_72, %broadcast_in_dim3A : vector<16xi32>
      %swap3A_83 = arith.constant 64 : index
      %swap3A_84 = tpu.vector_load %arg8[%swap3A_83] {strides = array<i32>} : memref<272xi32, #tpu.memory_space<vmem>>, vector<16xi32>,
      tpu.vector_store %arg8[%swap3A_83], %add3A_82 {strides = array<i32>} : memref<272xi32, #tpu.memory_space<vmem>>, vector<16xi32>,
      %get3A_85 = arith.constant 80 : index
      %get3A_86 = tpu.vector_load %arg8[%get3A_85] {strides = array<i32>} : memref<272xi32, #tpu.memory_space<vmem>>, vector<16xi32>,
      %gather3A_87 = tpu.vector_load_idx %arg6[%get3A_86] : memref<2048xf32, #tpu.memory_space<vmem>>[vector<16xi32>], vector<16xf32>,
      %get3A_88 = arith.constant 80 : index
      %get3A_89 = tpu.vector_load %arg10[%get3A_88] {strides = array<i32>} : memref<272xf32, #tpu.memory_space<vmem>>, vector<16xf32>,
      %add3A_90 = arith.constant 9.99999996E-13 : f32
      %add3A_91 = vector.broadcast %add3A_90 : f32 to vector<16xf32>
      %add3A_92 = arith.addf %gather3A_87, %add3A_91 : vector<16xf32>
      %div3A_93 = arith.divf %get3A_89, %add3A_92 : vector<16xf32>
      %swap3A_94 = arith.constant 80 : index
      %swap3A_95 = tpu.vector_load %arg10[%swap3A_94] {strides = array<i32>} : memref<272xf32, #tpu.memory_space<vmem>>, vector<16xf32>,
      tpu.vector_store %arg10[%swap3A_94], %div3A_93 {strides = array<i32>} : memref<272xf32, #tpu.memory_space<vmem>>, vector<16xf32>,
      %add3A_96 = arith.addi %get3A_86, %broadcast_in_dim3A : vector<16xi32>
      %swap3A_97 = arith.constant 80 : index
      %swap3A_98 = tpu.vector_load %arg8[%swap3A_97] {strides = array<i32>} : memref<272xi32, #tpu.memory_space<vmem>>, vector<16xi32>,
      tpu.vector_store %arg8[%swap3A_97], %add3A_96 {strides = array<i32>} : memref<272xi32, #tpu.memory_space<vmem>>, vector<16xi32>,
      %get3A_99 = arith.constant 96 : index
      %get3A_100 = tpu.vector_load %arg8[%get3A_99] {strides = array<i32>} : memref<272xi32, #tpu.memory_space<vmem>>, vector<16xi32>,
      %gather3A_101 = tpu.vector_load_idx %arg6[%get3A_100] : memref<2048xf32, #tpu.memory_space<vmem>>[vector<16xi32>], vector<16xf32>,
      %get3A_102 = arith.constant 96 : index
      %get3A_103 = tpu.vector_load %arg10[%get3A_102] {strides = array<i32>} : memref<272xf32, #tpu.memory_space<vmem>>, vector<16xf32>,
      %add3A_104 = arith.constant 9.99999996E-13 : f32
      %add3A_105 = vector.broadcast %add3A_104 : f32 to vector<16xf32>
      %add3A_106 = arith.addf %gather3A_101, %add3A_105 : vector<16xf32>
      %div3A_107 = arith.divf %get3A_103, %add3A_106 : vector<16xf32>
      %swap3A_108 = arith.constant 96 : index
      %swap3A_109 = tpu.vector_load %arg10[%swap3A_108] {strides = array<i32>} : memref<272xf32, #tpu.memory_space<vmem>>, vector<16xf32>,
      tpu.vector_store %arg10[%swap3A_108], %div3A_107 {strides = array<i32>} : memref<272xf32, #tpu.memory_space<vmem>>, vector<16xf32>,
      %add3A_110 = arith.addi %get3A_100, %broadcast_in_dim3A : vector<16xi32>
      %swap3A_111 = arith.constant 96 : index
      %swap3A_112 = tpu.vector_load %arg8[%swap3A_111] {strides = array<i32>} : memref<272xi32, #tpu.memory_space<vmem>>, vector<16xi32>,
      tpu.vector_store %arg8[%swap3A_111], %add3A_110 {strides = array<i32>} : memref<272xi32, #tpu.memory_space<vmem>>, vector<16xi32>,
      %get3A_113 = arith.constant 112 : index
      %get3A_114 = tpu.vector_load %arg8[%get3A_113] {strides = array<i32>} : memref<272xi32, #tpu.memory_space<vmem>>, vector<16xi32>,
      %gather3A_115 = tpu.vector_load_idx %arg6[%get3A_114] : memref<2048xf32, #tpu.memory_space<vmem>>[vector<16xi32>], vector<16xf32>,
      %get3A_116 = arith.constant 112 : index
      %get3A_117 = tpu.vector_load %arg10[%get3A_116] {strides = array<i32>} : memref<272xf32, #tpu.memory_space<vmem>>, vector<16xf32>,
      %add3A_118 = arith.constant 9.99999996E-13 : f32
      %add3A_119 = vector.broadcast %add3A_118 : f32 to vector<16xf32>
      %add3A_120 = arith.addf %gather3A_115, %add3A_119 : vector<16xf32>
      %div3A_121 = arith.divf %get3A_117, %add3A_120 : vector<16xf32>
      %swap3A_122 = arith.constant 112 : index
      %swap3A_123 = tpu.vector_load %arg10[%swap3A_122] {strides = array<i32>} : memref<272xf32, #tpu.memory_space<vmem>>, vector<16xf32>,
      tpu.vector_store %arg10[%swap3A_122], %div3A_121 {strides = array<i32>} : memref<272xf32, #tpu.memory_space<vmem>>, vector<16xf32>,
      %add3A_124 = arith.addi %get3A_114, %broadcast_in_dim3A : vector<16xi32>
      %swap3A_125 = arith.constant 112 : index
      %swap3A_126 = tpu.vector_load %arg8[%swap3A_125] {strides = array<i32>} : memref<272xi32, #tpu.memory_space<vmem>>, vector<16xi32>,
      tpu.vector_store %arg8[%swap3A_125], %add3A_124 {strides = array<i32>} : memref<272xi32, #tpu.memory_space<vmem>>, vector<16xi32>,
      %get3A_127 = arith.constant 128 : index
      %get3A_128 = tpu.vector_load %arg8[%get3A_127] {strides = array<i32>} : memref<272xi32, #tpu.memory_space<vmem>>, vector<16xi32>,
      %gather3A_129 = tpu.vector_load_idx %arg6[%get3A_128] : memref<2048xf32, #tpu.memory_space<vmem>>[vector<16xi32>], vector<16xf32>,
      %get3A_130 = arith.constant 128 : index
      %get3A_131 = tpu.vector_load %arg10[%get3A_130] {strides = array<i32>} : memref<272xf32, #tpu.memory_space<vmem>>, vector<16xf32>,
      %add3A_132 = arith.constant 9.99999996E-13 : f32
      %add3A_133 = vector.broadcast %add3A_132 : f32 to vector<16xf32>
      %add3A_134 = arith.addf %gather3A_129, %add3A_133 : vector<16xf32>
      %div3A_135 = arith.divf %get3A_131, %add3A_134 : vector<16xf32>
      %swap3A_136 = arith.constant 128 : index
      %swap3A_137 = tpu.vector_load %arg10[%swap3A_136] {strides = array<i32>} : memref<272xf32, #tpu.memory_space<vmem>>, vector<16xf32>,
      tpu.vector_store %arg10[%swap3A_136], %div3A_135 {strides = array<i32>} : memref<272xf32, #tpu.memory_space<vmem>>, vector<16xf32>,
      %add3A_138 = arith.addi %get3A_128, %broadcast_in_dim3A : vector<16xi32>
      %swap3A_139 = arith.constant 128 : index
      %swap3A_140 = tpu.vector_load %arg8[%swap3A_139] {strides = array<i32>} : memref<272xi32, #tpu.memory_space<vmem>>, vector<16xi32>,
      tpu.vector_store %arg8[%swap3A_139], %add3A_138 {strides = array<i32>} : memref<272xi32, #tpu.memory_space<vmem>>, vector<16xi32>,
      %get3A_141 = arith.constant 144 : index
      %get3A_142 = tpu.vector_load %arg8[%get3A_141] {strides = array<i32>} : memref<272xi32, #tpu.memory_space<vmem>>, vector<16xi32>,
      %gather3A_143 = tpu.vector_load_idx %arg6[%get3A_142] : memref<2048xf32, #tpu.memory_space<vmem>>[vector<16xi32>], vector<16xf32>,
      %get3A_144 = arith.constant 144 : index
      %get3A_145 = tpu.vector_load %arg10[%get3A_144] {strides = array<i32>} : memref<272xf32, #tpu.memory_space<vmem>>, vector<16xf32>,
      %add3A_146 = arith.constant 9.99999996E-13 : f32
      %add3A_147 = vector.broadcast %add3A_146 : f32 to vector<16xf32>
      %add3A_148 = arith.addf %gather3A_143, %add3A_147 : vector<16xf32>
      %div3A_149 = arith.divf %get3A_145, %add3A_148 : vector<16xf32>
      %swap3A_150 = arith.constant 144 : index
      %swap3A_151 = tpu.vector_load %arg10[%swap3A_150] {strides = array<i32>} : memref<272xf32, #tpu.memory_space<vmem>>, vector<16xf32>,
      tpu.vector_store %arg10[%swap3A_150], %div3A_149 {strides = array<i32>} : memref<272xf32, #tpu.memory_space<vmem>>, vector<16xf32>,
      %add3A_152 = arith.addi %get3A_142, %broadcast_in_dim3A : vector<16xi32>
      %swap3A_153 = arith.constant 144 : index
      %swap3A_154 = tpu.vector_load %arg8[%swap3A_153] {strides = array<i32>} : memref<272xi32, #tpu.memory_space<vmem>>, vector<16xi32>,
      tpu.vector_store %arg8[%swap3A_153], %add3A_152 {strides = array<i32>} : memref<272xi32, #tpu.memory_space<vmem>>, vector<16xi32>,
      %get3A_155 = arith.constant 160 : index
      %get3A_156 = tpu.vector_load %arg8[%get3A_155] {strides = array<i32>} : memref<272xi32, #tpu.memory_space<vmem>>, vector<16xi32>,
      %gather3A_157 = tpu.vector_load_idx %arg6[%get3A_156] : memref<2048xf32, #tpu.memory_space<vmem>>[vector<16xi32>], vector<16xf32>,
      %get3A_158 = arith.constant 160 : index
      %get3A_159 = tpu.vector_load %arg10[%get3A_158] {strides = array<i32>} : memref<272xf32, #tpu.memory_space<vmem>>, vector<16xf32>,
      %add3A_160 = arith.constant 9.99999996E-13 : f32
      %add3A_161 = vector.broadcast %add3A_160 : f32 to vector<16xf32>
      %add3A_162 = arith.addf %gather3A_157, %add3A_161 : vector<16xf32>
      %div3A_163 = arith.divf %get3A_159, %add3A_162 : vector<16xf32>
      %swap3A_164 = arith.constant 160 : index
      %swap3A_165 = tpu.vector_load %arg10[%swap3A_164] {strides = array<i32>} : memref<272xf32, #tpu.memory_space<vmem>>, vector<16xf32>,
      tpu.vector_store %arg10[%swap3A_164], %div3A_163 {strides = array<i32>} : memref<272xf32, #tpu.memory_space<vmem>>, vector<16xf32>,
      %add3A_166 = arith.addi %get3A_156, %broadcast_in_dim3A : vector<16xi32>
      %swap3A_167 = arith.constant 160 : index
      %swap3A_168 = tpu.vector_load %arg8[%swap3A_167] {strides = array<i32>} : memref<272xi32, #tpu.memory_space<vmem>>, vector<16xi32>,
      tpu.vector_store %arg8[%swap3A_167], %add3A_166 {strides = array<i32>} : memref<272xi32, #tpu.memory_space<vmem>>, vector<16xi32>,
      %get3A_169 = arith.constant 176 : index
      %get3A_170 = tpu.vector_load %arg8[%get3A_169] {strides = array<i32>} : memref<272xi32, #tpu.memory_space<vmem>>, vector<16xi32>,
      %gather3A_171 = tpu.vector_load_idx %arg6[%get3A_170] : memref<2048xf32, #tpu.memory_space<vmem>>[vector<16xi32>], vector<16xf32>,
      %get3A_172 = arith.constant 176 : index
      %get3A_173 = tpu.vector_load %arg10[%get3A_172] {strides = array<i32>} : memref<272xf32, #tpu.memory_space<vmem>>, vector<16xf32>,
      %add3A_174 = arith.constant 9.99999996E-13 : f32
      %add3A_175 = vector.broadcast %add3A_174 : f32 to vector<16xf32>
      %add3A_176 = arith.addf %gather3A_171, %add3A_175 : vector<16xf32>
      %div3A_177 = arith.divf %get3A_173, %add3A_176 : vector<16xf32>
      %swap3A_178 = arith.constant 176 : index
      %swap3A_179 = tpu.vector_load %arg10[%swap3A_178] {strides = array<i32>} : memref<272xf32, #tpu.memory_space<vmem>>, vector<16xf32>,
      tpu.vector_store %arg10[%swap3A_178], %div3A_177 {strides = array<i32>} : memref<272xf32, #tpu.memory_space<vmem>>, vector<16xf32>,
      %add3A_180 = arith.addi %get3A_170, %broadcast_in_dim3A : vector<16xi32>
      %swap3A_181 = arith.constant 176 : index
      %swap3A_182 = tpu.vector_load %arg8[%swap3A_181] {strides = array<i32>} : memref<272xi32, #tpu.memory_space<vmem>>, vector<16xi32>,
      tpu.vector_store %arg8[%swap3A_181], %add3A_180 {strides = array<i32>} : memref<272xi32, #tpu.memory_space<vmem>>, vector<16xi32>,
      %get3A_183 = arith.constant 192 : index
      %get3A_184 = tpu.vector_load %arg8[%get3A_183] {strides = array<i32>} : memref<272xi32, #tpu.memory_space<vmem>>, vector<16xi32>,
      %gather3A_185 = tpu.vector_load_idx %arg6[%get3A_184] : memref<2048xf32, #tpu.memory_space<vmem>>[vector<16xi32>], vector<16xf32>,
      %get3A_186 = arith.constant 192 : index
      %get3A_187 = tpu.vector_load %arg10[%get3A_186] {strides = array<i32>} : memref<272xf32, #tpu.memory_space<vmem>>, vector<16xf32>,
      %add3A_188 = arith.constant 9.99999996E-13 : f32
      %add3A_189 = vector.broadcast %add3A_188 : f32 to vector<16xf32>
      %add3A_190 = arith.addf %gather3A_185, %add3A_189 : vector<16xf32>
      %div3A_191 = arith.divf %get3A_187, %add3A_190 : vector<16xf32>
      %swap3A_192 = arith.constant 192 : index
      %swap3A_193 = tpu.vector_load %arg10[%swap3A_192] {strides = array<i32>} : memref<272xf32, #tpu.memory_space<vmem>>, vector<16xf32>,
      tpu.vector_store %arg10[%swap3A_192], %div3A_191 {strides = array<i32>} : memref<272xf32, #tpu.memory_space<vmem>>, vector<16xf32>,
      %add3A_194 = arith.addi %get3A_184, %broadcast_in_dim3A : vector<16xi32>
      %swap3A_195 = arith.constant 192 : index
      %swap3A_196 = tpu.vector_load %arg8[%swap3A_195] {strides = array<i32>} : memref<272xi32, #tpu.memory_space<vmem>>, vector<16xi32>,
      tpu.vector_store %arg8[%swap3A_195], %add3A_194 {strides = array<i32>} : memref<272xi32, #tpu.memory_space<vmem>>, vector<16xi32>,
      %get3A_197 = arith.constant 208 : index
      %get3A_198 = tpu.vector_load %arg8[%get3A_197] {strides = array<i32>} : memref<272xi32, #tpu.memory_space<vmem>>, vector<16xi32>,
      %gather3A_199 = tpu.vector_load_idx %arg6[%get3A_198] : memref<2048xf32, #tpu.memory_space<vmem>>[vector<16xi32>], vector<16xf32>,
      %get3A_200 = arith.constant 208 : index
      %get3A_201 = tpu.vector_load %arg10[%get3A_200] {strides = array<i32>} : memref<272xf32, #tpu.memory_space<vmem>>, vector<16xf32>,
      %add3A_202 = arith.constant 9.99999996E-13 : f32
      %add3A_203 = vector.broadcast %add3A_202 : f32 to vector<16xf32>
      %add3A_204 = arith.addf %gather3A_199, %add3A_203 : vector<16xf32>
      %div3A_205 = arith.divf %get3A_201, %add3A_204 : vector<16xf32>
      %swap3A_206 = arith.constant 208 : index
      %swap3A_207 = tpu.vector_load %arg10[%swap3A_206] {strides = array<i32>} : memref<272xf32, #tpu.memory_space<vmem>>, vector<16xf32>,
      tpu.vector_store %arg10[%swap3A_206], %div3A_205 {strides = array<i32>} : memref<272xf32, #tpu.memory_space<vmem>>, vector<16xf32>,
      %add3A_208 = arith.addi %get3A_198, %broadcast_in_dim3A : vector<16xi32>
      %swap3A_209 = arith.constant 208 : index
      %swap3A_210 = tpu.vector_load %arg8[%swap3A_209] {strides = array<i32>} : memref<272xi32, #tpu.memory_space<vmem>>, vector<16xi32>,
      tpu.vector_store %arg8[%swap3A_209], %add3A_208 {strides = array<i32>} : memref<272xi32, #tpu.memory_space<vmem>>, vector<16xi32>,
      %get3A_211 = arith.constant 224 : index
      %get3A_212 = tpu.vector_load %arg8[%get3A_211] {strides = array<i32>} : memref<272xi32, #tpu.memory_space<vmem>>, vector<16xi32>,
      %gather3A_213 = tpu.vector_load_idx %arg6[%get3A_212] : memref<2048xf32, #tpu.memory_space<vmem>>[vector<16xi32>], vector<16xf32>,
      %get3A_214 = arith.constant 224 : index
      %get3A_215 = tpu.vector_load %arg10[%get3A_214] {strides = array<i32>} : memref<272xf32, #tpu.memory_space<vmem>>, vector<16xf32>,
      %add3A_216 = arith.constant 9.99999996E-13 : f32
      %add3A_217 = vector.broadcast %add3A_216 : f32 to vector<16xf32>
      %add3A_218 = arith.addf %gather3A_213, %add3A_217 : vector<16xf32>
      %div3A_219 = arith.divf %get3A_215, %add3A_218 : vector<16xf32>
      %swap3A_220 = arith.constant 224 : index
      %swap3A_221 = tpu.vector_load %arg10[%swap3A_220] {strides = array<i32>} : memref<272xf32, #tpu.memory_space<vmem>>, vector<16xf32>,
      tpu.vector_store %arg10[%swap3A_220], %div3A_219 {strides = array<i32>} : memref<272xf32, #tpu.memory_space<vmem>>, vector<16xf32>,
      %add3A_222 = arith.addi %get3A_212, %broadcast_in_dim3A : vector<16xi32>
      %swap3A_223 = arith.constant 224 : index
      %swap3A_224 = tpu.vector_load %arg8[%swap3A_223] {strides = array<i32>} : memref<272xi32, #tpu.memory_space<vmem>>, vector<16xi32>,
      tpu.vector_store %arg8[%swap3A_223], %add3A_222 {strides = array<i32>} : memref<272xi32, #tpu.memory_space<vmem>>, vector<16xi32>,
      %get3A_225 = arith.constant 240 : index
      %get3A_226 = tpu.vector_load %arg8[%get3A_225] {strides = array<i32>} : memref<272xi32, #tpu.memory_space<vmem>>, vector<16xi32>,
      %gather3A_227 = tpu.vector_load_idx %arg6[%get3A_226] : memref<2048xf32, #tpu.memory_space<vmem>>[vector<16xi32>], vector<16xf32>,
      %get3A_228 = arith.constant 240 : index
      %get3A_229 = tpu.vector_load %arg10[%get3A_228] {strides = array<i32>} : memref<272xf32, #tpu.memory_space<vmem>>, vector<16xf32>,
      %add3A_230 = arith.constant 9.99999996E-13 : f32
      %add3A_231 = vector.broadcast %add3A_230 : f32 to vector<16xf32>
      %add3A_232 = arith.addf %gather3A_227, %add3A_231 : vector<16xf32>
      %div3A_233 = arith.divf %get3A_229, %add3A_232 : vector<16xf32>
      %swap3A_234 = arith.constant 240 : index
      %swap3A_235 = tpu.vector_load %arg10[%swap3A_234] {strides = array<i32>} : memref<272xf32, #tpu.memory_space<vmem>>, vector<16xf32>,
      tpu.vector_store %arg10[%swap3A_234], %div3A_233 {strides = array<i32>} : memref<272xf32, #tpu.memory_space<vmem>>, vector<16xf32>,
      %add3A_236 = arith.addi %get3A_226, %broadcast_in_dim3A : vector<16xi32>
      %swap3A_237 = arith.constant 240 : index
      %swap3A_238 = tpu.vector_load %arg8[%swap3A_237] {strides = array<i32>} : memref<272xi32, #tpu.memory_space<vmem>>, vector<16xi32>,
      tpu.vector_store %arg8[%swap3A_237], %add3A_236 {strides = array<i32>} : memref<272xi32, #tpu.memory_space<vmem>>, vector<16xi32>,
      %mul3A_239 = arith.constant 256 : i32
      %mul3A_240 = arith.muli %add3A, %mul3A_239 : i32
      "tpu.region"() ({
        %run_scoped3A = tpu.sem_alloc : memref<!tpu.dma_semaphore, #tpu.memory_space<semaphore_mem>>
        %dma_start3A = arith.constant 0 : i32
        %dma_start3A_243 = tpu.memref_slice %arg8[%dma_start3A] : memref<272xi32, #tpu.memory_space<vmem>> -> memref<256xi32, #tpu.memory_space<vmem>>
        %dma_start3A_244 = tpu.memref_slice %arg4[%mul3A_240] : memref<4096xi32, #tpu.memory_space<hbm>> -> memref<256xi32, #tpu.memory_space<hbm>>
        %dma_start3A_245 = tpu.memref_slice %arg4[%mul3A_240] : memref<4096xi32, #tpu.memory_space<hbm>> -> memref<256xi32, #tpu.memory_space<hbm>>
        %dma_start3A_246 = arith.constant 0 : i32
        %dma_start3A_247 = tpu.memref_slice %arg8[%dma_start3A_246] : memref<272xi32, #tpu.memory_space<vmem>> -> memref<256xi32, #tpu.memory_space<vmem>>
        tpu.enqueue_dma source(%dma_start3A_247 : memref<256xi32, #tpu.memory_space<vmem>>) target(%dma_start3A_245 : memref<256xi32, #tpu.memory_space<hbm>>) target_semaphore(%run_scoped3A : memref<!tpu.dma_semaphore, #tpu.memory_space<semaphore_mem>>)
        %dma_wait3A = arith.constant 0 : i32
        %dma_wait3A_248 = tpu.memref_slice %arg8[%dma_wait3A] : memref<272xi32, #tpu.memory_space<vmem>> -> memref<256xi32, #tpu.memory_space<vmem>>
        %dma_wait3A_249 = tpu.memref_slice %arg4[%mul3A_240] : memref<4096xi32, #tpu.memory_space<hbm>> -> memref<256xi32, #tpu.memory_space<hbm>>
        %dma_wait3A_250 = tpu.memref_slice %arg4[%mul3A_240] : memref<4096xi32, #tpu.memory_space<hbm>> -> memref<256xi32, #tpu.memory_space<hbm>>
        %dma_wait3A_251 = arith.constant 0 : i32
        %dma_wait3A_252 = tpu.memref_slice %arg8[%dma_wait3A_251] : memref<272xi32, #tpu.memory_space<vmem>> -> memref<256xi32, #tpu.memory_space<vmem>>
        tpu.wait_dma2 semaphore(%run_scoped3A : memref<!tpu.dma_semaphore, #tpu.memory_space<semaphore_mem>>) src(%dma_wait3A_252 : memref<256xi32, #tpu.memory_space<vmem>>) dst(%dma_wait3A_250 : memref<256xi32, #tpu.memory_space<hbm>>)
        tpu.yield
      }) : () -> ()
      %mul3A_241 = arith.constant 256 : i32
      %mul3A_242 = arith.muli %add3A, %mul3A_241 : i32
      "tpu.region"() ({
        %run_scoped3A = tpu.sem_alloc : memref<!tpu.dma_semaphore, #tpu.memory_space<semaphore_mem>>
        %dma_start3A = arith.constant 0 : i32
        %dma_start3A_243 = tpu.memref_slice %arg10[%dma_start3A] : memref<272xf32, #tpu.memory_space<vmem>> -> memref<256xf32, #tpu.memory_space<vmem>>
        %dma_start3A_244 = tpu.memref_slice %arg5[%mul3A_242] : memref<4096xf32, #tpu.memory_space<hbm>> -> memref<256xf32, #tpu.memory_space<hbm>>
        %dma_start3A_245 = tpu.memref_slice %arg5[%mul3A_242] : memref<4096xf32, #tpu.memory_space<hbm>> -> memref<256xf32, #tpu.memory_space<hbm>>
        %dma_start3A_246 = arith.constant 0 : i32
        %dma_start3A_247 = tpu.memref_slice %arg10[%dma_start3A_246] : memref<272xf32, #tpu.memory_space<vmem>> -> memref<256xf32, #tpu.memory_space<vmem>>
        tpu.enqueue_dma source(%dma_start3A_247 : memref<256xf32, #tpu.memory_space<vmem>>) target(%dma_start3A_245 : memref<256xf32, #tpu.memory_space<hbm>>) target_semaphore(%run_scoped3A : memref<!tpu.dma_semaphore, #tpu.memory_space<semaphore_mem>>)
        %dma_wait3A = arith.constant 0 : i32
        %dma_wait3A_248 = tpu.memref_slice %arg10[%dma_wait3A] : memref<272xf32, #tpu.memory_space<vmem>> -> memref<256xf32, #tpu.memory_space<vmem>>
        %dma_wait3A_249 = tpu.memref_slice %arg5[%mul3A_242] : memref<4096xf32, #tpu.memory_space<hbm>> -> memref<256xf32, #tpu.memory_space<hbm>>
        %dma_wait3A_250 = tpu.memref_slice %arg5[%mul3A_242] : memref<4096xf32, #tpu.memory_space<hbm>> -> memref<256xf32, #tpu.memory_space<hbm>>
        %dma_wait3A_251 = arith.constant 0 : i32
        %dma_wait3A_252 = tpu.memref_slice %arg10[%dma_wait3A_251] : memref<272xf32, #tpu.memory_space<vmem>> -> memref<256xf32, #tpu.memory_space<vmem>>
        tpu.wait_dma2 semaphore(%run_scoped3A : memref<!tpu.dma_semaphore, #tpu.memory_space<semaphore_mem>>) src(%dma_wait3A_252 : memref<256xf32, #tpu.memory_space<vmem>>) dst(%dma_wait3A_250 : memref<256xf32, #tpu.memory_space<hbm>>)
        tpu.yield
      }) : () -> ()
    } else {
    }
    return
  }
}

module attributes {stable_mosaic.version = 14 : i64} {
  func.func @_thresh_body(%arg0: memref<16x2048xf32, #tpu.memory_space<vmem>>, %arg1: memref<16x16xi32, #tpu.memory_space<vmem>>) attributes {dimension_semantics = [], scalar_prefetch = 0 : i64, scratch_operands = 0 : i64, tpu.core_type = #tpu.core_type<tc>} {
    %get3A = arith.constant 0 : index
    %get3A_0 = arith.constant 0 : index
    %get3A_1 = vector.load %arg0[%get3A, %get3A_0] : memref<16x2048xf32, #tpu.memory_space<vmem>>, vector<16x2048xf32>
    %bitcast3A = tpu.bitcast %get3A_1 : vector<16x2048xf32> -> vector<16x2048xi32>
    %broadcast_in_dim3A = arith.constant 0 : i32
    %broadcast_in_dim3A_2 = vector.broadcast %broadcast_in_dim3A : i32 to vector<16x1xi32>
    %broadcast_in_dim3A_3 = arith.constant 1065353217 : i32
    %broadcast_in_dim3A_4 = vector.broadcast %broadcast_in_dim3A_3 : i32 to vector<16x1xi32>
    %scan3A = arith.constant 0 : i32
    %scan3A_5 = arith.constant 31 : i32
    %scan3A_6 = arith.addi %scan3A, %scan3A_5 : i32
    %scan3A_7 = arith.constant 1 : i32
    %scan3A_8:2 = scf.for %scan3A_13 = %scan3A to %scan3A_6 step %scan3A_7 iter_args(%scan3A_14 = %broadcast_in_dim3A_2, %scan3A_15 = %broadcast_in_dim3A_4) -> (vector<16x1xi32>, vector<16x1xi32>)  : i32 {
      %add3A = arith.addi %scan3A_14, %scan3A_15 : vector<16x1xi32>
      %jit3A = arith.constant 2 : i32
      %div3A = vector.broadcast %jit3A : i32 to vector<16x1xi32>
      %div3A_16 = arith.divsi %add3A, %div3A : vector<16x1xi32>
      %sign3A = arith.constant 0 : i32
      %sign3A_17 = vector.broadcast %sign3A : i32 to vector<16x1xi32>
      %sign3A_18 = arith.cmpi sgt, %add3A, %sign3A_17 : vector<16x1xi32>
      %sign3A_19 = arith.extui %sign3A_18 : vector<16x1xi1> to vector<16x1xi32>
      %sign3A_20 = arith.constant 0 : i32
      %sign3A_21 = vector.broadcast %sign3A_20 : i32 to vector<16x1xi32>
      %sign3A_22 = arith.cmpi slt, %add3A, %sign3A_21 : vector<16x1xi32>
      %sign3A_23 = arith.extui %sign3A_22 : vector<16x1xi1> to vector<16x1xi32>
      %sign3A_24 = arith.subi %sign3A_19, %sign3A_23 : vector<16x1xi32>
      %sign3A_25 = arith.constant 0 : i32
      %sign3A_26 = arith.cmpi sgt, %jit3A, %sign3A_25 : i32
      %sign3A_27 = arith.extui %sign3A_26 : i1 to i32
      %sign3A_28 = arith.constant 0 : i32
      %sign3A_29 = arith.cmpi slt, %jit3A, %sign3A_28 : i32
      %sign3A_30 = arith.extui %sign3A_29 : i1 to i32
      %sign3A_31 = arith.subi %sign3A_27, %sign3A_30 : i32
      %ne3A = vector.broadcast %sign3A_31 : i32 to vector<16x1xi32>
      %ne3A_32 = arith.cmpi ne, %sign3A_24, %ne3A : vector<16x1xi32>
      %rem3A = vector.broadcast %jit3A : i32 to vector<16x1xi32>
      %rem3A_33 = arith.remsi %add3A, %rem3A : vector<16x1xi32>
      %ne3A_34 = arith.constant 0 : i32
      %ne3A_35 = vector.broadcast %ne3A_34 : i32 to vector<16x1xi32>
      %ne3A_36 = arith.cmpi ne, %rem3A_33, %ne3A_35 : vector<16x1xi32>
      %and3A = arith.andi %ne3A_32, %ne3A_36 : vector<16x1xi1>
      %sub3A = arith.constant 1 : i32
      %sub3A_37 = vector.broadcast %sub3A : i32 to vector<16x1xi32>
      %sub3A_38 = arith.subi %div3A_16, %sub3A_37 : vector<16x1xi32>
      %select_n3A = arith.select %and3A, %sub3A_38, %div3A_16 : vector<16x1xi1>, vector<16x1xi32>
      %ge3A = vector.broadcast %select_n3A : vector<16x1xi32> to vector<16x2048xi32>
      %ge3A_39 = arith.cmpi sge, %bitcast3A, %ge3A : vector<16x2048xi32>
      %convert_element_type3A = arith.extui %ge3A_39 : vector<16x2048xi1> to vector<16x2048xi32>
      %reduce_sum3A = arith.constant dense<0> : vector<16xi32>
      %reduce_sum3A_40 = vector.multi_reduction <add>, %convert_element_type3A, %reduce_sum3A [1] : vector<16x2048xi32> to vector<16xi32>
      %broadcast_in_dim3A_41 = vector.shape_cast %reduce_sum3A_40 : vector<16xi32> to vector<16x1xi32>
      %ge3A_42 = arith.constant 256 : i32
      %ge3A_43 = vector.broadcast %ge3A_42 : i32 to vector<16x1xi32>
      %ge3A_44 = arith.cmpi sge, %broadcast_in_dim3A_41, %ge3A_43 : vector<16x1xi32>
      %select_n3A_45 = arith.select %ge3A_44, %select_n3A, %scan3A_14 : vector<16x1xi1>, vector<16x1xi32>
      %select_n3A_46 = arith.select %ge3A_44, %scan3A_15, %select_n3A : vector<16x1xi1>, vector<16x1xi32>
      scf.yield %select_n3A_45, %select_n3A_46 : vector<16x1xi32>, vector<16x1xi32>
    }
    %broadcast_in_dim3A_9 = vector.shape_cast %scan3A_8#0 : vector<16x1xi32> to vector<16x1xi32>
    %broadcast_in_dim3A_10 = vector.broadcast %broadcast_in_dim3A_9 : vector<16x1xi32> to vector<16x16xi32>
    %swap3A = arith.constant 0 : index
    %swap3A_11 = arith.constant 0 : index
    %swap3A_12 = vector.load %arg1[%swap3A, %swap3A_11] : memref<16x16xi32, #tpu.memory_space<vmem>>, vector<16x16xi32>
    tpu.vector_store %arg1[%swap3A, %swap3A_11], %broadcast_in_dim3A_10 {strides = array<i32>} : memref<16x16xi32, #tpu.memory_space<vmem>>, vector<16x16xi32>,
    return
  }
}

module attributes {stable_mosaic.version = 14 : i64} {
  func.func @_experts_body(%arg0: i32, %arg1: i32, %arg2: memref<1x512x2048xf32, #tpu.memory_space<vmem>>, %arg3: memref<1x512x1xf32, #tpu.memory_space<vmem>>, %arg4: memref<1x2048x512xf32, #tpu.memory_space<vmem>>, %arg5: memref<1x2048x512xf32, #tpu.memory_space<vmem>>, %arg6: memref<1x512x2048xf32, #tpu.memory_space<vmem>>, %arg7: memref<1x512x2048xf32, #tpu.memory_space<vmem>>) attributes {dimension_semantics = [#tpu.dimension_semantics<arbitrary>, #tpu.dimension_semantics<arbitrary>], iteration_bounds = array<i64: 8, 2>, scalar_prefetch = 0 : i64, scratch_operands = 0 : i64, tpu.core_type = #tpu.core_type<tc>, window_params = [{transform_indices = @transform_0, window_bounds = array<i64: 1, 512, 2048>}, {transform_indices = @transform_1, window_bounds = array<i64: 1, 512, 1>}, {transform_indices = @transform_2, window_bounds = array<i64: 1, 2048, 512>}, {transform_indices = @transform_3, window_bounds = array<i64: 1, 2048, 512>}, {transform_indices = @transform_4, window_bounds = array<i64: 1, 512, 2048>}, {transform_indices = @transform_5, window_bounds = array<i64: 1, 512, 2048>}]} {
    %get3A = arith.constant 0 : index
    %get3A_0 = arith.constant 0 : index
    %get3A_1 = arith.constant 0 : index
    %get3A_2 = vector.load %arg2[%get3A, %get3A_0, %get3A_1] : memref<1x512x2048xf32, #tpu.memory_space<vmem>>, vector<1x512x2048xf32>
    %get3A_3 = vector.shape_cast %get3A_2 : vector<1x512x2048xf32> to vector<512x2048xf32>
    %convert_element_type3A = arith.truncf %get3A_3 : vector<512x2048xf32> to vector<512x2048xbf16>
    %get3A_4 = arith.constant 0 : index
    %get3A_5 = arith.constant 0 : index
    %get3A_6 = arith.constant 0 : index
    %get3A_7 = vector.load %arg4[%get3A_4, %get3A_5, %get3A_6] : memref<1x2048x512xf32, #tpu.memory_space<vmem>>, vector<1x2048x512xf32>
    %get3A_8 = vector.shape_cast %get3A_7 : vector<1x2048x512xf32> to vector<2048x512xf32>
    %convert_element_type3A_9 = arith.truncf %get3A_8 : vector<2048x512xf32> to vector<2048x512xbf16>
    %dot_general3A = arith.constant dense<0.000000e+00> : vector<512x512xf32>
    %dot_general3A_10 = tpu.matmul %convert_element_type3A, %convert_element_type3A_9, %dot_general3A {dimension_numbers = #tpu.dot_dimension_numbers<[1], [0], [0], [1], [0, 0, 1, 1], [], []>, transpose_lhs_hint = false} : vector<512x2048xbf16>, vector<2048x512xbf16>, vector<512x512xf32> -> vector<512x512xf32>
    %get3A_11 = arith.constant 0 : index
    %get3A_12 = arith.constant 0 : index
    %get3A_13 = arith.constant 0 : index
    %get3A_14 = vector.load %arg5[%get3A_11, %get3A_12, %get3A_13] : memref<1x2048x512xf32, #tpu.memory_space<vmem>>, vector<1x2048x512xf32>
    %get3A_15 = vector.shape_cast %get3A_14 : vector<1x2048x512xf32> to vector<2048x512xf32>
    %convert_element_type3A_16 = arith.truncf %get3A_15 : vector<2048x512xf32> to vector<2048x512xbf16>
    %dot_general3A_17 = arith.constant dense<0.000000e+00> : vector<512x512xf32>
    %dot_general3A_18 = tpu.matmul %convert_element_type3A, %convert_element_type3A_16, %dot_general3A_17 {dimension_numbers = #tpu.dot_dimension_numbers<[1], [0], [0], [1], [0, 0, 1, 1], [], []>, transpose_lhs_hint = false} : vector<512x2048xbf16>, vector<2048x512xbf16>, vector<512x512xf32> -> vector<512x512xf32>
    %logistic3A = arith.negf %dot_general3A_10 : vector<512x512xf32>
    %logistic3A_19 = math.exp %logistic3A : vector<512x512xf32>
    %logistic3A_20 = arith.constant 1.000000e+00 : f32
    %logistic3A_21 = vector.broadcast %logistic3A_20 : f32 to vector<512x512xf32>
    %logistic3A_22 = arith.addf %logistic3A_21, %logistic3A_19 : vector<512x512xf32>
    %logistic3A_23 = arith.divf %logistic3A_21, %logistic3A_22 : vector<512x512xf32>
    %mul3A = arith.mulf %dot_general3A_10, %logistic3A_23 : vector<512x512xf32>
    %mul3A_24 = arith.mulf %mul3A, %dot_general3A_18 : vector<512x512xf32>
    %convert_element_type3A_25 = arith.truncf %mul3A_24 : vector<512x512xf32> to vector<512x512xbf16>
    %get3A_26 = arith.constant 0 : index
    %get3A_27 = arith.constant 0 : index
    %get3A_28 = arith.constant 0 : index
    %get3A_29 = vector.load %arg6[%get3A_26, %get3A_27, %get3A_28] : memref<1x512x2048xf32, #tpu.memory_space<vmem>>, vector<1x512x2048xf32>
    %get3A_30 = vector.shape_cast %get3A_29 : vector<1x512x2048xf32> to vector<512x2048xf32>
    %convert_element_type3A_31 = arith.truncf %get3A_30 : vector<512x2048xf32> to vector<512x2048xbf16>
    %dot_general3A_32 = arith.constant dense<0.000000e+00> : vector<512x2048xf32>
    %dot_general3A_33 = tpu.matmul %convert_element_type3A_25, %convert_element_type3A_31, %dot_general3A_32 {dimension_numbers = #tpu.dot_dimension_numbers<[1], [0], [0], [1], [0, 0, 1, 1], [], []>, transpose_lhs_hint = false} : vector<512x512xbf16>, vector<512x2048xbf16>, vector<512x2048xf32> -> vector<512x2048xf32>
    %eq3A = arith.constant 0 : i32
    %eq3A_34 = arith.cmpi eq, %arg1, %eq3A : i32
    %convert_element_type3A_35 = arith.extui %eq3A_34 : i1 to i32
    %cond3A = arith.constant 0 : i32
    %cond3A_36 = arith.cmpi ne, %convert_element_type3A_35, %cond3A : i32
    scf.if %cond3A_36 {
      %swap3A = arith.constant 0 : index
      %swap3A_42 = arith.constant 0 : index
      %swap3A_43 = arith.constant 0 : index
      %swap3A_44 = vector.load %arg7[%swap3A, %swap3A_42, %swap3A_43] : memref<1x512x2048xf32, #tpu.memory_space<vmem>>, vector<1x512x2048xf32>
      %swap3A_45 = vector.shape_cast %swap3A_44 : vector<1x512x2048xf32> to vector<512x2048xf32>
      %swap3A_46 = vector.shape_cast %dot_general3A_33 : vector<512x2048xf32> to vector<1x512x2048xf32>
      tpu.vector_store %arg7[%swap3A, %swap3A_42, %swap3A_43], %swap3A_46 {strides = array<i32>} : memref<1x512x2048xf32, #tpu.memory_space<vmem>>, vector<1x512x2048xf32>,
    } else {
    }
    %eq3A_37 = arith.constant 1 : i32
    %eq3A_38 = arith.cmpi eq, %arg1, %eq3A_37 : i32
    %convert_element_type3A_39 = arith.extui %eq3A_38 : i1 to i32
    %cond3A_40 = arith.constant 0 : i32
    %cond3A_41 = arith.cmpi ne, %convert_element_type3A_39, %cond3A_40 : i32
    scf.if %cond3A_41 {
      %get3A_42 = arith.constant 0 : index
      %get3A_43 = arith.constant 0 : index
      %get3A_44 = arith.constant 0 : index
      %get3A_45 = vector.load %arg7[%get3A_42, %get3A_43, %get3A_44] : memref<1x512x2048xf32, #tpu.memory_space<vmem>>, vector<1x512x2048xf32>
      %get3A_46 = vector.shape_cast %get3A_45 : vector<1x512x2048xf32> to vector<512x2048xf32>
      %add3A = arith.addf %get3A_46, %dot_general3A_33 : vector<512x2048xf32>
      %get3A_47 = arith.constant 0 : index
      %get3A_48 = arith.constant 0 : index
      %get3A_49 = arith.constant 0 : index
      %get3A_50 = vector.load %arg3[%get3A_47, %get3A_48, %get3A_49] : memref<1x512x1xf32, #tpu.memory_space<vmem>>, vector<1x512x1xf32>
      %get3A_51 = vector.shape_cast %get3A_50 : vector<1x512x1xf32> to vector<512x1xf32>
      %mul3A_52 = vector.broadcast %get3A_51 : vector<512x1xf32> to vector<512x2048xf32>
      %mul3A_53 = arith.mulf %add3A, %mul3A_52 : vector<512x2048xf32>
      %swap3A = arith.constant 0 : index
      %swap3A_54 = arith.constant 0 : index
      %swap3A_55 = arith.constant 0 : index
      %swap3A_56 = vector.load %arg7[%swap3A, %swap3A_54, %swap3A_55] : memref<1x512x2048xf32, #tpu.memory_space<vmem>>, vector<1x512x2048xf32>
      %swap3A_57 = vector.shape_cast %swap3A_56 : vector<1x512x2048xf32> to vector<512x2048xf32>
      %swap3A_58 = vector.shape_cast %mul3A_53 : vector<512x2048xf32> to vector<1x512x2048xf32>
      tpu.vector_store %arg7[%swap3A, %swap3A_54, %swap3A_55], %swap3A_58 {strides = array<i32>} : memref<1x512x2048xf32, #tpu.memory_space<vmem>>, vector<1x512x2048xf32>,
    } else {
    }
    return
  }
  func.func @transform_0(%arg0: i32, %arg1: i32) -> (i32, i32, i32) {
    %c0_i32 = arith.constant 0 : i32
    %c0_i32_0 = arith.constant 0 : i32
    %c0_i32_1 = arith.constant 0 : i32
    return %arg0, %c0_i32, %c0_i32_0 : i32, i32, i32
  }
  func.func @transform_1(%arg0: i32, %arg1: i32) -> (i32, i32, i32) {
    %c0_i32 = arith.constant 0 : i32
    %c0_i32_0 = arith.constant 0 : i32
    %c0_i32_1 = arith.constant 0 : i32
    return %arg0, %c0_i32, %c0_i32_0 : i32, i32, i32
  }
  func.func @transform_2(%arg0: i32, %arg1: i32) -> (i32, i32, i32) {
    %c0_i32 = arith.constant 0 : i32
    %c0_i32_0 = arith.constant 0 : i32
    return %arg0, %c0_i32, %arg1 : i32, i32, i32
  }
  func.func @transform_3(%arg0: i32, %arg1: i32) -> (i32, i32, i32) {
    %add3A = arith.constant 2 : i32
    %add3A_0 = arith.addi %arg1, %add3A : i32
    %c0_i32 = arith.constant 0 : i32
    %c0_i32_1 = arith.constant 0 : i32
    return %arg0, %c0_i32, %add3A_0 : i32, i32, i32
  }
  func.func @transform_4(%arg0: i32, %arg1: i32) -> (i32, i32, i32) {
    %c0_i32 = arith.constant 0 : i32
    %c0_i32_0 = arith.constant 0 : i32
    return %arg0, %arg1, %c0_i32 : i32, i32, i32
  }
  func.func @transform_5(%arg0: i32, %arg1: i32) -> (i32, i32, i32) {
    %c0_i32 = arith.constant 0 : i32
    %c0_i32_0 = arith.constant 0 : i32
    %c0_i32_1 = arith.constant 0 : i32
    return %arg0, %c0_i32, %c0_i32_0 : i32, i32, i32
  }
}

module attributes {stable_mosaic.version = 14 : i64} {
  func.func @_router_body(%arg0: i32, %arg1: memref<2x2048xf32, #tpu.memory_space<vmem>>, %arg2: memref<8x2048xf32, #tpu.memory_space<vmem>>, %arg3: memref<8x2048xf32, #tpu.memory_space<vmem>>, %arg4: memref<1024x2048xf32, #tpu.memory_space<vmem>>, %arg5: memref<8x1024xf32, #tpu.memory_space<vmem>>) attributes {dimension_semantics = [#tpu.dimension_semantics<arbitrary>], iteration_bounds = array<i64: 4>, scalar_prefetch = 0 : i64, scratch_operands = 0 : i64, tpu.core_type = #tpu.core_type<tc>, window_params = [{pipeline_mode = #tpu.pipeline_mode<synchronous>, transform_indices = @transform_0, window_bounds = array<i64: 2, 2048>}, {pipeline_mode = #tpu.pipeline_mode<synchronous>, transform_indices = @transform_1, window_bounds = array<i64: 8, 2048>}, {pipeline_mode = #tpu.pipeline_mode<synchronous>, transform_indices = @transform_2, window_bounds = array<i64: 8, 2048>}, {transform_indices = @transform_3, window_bounds = array<i64: 1024, 2048>}, {transform_indices = @transform_4, window_bounds = array<i64: 8, 1024>}]} {
    %get3A = arith.constant 0 : index
    %get3A_0 = arith.constant 0 : index
    %get3A_1 = vector.load %arg2[%get3A, %get3A_0] : memref<8x2048xf32, #tpu.memory_space<vmem>>, vector<8x2048xf32>
    %convert_element_type3A = arith.truncf %get3A_1 : vector<8x2048xf32> to vector<8x2048xbf16>
    %get3A_2 = arith.constant 0 : index
    %get3A_3 = arith.constant 0 : index
    %get3A_4 = vector.load %arg1[%get3A_2, %get3A_3] : memref<2x2048xf32, #tpu.memory_space<vmem>>, vector<2x2048xf32>
    %convert_element_type3A_5 = arith.truncf %get3A_4 : vector<2x2048xf32> to vector<2x2048xbf16>
    %dot_general3A = arith.constant dense<0.000000e+00> : vector<8x2xf32>
    %dot_general3A_6 = tpu.matmul %convert_element_type3A, %convert_element_type3A_5, %dot_general3A {dimension_numbers = #tpu.dot_dimension_numbers<[1], [1], [0], [0], [0, 0, 1, 0], [], []>, transpose_lhs_hint = false} : vector<8x2048xbf16>, vector<2x2048xbf16>, vector<8x2xf32> -> vector<8x2xf32>
    %get3A_7 = arith.constant 0 : index
    %get3A_8 = arith.constant 0 : index
    %get3A_9 = vector.load %arg3[%get3A_7, %get3A_8] : memref<8x2048xf32, #tpu.memory_space<vmem>>, vector<8x2048xf32>
    %convert_element_type3A_10 = arith.truncf %get3A_9 : vector<8x2048xf32> to vector<8x2048xbf16>
    %get3A_11 = arith.constant 0 : index
    %get3A_12 = arith.constant 0 : index
    %get3A_13 = vector.load %arg4[%get3A_11, %get3A_12] : memref<1024x2048xf32, #tpu.memory_space<vmem>>, vector<1024x2048xf32>
    %convert_element_type3A_14 = arith.truncf %get3A_13 : vector<1024x2048xf32> to vector<1024x2048xbf16>
    %dot_general3A_15 = arith.constant dense<0.000000e+00> : vector<8x1024xf32>
    %dot_general3A_16 = tpu.matmul %convert_element_type3A_10, %convert_element_type3A_14, %dot_general3A_15 {dimension_numbers = #tpu.dot_dimension_numbers<[1], [1], [0], [0], [0, 0, 1, 0], [], []>, transpose_lhs_hint = false} : vector<8x2048xbf16>, vector<1024x2048xbf16>, vector<8x1024xf32> -> vector<8x1024xf32>
    %jit3A = arith.constant 2 : i32
    %div3A = arith.divsi %arg0, %jit3A : i32
    %sign3A = arith.constant 0 : i32
    %sign3A_17 = arith.cmpi sgt, %arg0, %sign3A : i32
    %sign3A_18 = arith.extui %sign3A_17 : i1 to i32
    %sign3A_19 = arith.constant 0 : i32
    %sign3A_20 = arith.cmpi slt, %arg0, %sign3A_19 : i32
    %sign3A_21 = arith.extui %sign3A_20 : i1 to i32
    %sign3A_22 = arith.subi %sign3A_18, %sign3A_21 : i32
    %sign3A_23 = arith.constant 0 : i32
    %sign3A_24 = arith.cmpi sgt, %jit3A, %sign3A_23 : i32
    %sign3A_25 = arith.extui %sign3A_24 : i1 to i32
    %sign3A_26 = arith.constant 0 : i32
    %sign3A_27 = arith.cmpi slt, %jit3A, %sign3A_26 : i32
    %sign3A_28 = arith.extui %sign3A_27 : i1 to i32
    %sign3A_29 = arith.subi %sign3A_25, %sign3A_28 : i32
    %ne3A = arith.cmpi ne, %sign3A_22, %sign3A_29 : i32
    %rem3A = arith.remsi %arg0, %jit3A : i32
    %ne3A_30 = arith.constant 0 : i32
    %ne3A_31 = arith.cmpi ne, %rem3A, %ne3A_30 : i32
    %and3A = arith.andi %ne3A, %ne3A_31 : i1
    %sub3A = arith.constant 1 : i32
    %sub3A_32 = arith.subi %div3A, %sub3A : i32
    %select_n3A = arith.select %and3A, %sub3A_32, %div3A : i32
    %eq3A = arith.constant 0 : i32
    %eq3A_33 = arith.cmpi eq, %select_n3A, %eq3A : i32
    %slice3A = vector.extract_strided_slice %dot_general3A_6 {offsets = [0, 0], sizes = [8, 1], strides = [1, 1]} : vector<8x2xf32> to vector<8x1xf32>
    %slice3A_34 = vector.extract_strided_slice %dot_general3A_6 {offsets = [0, 1], sizes = [8, 1], strides = [1, 1]} : vector<8x2xf32> to vector<8x1xf32>
    %select_n3A_35 = arith.select %eq3A_33, %slice3A, %slice3A_34 : vector<8x1xf32>
    %add3A = vector.broadcast %select_n3A_35 : vector<8x1xf32> to vector<8x1024xf32>
    %add3A_36 = arith.addf %dot_general3A_16, %add3A : vector<8x1024xf32>
    %logistic3A = arith.negf %add3A_36 : vector<8x1024xf32>
    %logistic3A_37 = math.exp %logistic3A : vector<8x1024xf32>
    %logistic3A_38 = arith.constant 1.000000e+00 : f32
    %logistic3A_39 = vector.broadcast %logistic3A_38 : f32 to vector<8x1024xf32>
    %logistic3A_40 = arith.addf %logistic3A_39, %logistic3A_37 : vector<8x1024xf32>
    %logistic3A_41 = arith.divf %logistic3A_39, %logistic3A_40 : vector<8x1024xf32>
    %swap3A = arith.constant 0 : index
    %swap3A_42 = arith.constant 0 : index
    %swap3A_43 = vector.load %arg5[%swap3A, %swap3A_42] : memref<8x1024xf32, #tpu.memory_space<vmem>>, vector<8x1024xf32>
    tpu.vector_store %arg5[%swap3A, %swap3A_42], %logistic3A_41 {strides = array<i32>} : memref<8x1024xf32, #tpu.memory_space<vmem>>, vector<8x1024xf32>,
    return
  }
  func.func @transform_0(%arg0: i32) -> (i32, i32) {
    %c0_i32 = arith.constant 0 : i32
    %c0_i32_0 = arith.constant 0 : i32
    %c0_i32_1 = arith.constant 0 : i32
    return %c0_i32, %c0_i32_0 : i32, i32
  }
  func.func @transform_1(%arg0: i32) -> (i32, i32) {
    %c0_i32 = arith.constant 0 : i32
    %c0_i32_0 = arith.constant 0 : i32
    %c0_i32_1 = arith.constant 0 : i32
    return %c0_i32, %c0_i32_0 : i32, i32
  }
  func.func @transform_2(%arg0: i32) -> (i32, i32) {
    %c0_i32 = arith.constant 0 : i32
    %c0_i32_0 = arith.constant 0 : i32
    %c0_i32_1 = arith.constant 0 : i32
    return %c0_i32, %c0_i32_0 : i32, i32
  }
  func.func @transform_3(%arg0: i32) -> (i32, i32) {
    %c0_i32 = arith.constant 0 : i32
    %c0_i32_0 = arith.constant 0 : i32
    return %arg0, %c0_i32 : i32, i32
  }
  func.func @transform_4(%arg0: i32) -> (i32, i32) {
    %c0_i32 = arith.constant 0 : i32
    %c0_i32_0 = arith.constant 0 : i32
    return %c0_i32, %arg0 : i32, i32
  }
}

module attributes {stable_mosaic.version = 14 : i64} {
  func.func @_shared_body(%arg0: i32, %arg1: memref<512x2048xf32, #tpu.memory_space<vmem>>, %arg2: memref<512x2048xf32, #tpu.memory_space<vmem>>, %arg3: memref<1x1024x2048xf32, #tpu.memory_space<vmem>>, %arg4: memref<1x1024x2048xf32, #tpu.memory_space<vmem>>, %arg5: memref<2048x1024xf32, #tpu.memory_space<vmem>>, %arg6: memref<512x2048xf32, #tpu.memory_space<vmem>>) attributes {dimension_semantics = [#tpu.dimension_semantics<arbitrary>], iteration_bounds = array<i64: 8>, scalar_prefetch = 0 : i64, scratch_operands = 0 : i64, tpu.core_type = #tpu.core_type<tc>, window_params = [{transform_indices = @transform_0, window_bounds = array<i64: 512, 2048>}, {transform_indices = @transform_1, window_bounds = array<i64: 512, 2048>}, {transform_indices = @transform_2, window_bounds = array<i64: 1, 1024, 2048>}, {transform_indices = @transform_3, window_bounds = array<i64: 1, 1024, 2048>}, {pipeline_mode = #tpu.pipeline_mode<synchronous>, transform_indices = @transform_4, window_bounds = array<i64: 2048, 1024>}, {transform_indices = @transform_5, window_bounds = array<i64: 512, 2048>}]} {
    %get3A = arith.constant 0 : index
    %get3A_0 = arith.constant 0 : index
    %get3A_1 = vector.load %arg1[%get3A, %get3A_0] : memref<512x2048xf32, #tpu.memory_space<vmem>>, vector<512x2048xf32>
    %convert_element_type3A = arith.truncf %get3A_1 : vector<512x2048xf32> to vector<512x2048xbf16>
    %get3A_2 = arith.constant 0 : index
    %get3A_3 = arith.constant 0 : index
    %get3A_4 = arith.constant 0 : index
    %get3A_5 = vector.load %arg3[%get3A_2, %get3A_3, %get3A_4] : memref<1x1024x2048xf32, #tpu.memory_space<vmem>>, vector<1x1024x2048xf32>
    %get3A_6 = vector.shape_cast %get3A_5 : vector<1x1024x2048xf32> to vector<1024x2048xf32>
    %convert_element_type3A_7 = arith.truncf %get3A_6 : vector<1024x2048xf32> to vector<1024x2048xbf16>
    %dot_general3A = arith.constant dense<0.000000e+00> : vector<512x1024xf32>
    %dot_general3A_8 = tpu.matmul %convert_element_type3A, %convert_element_type3A_7, %dot_general3A {dimension_numbers = #tpu.dot_dimension_numbers<[1], [1], [0], [0], [0, 0, 1, 0], [], []>, transpose_lhs_hint = false} : vector<512x2048xbf16>, vector<1024x2048xbf16>, vector<512x1024xf32> -> vector<512x1024xf32>
    %get3A_9 = arith.constant 0 : index
    %get3A_10 = arith.constant 0 : index
    %get3A_11 = arith.constant 0 : index
    %get3A_12 = vector.load %arg4[%get3A_9, %get3A_10, %get3A_11] : memref<1x1024x2048xf32, #tpu.memory_space<vmem>>, vector<1x1024x2048xf32>
    %get3A_13 = vector.shape_cast %get3A_12 : vector<1x1024x2048xf32> to vector<1024x2048xf32>
    %convert_element_type3A_14 = arith.truncf %get3A_13 : vector<1024x2048xf32> to vector<1024x2048xbf16>
    %dot_general3A_15 = arith.constant dense<0.000000e+00> : vector<512x1024xf32>
    %dot_general3A_16 = tpu.matmul %convert_element_type3A, %convert_element_type3A_14, %dot_general3A_15 {dimension_numbers = #tpu.dot_dimension_numbers<[1], [1], [0], [0], [0, 0, 1, 0], [], []>, transpose_lhs_hint = false} : vector<512x2048xbf16>, vector<1024x2048xbf16>, vector<512x1024xf32> -> vector<512x1024xf32>
    %logistic3A = arith.negf %dot_general3A_16 : vector<512x1024xf32>
    %logistic3A_17 = math.exp %logistic3A : vector<512x1024xf32>
    %logistic3A_18 = arith.constant 1.000000e+00 : f32
    %logistic3A_19 = vector.broadcast %logistic3A_18 : f32 to vector<512x1024xf32>
    %logistic3A_20 = arith.addf %logistic3A_19, %logistic3A_17 : vector<512x1024xf32>
    %logistic3A_21 = arith.divf %logistic3A_19, %logistic3A_20 : vector<512x1024xf32>
    %mul3A = arith.mulf %dot_general3A_16, %logistic3A_21 : vector<512x1024xf32>
    %mul3A_22 = arith.mulf %dot_general3A_8, %mul3A : vector<512x1024xf32>
    %convert_element_type3A_23 = arith.truncf %mul3A_22 : vector<512x1024xf32> to vector<512x1024xbf16>
    %get3A_24 = arith.constant 0 : index
    %get3A_25 = arith.constant 0 : index
    %get3A_26 = vector.load %arg5[%get3A_24, %get3A_25] : memref<2048x1024xf32, #tpu.memory_space<vmem>>, vector<2048x1024xf32>
    %convert_element_type3A_27 = arith.truncf %get3A_26 : vector<2048x1024xf32> to vector<2048x1024xbf16>
    %dot_general3A_28 = arith.constant dense<0.000000e+00> : vector<512x2048xf32>
    %dot_general3A_29 = tpu.matmul %convert_element_type3A_23, %convert_element_type3A_27, %dot_general3A_28 {dimension_numbers = #tpu.dot_dimension_numbers<[1], [1], [0], [0], [0, 0, 1, 0], [], []>, transpose_lhs_hint = false} : vector<512x1024xbf16>, vector<2048x1024xbf16>, vector<512x2048xf32> -> vector<512x2048xf32>
    %get3A_30 = arith.constant 0 : index
    %get3A_31 = arith.constant 0 : index
    %get3A_32 = vector.load %arg2[%get3A_30, %get3A_31] : memref<512x2048xf32, #tpu.memory_space<vmem>>, vector<512x2048xf32>
    %add3A = arith.addf %dot_general3A_29, %get3A_32 : vector<512x2048xf32>
    %swap3A = arith.constant 0 : index
    %swap3A_33 = arith.constant 0 : index
    %swap3A_34 = vector.load %arg6[%swap3A, %swap3A_33] : memref<512x2048xf32, #tpu.memory_space<vmem>>, vector<512x2048xf32>
    tpu.vector_store %arg6[%swap3A, %swap3A_33], %add3A {strides = array<i32>} : memref<512x2048xf32, #tpu.memory_space<vmem>>, vector<512x2048xf32>,
    return
  }
  func.func @transform_0(%arg0: i32) -> (i32, i32) {
    %c0_i32 = arith.constant 0 : i32
    %c0_i32_0 = arith.constant 0 : i32
    return %arg0, %c0_i32 : i32, i32
  }
  func.func @transform_1(%arg0: i32) -> (i32, i32) {
    %c0_i32 = arith.constant 0 : i32
    %c0_i32_0 = arith.constant 0 : i32
    return %arg0, %c0_i32 : i32, i32
  }
  func.func @transform_2(%arg0: i32) -> (i32, i32, i32) {
    %c0_i32 = arith.constant 0 : i32
    %c0_i32_0 = arith.constant 0 : i32
    %c0_i32_1 = arith.constant 0 : i32
    %c0_i32_2 = arith.constant 0 : i32
    return %c0_i32, %c0_i32_0, %c0_i32_1 : i32, i32, i32
  }
  func.func @transform_3(%arg0: i32) -> (i32, i32, i32) {
    %c1_i32 = arith.constant 1 : i32
    %c0_i32 = arith.constant 0 : i32
    %c0_i32_0 = arith.constant 0 : i32
    %c0_i32_1 = arith.constant 0 : i32
    return %c1_i32, %c0_i32, %c0_i32_0 : i32, i32, i32
  }
  func.func @transform_4(%arg0: i32) -> (i32, i32) {
    %c0_i32 = arith.constant 0 : i32
    %c0_i32_0 = arith.constant 0 : i32
    %c0_i32_1 = arith.constant 0 : i32
    return %c0_i32, %c0_i32_0 : i32, i32
  }
  func.func @transform_5(%arg0: i32) -> (i32, i32) {
    %c0_i32 = arith.constant 0 : i32
    %c0_i32_0 = arith.constant 0 : i32
    return %arg0, %c0_i32 : i32, i32
  }
}

</mosaic_0001>

<sc_bundles>
// kernel: kernel.12.cloned.1.call-start
scs
__scs_entry_jumppad:
0x0: {  	(pc) =	sbr.rel $0x88, $3  }
0x1: {  	(tag) =	ssettag $0x0;
	lr =	simm.s32 $0x1  }
0x2: {  	[smem:$0x3F99] =	sst lr;
	_ =	strace $0xD0000000  }
0x3: {  	_ = 	snop  }
0x4: {  	_ = 	snop  }
0x5: {  	_ = 	snop  }
0x6: {  	_ = 	snop  }
0x7: {  	_ = 	snop  }
__scs_overlays_trampoline_lowered:
0x8: {  	[smem:$0x3FA8] =	sst s0  }
0x9: {  	[smem:$0x3FA9] =	sst s1  }
0xa: {  	[smem:$0x3FAA] =	sst s2  }
0xb: {  	[smem:$0x3FAB] =	sst s3  }
0xc: {  	[smem:$0x3FAC] =	sst s4  }
0xd: {  	[smem:$0x3FAD] =	sst s5  }
0xe: {  	[smem:$0x3FAE] =	sst s6  }
0xf: {  	[smem:$0x3FAF] =	sst s7  }
0x10: {  	[smem:$0x3FB0] =	sst s8  }
0x11: {  	[smem:$0x3FB1] =	sst s9;
	s0 =	simm.s32 @!p0 $0x0  }
0x12: {  	s1 =	sld [smem:$0x3F97];
	s0 =	simm.s32 @p0 $0x1  }
0x13: {  	[smem:$0x3FB2] =	sst s0;
	s0 =	simm.s32 @!p1 $0x0  }
0x14: {  	s2 =	sld [smem:$0x3F96];
	s0 =	simm.s32 @p1 $0x1  }
0x15: {  	[smem:$0x3FB3] =	sst s0;
	s0 =	simm.s32 @!p2 $0x0  }
0x16: {  	s3 =	sld [smem:$0x3FDB];
	s0 =	simm.s32 @p2 $0x1  }
0x17: {  	s4 =	simm.s32 $0x1BF5;
	[smem:$0x3FB5] =	sst s0  }
0x18: {  	s0 =	sld [smem:$0x3F98];
	_ =	swait.ge [sflag:s4], $0x0  }
0x19: {  	s7 =	sld [smem:$0x3F99]  }
0x1a: {  	s8 =	sadd.s32 $0xFFFFE003, lr  }
0x1b: {  	s9 =	sadd.s32 $0xFFFFFEF7, lr;
	s5 =	simm.s32 $0xFFFFFFFF;
	p2 =	slt.u32 s8, $0xFFFFF086  }
0x1c: {  	p1 =	slt.u32 s9, $0xF7A;
	s5 =	simm.s32 @!p2 $0x0  }
0x1d: {  	s5 =	simm.s32 @p1 $0x1;
	p0 =	seq.s32 s7, s2  }
0x1e: {  	s7 =	smul.u32 @!p0 $0xF7A, s2;
	p2 =	seq.s32 @!p0 s5, $0x0  }
0x1f: {  	s9 =	smul.u32 $0xF7A, s1;
	s8 =	simm.s32 @!p0 $0x1BF5;
	p2 =	por !p2, p0  }
0x20: {  	[sflag:s8] =	ssyncset.s32 @!p0 $0xFFFFF086;
	s6 =	sadd.s32 @!p0 s3, s7;
	s7 =	simm.s32 @!p0 $0x108  }
0x21: {  	s3 =	sadd.s32 s3, s9;
	s6 =	sadd.s32 @!p0 $0x88, s6;
	s7 =	simm.s32 @p2 $0x1082  }
0x22: {  	[simem:s7], [sflag:s8] =	dma.local @!p0 [hbm:s6], $0xF7A  }
0x23: {  	s9 =	sor.u32 $0xD0000000, s2;
	s6 =	simm.s32 $0x108;
	_ =	swait.ge @!p0 [sflag:s8], $0x0  }
0x24: {  	s3 =	sadd.s32 $0x88, s3;
	s6 =	simm.s32 @!p1 $0x1082;
	[sflag:s4] =	ssyncset.s32 $0xFFFFF086  }
0x25: {  	[simem:s6], [sflag:s4] =	dma.local [hbm:s3], $0xF7A  }
0x26: {  	[smem:$0x3F99] =	sst s1;
	(tag) =	ssettag s2;
	_ =	strace s9  }
0x27: {  	s1 =	sld [smem:$0x3FA9]  }
0x28: {  	s2 =	sld [smem:$0x3FAA]  }
0x29: {  	s4 =	sld [smem:$0x3FAC]  }
0x2a: {  	p0 =	seq.s32 s5, $0x0;
	s5 =	sld [smem:$0x3FAD]  }
0x2b: {  	s6 =	sld [smem:$0x3FAE]  }
0x2c: {  	s7 =	sld [smem:$0x3FAF]  }
0x2d: {  	s3 =	simm.s32 $0x108;
	s8 =	sld [smem:$0x3FB0]  }
0x2e: {  	s3 =	simm.s32 @!p0 $0x1082;
	s9 =	sld [smem:$0x3FB1]  }
0x2f: {  	lr =	sadd.s32 s0, s3;
	s0 =	sld [smem:$0x3FA8]  }
0x30: {  	s3 =	sld [smem:$0x3FAB]  }
0x31: {  	[smem:$0x3FB4] =	sst s10  }
0x32: {  	s10 =	sld [smem:$0x3FB2];
	_ =	sdelay $0x3  }
0x33: {  	p0 =	seq.s32 s10, $0x1;
	s10 =	sld [smem:$0x3FB4];
	_ =	sdelay $0x3  }
0x34: {  	[smem:$0x3FB4] =	sst s10  }
0x35: {  	s10 =	sld [smem:$0x3FB3];
	_ =	sdelay $0x3  }
0x36: {  	p1 =	seq.s32 s10, $0x1;
	s10 =	sld [smem:$0x3FB4];
	_ =	sdelay $0x3  }
0x37: {  	[smem:$0x3FB4] =	sst s10  }
0x38: {  	s10 =	sld [smem:$0x3FB5]  }
0x39: {  	_ = 	snop;
	(pc) =	sbr.ind lr, $3  }
0x3a: {  	_ = 	snop  }
0x3b: {  	_ = 	snop  }
0x3c: {  	p2 =	seq.s32 s10, $0x1;
	s10 =	sld [smem:$0x3FB4]  }
0x3d: {  	_ =	shalt  }
0x3e: {  	_ =	shalt  }
0x3f: {  	_ =	shalt  }
0x40: {  	_ =	shalt  }
0x41: {  	_ =	shalt  }
0x42: {  	_ =	shalt  }
0x43: {  	_ =	shalt  }
0x44: {  	_ =	shalt  }
0x45: {  	_ =	shalt  }
0x46: {  	_ =	shalt  }
0x47: {  	_ =	shalt  }
0x48: {  	_ =	shalt  }
0x49: {  	_ =	shalt  }
0x4a: {  	_ =	shalt  }
0x4b: {  	_ =	shalt  }
0x4c: {  	_ =	shalt  }
0x4d: {  	_ =	shalt  }
0x4e: {  	_ =	shalt  }
0x4f: {  	_ =	shalt  }
0x50: {  	_ =	shalt  }
0x51: {  	_ =	shalt  }
0x52: {  	_ =	shalt  }
0x53: {  	_ =	shalt  }
0x54: {  	_ =	shalt  }
0x55: {  	_ =	shalt  }
0x56: {  	_ =	shalt  }
0x57: {  	_ =	shalt  }
0x58: {  	_ =	shalt  }
0x59: {  	_ =	shalt  }
0x5a: {  	_ =	shalt  }
0x5b: {  	_ =	shalt  }
0x5c: {  	_ =	shalt  }
0x5d: {  	_ =	shalt  }
0x5e: {  	_ =	shalt  }
0x5f: {  	_ =	shalt  }
0x60: {  	_ =	shalt  }
0x61: {  	_ =	shalt  }
0x62: {  	_ =	shalt  }
0x63: {  	_ =	shalt  }
0x64: {  	_ =	shalt  }
0x65: {  	_ =	shalt  }
0x66: {  	_ =	shalt  }
0x67: {  	_ =	shalt  }
0x68: {  	_ =	shalt  }
0x69: {  	_ =	shalt  }
0x6a: {  	_ =	shalt  }
0x6b: {  	_ =	shalt  }
0x6c: {  	_ =	shalt  }
0x6d: {  	_ =	shalt  }
0x6e: {  	_ =	shalt  }
0x6f: {  	_ =	shalt  }
0x70: {  	_ =	shalt  }
0x71: {  	_ =	shalt  }
0x72: {  	_ =	shalt  }
0x73: {  	_ =	shalt  }
0x74: {  	_ =	shalt  }
0x75: {  	_ =	shalt  }
0x76: {  	_ =	shalt  }
0x77: {  	_ =	shalt  }
0x78: {  	_ =	shalt  }
0x79: {  	_ =	shalt  }
0x7a: {  	_ =	shalt  }
0x7b: {  	_ =	shalt  }
0x7c: {  	_ =	shalt  }
0x7d: {  	_ =	shalt  }
0x7e: {  	_ =	shalt  }
0x7f: {  	_ =	shalt  }
0x80: {  	_ =	shalt  }
0x81: {  	_ =	shalt  }
0x82: {  	_ =	shalt  }
0x83: {  	_ =	shalt  }
0x84: {  	_ =	shalt  }
0x85: {  	_ =	shalt  }
0x86: {  	_ =	shalt  }
0x87: {  	_ =	shalt  }
.Lfunc_end0:
.L_simem_size_0:
called_computation.1_lowered:
.L_overlay_start_0:
0x88: {  	s2 =	sld [smem:$0x3FD9]  }
0x89: {  	s3 =	sld [smem:$0x3FFE];
	_ =	sdelay $0x1  }
0x8a: {  	s1 =	srdreg.scid  }
0x8b: {  	s0 =	sand.u32 $0x1, s1  }
0x8c: {  	s17 =	sshll.u32 s0, $0xA;
	s2 =	sadd.s32 s3, s2  }
0x8d: {  	s2 =	sadd.s32 s2, s17  }
0x8e: {  	[smem:$0x3FC0] =	sst s2  }
0x8f: {  	_ = 	snop  }
0x90: {  	s2 =	sld [smem:$0x3FC9]  }
0x91: {  	s18 =	sld [smem:$0x3FD0];
	(tm) =	ssettm $0x1  }
0x92: {  	s4 =	sld [smem:$0x3FFB];
	_ =	sdelay $0x3  }
0x93: {  	_ =	strace s4  }
0x94: {  	s4 =	sld [smem:$0x3FFC];
	_ =	sdelay $0x3  }
0x95: {  	_ =	strace s4  }
0x96: {  	s4 =	sld [smem:$0x3FFD];
	_ =	sdelay $0x3  }
0x97: {  	_ =	strace s4  }
0x98: {  	_ =	strace $0x8FFFFFFF  }
0x99: {  	s19 =	sld [smem:$0x3FDB];
	_ =	sdelay $0x1  }
0x9a: {  	s5 =	simm.s32 $_scs_section_size  }
0x9b: {  	s6 =	simm.s32 $_size__tile_overlayer_lowered;
	s7 =	simm.s32 $_tile_overlayer_lowered  }
0x9c: {  	s22 =	simm.s32 $0x1BFF;
	s21 =	sshll.u32 s7, $0x1;
	s4 =	sadd.s32 s5, s19  }
0x9d: {  	s8 =	simm.s32 $0x0;
	s20 =	sshll.u32 s6, $0x1;
	s6 =	sadd.s32 s21, s4  }
0x9e: {  	[timem:s8], [sflag:s22] =	dma.local [hbm:s6], s20  }
0x9f: {  	_ =	swait.ge [sflag:s22], s20  }
0xa0: {  	s5 =	ssub.s32 $0x0, s20;
	[sflag:s22] =	ssyncset.done $0x0  }
0xa1: {  	[sflag:s22] =	ssyncadd.s32 s5;
	_ =	sdelay $0x1  }
0xa2: {  	s23 =	simm.s32 $0x1B8B  }
0xa3: {  	_ =	swait.ge [sflag:s23], $0x1  }
0xa4: {  	[sflag:s23] =	ssyncset.done $0x0  }
0xa5: {  	s25 =	simm.s32 $0x1B8E;
	s24 =	sld [smem:$0x3FFE];
	[sflag:s23] =	ssyncadd.s32 $0xFFFFFFFF  }
0xa6: {  	s26 =	simm.s32 $execute0_lowered;
	[smem:$0x3FD2] =	sst s25  }
0xa7: {  	s6 =	sshll.u32 s26, $0x1;
	_ =	strace $0x80000049;
	[dreg:$0x1] =	wrdreg $0xFFFFFFFF  }
0xa8: {  	s28 =	simm.s32 $_size_execute0_lowered;
	s4 =	sadd.s32 s4, s6;
	[dreg:$0x0] =	wrdreg $0x0  }
0xa9: {  	s6 =	sshll.u32 s28, $0x1;
	[dreg:$0x2] =	wrdreg s4  }
0xaa: {  	[dreg:$0x3] =	wrdreg s6  }
0xab: {  	[dreg:$0x4] =	wrdreg $0xC0  }
0xac: {  	_ =	task [dreg:s8], $0x5FFFF  }
0xad: {  	[dreg:$0x1] =	wrdreg $0xFFFFFFFF  }
0xae: {  	[dreg:$0x0] =	wrdreg $0x60  }
0xaf: {  	[dreg:$0x2] =	wrdreg s2  }
0xb0: {  	[dreg:$0x3] =	wrdreg s18  }
0xb1: {  	[dreg:$0x4] =	wrdreg s24  }
0xb2: {  	[dreg:$0x5] =	wrdreg $0x9  }
0xb3: {  	_ =	task.clear_ibuf [dreg:s8], $0x6FFFF;
	_ =	strace $0x90000049  }
0xb4: {  	s29 =	simm.s32 $0x9;
	_ =	strace $0x8000004B  }
0xb5: {  	_ =	swait.ge [sflag:s29], $0x1  }
0xb6: {  	[sflag:s29] =	ssyncadd.s32 $0xFFFFFFFF  }
0xb7: {  	_ =	strace $0x9000004B  }
0xb8: {  	_ =	sfence  }
0xb9: {  	s30 =	sld [smem:$0x0];
	_ =	sdelay $0x2  }
0xba: {  	s31 =	sshll.u32 s1, $0xD;
	s1 =	sshrl.u32 s1, $0x2  }
0xbb: {  	s3 =	sand.u32 $0x4000, s31;
	s1 =	sadd.s32 s1, s30  }
0xbc: {  	s0 =	sor.u32 s3, s0;
	s1 =	sshll.u32 s1, $0x11  }
0xbd: {  	s0 =	sor.u32 s1, s0  }
0xbe: {  	s0 =	sadd.s32 $0x8F2B, s0  }
0xbf: {  	[sflag:s0] =	ssyncadd.remote.s32 $0x1  }
0xc0: {  	_ =	sfence.sel $0xFFFF  }
0xc1: {  	[dreg:$0x0] =	wrdreg $0xFFFFFFFF;
	(pc) =	sbr.abs _section_cstart, $3  }
0xc2: {  	[dreg:$0x1] =	wrdreg $0xFFFFFFFF  }
0xc3: {  	_ =	task.clear_ibuf [dreg:s8], $0x2FFFF;
	_ =	strace $0x9FFFFFFF  }
0xc4: {  	(tm) =	ssettm $0x7FFFFFFF  }
0xc5: {  	_ =	shalt  }
tec
execute0_lowered:
.L_overlay_start_1:
0x0: {  	(tag) =	ssettag $0x1  }
0x1: {  	s1 =	rddreg [dreg:$0x0]  }
0x2: {  	s0 =	rddreg [dreg:$0x1];
	s2 =	srdreg.scid  }
0x3: {  	s3 =	stileid.u32;
	s4 =	rddreg [dreg:$0x2]  }
0x4: {  	s12 =	simm.s32 $0x3;
	s13 =	simm.s32 $0x400;
	s30 =	simm.s32 $0x8400  }
0x5: {  	s28 =	simm.s32 $0x2;
	s31 =	simm.s32 $0xC00;
	s14 =	simm.s32 $0x2400  }
0x6: {  	s15 =	simm.s32 $0x2C00;
	s16 =	simm.s32 $0x3400;
	s17 =	simm.s32 $0x3C00  }
0x7: {  	s18 =	simm.s32 $0x4400;
	s2 =	sand.u32 $0x1, s2;
	s5 =	sshll.u32 s3, $0x1  }
0x8: {  	s3 =	simm.s32 $0x0;
	s7 =	sadd.s32 $0x400, s1;
	s8 =	sadd.s32 $0x500, s1  }
0x9: {  	s10 =	sadd.s32 $0x700, s1;
	s5 =	sor.u32 s2, s5;
	[smem:$0x7FF] =	sst s3  }
0xa: {  	s2 =	ssub.s32 $0x2, s2;
	s6 =	sshll.u32 s5, $0xF;
	s5 =	sshll.u32 s5, $0x7  }
0xb: {  	_ =	strace $0x8000004A;
	s9 =	sadd.s32 s6, s4;
	s0 =	sadd.s32 s0, s5  }
0xc: {  	s20 =	sshrl.u32 s2, $0x1;
	[dreg:$0x4] =	wrdreg s0;
	s19 =	sadd.s32 $0x2000, s9  }
0xd: {  	s2 =	ssub.s32 s2, s20;
	s21 =	sadd.s32 $0x3000, s9;
	[dreg:$0x5] =	wrdreg s19  }
0xe: {  	s4 =	sadd.s32 $0x100, s1;
	s22 =	sadd.s32 $0x4000, s9;
	[dreg:$0x6] =	wrdreg s21  }
0xf: {  	s5 =	sadd.s32 $0x200, s1;
	s23 =	sadd.s32 $0x5000, s9;
	[dreg:$0x7] =	wrdreg s22  }
0x10: {  	s6 =	sadd.s32 $0x300, s1;
	s24 =	sadd.s32 $0x6000, s9;
	[dreg:$0x8] =	wrdreg s23  }
0x11: {  	s20 =	simm.s32 $0x5400;
	s25 =	sadd.s32 $0x7000, s9;
	[dreg:$0x9] =	wrdreg s24  }
0x12: {  	s26 =	sadd.s32 $0x8000, s9;
	s29 =	sadd.s32 $0x9000, s9;
	[dreg:$0xa] =	wrdreg s25  }
0x13: {  	s9 =	sadd.s32 $0x600, s1;
	s11 =	smax.u32 s2, $0x1;
	[dreg:$0xb] =	wrdreg s26  }
0x14: {  	v2 =	vlaneseq.u32;
	s2 =	simm.s32 $0x1400;
	[dreg:$0xc] =	wrdreg s29;
	s26 =	simm.s32 $0x1  }
0x15: {  	vm0 =	vmmov $0xffff;
	v1 =	vshrl.u32 v2, $0x3;
	s19 =	simm.s32 $0x4C00;
	s21 =	simm.s32 $0x5C00;
	s22 =	simm.s32 $0x6400  }
0x16: {  	v0 =	vand.u32 $0x7, v2;
	v2 =	vor.u32 $0x8, v2;
	v1 =	vmul.u32 $0x8, v1;
	s23 =	simm.s32 $0x6C00;
	s24 =	simm.s32 $0x7400;
	s25 =	simm.s32 $0x7C00  }
.LBB2_1:
0x17: {  	s29 =	rddreg [dreg:$0x4]  }
0x18: {  	[tilespmem:s3], [sflag:$0x3] =	stream.linear.gather [hbm4b:s29+s3], $0x400, $0x38;
	[tilespmem:$0x10400] =	vst v63  }
0x19: {  	_ =	swait.ge [sflag:s12], $0x400  }
0x1a: {  	[sflag:s12] =	ssyncset.done $0x0  }
0x1b: {  	[sflag:s12] =	ssyncadd.s32 $0xFFFFFC00  }
0x1c: {  	v3 =	vld [tilespmem:$0x0];
	_ =	sdelay $0x4  }
0x1d: {  	v4 =	vshll.u32 v3, $0x4  }
0x1e: {  	v3 =	vand.u32 $0x7, v3;
	v4 =	vand.u32 $0xFFFFFF80, v4  }
0x1f: {  	v3 =	vor.u32 v3, v4  }
0x20: {  	v4 =	vperm.xlane v3, v0;
	_ =	sdelay $0x1  }
0x21: {  	v4 =	vadd.s32 v1, v4;
	_ =	sdelay $0x4  }
0x22: {  	[tilespmem:s13], [sflag:$0x1] =	stream.indirect_vreg.gather [hbm4b:s1+s3], $0x80, v4, vm0, $0xb8;
	[tilespmem:$0x10400] =	vst v63  }
0x23: {  	_ = 	snop  }
0x24: {  	[tilespmem:s31], [sflag:$0x1] =	stream.indirect_vreg.gather [hbm4b:s4+s3], $0x80, v4, vm0, $0xb8;
	[tilespmem:$0x10400] =	vst v63  }
0x25: {  	_ = 	snop  }
0x26: {  	[tilespmem:s2], [sflag:$0x1] =	stream.indirect_vreg.gather [hbm4b:s5+s3], $0x80, v4, vm0, $0xb8;
	[tilespmem:$0x10400] =	vst v63  }
0x27: {  	s0 =	simm.s32 $0x1C00  }
0x28: {  	[tilespmem:s0], [sflag:$0x1] =	stream.indirect_vreg.gather [hbm4b:s6+s3], $0x80, v4, vm0, $0xb8;
	[tilespmem:$0x10400] =	vst v63  }
0x29: {  	_ = 	snop  }
0x2a: {  	[tilespmem:s14], [sflag:$0x1] =	stream.indirect_vreg.gather [hbm4b:s7+s3], $0x80, v4, vm0, $0xb8;
	[tilespmem:$0x10400] =	vst v63  }
0x2b: {  	v3 =	vperm.xlane v3, v2  }
0x2c: {  	[tilespmem:s15], [sflag:$0x1] =	stream.indirect_vreg.gather [hbm4b:s8+s3], $0x80, v4, vm0, $0xb8;
	[tilespmem:$0x10400] =	vst v63  }
0x2d: {  	v3 =	vadd.s32 v1, v3  }
0x2e: {  	[tilespmem:s16], [sflag:$0x1] =	stream.indirect_vreg.gather [hbm4b:s9+s3], $0x80, v4, vm0, $0xb8;
	[tilespmem:$0x10400] =	vst v63  }
0x2f: {  	_ = 	snop  }
0x30: {  	[tilespmem:s17], [sflag:$0x1] =	stream.indirect_vreg.gather [hbm4b:s10+s3], $0x80, v4, vm0, $0xb8;
	[tilespmem:$0x10400] =	vst v63  }
0x31: {  	_ = 	snop  }
0x32: {  	[tilespmem:s18], [sflag:$0x1] =	stream.indirect_vreg.gather [hbm4b:s1+s3], $0x80, v3, vm0, $0xb8;
	[tilespmem:$0x10400] =	vst v63  }
0x33: {  	_ = 	snop  }
0x34: {  	[tilespmem:s19], [sflag:$0x1] =	stream.indirect_vreg.gather [hbm4b:s4+s3], $0x80, v3, vm0, $0xb8;
	[tilespmem:$0x10400] =	vst v63  }
0x35: {  	_ = 	snop  }
0x36: {  	[tilespmem:s20], [sflag:$0x1] =	stream.indirect_vreg.gather [hbm4b:s5+s3], $0x80, v3, vm0, $0xb8;
	[tilespmem:$0x10400] =	vst v63  }
0x37: {  	_ = 	snop  }
0x38: {  	[tilespmem:s21], [sflag:$0x1] =	stream.indirect_vreg.gather [hbm4b:s6+s3], $0x80, v3, vm0, $0xb8;
	[tilespmem:$0x10400] =	vst v63  }
0x39: {  	_ = 	snop  }
0x3a: {  	[tilespmem:s22], [sflag:$0x1] =	stream.indirect_vreg.gather [hbm4b:s7+s3], $0x80, v3, vm0, $0xb8;
	[tilespmem:$0x10400] =	vst v63  }
0x3b: {  	_ = 	snop  }
0x3c: {  	[tilespmem:s23], [sflag:$0x1] =	stream.indirect_vreg.gather [hbm4b:s8+s3], $0x80, v3, vm0, $0xb8;
	[tilespmem:$0x10400] =	vst v63  }
0x3d: {  	_ = 	snop  }
0x3e: {  	[tilespmem:s24], [sflag:$0x1] =	stream.indirect_vreg.gather [hbm4b:s9+s3], $0x80, v3, vm0, $0xb8;
	[tilespmem:$0x10400] =	vst v63  }
0x3f: {  	_ = 	snop  }
0x40: {  	[tilespmem:s25], [sflag:$0x1] =	stream.indirect_vreg.gather [hbm4b:s10+s3], $0x80, v3, vm0, $0xb8;
	[tilespmem:$0x10400] =	vst v63  }
0x41: {  	v3 =	vld [tilespmem:$0x80];
	_ =	sdelay $0x4  }
0x42: {  	v57 =	vshll.u32 v3, $0x4  }
0x43: {  	v3 =	vand.u32 $0x7, v3;
	v4 =	vand.u32 $0xFFFFFF80, v57  }
0x44: {  	v3 =	vor.u32 v3, v4  }
0x45: {  	v4 =	vperm.xlane v3, v0;
	_ =	sdelay $0x1  }
0x46: {  	v4 =	vadd.s32 v1, v4;
	_ =	sdelay $0x4  }
0x47: {  	[tilespmem:s30], [sflag:$0x2] =	stream.indirect_vreg.gather [hbm4b:s1+s3], $0x80, v4, vm0, $0xb8;
	[tilespmem:$0x10400] =	vst v63  }
0x48: {  	s29 =	simm.s32 $0x8C00  }
0x49: {  	[tilespmem:s29], [sflag:$0x2] =	stream.indirect_vreg.gather [hbm4b:s4+s3], $0x80, v4, vm0, $0xb8;
	[tilespmem:$0x10400] =	vst v63  }
0x4a: {  	s29 =	simm.s32 $0x9400  }
0x4b: {  	[tilespmem:s29], [sflag:$0x2] =	stream.indirect_vreg.gather [hbm4b:s5+s3], $0x80, v4, vm0, $0xb8;
	[tilespmem:$0x10400] =	vst v63  }
0x4c: {  	s29 =	simm.s32 $0x9C00  }
0x4d: {  	[tilespmem:s29], [sflag:$0x2] =	stream.indirect_vreg.gather [hbm4b:s6+s3], $0x80, v4, vm0, $0xb8;
	[tilespmem:$0x10400] =	vst v63  }
0x4e: {  	s29 =	simm.s32 $0xA400  }
0x4f: {  	[tilespmem:s29], [sflag:$0x2] =	stream.indirect_vreg.gather [hbm4b:s7+s3], $0x80, v4, vm0, $0xb8;
	[tilespmem:$0x10400] =	vst v63  }
0x50: {  	v3 =	vperm.xlane v3, v2;
	s29 =	simm.s32 $0xAC00  }
0x51: {  	[tilespmem:s29], [sflag:$0x2] =	stream.indirect_vreg.gather [hbm4b:s8+s3], $0x80, v4, vm0, $0xb8;
	[tilespmem:$0x10400] =	vst v63  }
0x52: {  	v3 =	vadd.s32 v1, v3;
	s29 =	simm.s32 $0xB400  }
0x53: {  	[tilespmem:s29], [sflag:$0x2] =	stream.indirect_vreg.gather [hbm4b:s9+s3], $0x80, v4, vm0, $0xb8;
	[tilespmem:$0x10400] =	vst v63  }
0x54: {  	s29 =	simm.s32 $0xBC00  }
0x55: {  	[tilespmem:s29], [sflag:$0x2] =	stream.indirect_vreg.gather [hbm4b:s10+s3], $0x80, v4, vm0, $0xb8;
	[tilespmem:$0x10400] =	vst v63  }
0x56: {  	s29 =	simm.s32 $0xC400  }
0x57: {  	[tilespmem:s29], [sflag:$0x2] =	stream.indirect_vreg.gather [hbm4b:s1+s3], $0x80, v3, vm0, $0xb8;
	[tilespmem:$0x10400] =	vst v63  }
0x58: {  	s29 =	simm.s32 $0xCC00  }
0x59: {  	[tilespmem:s29], [sflag:$0x2] =	stream.indirect_vreg.gather [hbm4b:s4+s3], $0x80, v3, vm0, $0xb8;
	[tilespmem:$0x10400] =	vst v63  }
0x5a: {  	s29 =	simm.s32 $0xD400  }
0x5b: {  	[tilespmem:s29], [sflag:$0x2] =	stream.indirect_vreg.gather [hbm4b:s5+s3], $0x80, v3, vm0, $0xb8;
	[tilespmem:$0x10400] =	vst v63  }
0x5c: {  	s29 =	simm.s32 $0xDC00  }
0x5d: {  	[tilespmem:s29], [sflag:$0x2] =	stream.indirect_vreg.gather [hbm4b:s6+s3], $0x80, v3, vm0, $0xb8;
	[tilespmem:$0x10400] =	vst v63  }
0x5e: {  	s29 =	simm.s32 $0xE400  }
0x5f: {  	[tilespmem:s29], [sflag:$0x2] =	stream.indirect_vreg.gather [hbm4b:s7+s3], $0x80, v3, vm0, $0xb8;
	[tilespmem:$0x10400] =	vst v63  }
0x60: {  	s29 =	simm.s32 $0xEC00  }
0x61: {  	[tilespmem:s29], [sflag:$0x2] =	stream.indirect_vreg.gather [hbm4b:s8+s3], $0x80, v3, vm0, $0xb8;
	[tilespmem:$0x10400] =	vst v63  }
0x62: {  	s29 =	simm.s32 $0xF400  }
0x63: {  	[tilespmem:s29], [sflag:$0x2] =	stream.indirect_vreg.gather [hbm4b:s9+s3], $0x80, v3, vm0, $0xb8;
	[tilespmem:$0x10400] =	vst v63  }
0x64: {  	s29 =	simm.s32 $0xFC00  }
0x65: {  	[tilespmem:s29], [sflag:$0x2] =	stream.indirect_vreg.gather [hbm4b:s10+s3], $0x80, v3, vm0, $0xb8;
	[tilespmem:$0x10400] =	vst v63  }
0x66: {  	_ =	swait.ge [sflag:s26], $0x8000  }
0x67: {  	[sflag:s26] =	ssyncset.done $0x0  }
0x68: {  	s29 =	rddreg [dreg:$0x5];
	[sflag:s26] =	ssyncadd.s32 $0xFFFF8000  }
0x69: {  	[hbm4b:s29+s3] =	stream.linear.scatter [tilespmem:s13], [sflag:$0x3], $0x8000, $0x38;
	[tilespmem:$0x10400] =	vst v63  }
0x6a: {  	_ =	swait.ge [sflag:s12], $0x8000  }
0x6b: {  	[sflag:s12] =	ssyncset.done $0x0  }
0x6c: {  	[sflag:s12] =	ssyncadd.s32 $0xFFFF8000  }
0x6d: {  	v3 =	vld [tilespmem:$0x100];
	_ =	sdelay $0x4  }
0x6e: {  	v58 =	vshll.u32 v3, $0x4  }
0x6f: {  	v3 =	vand.u32 $0x7, v3;
	v4 =	vand.u32 $0xFFFFFF80, v58  }
0x70: {  	v3 =	vor.u32 v3, v4  }
0x71: {  	v4 =	vperm.xlane v3, v0;
	_ =	sdelay $0x1  }
0x72: {  	v4 =	vadd.s32 v1, v4;
	_ =	sdelay $0x4  }
0x73: {  	[tilespmem:s13], [sflag:$0x1] =	stream.indirect_vreg.gather [hbm4b:s1+s3], $0x80, v4, vm0, $0xb8;
	[tilespmem:$0x10400] =	vst v63  }
0x74: {  	_ = 	snop  }
0x75: {  	[tilespmem:s31], [sflag:$0x1] =	stream.indirect_vreg.gather [hbm4b:s4+s3], $0x80, v4, vm0, $0xb8;
	[tilespmem:$0x10400] =	vst v63  }
0x76: {  	_ = 	snop  }
0x77: {  	[tilespmem:s2], [sflag:$0x1] =	stream.indirect_vreg.gather [hbm4b:s5+s3], $0x80, v4, vm0, $0xb8;
	[tilespmem:$0x10400] =	vst v63  }
0x78: {  	_ = 	snop  }
0x79: {  	[tilespmem:s0], [sflag:$0x1] =	stream.indirect_vreg.gather [hbm4b:s6+s3], $0x80, v4, vm0, $0xb8;
	[tilespmem:$0x10400] =	vst v63  }
0x7a: {  	_ = 	snop  }
0x7b: {  	[tilespmem:s14], [sflag:$0x1] =	stream.indirect_vreg.gather [hbm4b:s7+s3], $0x80, v4, vm0, $0xb8;
	[tilespmem:$0x10400] =	vst v63  }
0x7c: {  	v3 =	vperm.xlane v3, v2  }
0x7d: {  	[tilespmem:s15], [sflag:$0x1] =	stream.indirect_vreg.gather [hbm4b:s8+s3], $0x80, v4, vm0, $0xb8;
	[tilespmem:$0x10400] =	vst v63  }
0x7e: {  	v3 =	vadd.s32 v1, v3  }
0x7f: {  	[tilespmem:s16], [sflag:$0x1] =	stream.indirect_vreg.gather [hbm4b:s9+s3], $0x80, v4, vm0, $0xb8;
	[tilespmem:$0x10400] =	vst v63  }
0x80: {  	_ = 	snop  }
0x81: {  	[tilespmem:s17], [sflag:$0x1] =	stream.indirect_vreg.gather [hbm4b:s10+s3], $0x80, v4, vm0, $0xb8;
	[tilespmem:$0x10400] =	vst v63  }
0x82: {  	_ = 	snop  }
0x83: {  	[tilespmem:s18], [sflag:$0x1] =	stream.indirect_vreg.gather [hbm4b:s1+s3], $0x80, v3, vm0, $0xb8;
	[tilespmem:$0x10400] =	vst v63  }
0x84: {  	_ = 	snop  }
0x85: {  	[tilespmem:s19], [sflag:$0x1] =	stream.indirect_vreg.gather [hbm4b:s4+s3], $0x80, v3, vm0, $0xb8;
	[tilespmem:$0x10400] =	vst v63  }
0x86: {  	_ = 	snop  }
0x87: {  	[tilespmem:s20], [sflag:$0x1] =	stream.indirect_vreg.gather [hbm4b:s5+s3], $0x80, v3, vm0, $0xb8;
	[tilespmem:$0x10400] =	vst v63  }
0x88: {  	_ = 	snop  }
0x89: {  	[tilespmem:s21], [sflag:$0x1] =	stream.indirect_vreg.gather [hbm4b:s6+s3], $0x80, v3, vm0, $0xb8;
	[tilespmem:$0x10400] =	vst v63  }
0x8a: {  	_ = 	snop  }
0x8b: {  	[tilespmem:s22], [sflag:$0x1] =	stream.indirect_vreg.gather [hbm4b:s7+s3], $0x80, v3, vm0, $0xb8;
	[tilespmem:$0x10400] =	vst v63  }
0x8c: {  	_ = 	snop  }
0x8d: {  	[tilespmem:s23], [sflag:$0x1] =	stream.indirect_vreg.gather [hbm4b:s8+s3], $0x80, v3, vm0, $0xb8;
	[tilespmem:$0x10400] =	vst v63  }
0x8e: {  	_ = 	snop  }
0x8f: {  	[tilespmem:s24], [sflag:$0x1] =	stream.indirect_vreg.gather [hbm4b:s9+s3], $0x80, v3, vm0, $0xb8;
	[tilespmem:$0x10400] =	vst v63  }
0x90: {  	_ = 	snop  }
0x91: {  	[tilespmem:s25], [sflag:$0x1] =	stream.indirect_vreg.gather [hbm4b:s10+s3], $0x80, v3, vm0, $0xb8;
	[tilespmem:$0x10400] =	vst v63  }
0x92: {  	_ =	swait.ge [sflag:s28], $0x8000  }
0x93: {  	[sflag:s28] =	ssyncset.done $0x0  }
0x94: {  	s29 =	rddreg [dreg:$0x6];
	[sflag:s28] =	ssyncadd.s32 $0xFFFF8000  }
0x95: {  	[hbm4b:s29+s3] =	stream.linear.scatter [tilespmem:s30], [sflag:$0x3], $0x8000, $0x38;
	[tilespmem:$0x10400] =	vst v63  }
0x96: {  	_ =	swait.ge [sflag:s12], $0x8000  }
0x97: {  	[sflag:s12] =	ssyncset.done $0x0  }
0x98: {  	[sflag:s12] =	ssyncadd.s32 $0xFFFF8000  }
0x99: {  	v3 =	vld [tilespmem:$0x180];
	_ =	sdelay $0x4  }
0x9a: {  	v59 =	vshll.u32 v3, $0x4  }
0x9b: {  	v3 =	vand.u32 $0x7, v3;
	v4 =	vand.u32 $0xFFFFFF80, v59  }
0x9c: {  	v3 =	vor.u32 v3, v4  }
0x9d: {  	v4 =	vperm.xlane v3, v0;
	_ =	sdelay $0x1  }
0x9e: {  	v4 =	vadd.s32 v1, v4;
	_ =	sdelay $0x4  }
0x9f: {  	[tilespmem:s30], [sflag:$0x2] =	stream.indirect_vreg.gather [hbm4b:s1+s3], $0x80, v4, vm0, $0xb8;
	[tilespmem:$0x10400] =	vst v63  }
0xa0: {  	s29 =	simm.s32 $0x8C00  }
0xa1: {  	[tilespmem:s29], [sflag:$0x2] =	stream.indirect_vreg.gather [hbm4b:s4+s3], $0x80, v4, vm0, $0xb8;
	[tilespmem:$0x10400] =	vst v63  }
0xa2: {  	s29 =	simm.s32 $0x9400  }
0xa3: {  	[tilespmem:s29], [sflag:$0x2] =	stream.indirect_vreg.gather [hbm4b:s5+s3], $0x80, v4, vm0, $0xb8;
	[tilespmem:$0x10400] =	vst v63  }
0xa4: {  	s29 =	simm.s32 $0x9C00  }
0xa5: {  	[tilespmem:s29], [sflag:$0x2] =	stream.indirect_vreg.gather [hbm4b:s6+s3], $0x80, v4, vm0, $0xb8;
	[tilespmem:$0x10400] =	vst v63  }
0xa6: {  	s29 =	simm.s32 $0xA400  }
0xa7: {  	[tilespmem:s29], [sflag:$0x2] =	stream.indirect_vreg.gather [hbm4b:s7+s3], $0x80, v4, vm0, $0xb8;
	[tilespmem:$0x10400] =	vst v63  }
0xa8: {  	v3 =	vperm.xlane v3, v2;
	s29 =	simm.s32 $0xAC00  }
0xa9: {  	[tilespmem:s29], [sflag:$0x2] =	stream.indirect_vreg.gather [hbm4b:s8+s3], $0x80, v4, vm0, $0xb8;
	[tilespmem:$0x10400] =	vst v63  }
0xaa: {  	v3 =	vadd.s32 v1, v3;
	s29 =	simm.s32 $0xB400  }
0xab: {  	[tilespmem:s29], [sflag:$0x2] =	stream.indirect_vreg.gather [hbm4b:s9+s3], $0x80, v4, vm0, $0xb8;
	[tilespmem:$0x10400] =	vst v63  }
0xac: {  	s29 =	simm.s32 $0xBC00  }
0xad: {  	[tilespmem:s29], [sflag:$0x2] =	stream.indirect_vreg.gather [hbm4b:s10+s3], $0x80, v4, vm0, $0xb8;
	[tilespmem:$0x10400] =	vst v63  }
0xae: {  	s29 =	simm.s32 $0xC400  }
0xaf: {  	[tilespmem:s29], [sflag:$0x2] =	stream.indirect_vreg.gather [hbm4b:s1+s3], $0x80, v3, vm0, $0xb8;
	[tilespmem:$0x10400] =	vst v63  }
0xb0: {  	s29 =	simm.s32 $0xCC00  }
0xb1: {  	[tilespmem:s29], [sflag:$0x2] =	stream.indirect_vreg.gather [hbm4b:s4+s3], $0x80, v3, vm0, $0xb8;
	[tilespmem:$0x10400] =	vst v63  }
0xb2: {  	s29 =	simm.s32 $0xD400  }
0xb3: {  	[tilespmem:s29], [sflag:$0x2] =	stream.indirect_vreg.gather [hbm4b:s5+s3], $0x80, v3, vm0, $0xb8;
	[tilespmem:$0x10400] =	vst v63  }
0xb4: {  	s29 =	simm.s32 $0xDC00  }
0xb5: {  	[tilespmem:s29], [sflag:$0x2] =	stream.indirect_vreg.gather [hbm4b:s6+s3], $0x80, v3, vm0, $0xb8;
	[tilespmem:$0x10400] =	vst v63  }
0xb6: {  	s29 =	simm.s32 $0xE400  }
0xb7: {  	[tilespmem:s29], [sflag:$0x2] =	stream.indirect_vreg.gather [hbm4b:s7+s3], $0x80, v3, vm0, $0xb8;
	[tilespmem:$0x10400] =	vst v63  }
0xb8: {  	s29 =	simm.s32 $0xEC00  }
0xb9: {  	[tilespmem:s29], [sflag:$0x2] =	stream.indirect_vreg.gather [hbm4b:s8+s3], $0x80, v3, vm0, $0xb8;
	[tilespmem:$0x10400] =	vst v63  }
0xba: {  	s29 =	simm.s32 $0xF400  }
0xbb: {  	[tilespmem:s29], [sflag:$0x2] =	stream.indirect_vreg.gather [hbm4b:s9+s3], $0x80, v3, vm0, $0xb8;
	[tilespmem:$0x10400] =	vst v63  }
0xbc: {  	s29 =	simm.s32 $0xFC00  }
0xbd: {  	[tilespmem:s29], [sflag:$0x2] =	stream.indirect_vreg.gather [hbm4b:s10+s3], $0x80, v3, vm0, $0xb8;
	[tilespmem:$0x10400] =	vst v63  }
0xbe: {  	_ =	swait.ge [sflag:s26], $0x8000  }
0xbf: {  	[sflag:s26] =	ssyncset.done $0x0  }
0xc0: {  	s29 =	rddreg [dreg:$0x7];
	[sflag:s26] =	ssyncadd.s32 $0xFFFF8000  }
0xc1: {  	[hbm4b:s29+s3] =	stream.linear.scatter [tilespmem:s13], [sflag:$0x3], $0x8000, $0x38;
	[tilespmem:$0x10400] =	vst v63  }
0xc2: {  	_ =	swait.ge [sflag:s12], $0x8000  }
0xc3: {  	[sflag:s12] =	ssyncset.done $0x0  }
0xc4: {  	[sflag:s12] =	ssyncadd.s32 $0xFFFF8000  }
0xc5: {  	v3 =	vld [tilespmem:$0x200];
	_ =	sdelay $0x4  }
0xc6: {  	v60 =	vshll.u32 v3, $0x4  }
0xc7: {  	v3 =	vand.u32 $0x7, v3;
	v4 =	vand.u32 $0xFFFFFF80, v60  }
0xc8: {  	v3 =	vor.u32 v3, v4  }
0xc9: {  	v4 =	vperm.xlane v3, v0;
	_ =	sdelay $0x1  }
0xca: {  	v4 =	vadd.s32 v1, v4;
	_ =	sdelay $0x4  }
0xcb: {  	[tilespmem:s13], [sflag:$0x1] =	stream.indirect_vreg.gather [hbm4b:s1+s3], $0x80, v4, vm0, $0xb8;
	[tilespmem:$0x10400] =	vst v63  }
0xcc: {  	_ = 	snop  }
0xcd: {  	[tilespmem:s31], [sflag:$0x1] =	stream.indirect_vreg.gather [hbm4b:s4+s3], $0x80, v4, vm0, $0xb8;
	[tilespmem:$0x10400] =	vst v63  }
0xce: {  	_ = 	snop  }
0xcf: {  	[tilespmem:s2], [sflag:$0x1] =	stream.indirect_vreg.gather [hbm4b:s5+s3], $0x80, v4, vm0, $0xb8;
	[tilespmem:$0x10400] =	vst v63  }
0xd0: {  	_ = 	snop  }
0xd1: {  	[tilespmem:s0], [sflag:$0x1] =	stream.indirect_vreg.gather [hbm4b:s6+s3], $0x80, v4, vm0, $0xb8;
	[tilespmem:$0x10400] =	vst v63  }
0xd2: {  	_ = 	snop  }
0xd3: {  	[tilespmem:s14], [sflag:$0x1] =	stream.indirect_vreg.gather [hbm4b:s7+s3], $0x80, v4, vm0, $0xb8;
	[tilespmem:$0x10400] =	vst v63  }
0xd4: {  	v3 =	vperm.xlane v3, v2  }
0xd5: {  	[tilespmem:s15], [sflag:$0x1] =	stream.indirect_vreg.gather [hbm4b:s8+s3], $0x80, v4, vm0, $0xb8;
	[tilespmem:$0x10400] =	vst v63  }
0xd6: {  	v3 =	vadd.s32 v1, v3  }
0xd7: {  	[tilespmem:s16], [sflag:$0x1] =	stream.indirect_vreg.gather [hbm4b:s9+s3], $0x80, v4, vm0, $0xb8;
	[tilespmem:$0x10400] =	vst v63  }
0xd8: {  	_ = 	snop  }
0xd9: {  	[tilespmem:s17], [sflag:$0x1] =	stream.indirect_vreg.gather [hbm4b:s10+s3], $0x80, v4, vm0, $0xb8;
	[tilespmem:$0x10400] =	vst v63  }
0xda: {  	_ = 	snop  }
0xdb: {  	[tilespmem:s18], [sflag:$0x1] =	stream.indirect_vreg.gather [hbm4b:s1+s3], $0x80, v3, vm0, $0xb8;
	[tilespmem:$0x10400] =	vst v63  }
0xdc: {  	_ = 	snop  }
0xdd: {  	[tilespmem:s19], [sflag:$0x1] =	stream.indirect_vreg.gather [hbm4b:s4+s3], $0x80, v3, vm0, $0xb8;
	[tilespmem:$0x10400] =	vst v63  }
0xde: {  	_ = 	snop  }
0xdf: {  	[tilespmem:s20], [sflag:$0x1] =	stream.indirect_vreg.gather [hbm4b:s5+s3], $0x80, v3, vm0, $0xb8;
	[tilespmem:$0x10400] =	vst v63  }
0xe0: {  	_ = 	snop  }
0xe1: {  	[tilespmem:s21], [sflag:$0x1] =	stream.indirect_vreg.gather [hbm4b:s6+s3], $0x80, v3, vm0, $0xb8;
	[tilespmem:$0x10400] =	vst v63  }
0xe2: {  	_ = 	snop  }
0xe3: {  	[tilespmem:s22], [sflag:$0x1] =	stream.indirect_vreg.gather [hbm4b:s7+s3], $0x80, v3, vm0, $0xb8;
	[tilespmem:$0x10400] =	vst v63  }
0xe4: {  	_ = 	snop  }
0xe5: {  	[tilespmem:s23], [sflag:$0x1] =	stream.indirect_vreg.gather [hbm4b:s8+s3], $0x80, v3, vm0, $0xb8;
	[tilespmem:$0x10400] =	vst v63  }
0xe6: {  	_ = 	snop  }
0xe7: {  	[tilespmem:s24], [sflag:$0x1] =	stream.indirect_vreg.gather [hbm4b:s9+s3], $0x80, v3, vm0, $0xb8;
	[tilespmem:$0x10400] =	vst v63  }
0xe8: {  	_ = 	snop  }
0xe9: {  	[tilespmem:s25], [sflag:$0x1] =	stream.indirect_vreg.gather [hbm4b:s10+s3], $0x80, v3, vm0, $0xb8;
	[tilespmem:$0x10400] =	vst v63  }
0xea: {  	_ =	swait.ge [sflag:s28], $0x8000  }
0xeb: {  	[sflag:s28] =	ssyncset.done $0x0  }
0xec: {  	s29 =	rddreg [dreg:$0x8];
	[sflag:s28] =	ssyncadd.s32 $0xFFFF8000  }
0xed: {  	[hbm4b:s29+s3] =	stream.linear.scatter [tilespmem:s30], [sflag:$0x3], $0x8000, $0x38;
	[tilespmem:$0x10400] =	vst v63  }
0xee: {  	_ =	swait.ge [sflag:s12], $0x8000  }
0xef: {  	[sflag:s12] =	ssyncset.done $0x0  }
0xf0: {  	[sflag:s12] =	ssyncadd.s32 $0xFFFF8000  }
0xf1: {  	v3 =	vld [tilespmem:$0x280];
	_ =	sdelay $0x4  }
0xf2: {  	v61 =	vshll.u32 v3, $0x4  }
0xf3: {  	v3 =	vand.u32 $0x7, v3;
	v4 =	vand.u32 $0xFFFFFF80, v61  }
0xf4: {  	v3 =	vor.u32 v3, v4  }
0xf5: {  	v4 =	vperm.xlane v3, v0;
	_ =	sdelay $0x1  }
0xf6: {  	v4 =	vadd.s32 v1, v4;
	_ =	sdelay $0x4  }
0xf7: {  	[tilespmem:s30], [sflag:$0x2] =	stream.indirect_vreg.gather [hbm4b:s1+s3], $0x80, v4, vm0, $0xb8;
	[tilespmem:$0x10400] =	vst v63  }
0xf8: {  	s29 =	simm.s32 $0x8C00  }
0xf9: {  	[tilespmem:s29], [sflag:$0x2] =	stream.indirect_vreg.gather [hbm4b:s4+s3], $0x80, v4, vm0, $0xb8;
	[tilespmem:$0x10400] =	vst v63  }
0xfa: {  	s29 =	simm.s32 $0x9400  }
0xfb: {  	[tilespmem:s29], [sflag:$0x2] =	stream.indirect_vreg.gather [hbm4b:s5+s3], $0x80, v4, vm0, $0xb8;
	[tilespmem:$0x10400] =	vst v63  }
0xfc: {  	s29 =	simm.s32 $0x9C00  }
0xfd: {  	[tilespmem:s29], [sflag:$0x2] =	stream.indirect_vreg.gather [hbm4b:s6+s3], $0x80, v4, vm0, $0xb8;
	[tilespmem:$0x10400] =	vst v63  }
0xfe: {  	s29 =	simm.s32 $0xA400  }
0xff: {  	[tilespmem:s29], [sflag:$0x2] =	stream.indirect_vreg.gather [hbm4b:s7+s3], $0x80, v4, vm0, $0xb8;
	[tilespmem:$0x10400] =	vst v63  }
0x100: {  	v3 =	vperm.xlane v3, v2;
	s29 =	simm.s32 $0xAC00  }
0x101: {  	[tilespmem:s29], [sflag:$0x2] =	stream.indirect_vreg.gather [hbm4b:s8+s3], $0x80, v4, vm0, $0xb8;
	[tilespmem:$0x10400] =	vst v63  }
0x102: {  	v3 =	vadd.s32 v1, v3;
	s29 =	simm.s32 $0xB400  }
0x103: {  	[tilespmem:s29], [sflag:$0x2] =	stream.indirect_vreg.gather [hbm4b:s9+s3], $0x80, v4, vm0, $0xb8;
	[tilespmem:$0x10400] =	vst v63  }
0x104: {  	s29 =	simm.s32 $0xBC00  }
0x105: {  	[tilespmem:s29], [sflag:$0x2] =	stream.indirect_vreg.gather [hbm4b:s10+s3], $0x80, v4, vm0, $0xb8;
	[tilespmem:$0x10400] =	vst v63  }
0x106: {  	s29 =	simm.s32 $0xC400  }
0x107: {  	[tilespmem:s29], [sflag:$0x2] =	stream.indirect_vreg.gather [hbm4b:s1+s3], $0x80, v3, vm0, $0xb8;
	[tilespmem:$0x10400] =	vst v63  }
0x108: {  	s29 =	simm.s32 $0xCC00  }
0x109: {  	[tilespmem:s29], [sflag:$0x2] =	stream.indirect_vreg.gather [hbm4b:s4+s3], $0x80, v3, vm0, $0xb8;
	[tilespmem:$0x10400] =	vst v63  }
0x10a: {  	s29 =	simm.s32 $0xD400  }
0x10b: {  	[tilespmem:s29], [sflag:$0x2] =	stream.indirect_vreg.gather [hbm4b:s5+s3], $0x80, v3, vm0, $0xb8;
	[tilespmem:$0x10400] =	vst v63  }
0x10c: {  	s29 =	simm.s32 $0xDC00  }
0x10d: {  	[tilespmem:s29], [sflag:$0x2] =	stream.indirect_vreg.gather [hbm4b:s6+s3], $0x80, v3, vm0, $0xb8;
	[tilespmem:$0x10400] =	vst v63  }
0x10e: {  	s29 =	simm.s32 $0xE400  }
0x10f: {  	[tilespmem:s29], [sflag:$0x2] =	stream.indirect_vreg.gather [hbm4b:s7+s3], $0x80, v3, vm0, $0xb8;
	[tilespmem:$0x10400] =	vst v63  }
0x110: {  	s29 =	simm.s32 $0xEC00  }
0x111: {  	[tilespmem:s29], [sflag:$0x2] =	stream.indirect_vreg.gather [hbm4b:s8+s3], $0x80, v3, vm0, $0xb8;
	[tilespmem:$0x10400] =	vst v63  }
0x112: {  	s29 =	simm.s32 $0xF400  }
0x113: {  	[tilespmem:s29], [sflag:$0x2] =	stream.indirect_vreg.gather [hbm4b:s9+s3], $0x80, v3, vm0, $0xb8;
	[tilespmem:$0x10400] =	vst v63  }
0x114: {  	s29 =	simm.s32 $0xFC00  }
0x115: {  	[tilespmem:s29], [sflag:$0x2] =	stream.indirect_vreg.gather [hbm4b:s10+s3], $0x80, v3, vm0, $0xb8;
	[tilespmem:$0x10400] =	vst v63  }
0x116: {  	_ =	swait.ge [sflag:s26], $0x8000  }
0x117: {  	[sflag:s26] =	ssyncset.done $0x0  }
0x118: {  	s29 =	rddreg [dreg:$0x9];
	[sflag:s26] =	ssyncadd.s32 $0xFFFF8000  }
0x119: {  	[hbm4b:s29+s3] =	stream.linear.scatter [tilespmem:s13], [sflag:$0x3], $0x8000, $0x38;
	[tilespmem:$0x10400] =	vst v63  }
0x11a: {  	_ =	swait.ge [sflag:s12], $0x8000  }
0x11b: {  	[sflag:s12] =	ssyncset.done $0x0  }
0x11c: {  	[sflag:s12] =	ssyncadd.s32 $0xFFFF8000  }
0x11d: {  	v3 =	vld [tilespmem:$0x300];
	_ =	sdelay $0x4  }
0x11e: {  	v62 =	vshll.u32 v3, $0x4  }
0x11f: {  	v3 =	vand.u32 $0x7, v3;
	v4 =	vand.u32 $0xFFFFFF80, v62  }
0x120: {  	v3 =	vor.u32 v3, v4  }
0x121: {  	v4 =	vperm.xlane v3, v0;
	_ =	sdelay $0x1  }
0x122: {  	v4 =	vadd.s32 v1, v4;
	_ =	sdelay $0x4  }
0x123: {  	[tilespmem:s13], [sflag:$0x1] =	stream.indirect_vreg.gather [hbm4b:s1+s3], $0x80, v4, vm0, $0xb8;
	[tilespmem:$0x10400] =	vst v63  }
0x124: {  	_ = 	snop  }
0x125: {  	[tilespmem:s31], [sflag:$0x1] =	stream.indirect_vreg.gather [hbm4b:s4+s3], $0x80, v4, vm0, $0xb8;
	[tilespmem:$0x10400] =	vst v63  }
0x126: {  	_ = 	snop  }
0x127: {  	[tilespmem:s2], [sflag:$0x1] =	stream.indirect_vreg.gather [hbm4b:s5+s3], $0x80, v4, vm0, $0xb8;
	[tilespmem:$0x10400] =	vst v63  }
0x128: {  	_ = 	snop  }
0x129: {  	[tilespmem:s0], [sflag:$0x1] =	stream.indirect_vreg.gather [hbm4b:s6+s3], $0x80, v4, vm0, $0xb8;
	[tilespmem:$0x10400] =	vst v63  }
0x12a: {  	_ = 	snop  }
0x12b: {  	[tilespmem:s14], [sflag:$0x1] =	stream.indirect_vreg.gather [hbm4b:s7+s3], $0x80, v4, vm0, $0xb8;
	[tilespmem:$0x10400] =	vst v63  }
0x12c: {  	v3 =	vperm.xlane v3, v2  }
0x12d: {  	[tilespmem:s15], [sflag:$0x1] =	stream.indirect_vreg.gather [hbm4b:s8+s3], $0x80, v4, vm0, $0xb8;
	[tilespmem:$0x10400] =	vst v63  }
0x12e: {  	v3 =	vadd.s32 v1, v3  }
0x12f: {  	[tilespmem:s16], [sflag:$0x1] =	stream.indirect_vreg.gather [hbm4b:s9+s3], $0x80, v4, vm0, $0xb8;
	[tilespmem:$0x10400] =	vst v63  }
0x130: {  	_ = 	snop  }
0x131: {  	[tilespmem:s17], [sflag:$0x1] =	stream.indirect_vreg.gather [hbm4b:s10+s3], $0x80, v4, vm0, $0xb8;
	[tilespmem:$0x10400] =	vst v63  }
0x132: {  	_ = 	snop  }
0x133: {  	[tilespmem:s18], [sflag:$0x1] =	stream.indirect_vreg.gather [hbm4b:s1+s3], $0x80, v3, vm0, $0xb8;
	[tilespmem:$0x10400] =	vst v63  }
0x134: {  	_ = 	snop  }
0x135: {  	[tilespmem:s19], [sflag:$0x1] =	stream.indirect_vreg.gather [hbm4b:s4+s3], $0x80, v3, vm0, $0xb8;
	[tilespmem:$0x10400] =	vst v63  }
0x136: {  	_ = 	snop  }
0x137: {  	[tilespmem:s20], [sflag:$0x1] =	stream.indirect_vreg.gather [hbm4b:s5+s3], $0x80, v3, vm0, $0xb8;
	[tilespmem:$0x10400] =	vst v63  }
0x138: {  	_ = 	snop  }
0x139: {  	[tilespmem:s21], [sflag:$0x1] =	stream.indirect_vreg.gather [hbm4b:s6+s3], $0x80, v3, vm0, $0xb8;
	[tilespmem:$0x10400] =	vst v63  }
0x13a: {  	_ = 	snop  }
0x13b: {  	[tilespmem:s22], [sflag:$0x1] =	stream.indirect_vreg.gather [hbm4b:s7+s3], $0x80, v3, vm0, $0xb8;
	[tilespmem:$0x10400] =	vst v63  }
0x13c: {  	_ = 	snop  }
0x13d: {  	[tilespmem:s23], [sflag:$0x1] =	stream.indirect_vreg.gather [hbm4b:s8+s3], $0x80, v3, vm0, $0xb8;
	[tilespmem:$0x10400] =	vst v63  }
0x13e: {  	_ = 	snop  }
0x13f: {  	[tilespmem:s24], [sflag:$0x1] =	stream.indirect_vreg.gather [hbm4b:s9+s3], $0x80, v3, vm0, $0xb8;
	[tilespmem:$0x10400] =	vst v63  }
0x140: {  	_ = 	snop  }
0x141: {  	[tilespmem:s25], [sflag:$0x1] =	stream.indirect_vreg.gather [hbm4b:s10+s3], $0x80, v3, vm0, $0xb8;
	[tilespmem:$0x10400] =	vst v63  }
0x142: {  	_ =	swait.ge [sflag:s28], $0x8000  }
0x143: {  	[sflag:s28] =	ssyncset.done $0x0  }
0x144: {  	s0 =	rddreg [dreg:$0xa];
	[sflag:s28] =	ssyncadd.s32 $0xFFFF8000  }
0x145: {  	[hbm4b:s0+s3] =	stream.linear.scatter [tilespmem:s30], [sflag:$0x3], $0x8000, $0x38;
	[tilespmem:$0x10400] =	vst v63  }
0x146: {  	_ =	swait.ge [sflag:s12], $0x8000  }
0x147: {  	[sflag:s12] =	ssyncset.done $0x0  }
0x148: {  	[sflag:s12] =	ssyncadd.s32 $0xFFFF8000  }
0x149: {  	v3 =	vld [tilespmem:$0x380];
	_ =	sdelay $0x4  }
0x14a: {  	v63 =	vshll.u32 v3, $0x4  }
0x14b: {  	v3 =	vand.u32 $0x7, v3;
	v4 =	vand.u32 $0xFFFFFF80, v63  }
0x14c: {  	v3 =	vor.u32 v3, v4  }
0x14d: {  	v4 =	vperm.xlane v3, v0;
	_ =	sdelay $0x1  }
0x14e: {  	v4 =	vadd.s32 v1, v4;
	_ =	sdelay $0x4  }
0x14f: {  	[tilespmem:s30], [sflag:$0x2] =	stream.indirect_vreg.gather [hbm4b:s1+s3], $0x80, v4, vm0, $0xb8;
	[tilespmem:$0x10400] =	vst v63  }
0x150: {  	s29 =	simm.s32 $0x8C00  }
0x151: {  	[tilespmem:s29], [sflag:$0x2] =	stream.indirect_vreg.gather [hbm4b:s4+s3], $0x80, v4, vm0, $0xb8;
	[tilespmem:$0x10400] =	vst v63  }
0x152: {  	s29 =	simm.s32 $0x9400  }
0x153: {  	[tilespmem:s29], [sflag:$0x2] =	stream.indirect_vreg.gather [hbm4b:s5+s3], $0x80, v4, vm0, $0xb8;
	[tilespmem:$0x10400] =	vst v63  }
0x154: {  	s29 =	simm.s32 $0x9C00  }
0x155: {  	[tilespmem:s29], [sflag:$0x2] =	stream.indirect_vreg.gather [hbm4b:s6+s3], $0x80, v4, vm0, $0xb8;
	[tilespmem:$0x10400] =	vst v63  }
0x156: {  	s29 =	simm.s32 $0xA400  }
0x157: {  	[tilespmem:s29], [sflag:$0x2] =	stream.indirect_vreg.gather [hbm4b:s7+s3], $0x80, v4, vm0, $0xb8;
	[tilespmem:$0x10400] =	vst v63  }
0x158: {  	v3 =	vperm.xlane v3, v2;
	s29 =	simm.s32 $0xAC00  }
0x159: {  	[tilespmem:s29], [sflag:$0x2] =	stream.indirect_vreg.gather [hbm4b:s8+s3], $0x80, v4, vm0, $0xb8;
	[tilespmem:$0x10400] =	vst v63  }
0x15a: {  	v3 =	vadd.s32 v1, v3;
	s29 =	simm.s32 $0xB400  }
0x15b: {  	[tilespmem:s29], [sflag:$0x2] =	stream.indirect_vreg.gather [hbm4b:s9+s3], $0x80, v4, vm0, $0xb8;
	[tilespmem:$0x10400] =	vst v63  }
0x15c: {  	s29 =	simm.s32 $0xBC00  }
0x15d: {  	[tilespmem:s29], [sflag:$0x2] =	stream.indirect_vreg.gather [hbm4b:s10+s3], $0x80, v4, vm0, $0xb8;
	[tilespmem:$0x10400] =	vst v63  }
0x15e: {  	s29 =	simm.s32 $0xC400  }
0x15f: {  	[tilespmem:s29], [sflag:$0x2] =	stream.indirect_vreg.gather [hbm4b:s1+s3], $0x80, v3, vm0, $0xb8;
	[tilespmem:$0x10400] =	vst v63  }
0x160: {  	s29 =	simm.s32 $0xCC00  }
0x161: {  	[tilespmem:s29], [sflag:$0x2] =	stream.indirect_vreg.gather [hbm4b:s4+s3], $0x80, v3, vm0, $0xb8;
	[tilespmem:$0x10400] =	vst v63  }
0x162: {  	s29 =	simm.s32 $0xD400  }
0x163: {  	[tilespmem:s29], [sflag:$0x2] =	stream.indirect_vreg.gather [hbm4b:s5+s3], $0x80, v3, vm0, $0xb8;
	[tilespmem:$0x10400] =	vst v63  }
0x164: {  	s29 =	simm.s32 $0xDC00  }
0x165: {  	[tilespmem:s29], [sflag:$0x2] =	stream.indirect_vreg.gather [hbm4b:s6+s3], $0x80, v3, vm0, $0xb8;
	[tilespmem:$0x10400] =	vst v63  }
0x166: {  	s29 =	simm.s32 $0xE400  }
0x167: {  	[tilespmem:s29], [sflag:$0x2] =	stream.indirect_vreg.gather [hbm4b:s7+s3], $0x80, v3, vm0, $0xb8;
	[tilespmem:$0x10400] =	vst v63  }
0x168: {  	s29 =	simm.s32 $0xEC00  }
0x169: {  	[tilespmem:s29], [sflag:$0x2] =	stream.indirect_vreg.gather [hbm4b:s8+s3], $0x80, v3, vm0, $0xb8;
	[tilespmem:$0x10400] =	vst v63  }
0x16a: {  	s29 =	simm.s32 $0xF400  }
0x16b: {  	[tilespmem:s29], [sflag:$0x2] =	stream.indirect_vreg.gather [hbm4b:s9+s3], $0x80, v3, vm0, $0xb8;
	[tilespmem:$0x10400] =	vst v63  }
0x16c: {  	s29 =	simm.s32 $0xFC00  }
0x16d: {  	[tilespmem:s29], [sflag:$0x2] =	stream.indirect_vreg.gather [hbm4b:s10+s3], $0x80, v3, vm0, $0xb8;
	[tilespmem:$0x10400] =	vst v63  }
0x16e: {  	_ =	swait.ge [sflag:s26], $0x8000  }
0x16f: {  	[sflag:s26] =	ssyncset.done $0x0  }
0x170: {  	s0 =	rddreg [dreg:$0xb];
	[sflag:s26] =	ssyncadd.s32 $0xFFFF8000  }
0x171: {  	[hbm4b:s0+s3] =	stream.linear.scatter [tilespmem:s13], [sflag:$0x3], $0x8000, $0x38;
	[tilespmem:$0x10400] =	vst v63  }
0x172: {  	_ =	swait.ge [sflag:s12], $0x8000  }
0x173: {  	[sflag:s12] =	ssyncset.done $0x0  }
0x174: {  	[sflag:s12] =	ssyncadd.s32 $0xFFFF8000  }
0x175: {  	_ =	swait.ge [sflag:s28], $0x8000  }
0x176: {  	p0 =	sne.s32 s11, $0x1;
	[sflag:s28] =	ssyncset.done $0x0  }
.Ltmp0:
0x177: {  	s0 =	rddreg [dreg:$0xc];
	[sflag:s28] =	ssyncadd.s32 $0xFFFF8000;
	(pc) =	sbr.rel @p0 .LBB2_1-.Ltmp0, $4  }
0x178: {  	[hbm4b:s0+s3] =	stream.linear.scatter [tilespmem:s30], [sflag:$0x3], $0x8000, $0x38;
	[tilespmem:$0x10400] =	vst v63  }
0x179: {  	_ =	swait.ge [sflag:s12], $0x8000  }
0x17a: {  	[sflag:s12] =	ssyncset.done $0x0  }
0x17b: {  	s11 =	sadd.s32 $0xFFFFFFFF, s11;
	[sflag:s12] =	ssyncadd.s32 $0xFFFF8000  }
0x17c: {  	_ =	sfence.sel $0x180000  }
0x17d: {  	[bflag:$0x0] =	sbarrier.arrive $0xFFFF  }
0x17e: {  	_ =	strace $0x9000004A  }
0x17f: {  	s0 =	stileid.u32;
	[bflag:$0x2] =	sbarrier.arrive $0xFFFF  }
0x180: {  	p0 =	sne.s32 s0, $0x0;
	s0 =	rddreg [dreg:$0x3]  }
0x181: {  	s0 =	sadd.s32 @!p0 $0x100000, s0  }
0x182: {  	[sflag:s0] =	ssyncadd.tile.s32 @!p0 $0x1;
	_ =	shalt  }
.Lfunc_end2:
_tile_overlayer_lowered:
.L_overlay_start_2:
0x183: {  	(tag) =	ssettag $0x2  }
0x184: {  	s0 =	rddreg [dreg:$0x0];
	s2 =	stileid.u32  }
0x185: {  	s1 =	rddreg [dreg:$0x1];
	p0 =	sne.s32 s2, $0x0  }
0x186: {  	s3 =	rddreg [dreg:$0x2];
	[bflag:$0x3] =	sbarrier.arrive $0xFFFF;
	s2 =	simm.s32 @!p0 $0x1C03  }
0x187: {  	[timem:s3], [sflag:s2] =	dma.local @!p0 [hbm:s0], s1  }
0x188: {  	s0 =	simm.s32 @!p0 $0x3  }
0x189: {  	_ =	swait.ge @!p0 [sflag:s0], s1  }
0x18a: {  	s1 =	ssub.s32 @!p0 $0x0, s1;
	[sflag:s0] =	ssyncset.done @!p0 $0x0  }
0x18b: {  	[sflag:s0] =	ssyncadd.s32 @!p0 s1  }
0x18c: {  	[bflag:$0x3] =	sbarrier.arrive $0xFFFF  }
0x18d: {  	_ =	shalt  }

// kernel: kernel.15.cloned.1.call-start
scs
__scs_entry_jumppad:
0x0: {  	(pc) =	sbr.rel $0x88, $3  }
0x1: {  	(tag) =	ssettag $0x0;
	lr =	simm.s32 $0x1  }
0x2: {  	[smem:$0x3F99] =	sst lr;
	_ =	strace $0xD0000000  }
0x3: {  	_ = 	snop  }
0x4: {  	_ = 	snop  }
0x5: {  	_ = 	snop  }
0x6: {  	_ = 	snop  }
0x7: {  	_ = 	snop  }
__scs_overlays_trampoline_lowered:
0x8: {  	[smem:$0x3FA8] =	sst s0  }
0x9: {  	[smem:$0x3FA9] =	sst s1  }
0xa: {  	[smem:$0x3FAA] =	sst s2  }
0xb: {  	[smem:$0x3FAB] =	sst s3  }
0xc: {  	[smem:$0x3FAC] =	sst s4  }
0xd: {  	[smem:$0x3FAD] =	sst s5  }
0xe: {  	[smem:$0x3FAE] =	sst s6  }
0xf: {  	[smem:$0x3FAF] =	sst s7  }
0x10: {  	[smem:$0x3FB0] =	sst s8  }
0x11: {  	[smem:$0x3FB1] =	sst s9;
	s0 =	simm.s32 @!p0 $0x0  }
0x12: {  	s1 =	sld [smem:$0x3F97];
	s0 =	simm.s32 @p0 $0x1  }
0x13: {  	[smem:$0x3FB2] =	sst s0;
	s0 =	simm.s32 @!p1 $0x0  }
0x14: {  	s2 =	sld [smem:$0x3F96];
	s0 =	simm.s32 @p1 $0x1  }
0x15: {  	[smem:$0x3FB3] =	sst s0;
	s0 =	simm.s32 @!p2 $0x0  }
0x16: {  	s3 =	sld [smem:$0x3FDB];
	s0 =	simm.s32 @p2 $0x1  }
0x17: {  	s4 =	simm.s32 $0x1BF5;
	[smem:$0x3FB5] =	sst s0  }
0x18: {  	s0 =	sld [smem:$0x3F98];
	_ =	swait.ge [sflag:s4], $0x0  }
0x19: {  	s7 =	sld [smem:$0x3F99]  }
0x1a: {  	s8 =	sadd.s32 $0xFFFFE003, lr  }
0x1b: {  	s9 =	sadd.s32 $0xFFFFFEF7, lr;
	s5 =	simm.s32 $0xFFFFFFFF;
	p2 =	slt.u32 s8, $0xFFFFF086  }
0x1c: {  	p1 =	slt.u32 s9, $0xF7A;
	s5 =	simm.s32 @!p2 $0x0  }
0x1d: {  	s5 =	simm.s32 @p1 $0x1;
	p0 =	seq.s32 s7, s2  }
0x1e: {  	s7 =	smul.u32 @!p0 $0xF7A, s2;
	p2 =	seq.s32 @!p0 s5, $0x0  }
0x1f: {  	s9 =	smul.u32 $0xF7A, s1;
	s8 =	simm.s32 @!p0 $0x1BF5;
	p2 =	por !p2, p0  }
0x20: {  	[sflag:s8] =	ssyncset.s32 @!p0 $0xFFFFF086;
	s6 =	sadd.s32 @!p0 s3, s7;
	s7 =	simm.s32 @!p0 $0x108  }
0x21: {  	s3 =	sadd.s32 s3, s9;
	s6 =	sadd.s32 @!p0 $0x88, s6;
	s7 =	simm.s32 @p2 $0x1082  }
0x22: {  	[simem:s7], [sflag:s8] =	dma.local @!p0 [hbm:s6], $0xF7A  }
0x23: {  	s9 =	sor.u32 $0xD0000000, s2;
	s6 =	simm.s32 $0x108;
	_ =	swait.ge @!p0 [sflag:s8], $0x0  }
0x24: {  	s3 =	sadd.s32 $0x88, s3;
	s6 =	simm.s32 @!p1 $0x1082;
	[sflag:s4] =	ssyncset.s32 $0xFFFFF086  }
0x25: {  	[simem:s6], [sflag:s4] =	dma.local [hbm:s3], $0xF7A  }
0x26: {  	[smem:$0x3F99] =	sst s1;
	(tag) =	ssettag s2;
	_ =	strace s9  }
0x27: {  	s1 =	sld [smem:$0x3FA9]  }
0x28: {  	s2 =	sld [smem:$0x3FAA]  }
0x29: {  	s4 =	sld [smem:$0x3FAC]  }
0x2a: {  	p0 =	seq.s32 s5, $0x0;
	s5 =	sld [smem:$0x3FAD]  }
0x2b: {  	s6 =	sld [smem:$0x3FAE]  }
0x2c: {  	s7 =	sld [smem:$0x3FAF]  }
0x2d: {  	s3 =	simm.s32 $0x108;
	s8 =	sld [smem:$0x3FB0]  }
0x2e: {  	s3 =	simm.s32 @!p0 $0x1082;
	s9 =	sld [smem:$0x3FB1]  }
0x2f: {  	lr =	sadd.s32 s0, s3;
	s0 =	sld [smem:$0x3FA8]  }
0x30: {  	s3 =	sld [smem:$0x3FAB]  }
0x31: {  	[smem:$0x3FB4] =	sst s10  }
0x32: {  	s10 =	sld [smem:$0x3FB2];
	_ =	sdelay $0x3  }
0x33: {  	p0 =	seq.s32 s10, $0x1;
	s10 =	sld [smem:$0x3FB4];
	_ =	sdelay $0x3  }
0x34: {  	[smem:$0x3FB4] =	sst s10  }
0x35: {  	s10 =	sld [smem:$0x3FB3];
	_ =	sdelay $0x3  }
0x36: {  	p1 =	seq.s32 s10, $0x1;
	s10 =	sld [smem:$0x3FB4];
	_ =	sdelay $0x3  }
0x37: {  	[smem:$0x3FB4] =	sst s10  }
0x38: {  	s10 =	sld [smem:$0x3FB5]  }
0x39: {  	_ = 	snop;
	(pc) =	sbr.ind lr, $3  }
0x3a: {  	_ = 	snop  }
0x3b: {  	_ = 	snop  }
0x3c: {  	p2 =	seq.s32 s10, $0x1;
	s10 =	sld [smem:$0x3FB4]  }
0x3d: {  	_ =	shalt  }
0x3e: {  	_ =	shalt  }
0x3f: {  	_ =	shalt  }
0x40: {  	_ =	shalt  }
0x41: {  	_ =	shalt  }
0x42: {  	_ =	shalt  }
0x43: {  	_ =	shalt  }
0x44: {  	_ =	shalt  }
0x45: {  	_ =	shalt  }
0x46: {  	_ =	shalt  }
0x47: {  	_ =	shalt  }
0x48: {  	_ =	shalt  }
0x49: {  	_ =	shalt  }
0x4a: {  	_ =	shalt  }
0x4b: {  	_ =	shalt  }
0x4c: {  	_ =	shalt  }
0x4d: {  	_ =	shalt  }
0x4e: {  	_ =	shalt  }
0x4f: {  	_ =	shalt  }
0x50: {  	_ =	shalt  }
0x51: {  	_ =	shalt  }
0x52: {  	_ =	shalt  }
0x53: {  	_ =	shalt  }
0x54: {  	_ =	shalt  }
0x55: {  	_ =	shalt  }
0x56: {  	_ =	shalt  }
0x57: {  	_ =	shalt  }
0x58: {  	_ =	shalt  }
0x59: {  	_ =	shalt  }
0x5a: {  	_ =	shalt  }
0x5b: {  	_ =	shalt  }
0x5c: {  	_ =	shalt  }
0x5d: {  	_ =	shalt  }
0x5e: {  	_ =	shalt  }
0x5f: {  	_ =	shalt  }
0x60: {  	_ =	shalt  }
0x61: {  	_ =	shalt  }
0x62: {  	_ =	shalt  }
0x63: {  	_ =	shalt  }
0x64: {  	_ =	shalt  }
0x65: {  	_ =	shalt  }
0x66: {  	_ =	shalt  }
0x67: {  	_ =	shalt  }
0x68: {  	_ =	shalt  }
0x69: {  	_ =	shalt  }
0x6a: {  	_ =	shalt  }
0x6b: {  	_ =	shalt  }
0x6c: {  	_ =	shalt  }
0x6d: {  	_ =	shalt  }
0x6e: {  	_ =	shalt  }
0x6f: {  	_ =	shalt  }
0x70: {  	_ =	shalt  }
0x71: {  	_ =	shalt  }
0x72: {  	_ =	shalt  }
0x73: {  	_ =	shalt  }
0x74: {  	_ =	shalt  }
0x75: {  	_ =	shalt  }
0x76: {  	_ =	shalt  }
0x77: {  	_ =	shalt  }
0x78: {  	_ =	shalt  }
0x79: {  	_ =	shalt  }
0x7a: {  	_ =	shalt  }
0x7b: {  	_ =	shalt  }
0x7c: {  	_ =	shalt  }
0x7d: {  	_ =	shalt  }
0x7e: {  	_ =	shalt  }
0x7f: {  	_ =	shalt  }
0x80: {  	_ =	shalt  }
0x81: {  	_ =	shalt  }
0x82: {  	_ =	shalt  }
0x83: {  	_ =	shalt  }
0x84: {  	_ =	shalt  }
0x85: {  	_ =	shalt  }
0x86: {  	_ =	shalt  }
0x87: {  	_ =	shalt  }
.Lfunc_end0:
.L_simem_size_0:
called_computation.2_lowered:
.L_overlay_start_0:
0x88: {  	s2 =	sld [smem:$0x3FD9]  }
0x89: {  	s3 =	sld [smem:$0x3FFE];
	_ =	sdelay $0x1  }
0x8a: {  	s1 =	srdreg.scid  }
0x8b: {  	s0 =	sand.u32 $0x1, s1  }
0x8c: {  	s17 =	sshll.u32 s0, $0xA;
	s2 =	sadd.s32 s3, s2  }
0x8d: {  	s2 =	sadd.s32 s2, s17  }
0x8e: {  	[smem:$0x3FC0] =	sst s2  }
0x8f: {  	_ = 	snop  }
0x90: {  	s2 =	sld [smem:$0x3FD0];
	(tm) =	ssettm $0x1  }
0x91: {  	s18 =	sld [smem:$0x3FFB];
	_ =	sdelay $0x3  }
0x92: {  	_ =	strace s18  }
0x93: {  	s3 =	sld [smem:$0x3FFC];
	_ =	sdelay $0x3  }
0x94: {  	_ =	strace s3  }
0x95: {  	s3 =	sld [smem:$0x3FFD];
	_ =	sdelay $0x3  }
0x96: {  	_ =	strace s3  }
0x97: {  	_ =	strace $0x8FFFFFFF  }
0x98: {  	s19 =	sld [smem:$0x3FDB];
	_ =	sdelay $0x1  }
0x99: {  	s4 =	simm.s32 $_scs_section_size  }
0x9a: {  	s5 =	simm.s32 $_size__tile_overlayer_lowered;
	s6 =	simm.s32 $_tile_overlayer_lowered  }
0x9b: {  	s22 =	simm.s32 $0x1BFF;
	s21 =	sshll.u32 s6, $0x1;
	s3 =	sadd.s32 s4, s19  }
0x9c: {  	s7 =	simm.s32 $0x0;
	s20 =	sshll.u32 s5, $0x1;
	s5 =	sadd.s32 s21, s3  }
0x9d: {  	[timem:s7], [sflag:s22] =	dma.local [hbm:s5], s20  }
0x9e: {  	_ =	swait.ge [sflag:s22], s20  }
0x9f: {  	s4 =	ssub.s32 $0x0, s20;
	[sflag:s22] =	ssyncset.done $0x0  }
0xa0: {  	[sflag:s22] =	ssyncadd.s32 s4;
	_ =	sdelay $0x1  }
0xa1: {  	s23 =	simm.s32 $0x1B8B  }
0xa2: {  	_ =	swait.ge [sflag:s23], $0x1  }
0xa3: {  	[sflag:s23] =	ssyncset.done $0x0  }
0xa4: {  	s25 =	simm.s32 $0x1B8E;
	s24 =	sld [smem:$0x3FFE];
	[sflag:s23] =	ssyncadd.s32 $0xFFFFFFFF  }
0xa5: {  	s26 =	simm.s32 $execute0_lowered;
	[smem:$0x3FD2] =	sst s25  }
0xa6: {  	s5 =	sshll.u32 s26, $0x1;
	_ =	strace $0x8000004C;
	[dreg:$0x1] =	wrdreg $0xFFFFFFFF  }
0xa7: {  	s28 =	simm.s32 $_size_execute0_lowered;
	s3 =	sadd.s32 s3, s5;
	[dreg:$0x0] =	wrdreg $0x0  }
0xa8: {  	s5 =	sshll.u32 s28, $0x1;
	[dreg:$0x2] =	wrdreg s3  }
0xa9: {  	[dreg:$0x3] =	wrdreg s5  }
0xaa: {  	[dreg:$0x4] =	wrdreg $0xC0  }
0xab: {  	_ =	task [dreg:s7], $0x5FFFF  }
0xac: {  	[dreg:$0x1] =	wrdreg $0xFFFFFFFF  }
0xad: {  	[dreg:$0x0] =	wrdreg $0x60  }
0xae: {  	[dreg:$0x2] =	wrdreg s2  }
0xaf: {  	[dreg:$0x3] =	wrdreg s24  }
0xb0: {  	[dreg:$0x4] =	wrdreg $0x101000  }
0xb1: {  	[dreg:$0x5] =	wrdreg $0x9  }
0xb2: {  	_ =	task.clear_ibuf [dreg:s7], $0x6FFFF;
	_ =	strace $0x9000004C  }
0xb3: {  	s29 =	simm.s32 $0x9;
	_ =	strace $0x8000004E  }
0xb4: {  	_ =	swait.ge [sflag:s29], $0x1  }
0xb5: {  	[sflag:s29] =	ssyncadd.s32 $0xFFFFFFFF  }
0xb6: {  	_ =	strace $0x9000004E  }
0xb7: {  	_ =	sfence  }
0xb8: {  	s30 =	sld [smem:$0x0];
	_ =	sdelay $0x2  }
0xb9: {  	s31 =	sshll.u32 s1, $0xD;
	s1 =	sshrl.u32 s1, $0x2  }
0xba: {  	s3 =	sand.u32 $0x4000, s31;
	s1 =	sadd.s32 s1, s30  }
0xbb: {  	s0 =	sor.u32 s3, s0;
	s1 =	sshll.u32 s1, $0x11  }
0xbc: {  	s0 =	sor.u32 s1, s0  }
0xbd: {  	s0 =	sadd.s32 $0x8F2B, s0  }
0xbe: {  	[sflag:s0] =	ssyncadd.remote.s32 $0x1  }
0xbf: {  	_ =	sfence.sel $0xFFFF  }
0xc0: {  	[dreg:$0x0] =	wrdreg $0xFFFFFFFF;
	(pc) =	sbr.abs _section_cstart, $3  }
0xc1: {  	[dreg:$0x1] =	wrdreg $0xFFFFFFFF  }
0xc2: {  	_ =	task.clear_ibuf [dreg:s7], $0x2FFFF;
	_ =	strace $0x9FFFFFFF  }
0xc3: {  	(tm) =	ssettm $0x7FFFFFFF  }
tec
execute0_lowered:
.L_overlay_start_1:
0x0: {  	(tag) =	ssettag $0x1  }
0x1: {  	s28 =	rddreg [dreg:$0x0]  }
0x2: {  	s4 =	rddreg [dreg:$0x1]  }
0x3: {  	s2 =	rddreg [dreg:$0x2];
	s3 =	simm.s32 $0x0;
	s1 =	stileid.u32  }
0x4: {  	s6 =	srdreg.scid;
	[smem:$0x7FF] =	sst s3;
	s5 =	sshll.u32 s1, $0x5  }
0x5: {  	s29 =	sand.u32 $0x1, s6;
	s20 =	sadd.s32 $0x2000, s4;
	s7 =	sshll.u32 s1, $0x10  }
0x6: {  	_ =	strace $0x8000004D;
	s5 =	sadd.s32 s5, s4;
	s8 =	sshll.u32 s29, $0xA  }
0x7: {  	[dreg:$0x4] =	wrdreg s20;
	s5 =	sadd.s32 $0x1E00, s5;
	s31 =	sor.u32 s8, s7  }
0x8: {  	[dreg:$0x5] =	wrdreg s5;
	s21 =	sadd.s32 s28, s31  }
0x9: {  	s30 =	sadd.s32 $0x3000, s4;
	[dreg:$0x6] =	wrdreg s21  }
0xa: {  	s4 =	sadd.s32 s30, s31;
	s16 =	sor.u32 $0x80, s31;
	s22 =	rddreg [dreg:$0x5]  }
0xb: {  	[dreg:$0x7] =	wrdreg s4;
	s23 =	sadd.s32 s28, s16  }
0xc: {  	s4 =	simm.s32 $0x1;
	[dreg:$0x8] =	wrdreg s23  }
0xd: {  	[tilespmem:s3], [sflag:$0x1] =	stream.linear.gather [hbm4b:s22+s3], $0x100, $0x38;
	[tilespmem:$0x18100] =	vst v63  }
0xe: {  	_ =	swait.ge [sflag:s4], $0x100  }
0xf: {  	[sflag:s4] =	ssyncset.done $0x0  }
0x10: {  	s5 =	simm.s32 $0x8100;
	s24 =	rddreg [dreg:$0x4];
	[sflag:s4] =	ssyncadd.s32 $0xFFFFFF00  }
0x11: {  	[tilespmem:s5], [sflag:$0x1] =	stream.linear.gather [hbm4b:s24+s3], $0x8000, $0x38;
	[tilespmem:$0x18100] =	vst v63  }
0x12: {  	_ =	swait.ge [sflag:s4], $0x8000  }
0x13: {  	s25 =	sshll.u32 s1, $0xF;
	[sflag:s4] =	ssyncset.done $0x0  }
0x14: {  	s6 =	sadd.s32 s25, s2;
	[sflag:s4] =	ssyncadd.s32 $0xFFFF8000  }
0x15: {  	[spmem:s6] =	stream.linear.scatter [tilespmem:s5], [sflag:$0x1], $0x8000, $0x38;
	[tilespmem:$0x18100] =	vst v63  }
0x16: {  	_ =	swait.ge [sflag:s4], $0x8000  }
0x17: {  	[sflag:s4] =	ssyncset.done $0x0  }
0x18: {  	[sflag:s4] =	ssyncadd.s32 $0xFFFF8000  }
0x19: {  	s9 =	simm.s32 $0x100;
	[bflag:$0x0] =	sbarrier.arrive $0xFFFF  }
0x1a: {  	s7 =	simm.s32 $0x400;
	s8 =	simm.s32 $0x4000;
	s10 =	rddreg [dreg:$0x6]  }
0x1b: {  	[tilespmem:s9], [sflag:$0x1] =	stream.strided.gather [hbm4b:s10+s7], $0x8000, s8, s7, $0x38;
	[tilespmem:$0x18100] =	vst v63  }
0x1c: {  	_ =	swait.ge [sflag:s4], $0x8000  }
0x1d: {  	[sflag:s4] =	ssyncset.done $0x0  }
0x1e: {  	s10 =	simm.s32 $0x80;
	[sflag:s4] =	ssyncadd.s32 $0xFFFF8000  }
0x1f: {  	[spmem:s2] =	stream.indirect.scatter.add.f32 [tilespmem:s9], [sflag:$0x1], $0x80, s3, s10, $0xb8;
	[tilespmem:$0x18100] =	vst v63  }
0x20: {  	_ =	swait.ge [sflag:s4], $0x4000  }
0x21: {  	[sflag:s4] =	ssyncset.done $0x0  }
0x22: {  	s11 =	simm.s32 $0x4100;
	[sflag:s4] =	ssyncadd.s32 $0xFFFFC000  }
0x23: {  	[spmem:s2] =	stream.indirect.scatter.add.f32 [tilespmem:s11], [sflag:$0x1], $0x80, s10, s10, $0xb8;
	[tilespmem:$0x18100] =	vst v63  }
0x24: {  	_ =	swait.ge [sflag:s4], $0x4000  }
0x25: {  	[sflag:s4] =	ssyncset.done $0x0  }
0x26: {  	s12 =	simm.s32 $0x8;
	[sflag:s4] =	ssyncadd.s32 $0xFFFFC000  }
0x27: {  	s13 =	simm.s32 $0x800;
	s14 =	sshll.u32 s1, $0x6;
	[bflag:$0x0] =	sbarrier.arrive $0xFFFF  }
0x28: {  	s14 =	sor.u32 $0x1C01, s14;
	s15 =	sshrl.u32 s6, $0x3;
	s17 =	rddreg [dreg:$0x7]  }
0x29: {  	[hbm:s17@s13], [sflag:s14] =	dma.strided [spmem:s15@s10], $0x1000, s12, $0x10   }
0x2a: {  	_ =	swait.ge [sflag:s4], $0x1000  }
0x2b: {  	[sflag:s4] =	ssyncset.done $0x0  }
0x2c: {  	[sflag:s4] =	ssyncadd.s32 $0xFFFFF000  }
0x2d: {  	[bflag:$0x0] =	sbarrier.arrive $0xFFFF  }
0x2e: {  	[spmem:s6] =	stream.linear.scatter [tilespmem:s5], [sflag:$0x1], $0x8000, $0x38;
	[tilespmem:$0x18100] =	vst v63  }
0x2f: {  	_ =	swait.ge [sflag:s4], $0x8000  }
0x30: {  	[sflag:s4] =	ssyncset.done $0x0  }
0x31: {  	[sflag:s4] =	ssyncadd.s32 $0xFFFF8000  }
0x32: {  	[bflag:$0x0] =	sbarrier.arrive $0xFFFF  }
0x33: {  	s26 =	rddreg [dreg:$0x8]  }
0x34: {  	[tilespmem:s9], [sflag:$0x1] =	stream.strided.gather [hbm4b:s26+s7], $0x8000, s8, s7, $0x38;
	[tilespmem:$0x18100] =	vst v63  }
0x35: {  	_ =	swait.ge [sflag:s4], $0x8000  }
0x36: {  	[sflag:s4] =	ssyncset.done $0x0  }
0x37: {  	[sflag:s4] =	ssyncadd.s32 $0xFFFF8000  }
0x38: {  	[spmem:s2] =	stream.indirect.scatter.add.f32 [tilespmem:s9], [sflag:$0x1], $0x80, s3, s10, $0xb8;
	[tilespmem:$0x18100] =	vst v63  }
0x39: {  	_ =	swait.ge [sflag:s4], $0x4000  }
0x3a: {  	[sflag:s4] =	ssyncset.done $0x0  }
0x3b: {  	[sflag:s4] =	ssyncadd.s32 $0xFFFFC000  }
0x3c: {  	[spmem:s2] =	stream.indirect.scatter.add.f32 [tilespmem:s11], [sflag:$0x1], $0x80, s10, s10, $0xb8;
	[tilespmem:$0x18100] =	vst v63  }
0x3d: {  	_ =	swait.ge [sflag:s4], $0x4000  }
0x3e: {  	[sflag:s4] =	ssyncset.done $0x0  }
0x3f: {  	[sflag:s4] =	ssyncadd.s32 $0xFFFFC000  }
0x40: {  	s16 =	sadd.s32 s30, s16;
	[bflag:$0x0] =	sbarrier.arrive $0xFFFF  }
0x41: {  	[hbm:s16@s13], [sflag:s14] =	dma.strided [spmem:s15@s10], $0x1000, s12, $0x10   }
0x42: {  	_ =	swait.ge [sflag:s4], $0x1000  }
0x43: {  	[sflag:s4] =	ssyncset.done $0x0  }
0x44: {  	[sflag:s4] =	ssyncadd.s32 $0xFFFFF000  }
0x45: {  	[bflag:$0x0] =	sbarrier.arrive $0xFFFF  }
0x46: {  	[spmem:s6] =	stream.linear.scatter [tilespmem:s5], [sflag:$0x1], $0x8000, $0x38;
	[tilespmem:$0x18100] =	vst v63  }
0x47: {  	_ =	swait.ge [sflag:s4], $0x8000  }
0x48: {  	[sflag:s4] =	ssyncset.done $0x0  }
0x49: {  	s18 =	sor.u32 $0x100, s31;
	[sflag:s4] =	ssyncadd.s32 $0xFFFF8000  }
0x4a: {  	s17 =	sadd.s32 s28, s18;
	[bflag:$0x0] =	sbarrier.arrive $0xFFFF  }
0x4b: {  	[tilespmem:s9], [sflag:$0x1] =	stream.strided.gather [hbm4b:s17+s7], $0x8000, s8, s7, $0x38;
	[tilespmem:$0x18100] =	vst v63  }
0x4c: {  	_ =	swait.ge [sflag:s4], $0x8000  }
0x4d: {  	[sflag:s4] =	ssyncset.done $0x0  }
0x4e: {  	[sflag:s4] =	ssyncadd.s32 $0xFFFF8000  }
0x4f: {  	[spmem:s2] =	stream.indirect.scatter.add.f32 [tilespmem:s9], [sflag:$0x1], $0x80, s3, s10, $0xb8;
	[tilespmem:$0x18100] =	vst v63  }
0x50: {  	_ =	swait.ge [sflag:s4], $0x4000  }
0x51: {  	[sflag:s4] =	ssyncset.done $0x0  }
0x52: {  	[sflag:s4] =	ssyncadd.s32 $0xFFFFC000  }
0x53: {  	[spmem:s2] =	stream.indirect.scatter.add.f32 [tilespmem:s11], [sflag:$0x1], $0x80, s10, s10, $0xb8;
	[tilespmem:$0x18100] =	vst v63  }
0x54: {  	_ =	swait.ge [sflag:s4], $0x4000  }
0x55: {  	[sflag:s4] =	ssyncset.done $0x0  }
0x56: {  	[sflag:s4] =	ssyncadd.s32 $0xFFFFC000  }
0x57: {  	s18 =	sadd.s32 s30, s18;
	[bflag:$0x0] =	sbarrier.arrive $0xFFFF  }
0x58: {  	[hbm:s18@s13], [sflag:s14] =	dma.strided [spmem:s15@s10], $0x1000, s12, $0x10   }
0x59: {  	_ =	swait.ge [sflag:s4], $0x1000  }
0x5a: {  	[sflag:s4] =	ssyncset.done $0x0  }
0x5b: {  	[sflag:s4] =	ssyncadd.s32 $0xFFFFF000  }
0x5c: {  	[bflag:$0x0] =	sbarrier.arrive $0xFFFF  }
0x5d: {  	[spmem:s6] =	stream.linear.scatter [tilespmem:s5], [sflag:$0x1], $0x8000, $0x38;
	[tilespmem:$0x18100] =	vst v63  }
0x5e: {  	_ =	swait.ge [sflag:s4], $0x8000  }
0x5f: {  	[sflag:s4] =	ssyncset.done $0x0  }
0x60: {  	s20 =	sor.u32 $0x180, s31;
	[sflag:s4] =	ssyncadd.s32 $0xFFFF8000  }
0x61: {  	s19 =	sadd.s32 s28, s20;
	[bflag:$0x0] =	sbarrier.arrive $0xFFFF  }
0x62: {  	[tilespmem:s9], [sflag:$0x1] =	stream.strided.gather [hbm4b:s19+s7], $0x8000, s8, s7, $0x38;
	[tilespmem:$0x18100] =	vst v63  }
0x63: {  	_ =	swait.ge [sflag:s4], $0x8000  }
0x64: {  	[sflag:s4] =	ssyncset.done $0x0  }
0x65: {  	[sflag:s4] =	ssyncadd.s32 $0xFFFF8000  }
0x66: {  	[spmem:s2] =	stream.indirect.scatter.add.f32 [tilespmem:s9], [sflag:$0x1], $0x80, s3, s10, $0xb8;
	[tilespmem:$0x18100] =	vst v63  }
0x67: {  	_ =	swait.ge [sflag:s4], $0x4000  }
0x68: {  	[sflag:s4] =	ssyncset.done $0x0  }
0x69: {  	[sflag:s4] =	ssyncadd.s32 $0xFFFFC000  }
0x6a: {  	[spmem:s2] =	stream.indirect.scatter.add.f32 [tilespmem:s11], [sflag:$0x1], $0x80, s10, s10, $0xb8;
	[tilespmem:$0x18100] =	vst v63  }
0x6b: {  	_ =	swait.ge [sflag:s4], $0x4000  }
0x6c: {  	[sflag:s4] =	ssyncset.done $0x0  }
0x6d: {  	[sflag:s4] =	ssyncadd.s32 $0xFFFFC000  }
0x6e: {  	s20 =	sadd.s32 s30, s20;
	[bflag:$0x0] =	sbarrier.arrive $0xFFFF  }
0x6f: {  	[hbm:s20@s13], [sflag:s14] =	dma.strided [spmem:s15@s10], $0x1000, s12, $0x10   }
0x70: {  	_ =	swait.ge [sflag:s4], $0x1000  }
0x71: {  	[sflag:s4] =	ssyncset.done $0x0  }
0x72: {  	[sflag:s4] =	ssyncadd.s32 $0xFFFFF000  }
0x73: {  	[bflag:$0x0] =	sbarrier.arrive $0xFFFF  }
0x74: {  	[spmem:s6] =	stream.linear.scatter [tilespmem:s5], [sflag:$0x1], $0x8000, $0x38;
	[tilespmem:$0x18100] =	vst v63  }
0x75: {  	_ =	swait.ge [sflag:s4], $0x8000  }
0x76: {  	[sflag:s4] =	ssyncset.done $0x0  }
0x77: {  	s22 =	sor.u32 $0x200, s31;
	[sflag:s4] =	ssyncadd.s32 $0xFFFF8000  }
0x78: {  	s21 =	sadd.s32 s28, s22;
	[bflag:$0x0] =	sbarrier.arrive $0xFFFF  }
0x79: {  	[tilespmem:s9], [sflag:$0x1] =	stream.strided.gather [hbm4b:s21+s7], $0x8000, s8, s7, $0x38;
	[tilespmem:$0x18100] =	vst v63  }
0x7a: {  	_ =	swait.ge [sflag:s4], $0x8000  }
0x7b: {  	[sflag:s4] =	ssyncset.done $0x0  }
0x7c: {  	[sflag:s4] =	ssyncadd.s32 $0xFFFF8000  }
0x7d: {  	[spmem:s2] =	stream.indirect.scatter.add.f32 [tilespmem:s9], [sflag:$0x1], $0x80, s3, s10, $0xb8;
	[tilespmem:$0x18100] =	vst v63  }
0x7e: {  	_ =	swait.ge [sflag:s4], $0x4000  }
0x7f: {  	[sflag:s4] =	ssyncset.done $0x0  }
0x80: {  	[sflag:s4] =	ssyncadd.s32 $0xFFFFC000  }
0x81: {  	[spmem:s2] =	stream.indirect.scatter.add.f32 [tilespmem:s11], [sflag:$0x1], $0x80, s10, s10, $0xb8;
	[tilespmem:$0x18100] =	vst v63  }
0x82: {  	_ =	swait.ge [sflag:s4], $0x4000  }
0x83: {  	[sflag:s4] =	ssyncset.done $0x0  }
0x84: {  	[sflag:s4] =	ssyncadd.s32 $0xFFFFC000  }
0x85: {  	s22 =	sadd.s32 s30, s22;
	[bflag:$0x0] =	sbarrier.arrive $0xFFFF  }
0x86: {  	[hbm:s22@s13], [sflag:s14] =	dma.strided [spmem:s15@s10], $0x1000, s12, $0x10   }
0x87: {  	_ =	swait.ge [sflag:s4], $0x1000  }
0x88: {  	[sflag:s4] =	ssyncset.done $0x0  }
0x89: {  	[sflag:s4] =	ssyncadd.s32 $0xFFFFF000  }
0x8a: {  	[bflag:$0x0] =	sbarrier.arrive $0xFFFF  }
0x8b: {  	[spmem:s6] =	stream.linear.scatter [tilespmem:s5], [sflag:$0x1], $0x8000, $0x38;
	[tilespmem:$0x18100] =	vst v63  }
0x8c: {  	_ =	swait.ge [sflag:s4], $0x8000  }
0x8d: {  	[sflag:s4] =	ssyncset.done $0x0  }
0x8e: {  	s24 =	sor.u32 $0x280, s31;
	[sflag:s4] =	ssyncadd.s32 $0xFFFF8000  }
0x8f: {  	s23 =	sadd.s32 s28, s24;
	[bflag:$0x0] =	sbarrier.arrive $0xFFFF  }
0x90: {  	[tilespmem:s9], [sflag:$0x1] =	stream.strided.gather [hbm4b:s23+s7], $0x8000, s8, s7, $0x38;
	[tilespmem:$0x18100] =	vst v63  }
0x91: {  	_ =	swait.ge [sflag:s4], $0x8000  }
0x92: {  	[sflag:s4] =	ssyncset.done $0x0  }
0x93: {  	[sflag:s4] =	ssyncadd.s32 $0xFFFF8000  }
0x94: {  	[spmem:s2] =	stream.indirect.scatter.add.f32 [tilespmem:s9], [sflag:$0x1], $0x80, s3, s10, $0xb8;
	[tilespmem:$0x18100] =	vst v63  }
0x95: {  	_ =	swait.ge [sflag:s4], $0x4000  }
0x96: {  	[sflag:s4] =	ssyncset.done $0x0  }
0x97: {  	[sflag:s4] =	ssyncadd.s32 $0xFFFFC000  }
0x98: {  	[spmem:s2] =	stream.indirect.scatter.add.f32 [tilespmem:s11], [sflag:$0x1], $0x80, s10, s10, $0xb8;
	[tilespmem:$0x18100] =	vst v63  }
0x99: {  	_ =	swait.ge [sflag:s4], $0x4000  }
0x9a: {  	[sflag:s4] =	ssyncset.done $0x0  }
0x9b: {  	[sflag:s4] =	ssyncadd.s32 $0xFFFFC000  }
0x9c: {  	s24 =	sadd.s32 s30, s24;
	[bflag:$0x0] =	sbarrier.arrive $0xFFFF  }
0x9d: {  	[hbm:s24@s13], [sflag:s14] =	dma.strided [spmem:s15@s10], $0x1000, s12, $0x10   }
0x9e: {  	_ =	swait.ge [sflag:s4], $0x1000  }
0x9f: {  	[sflag:s4] =	ssyncset.done $0x0  }
0xa0: {  	[sflag:s4] =	ssyncadd.s32 $0xFFFFF000  }
0xa1: {  	[bflag:$0x0] =	sbarrier.arrive $0xFFFF  }
0xa2: {  	[spmem:s6] =	stream.linear.scatter [tilespmem:s5], [sflag:$0x1], $0x8000, $0x38;
	[tilespmem:$0x18100] =	vst v63  }
0xa3: {  	_ =	swait.ge [sflag:s4], $0x8000  }
0xa4: {  	[sflag:s4] =	ssyncset.done $0x0  }
0xa5: {  	s26 =	sor.u32 $0x300, s31;
	[sflag:s4] =	ssyncadd.s32 $0xFFFF8000  }
0xa6: {  	s25 =	sadd.s32 s28, s26;
	[bflag:$0x0] =	sbarrier.arrive $0xFFFF  }
0xa7: {  	[tilespmem:s9], [sflag:$0x1] =	stream.strided.gather [hbm4b:s25+s7], $0x8000, s8, s7, $0x38;
	[tilespmem:$0x18100] =	vst v63  }
0xa8: {  	_ =	swait.ge [sflag:s4], $0x8000  }
0xa9: {  	[sflag:s4] =	ssyncset.done $0x0  }
0xaa: {  	[sflag:s4] =	ssyncadd.s32 $0xFFFF8000  }
0xab: {  	[spmem:s2] =	stream.indirect.scatter.add.f32 [tilespmem:s9], [sflag:$0x1], $0x80, s3, s10, $0xb8;
	[tilespmem:$0x18100] =	vst v63  }
0xac: {  	_ =	swait.ge [sflag:s4], $0x4000  }
0xad: {  	[sflag:s4] =	ssyncset.done $0x0  }
0xae: {  	[sflag:s4] =	ssyncadd.s32 $0xFFFFC000  }
0xaf: {  	[spmem:s2] =	stream.indirect.scatter.add.f32 [tilespmem:s11], [sflag:$0x1], $0x80, s10, s10, $0xb8;
	[tilespmem:$0x18100] =	vst v63  }
0xb0: {  	_ =	swait.ge [sflag:s4], $0x4000  }
0xb1: {  	[sflag:s4] =	ssyncset.done $0x0  }
0xb2: {  	[sflag:s4] =	ssyncadd.s32 $0xFFFFC000  }
0xb3: {  	s26 =	sadd.s32 s30, s26;
	[bflag:$0x0] =	sbarrier.arrive $0xFFFF  }
0xb4: {  	[hbm:s26@s13], [sflag:s14] =	dma.strided [spmem:s15@s10], $0x1000, s12, $0x10   }
0xb5: {  	_ =	swait.ge [sflag:s4], $0x1000  }
0xb6: {  	[sflag:s4] =	ssyncset.done $0x0  }
0xb7: {  	[sflag:s4] =	ssyncadd.s32 $0xFFFFF000  }
0xb8: {  	[bflag:$0x0] =	sbarrier.arrive $0xFFFF  }
0xb9: {  	[spmem:s6] =	stream.linear.scatter [tilespmem:s5], [sflag:$0x1], $0x8000, $0x38;
	[tilespmem:$0x18100] =	vst v63  }
0xba: {  	_ =	swait.ge [sflag:s4], $0x8000  }
0xbb: {  	[sflag:s4] =	ssyncset.done $0x0  }
0xbc: {  	s31 =	sor.u32 $0x380, s31;
	[sflag:s4] =	ssyncadd.s32 $0xFFFF8000  }
0xbd: {  	s28 =	sadd.s32 s28, s31;
	[bflag:$0x0] =	sbarrier.arrive $0xFFFF  }
0xbe: {  	[tilespmem:s9], [sflag:$0x1] =	stream.strided.gather [hbm4b:s28+s7], $0x8000, s8, s7, $0x38;
	[tilespmem:$0x18100] =	vst v63  }
0xbf: {  	_ =	swait.ge [sflag:s4], $0x8000  }
0xc0: {  	[sflag:s4] =	ssyncset.done $0x0  }
0xc1: {  	s29 =	ssub.s32 $0x2, s29;
	[sflag:s4] =	ssyncadd.s32 $0xFFFF8000  }
0xc2: {  	[spmem:s2] =	stream.indirect.scatter.add.f32 [tilespmem:s9], [sflag:$0x1], $0x80, s3, s10, $0xb8;
	[tilespmem:$0x18100] =	vst v63  }
0xc3: {  	s0 =	sshrl.u32 s29, $0x1;
	_ =	swait.ge [sflag:s4], $0x4000  }
0xc4: {  	s0 =	ssub.s32 s29, s0;
	[sflag:s4] =	ssyncset.done $0x0  }
0xc5: {  	s0 =	smax.u32 s0, $0x1;
	[sflag:s4] =	ssyncadd.s32 $0xFFFFC000  }
0xc6: {  	[spmem:s2] =	stream.indirect.scatter.add.f32 [tilespmem:s11], [sflag:$0x1], $0x80, s10, s10, $0xb8;
	[tilespmem:$0x18100] =	vst v63  }
0xc7: {  	p0 =	sne.s32 s0, $0x1;
	_ =	swait.ge [sflag:s4], $0x4000  }
.Ltmp0:
0xc8: {  	[sflag:s4] =	ssyncset.done $0x0;
	(pc) =	sbr.rel @!p0 .LBB2_2-.Ltmp0, $4  }
0xc9: {  	[sflag:s4] =	ssyncadd.s32 $0xFFFFC000  }
0xca: {  	s29 =	sadd.s32 s30, s31;
	[bflag:$0x0] =	sbarrier.arrive $0xFFFF  }
0xcb: {  	[hbm:s29@s13], [sflag:s14] =	dma.strided [spmem:s15@s10], $0x1000, s12, $0x10   }
0xcc: {  	s30 =	sadd.s32 $0xFFFFFFFF, s0;
	_ =	swait.ge [sflag:s4], $0x1000  }
.LBB2_1:
0xcd: {  	[sflag:s4] =	ssyncset.done $0x0  }
0xce: {  	s0 =	rddreg [dreg:$0x5];
	[sflag:s4] =	ssyncadd.s32 $0xFFFFF000  }
0xcf: {  	[tilespmem:s3], [sflag:$0x1] =	stream.linear.gather [hbm4b:s0+s3], $0x100, $0x38;
	[tilespmem:$0x18100] =	vst v63  }
0xd0: {  	_ =	swait.ge [sflag:s4], $0x100  }
0xd1: {  	[sflag:s4] =	ssyncset.done $0x0  }
0xd2: {  	s31 =	rddreg [dreg:$0x4];
	[sflag:s4] =	ssyncadd.s32 $0xFFFFFF00  }
0xd3: {  	[tilespmem:s5], [sflag:$0x1] =	stream.linear.gather [hbm4b:s31+s3], $0x8000, $0x38;
	[tilespmem:$0x18100] =	vst v63  }
0xd4: {  	_ =	swait.ge [sflag:s4], $0x8000  }
0xd5: {  	[sflag:s4] =	ssyncset.done $0x0  }
0xd6: {  	[sflag:s4] =	ssyncadd.s32 $0xFFFF8000  }
0xd7: {  	[spmem:s6] =	stream.linear.scatter [tilespmem:s5], [sflag:$0x1], $0x8000, $0x38;
	[tilespmem:$0x18100] =	vst v63  }
0xd8: {  	_ =	swait.ge [sflag:s4], $0x8000  }
0xd9: {  	[sflag:s4] =	ssyncset.done $0x0  }
0xda: {  	[sflag:s4] =	ssyncadd.s32 $0xFFFF8000  }
0xdb: {  	[bflag:$0x0] =	sbarrier.arrive $0xFFFF  }
0xdc: {  	s31 =	rddreg [dreg:$0x6]  }
0xdd: {  	[tilespmem:s9], [sflag:$0x1] =	stream.strided.gather [hbm4b:s31+s7], $0x8000, s8, s7, $0x38;
	[tilespmem:$0x18100] =	vst v63  }
0xde: {  	_ =	swait.ge [sflag:s4], $0x8000  }
0xdf: {  	[sflag:s4] =	ssyncset.done $0x0  }
0xe0: {  	[sflag:s4] =	ssyncadd.s32 $0xFFFF8000  }
0xe1: {  	[spmem:s2] =	stream.indirect.scatter.add.f32 [tilespmem:s9], [sflag:$0x1], $0x80, s3, s10, $0xb8;
	[tilespmem:$0x18100] =	vst v63  }
0xe2: {  	_ =	swait.ge [sflag:s4], $0x4000  }
0xe3: {  	[sflag:s4] =	ssyncset.done $0x0  }
0xe4: {  	[sflag:s4] =	ssyncadd.s32 $0xFFFFC000  }
0xe5: {  	[spmem:s2] =	stream.indirect.scatter.add.f32 [tilespmem:s11], [sflag:$0x1], $0x80, s10, s10, $0xb8;
	[tilespmem:$0x18100] =	vst v63  }
0xe6: {  	_ =	swait.ge [sflag:s4], $0x4000  }
0xe7: {  	[sflag:s4] =	ssyncset.done $0x0  }
0xe8: {  	[sflag:s4] =	ssyncadd.s32 $0xFFFFC000  }
0xe9: {  	[bflag:$0x0] =	sbarrier.arrive $0xFFFF  }
0xea: {  	s31 =	rddreg [dreg:$0x7]  }
0xeb: {  	[hbm:s31@s13], [sflag:s14] =	dma.strided [spmem:s15@s10], $0x1000, s12, $0x10   }
0xec: {  	_ =	swait.ge [sflag:s4], $0x1000  }
0xed: {  	[sflag:s4] =	ssyncset.done $0x0  }
0xee: {  	[sflag:s4] =	ssyncadd.s32 $0xFFFFF000  }
0xef: {  	[bflag:$0x0] =	sbarrier.arrive $0xFFFF  }
0xf0: {  	[spmem:s6] =	stream.linear.scatter [tilespmem:s5], [sflag:$0x1], $0x8000, $0x38;
	[tilespmem:$0x18100] =	vst v63  }
0xf1: {  	_ =	swait.ge [sflag:s4], $0x8000  }
0xf2: {  	[sflag:s4] =	ssyncset.done $0x0  }
0xf3: {  	[sflag:s4] =	ssyncadd.s32 $0xFFFF8000  }
0xf4: {  	[bflag:$0x0] =	sbarrier.arrive $0xFFFF  }
0xf5: {  	s31 =	rddreg [dreg:$0x8]  }
0xf6: {  	[tilespmem:s9], [sflag:$0x1] =	stream.strided.gather [hbm4b:s31+s7], $0x8000, s8, s7, $0x38;
	[tilespmem:$0x18100] =	vst v63  }
0xf7: {  	_ =	swait.ge [sflag:s4], $0x8000  }
0xf8: {  	[sflag:s4] =	ssyncset.done $0x0  }
0xf9: {  	[sflag:s4] =	ssyncadd.s32 $0xFFFF8000  }
0xfa: {  	[spmem:s2] =	stream.indirect.scatter.add.f32 [tilespmem:s9], [sflag:$0x1], $0x80, s3, s10, $0xb8;
	[tilespmem:$0x18100] =	vst v63  }
0xfb: {  	_ =	swait.ge [sflag:s4], $0x4000  }
0xfc: {  	[sflag:s4] =	ssyncset.done $0x0  }
0xfd: {  	[sflag:s4] =	ssyncadd.s32 $0xFFFFC000  }
0xfe: {  	[spmem:s2] =	stream.indirect.scatter.add.f32 [tilespmem:s11], [sflag:$0x1], $0x80, s10, s10, $0xb8;
	[tilespmem:$0x18100] =	vst v63  }
0xff: {  	_ =	swait.ge [sflag:s4], $0x4000  }
0x100: {  	[sflag:s4] =	ssyncset.done $0x0  }
0x101: {  	[sflag:s4] =	ssyncadd.s32 $0xFFFFC000  }
0x102: {  	[bflag:$0x0] =	sbarrier.arrive $0xFFFF  }
0x103: {  	[hbm:s16@s13], [sflag:s14] =	dma.strided [spmem:s15@s10], $0x1000, s12, $0x10   }
0x104: {  	_ =	swait.ge [sflag:s4], $0x1000  }
0x105: {  	[sflag:s4] =	ssyncset.done $0x0  }
0x106: {  	[sflag:s4] =	ssyncadd.s32 $0xFFFFF000  }
0x107: {  	[bflag:$0x0] =	sbarrier.arrive $0xFFFF  }
0x108: {  	[spmem:s6] =	stream.linear.scatter [tilespmem:s5], [sflag:$0x1], $0x8000, $0x38;
	[tilespmem:$0x18100] =	vst v63  }
0x109: {  	_ =	swait.ge [sflag:s4], $0x8000  }
0x10a: {  	[sflag:s4] =	ssyncset.done $0x0  }
0x10b: {  	[sflag:s4] =	ssyncadd.s32 $0xFFFF8000  }
0x10c: {  	[bflag:$0x0] =	sbarrier.arrive $0xFFFF  }
0x10d: {  	[tilespmem:s9], [sflag:$0x1] =	stream.strided.gather [hbm4b:s17+s7], $0x8000, s8, s7, $0x38;
	[tilespmem:$0x18100] =	vst v63  }
0x10e: {  	_ =	swait.ge [sflag:s4], $0x8000  }
0x10f: {  	[sflag:s4] =	ssyncset.done $0x0  }
0x110: {  	[sflag:s4] =	ssyncadd.s32 $0xFFFF8000  }
0x111: {  	[spmem:s2] =	stream.indirect.scatter.add.f32 [tilespmem:s9], [sflag:$0x1], $0x80, s3, s10, $0xb8;
	[tilespmem:$0x18100] =	vst v63  }
0x112: {  	_ =	swait.ge [sflag:s4], $0x4000  }
0x113: {  	[sflag:s4] =	ssyncset.done $0x0  }
0x114: {  	[sflag:s4] =	ssyncadd.s32 $0xFFFFC000  }
0x115: {  	[spmem:s2] =	stream.indirect.scatter.add.f32 [tilespmem:s11], [sflag:$0x1], $0x80, s10, s10, $0xb8;
	[tilespmem:$0x18100] =	vst v63  }
0x116: {  	_ =	swait.ge [sflag:s4], $0x4000  }
0x117: {  	[sflag:s4] =	ssyncset.done $0x0  }
0x118: {  	[sflag:s4] =	ssyncadd.s32 $0xFFFFC000  }
0x119: {  	[bflag:$0x0] =	sbarrier.arrive $0xFFFF  }
0x11a: {  	[hbm:s18@s13], [sflag:s14] =	dma.strided [spmem:s15@s10], $0x1000, s12, $0x10   }
0x11b: {  	_ =	swait.ge [sflag:s4], $0x1000  }
0x11c: {  	[sflag:s4] =	ssyncset.done $0x0  }
0x11d: {  	[sflag:s4] =	ssyncadd.s32 $0xFFFFF000  }
0x11e: {  	[bflag:$0x0] =	sbarrier.arrive $0xFFFF  }
0x11f: {  	[spmem:s6] =	stream.linear.scatter [tilespmem:s5], [sflag:$0x1], $0x8000, $0x38;
	[tilespmem:$0x18100] =	vst v63  }
0x120: {  	_ =	swait.ge [sflag:s4], $0x8000  }
0x121: {  	[sflag:s4] =	ssyncset.done $0x0  }
0x122: {  	[sflag:s4] =	ssyncadd.s32 $0xFFFF8000  }
0x123: {  	[bflag:$0x0] =	sbarrier.arrive $0xFFFF  }
0x124: {  	[tilespmem:s9], [sflag:$0x1] =	stream.strided.gather [hbm4b:s19+s7], $0x8000, s8, s7, $0x38;
	[tilespmem:$0x18100] =	vst v63  }
0x125: {  	_ =	swait.ge [sflag:s4], $0x8000  }
0x126: {  	[sflag:s4] =	ssyncset.done $0x0  }
0x127: {  	[sflag:s4] =	ssyncadd.s32 $0xFFFF8000  }
0x128: {  	[spmem:s2] =	stream.indirect.scatter.add.f32 [tilespmem:s9], [sflag:$0x1], $0x80, s3, s10, $0xb8;
	[tilespmem:$0x18100] =	vst v63  }
0x129: {  	_ =	swait.ge [sflag:s4], $0x4000  }
0x12a: {  	[sflag:s4] =	ssyncset.done $0x0  }
0x12b: {  	[sflag:s4] =	ssyncadd.s32 $0xFFFFC000  }
0x12c: {  	[spmem:s2] =	stream.indirect.scatter.add.f32 [tilespmem:s11], [sflag:$0x1], $0x80, s10, s10, $0xb8;
	[tilespmem:$0x18100] =	vst v63  }
0x12d: {  	_ =	swait.ge [sflag:s4], $0x4000  }
0x12e: {  	[sflag:s4] =	ssyncset.done $0x0  }
0x12f: {  	[sflag:s4] =	ssyncadd.s32 $0xFFFFC000  }
0x130: {  	[bflag:$0x0] =	sbarrier.arrive $0xFFFF  }
0x131: {  	[hbm:s20@s13], [sflag:s14] =	dma.strided [spmem:s15@s10], $0x1000, s12, $0x10   }
0x132: {  	_ =	swait.ge [sflag:s4], $0x1000  }
0x133: {  	[sflag:s4] =	ssyncset.done $0x0  }
0x134: {  	[sflag:s4] =	ssyncadd.s32 $0xFFFFF000  }
0x135: {  	[bflag:$0x0] =	sbarrier.arrive $0xFFFF  }
0x136: {  	[spmem:s6] =	stream.linear.scatter [tilespmem:s5], [sflag:$0x1], $0x8000, $0x38;
	[tilespmem:$0x18100] =	vst v63  }
0x137: {  	_ =	swait.ge [sflag:s4], $0x8000  }
0x138: {  	[sflag:s4] =	ssyncset.done $0x0  }
0x139: {  	[sflag:s4] =	ssyncadd.s32 $0xFFFF8000  }
0x13a: {  	[bflag:$0x0] =	sbarrier.arrive $0xFFFF  }
0x13b: {  	[tilespmem:s9], [sflag:$0x1] =	stream.strided.gather [hbm4b:s21+s7], $0x8000, s8, s7, $0x38;
	[tilespmem:$0x18100] =	vst v63  }
0x13c: {  	_ =	swait.ge [sflag:s4], $0x8000  }
0x13d: {  	[sflag:s4] =	ssyncset.done $0x0  }
0x13e: {  	[sflag:s4] =	ssyncadd.s32 $0xFFFF8000  }
0x13f: {  	[spmem:s2] =	stream.indirect.scatter.add.f32 [tilespmem:s9], [sflag:$0x1], $0x80, s3, s10, $0xb8;
	[tilespmem:$0x18100] =	vst v63  }
0x140: {  	_ =	swait.ge [sflag:s4], $0x4000  }
0x141: {  	[sflag:s4] =	ssyncset.done $0x0  }
0x142: {  	[sflag:s4] =	ssyncadd.s32 $0xFFFFC000  }
0x143: {  	[spmem:s2] =	stream.indirect.scatter.add.f32 [tilespmem:s11], [sflag:$0x1], $0x80, s10, s10, $0xb8;
	[tilespmem:$0x18100] =	vst v63  }
0x144: {  	_ =	swait.ge [sflag:s4], $0x4000  }
0x145: {  	[sflag:s4] =	ssyncset.done $0x0  }
0x146: {  	[sflag:s4] =	ssyncadd.s32 $0xFFFFC000  }
0x147: {  	[bflag:$0x0] =	sbarrier.arrive $0xFFFF  }
0x148: {  	[hbm:s22@s13], [sflag:s14] =	dma.strided [spmem:s15@s10], $0x1000, s12, $0x10   }
0x149: {  	_ =	swait.ge [sflag:s4], $0x1000  }
0x14a: {  	[sflag:s4] =	ssyncset.done $0x0  }
0x14b: {  	[sflag:s4] =	ssyncadd.s32 $0xFFFFF000  }
0x14c: {  	[bflag:$0x0] =	sbarrier.arrive $0xFFFF  }
0x14d: {  	[spmem:s6] =	stream.linear.scatter [tilespmem:s5], [sflag:$0x1], $0x8000, $0x38;
	[tilespmem:$0x18100] =	vst v63  }
0x14e: {  	_ =	swait.ge [sflag:s4], $0x8000  }
0x14f: {  	[sflag:s4] =	ssyncset.done $0x0  }
0x150: {  	[sflag:s4] =	ssyncadd.s32 $0xFFFF8000  }
0x151: {  	[bflag:$0x0] =	sbarrier.arrive $0xFFFF  }
0x152: {  	[tilespmem:s9], [sflag:$0x1] =	stream.strided.gather [hbm4b:s23+s7], $0x8000, s8, s7, $0x38;
	[tilespmem:$0x18100] =	vst v63  }
0x153: {  	_ =	swait.ge [sflag:s4], $0x8000  }
0x154: {  	[sflag:s4] =	ssyncset.done $0x0  }
0x155: {  	[sflag:s4] =	ssyncadd.s32 $0xFFFF8000  }
0x156: {  	[spmem:s2] =	stream.indirect.scatter.add.f32 [tilespmem:s9], [sflag:$0x1], $0x80, s3, s10, $0xb8;
	[tilespmem:$0x18100] =	vst v63  }
0x157: {  	_ =	swait.ge [sflag:s4], $0x4000  }
0x158: {  	[sflag:s4] =	ssyncset.done $0x0  }
0x159: {  	[sflag:s4] =	ssyncadd.s32 $0xFFFFC000  }
0x15a: {  	[spmem:s2] =	stream.indirect.scatter.add.f32 [tilespmem:s11], [sflag:$0x1], $0x80, s10, s10, $0xb8;
	[tilespmem:$0x18100] =	vst v63  }
0x15b: {  	_ =	swait.ge [sflag:s4], $0x4000  }
0x15c: {  	[sflag:s4] =	ssyncset.done $0x0  }
0x15d: {  	[sflag:s4] =	ssyncadd.s32 $0xFFFFC000  }
0x15e: {  	[bflag:$0x0] =	sbarrier.arrive $0xFFFF  }
0x15f: {  	[hbm:s24@s13], [sflag:s14] =	dma.strided [spmem:s15@s10], $0x1000, s12, $0x10   }
0x160: {  	_ =	swait.ge [sflag:s4], $0x1000  }
0x161: {  	[sflag:s4] =	ssyncset.done $0x0  }
0x162: {  	[sflag:s4] =	ssyncadd.s32 $0xFFFFF000  }
0x163: {  	[bflag:$0x0] =	sbarrier.arrive $0xFFFF  }
0x164: {  	[spmem:s6] =	stream.linear.scatter [tilespmem:s5], [sflag:$0x1], $0x8000, $0x38;
	[tilespmem:$0x18100] =	vst v63  }
0x165: {  	_ =	swait.ge [sflag:s4], $0x8000  }
0x166: {  	[sflag:s4] =	ssyncset.done $0x0  }
0x167: {  	[sflag:s4] =	ssyncadd.s32 $0xFFFF8000  }
0x168: {  	[bflag:$0x0] =	sbarrier.arrive $0xFFFF  }
0x169: {  	[tilespmem:s9], [sflag:$0x1] =	stream.strided.gather [hbm4b:s25+s7], $0x8000, s8, s7, $0x38;
	[tilespmem:$0x18100] =	vst v63  }
0x16a: {  	_ =	swait.ge [sflag:s4], $0x8000  }
0x16b: {  	[sflag:s4] =	ssyncset.done $0x0  }
0x16c: {  	[sflag:s4] =	ssyncadd.s32 $0xFFFF8000  }
0x16d: {  	[spmem:s2] =	stream.indirect.scatter.add.f32 [tilespmem:s9], [sflag:$0x1], $0x80, s3, s10, $0xb8;
	[tilespmem:$0x18100] =	vst v63  }
0x16e: {  	_ =	swait.ge [sflag:s4], $0x4000  }
0x16f: {  	[sflag:s4] =	ssyncset.done $0x0  }
0x170: {  	[sflag:s4] =	ssyncadd.s32 $0xFFFFC000  }
0x171: {  	[spmem:s2] =	stream.indirect.scatter.add.f32 [tilespmem:s11], [sflag:$0x1], $0x80, s10, s10, $0xb8;
	[tilespmem:$0x18100] =	vst v63  }
0x172: {  	_ =	swait.ge [sflag:s4], $0x4000  }
0x173: {  	[sflag:s4] =	ssyncset.done $0x0  }
0x174: {  	[sflag:s4] =	ssyncadd.s32 $0xFFFFC000  }
0x175: {  	[bflag:$0x0] =	sbarrier.arrive $0xFFFF  }
0x176: {  	[hbm:s26@s13], [sflag:s14] =	dma.strided [spmem:s15@s10], $0x1000, s12, $0x10   }
0x177: {  	_ =	swait.ge [sflag:s4], $0x1000  }
0x178: {  	[sflag:s4] =	ssyncset.done $0x0  }
0x179: {  	[sflag:s4] =	ssyncadd.s32 $0xFFFFF000  }
0x17a: {  	[bflag:$0x0] =	sbarrier.arrive $0xFFFF  }
0x17b: {  	[spmem:s6] =	stream.linear.scatter [tilespmem:s5], [sflag:$0x1], $0x8000, $0x38;
	[tilespmem:$0x18100] =	vst v63  }
0x17c: {  	_ =	swait.ge [sflag:s4], $0x8000  }
0x17d: {  	[sflag:s4] =	ssyncset.done $0x0  }
0x17e: {  	[sflag:s4] =	ssyncadd.s32 $0xFFFF8000  }
0x17f: {  	[bflag:$0x0] =	sbarrier.arrive $0xFFFF  }
0x180: {  	[tilespmem:s9], [sflag:$0x1] =	stream.strided.gather [hbm4b:s28+s7], $0x8000, s8, s7, $0x38;
	[tilespmem:$0x18100] =	vst v63  }
0x181: {  	_ =	swait.ge [sflag:s4], $0x8000  }
0x182: {  	[sflag:s4] =	ssyncset.done $0x0  }
0x183: {  	[sflag:s4] =	ssyncadd.s32 $0xFFFF8000  }
0x184: {  	[spmem:s2] =	stream.indirect.scatter.add.f32 [tilespmem:s9], [sflag:$0x1], $0x80, s3, s10, $0xb8;
	[tilespmem:$0x18100] =	vst v63  }
0x185: {  	_ =	swait.ge [sflag:s4], $0x4000  }
0x186: {  	[sflag:s4] =	ssyncset.done $0x0  }
0x187: {  	[sflag:s4] =	ssyncadd.s32 $0xFFFFC000  }
0x188: {  	[spmem:s2] =	stream.indirect.scatter.add.f32 [tilespmem:s11], [sflag:$0x1], $0x80, s10, s10, $0xb8;
	[tilespmem:$0x18100] =	vst v63  }
0x189: {  	p0 =	sne.s32 s30, $0x1;
	_ =	swait.ge [sflag:s4], $0x4000  }
.Ltmp1:
0x18a: {  	[sflag:s4] =	ssyncset.done $0x0;
	(pc) =	sbr.rel @p0 .LBB2_1-.Ltmp1, $4  }
0x18b: {  	[sflag:s4] =	ssyncadd.s32 $0xFFFFC000  }
0x18c: {  	[bflag:$0x0] =	sbarrier.arrive $0xFFFF  }
0x18d: {  	[hbm:s29@s13], [sflag:s14] =	dma.strided [spmem:s15@s10], $0x1000, s12, $0x10   }
0x18e: {  	s30 =	sadd.s32 $0xFFFFFFFF, s30;
	_ =	swait.ge [sflag:s4], $0x1000  }
.LBB2_2:
0x18f: {  	[sflag:s4] =	ssyncset.done $0x0  }
0x190: {  	[sflag:s4] =	ssyncadd.s32 $0xFFFFF000  }
0x191: {  	_ =	sfence.sel $0x180000  }
0x192: {  	[bflag:$0x0] =	sbarrier.arrive $0xFFFF  }
0x193: {  	_ =	strace $0x9000004D  }
0x194: {  	[bflag:$0x2] =	sbarrier.arrive $0xFFFF  }
0x195: {  	p0 =	sne.s32 s1, $0x0;
	s0 =	rddreg [dreg:$0x3]  }
0x196: {  	s0 =	sadd.s32 @!p0 $0x100000, s0  }
0x197: {  	[sflag:s0] =	ssyncadd.tile.s32 @!p0 $0x1;
	_ =	shalt  }
.Lfunc_end2:
_tile_overlayer_lowered:
.L_overlay_start_2:
0x198: {  	(tag) =	ssettag $0x2  }
0x199: {  	s0 =	rddreg [dreg:$0x0];
	s2 =	stileid.u32  }
0x19a: {  	s1 =	rddreg [dreg:$0x1];
	p0 =	sne.s32 s2, $0x0  }
0x19b: {  	s3 =	rddreg [dreg:$0x2];
	[bflag:$0x3] =	sbarrier.arrive $0xFFFF;
	s2 =	simm.s32 @!p0 $0x1C01  }
0x19c: {  	[timem:s3], [sflag:s2] =	dma.local @!p0 [hbm:s0], s1  }
0x19d: {  	s0 =	simm.s32 @!p0 $0x1  }
0x19e: {  	_ =	swait.ge @!p0 [sflag:s0], s1  }
0x19f: {  	s1 =	ssub.s32 @!p0 $0x0, s1;
	[sflag:s0] =	ssyncset.done @!p0 $0x0  }
0x1a0: {  	[sflag:s0] =	ssyncadd.s32 @!p0 s1  }
0x1a1: {  	[bflag:$0x3] =	sbarrier.arrive $0xFFFF  }
0x1a2: {  	_ =	shalt  }

// kernel: kernel.9.cloned.1.call-start
scs
__scs_entry_jumppad:
0x0: {  	(pc) =	sbr.rel $0x88, $3  }
0x1: {  	(tag) =	ssettag $0x0;
	lr =	simm.s32 $0x1  }
0x2: {  	[smem:$0x3F99] =	sst lr;
	_ =	strace $0xD0000000  }
0x3: {  	_ = 	snop  }
0x4: {  	_ = 	snop  }
0x5: {  	_ = 	snop  }
0x6: {  	_ = 	snop  }
0x7: {  	_ = 	snop  }
__scs_overlays_trampoline_lowered:
0x8: {  	[smem:$0x3FA8] =	sst s0  }
0x9: {  	[smem:$0x3FA9] =	sst s1  }
0xa: {  	[smem:$0x3FAA] =	sst s2  }
0xb: {  	[smem:$0x3FAB] =	sst s3  }
0xc: {  	[smem:$0x3FAC] =	sst s4  }
0xd: {  	[smem:$0x3FAD] =	sst s5  }
0xe: {  	[smem:$0x3FAE] =	sst s6  }
0xf: {  	[smem:$0x3FAF] =	sst s7  }
0x10: {  	[smem:$0x3FB0] =	sst s8  }
0x11: {  	[smem:$0x3FB1] =	sst s9;
	s0 =	simm.s32 @!p0 $0x0  }
0x12: {  	s1 =	sld [smem:$0x3F97];
	s0 =	simm.s32 @p0 $0x1  }
0x13: {  	[smem:$0x3FB2] =	sst s0;
	s0 =	simm.s32 @!p1 $0x0  }
0x14: {  	s2 =	sld [smem:$0x3F96];
	s0 =	simm.s32 @p1 $0x1  }
0x15: {  	[smem:$0x3FB3] =	sst s0;
	s0 =	simm.s32 @!p2 $0x0  }
0x16: {  	s3 =	sld [smem:$0x3FDB];
	s0 =	simm.s32 @p2 $0x1  }
0x17: {  	s4 =	simm.s32 $0x1BF5;
	[smem:$0x3FB5] =	sst s0  }
0x18: {  	s0 =	sld [smem:$0x3F98];
	_ =	swait.ge [sflag:s4], $0x0  }
0x19: {  	s7 =	sld [smem:$0x3F99]  }
0x1a: {  	s8 =	sadd.s32 $0xFFFFE003, lr  }
0x1b: {  	s9 =	sadd.s32 $0xFFFFFEF7, lr;
	s5 =	simm.s32 $0xFFFFFFFF;
	p2 =	slt.u32 s8, $0xFFFFF086  }
0x1c: {  	p1 =	slt.u32 s9, $0xF7A;
	s5 =	simm.s32 @!p2 $0x0  }
0x1d: {  	s5 =	simm.s32 @p1 $0x1;
	p0 =	seq.s32 s7, s2  }
0x1e: {  	s7 =	smul.u32 @!p0 $0xF7A, s2;
	p2 =	seq.s32 @!p0 s5, $0x0  }
0x1f: {  	s9 =	smul.u32 $0xF7A, s1;
	s8 =	simm.s32 @!p0 $0x1BF5;
	p2 =	por !p2, p0  }
0x20: {  	[sflag:s8] =	ssyncset.s32 @!p0 $0xFFFFF086;
	s6 =	sadd.s32 @!p0 s3, s7;
	s7 =	simm.s32 @!p0 $0x108  }
0x21: {  	s3 =	sadd.s32 s3, s9;
	s6 =	sadd.s32 @!p0 $0x88, s6;
	s7 =	simm.s32 @p2 $0x1082  }
0x22: {  	[simem:s7], [sflag:s8] =	dma.local @!p0 [hbm:s6], $0xF7A  }
0x23: {  	s9 =	sor.u32 $0xD0000000, s2;
	s6 =	simm.s32 $0x108;
	_ =	swait.ge @!p0 [sflag:s8], $0x0  }
0x24: {  	s3 =	sadd.s32 $0x88, s3;
	s6 =	simm.s32 @!p1 $0x1082;
	[sflag:s4] =	ssyncset.s32 $0xFFFFF086  }
0x25: {  	[simem:s6], [sflag:s4] =	dma.local [hbm:s3], $0xF7A  }
0x26: {  	[smem:$0x3F99] =	sst s1;
	(tag) =	ssettag s2;
	_ =	strace s9  }
0x27: {  	s1 =	sld [smem:$0x3FA9]  }
0x28: {  	s2 =	sld [smem:$0x3FAA]  }
0x29: {  	s4 =	sld [smem:$0x3FAC]  }
0x2a: {  	p0 =	seq.s32 s5, $0x0;
	s5 =	sld [smem:$0x3FAD]  }
0x2b: {  	s6 =	sld [smem:$0x3FAE]  }
0x2c: {  	s7 =	sld [smem:$0x3FAF]  }
0x2d: {  	s3 =	simm.s32 $0x108;
	s8 =	sld [smem:$0x3FB0]  }
0x2e: {  	s3 =	simm.s32 @!p0 $0x1082;
	s9 =	sld [smem:$0x3FB1]  }
0x2f: {  	lr =	sadd.s32 s0, s3;
	s0 =	sld [smem:$0x3FA8]  }
0x30: {  	s3 =	sld [smem:$0x3FAB]  }
0x31: {  	[smem:$0x3FB4] =	sst s10  }
0x32: {  	s10 =	sld [smem:$0x3FB2];
	_ =	sdelay $0x3  }
0x33: {  	p0 =	seq.s32 s10, $0x1;
	s10 =	sld [smem:$0x3FB4];
	_ =	sdelay $0x3  }
0x34: {  	[smem:$0x3FB4] =	sst s10  }
0x35: {  	s10 =	sld [smem:$0x3FB3];
	_ =	sdelay $0x3  }
0x36: {  	p1 =	seq.s32 s10, $0x1;
	s10 =	sld [smem:$0x3FB4];
	_ =	sdelay $0x3  }
0x37: {  	[smem:$0x3FB4] =	sst s10  }
0x38: {  	s10 =	sld [smem:$0x3FB5]  }
0x39: {  	_ = 	snop;
	(pc) =	sbr.ind lr, $3  }
0x3a: {  	_ = 	snop  }
0x3b: {  	_ = 	snop  }
0x3c: {  	p2 =	seq.s32 s10, $0x1;
	s10 =	sld [smem:$0x3FB4]  }
0x3d: {  	_ =	shalt  }
0x3e: {  	_ =	shalt  }
0x3f: {  	_ =	shalt  }
0x40: {  	_ =	shalt  }
0x41: {  	_ =	shalt  }
0x42: {  	_ =	shalt  }
0x43: {  	_ =	shalt  }
0x44: {  	_ =	shalt  }
0x45: {  	_ =	shalt  }
0x46: {  	_ =	shalt  }
0x47: {  	_ =	shalt  }
0x48: {  	_ =	shalt  }
0x49: {  	_ =	shalt  }
0x4a: {  	_ =	shalt  }
0x4b: {  	_ =	shalt  }
0x4c: {  	_ =	shalt  }
0x4d: {  	_ =	shalt  }
0x4e: {  	_ =	shalt  }
0x4f: {  	_ =	shalt  }
0x50: {  	_ =	shalt  }
0x51: {  	_ =	shalt  }
0x52: {  	_ =	shalt  }
0x53: {  	_ =	shalt  }
0x54: {  	_ =	shalt  }
0x55: {  	_ =	shalt  }
0x56: {  	_ =	shalt  }
0x57: {  	_ =	shalt  }
0x58: {  	_ =	shalt  }
0x59: {  	_ =	shalt  }
0x5a: {  	_ =	shalt  }
0x5b: {  	_ =	shalt  }
0x5c: {  	_ =	shalt  }
0x5d: {  	_ =	shalt  }
0x5e: {  	_ =	shalt  }
0x5f: {  	_ =	shalt  }
0x60: {  	_ =	shalt  }
0x61: {  	_ =	shalt  }
0x62: {  	_ =	shalt  }
0x63: {  	_ =	shalt  }
0x64: {  	_ =	shalt  }
0x65: {  	_ =	shalt  }
0x66: {  	_ =	shalt  }
0x67: {  	_ =	shalt  }
0x68: {  	_ =	shalt  }
0x69: {  	_ =	shalt  }
0x6a: {  	_ =	shalt  }
0x6b: {  	_ =	shalt  }
0x6c: {  	_ =	shalt  }
0x6d: {  	_ =	shalt  }
0x6e: {  	_ =	shalt  }
0x6f: {  	_ =	shalt  }
0x70: {  	_ =	shalt  }
0x71: {  	_ =	shalt  }
0x72: {  	_ =	shalt  }
0x73: {  	_ =	shalt  }
0x74: {  	_ =	shalt  }
0x75: {  	_ =	shalt  }
0x76: {  	_ =	shalt  }
0x77: {  	_ =	shalt  }
0x78: {  	_ =	shalt  }
0x79: {  	_ =	shalt  }
0x7a: {  	_ =	shalt  }
0x7b: {  	_ =	shalt  }
0x7c: {  	_ =	shalt  }
0x7d: {  	_ =	shalt  }
0x7e: {  	_ =	shalt  }
0x7f: {  	_ =	shalt  }
0x80: {  	_ =	shalt  }
0x81: {  	_ =	shalt  }
0x82: {  	_ =	shalt  }
0x83: {  	_ =	shalt  }
0x84: {  	_ =	shalt  }
0x85: {  	_ =	shalt  }
0x86: {  	_ =	shalt  }
0x87: {  	_ =	shalt  }
.Lfunc_end0:
.L_simem_size_0:
called_computation_lowered:
.L_overlay_start_0:
0x88: {  	s2 =	sld [smem:$0x3FD9]  }
0x89: {  	s3 =	sld [smem:$0x3FFE];
	_ =	sdelay $0x1  }
0x8a: {  	s1 =	srdreg.scid  }
0x8b: {  	s0 =	sand.u32 $0x1, s1  }
0x8c: {  	s17 =	sshll.u32 s0, $0xA;
	s2 =	sadd.s32 s3, s2  }
0x8d: {  	s2 =	sadd.s32 s2, s17  }
0x8e: {  	[smem:$0x3FC0] =	sst s2  }
0x8f: {  	_ = 	snop  }
0x90: {  	s2 =	sld [smem:$0x3FD0];
	(tm) =	ssettm $0x1  }
0x91: {  	s18 =	sld [smem:$0x3FFB];
	_ =	sdelay $0x3  }
0x92: {  	_ =	strace s18  }
0x93: {  	s3 =	sld [smem:$0x3FFC];
	_ =	sdelay $0x3  }
0x94: {  	_ =	strace s3  }
0x95: {  	s3 =	sld [smem:$0x3FFD];
	_ =	sdelay $0x3  }
0x96: {  	_ =	strace s3  }
0x97: {  	_ =	strace $0x8FFFFFFF  }
0x98: {  	s19 =	sld [smem:$0x3FDB];
	_ =	sdelay $0x1  }
0x99: {  	s4 =	simm.s32 $_scs_section_size  }
0x9a: {  	s5 =	simm.s32 $_size__tile_overlayer_lowered;
	s6 =	simm.s32 $_tile_overlayer_lowered  }
0x9b: {  	s22 =	simm.s32 $0x1BFF;
	s21 =	sshll.u32 s6, $0x1;
	s3 =	sadd.s32 s4, s19  }
0x9c: {  	s7 =	simm.s32 $0x0;
	s20 =	sshll.u32 s5, $0x1;
	s5 =	sadd.s32 s21, s3  }
0x9d: {  	[timem:s7], [sflag:s22] =	dma.local [hbm:s5], s20  }
0x9e: {  	_ =	swait.ge [sflag:s22], s20  }
0x9f: {  	s4 =	ssub.s32 $0x0, s20;
	[sflag:s22] =	ssyncset.done $0x0  }
0xa0: {  	[sflag:s22] =	ssyncadd.s32 s4;
	_ =	sdelay $0x1  }
0xa1: {  	s23 =	simm.s32 $0x1B8B  }
0xa2: {  	_ =	swait.ge [sflag:s23], $0x1  }
0xa3: {  	[sflag:s23] =	ssyncset.done $0x0  }
0xa4: {  	s25 =	simm.s32 $0x1B8E;
	s24 =	sld [smem:$0x3FFE];
	[sflag:s23] =	ssyncadd.s32 $0xFFFFFFFF  }
0xa5: {  	s26 =	simm.s32 $execute0_lowered;
	[smem:$0x3FD2] =	sst s25  }
0xa6: {  	s5 =	sshll.u32 s26, $0x1;
	_ =	strace $0x80000046;
	[dreg:$0x1] =	wrdreg $0xFFFFFFFF  }
0xa7: {  	s28 =	simm.s32 $_size_execute0_lowered;
	s3 =	sadd.s32 s3, s5;
	[dreg:$0x0] =	wrdreg $0x0  }
0xa8: {  	s5 =	sshll.u32 s28, $0x1;
	[dreg:$0x2] =	wrdreg s3  }
0xa9: {  	[dreg:$0x3] =	wrdreg s5  }
0xaa: {  	[dreg:$0x4] =	wrdreg $0xC0  }
0xab: {  	_ =	task [dreg:s7], $0x5FFFF  }
0xac: {  	[dreg:$0x1] =	wrdreg $0xFFFFFFFF  }
0xad: {  	[dreg:$0x0] =	wrdreg $0x60  }
0xae: {  	[dreg:$0x2] =	wrdreg s2  }
0xaf: {  	[dreg:$0x3] =	wrdreg s24  }
0xb0: {  	[dreg:$0x4] =	wrdreg $0x14800  }
0xb1: {  	[dreg:$0x5] =	wrdreg $0x9  }
0xb2: {  	_ =	task.clear_ibuf [dreg:s7], $0x6FFFF;
	_ =	strace $0x90000046  }
0xb3: {  	s29 =	simm.s32 $0x9;
	_ =	strace $0x80000048  }
0xb4: {  	_ =	swait.ge [sflag:s29], $0x1  }
0xb5: {  	[sflag:s29] =	ssyncadd.s32 $0xFFFFFFFF  }
0xb6: {  	_ =	strace $0x90000048  }
0xb7: {  	_ =	sfence  }
0xb8: {  	s30 =	sld [smem:$0x0];
	_ =	sdelay $0x2  }
0xb9: {  	s31 =	sshll.u32 s1, $0xD;
	s1 =	sshrl.u32 s1, $0x2  }
0xba: {  	s3 =	sand.u32 $0x4000, s31;
	s1 =	sadd.s32 s1, s30  }
0xbb: {  	s0 =	sor.u32 s3, s0;
	s1 =	sshll.u32 s1, $0x11  }
0xbc: {  	s0 =	sor.u32 s1, s0  }
0xbd: {  	s0 =	sadd.s32 $0x8F2B, s0  }
0xbe: {  	[sflag:s0] =	ssyncadd.remote.s32 $0x1  }
0xbf: {  	_ =	sfence.sel $0xFFFF  }
0xc0: {  	[dreg:$0x0] =	wrdreg $0xFFFFFFFF;
	(pc) =	sbr.abs _section_cstart, $3  }
0xc1: {  	[dreg:$0x1] =	wrdreg $0xFFFFFFFF  }
0xc2: {  	_ =	task.clear_ibuf [dreg:s7], $0x2FFFF;
	_ =	strace $0x9FFFFFFF  }
0xc3: {  	(tm) =	ssettm $0x7FFFFFFF  }
tec
execute0_lowered:
.L_overlay_start_1:
0x0: {  	(tag) =	ssettag $0x1  }
0x1: {  	s3 =	rddreg [dreg:$0x0]  }
0x2: {  	s0 =	srdreg.scid;
	s4 =	rddreg [dreg:$0x1]  }
0x3: {  	s14 =	stileid.u32;
	s1 =	rddreg [dreg:$0x2]  }
0x4: {  	s2 =	simm.s32 $0x0;
	s11 =	simm.s32 $0x800;
	s12 =	simm.s32 $0x880  }
0x5: {  	s13 =	simm.s32 $0xB00;
	s16 =	simm.s32 $0xA80;
	s17 =	simm.s32 $0xB80  }
0x6: {  	s18 =	simm.s32 $0x0;
	s5 =	sand.u32 $0x1, s0;
	s0 =	rddreg [dreg:$0x3]  }
0x7: {  	s30 =	sshll.u32 s14, $0x1;
	s7 =	sshrl.u32 s14, $0x2;
	[smem:$0x7FF] =	sst s2  }
0x8: {  	p0 =	slt.u32 s14, $0x8;
	p1 =	sne.s32 s14, $0x0;
	s14 =	simm.s32 $0xC80  }
0x9: {  	s6 =	sor.u32 s5, s30;
	s9 =	sshll.u32 s7, $0xA;
	_ =	strace $0x80000047  }
0xa: {  	s7 =	sshll.u32 s7, $0xE;
	s10 =	ssub.s32 $0x2, s5;
	s15 =	sshll.u32 s5, $0xB  }
0xb: {  	s8 =	sshll.u32 s6, $0x7;
	s6 =	sshll.u32 s6, $0x5;
	s31 =	sshrl.u32 s10, $0x1  }
0xc: {  	v0 =	vmov s15;
	s15 =	simm.s32 $0xA00;
	s8 =	sand.u32 $0x380, s8;
	s6 =	sadd.s32 s6, s4  }
.Ltmp0:
0xd: {  	s9 =	sor.u32 s9, s8;
	s7 =	sor.u32 s7, s8;
	(pc) =	sbr.rel .LBB2_1-.Ltmp0, $4  }
0xe: {  	s8 =	ssub.s32 s10, s31;
	s5 =	sadd.s32 $0x1E00, s6;
	s6 =	sadd.s32 $0x1C00, s6  }
0xf: {  	s10 =	simm.s32 $0x1;
	s9 =	sshrl.u32 s9, $0x3;
	s7 =	sshrl.u32 s7, $0x3  }
0x10: {  	v1 =	vlaneseq.u32;
	s9 =	sadd.s32 s9, s4;
	s3 =	sadd.s32 s3, s7;
	s7 =	smax.u32 s8, $0x1  }
0x11: {  	v2 =	vimm.s32 $0x0;
	v4 =	vimm.f32 $0.0e+00;
	v3 =	vor.u32 $0x100, v1;
	s8 =	simm.s32 $0x80;
	s4 =	sadd.s32 $0x1A00, s9;
	s9 =	simm.s32 $0x400  }
.LBB2_2:
0x12: {  	[bflag:$0x0] =	sbarrier.arrive $0xFFFF  }
0x13: {  	[bflag:$0x0] =	sbarrier.arrive $0xFFFF  }
.LBB2_10:
0x14: {  	s18 =	sadd.s32 $0x1, s18  }
0x15: {  	p2 =	sne.s32 s18, s7  }
.Ltmp1:
0x16: {  	_ = 	snop;
	(pc) =	sbr.rel @!p2 .LBB2_11-.Ltmp1, $1  }
0x17: {  	_ =	sdelay $0x3  }
.LBB2_1:
.Ltmp2:
0x18: {  	(pc) =	sbr.rel @!p0 .LBB2_2-.Ltmp2, $1  }
0x19: {  	_ =	sdelay $0x3  }
0x1a: {  	s19 =	simm.s32 $0x0  }
0x1b: {  	[tilespmem:s19], [sflag:$0x1] =	stream.strided.gather [hbm4b:s3+s8], $0x800, s9, s8, $0x38;
	[tilespmem:$0x1500] =	vst v63  }
0x1c: {  	_ =	swait.ge [sflag:s10], $0x800  }
0x1d: {  	[sflag:s10] =	ssyncset.done $0x0  }
0x1e: {  	[sflag:s10] =	ssyncadd.s32 $0xFFFFF800  }
0x1f: {  	[tilespmem:s11], [sflag:$0x1] =	stream.linear.gather [hbm4b:s4+s19], $0x80, $0x38;
	[tilespmem:$0x1500] =	vst v63  }
0x20: {  	_ =	swait.ge [sflag:s10], $0x80  }
0x21: {  	[sflag:s10] =	ssyncset.done $0x0  }
0x22: {  	[sflag:s10] =	ssyncadd.s32 $0xFFFFFF80  }
0x23: {  	v5 =	vld [tilespmem:$0x800]  }
0x24: {  	v7 =	vld [tilespmem:s19+$0x0]  }
0x25: {  	v6 =	vimm.s32 $0x0;
	s21 =	simm.s32 $0x10;
	v8 =	vimm.s32 $0x0;
	s20 =	simm.s32 $0x0;
	s22 =	simm.s32 $0x0  }
.LBB2_4:
0x26: {  	p2 =	sne.s32 s21, $0x7F0;
	_ =	sdelay $0x2  }
0x27: {  	vm0 =	vlt.s32 v5, v7  }
0x28: {  	v9 =	vsel vm0, $0x1, v2;
	v10 =	vmpcnt.ones.xlane vm0  }
0x29: {  	(xrf0) =	vadd.scan.msk.s32 $0xffff, v9  }
0x2a: {  	v6 =	vadd.s32 v6, v10;
	_ =	sdelay $0x3  }
0x2b: {  	v9 =	vsel vm0, $0xFFFFFFFF, v2  }
0x2c: {  	v9 =	vadd.s32 v9, v8;
	v8 =	vmov v6;
	v10, _, _ =	vpop (xrf0)  }
0x2d: {  	v9 =	vadd.s32 v10, v9  }
0x2e: {  	v9 =	vsel vm0, v9, v3;
	_ =	sdelay $0x3  }
.Ltmp3:
0x2f: {  	v10 =	vor.u32 s20, v1;
	s20 =	smov.u32 s21;
	(pc) =	sbr.rel @p2 .LBB2_4-.Ltmp3, $4  }
0x30: {  	[tilespmem:v9+s12+$0x0] =	vst.idx.msk $0xffff, v10  }
0x31: {  	s22 =	sadd.s32 $0x10, s22;
	[tilespmem:v9+s13+$0x0] =	vst.idx.msk $0xffff, v7  }
0x32: {  	v7 =	vld [tilespmem:s22+$0x0]  }
0x33: {  	s21 =	sadd.s32 $0x10, s21  }
0x34: {  	_ =	sdelay $0x2  }
0x35: {  	vm0 =	vlt.s32 v5, v7  }
0x36: {  	v9 =	vsel vm0, $0x1, v2  }
0x37: {  	(xrf0) =	vadd.scan.msk.s32 $0xffff, v9;
	_ =	sdelay $0x2  }
0x38: {  	v9 =	vsel vm0, $0xFFFFFFFF, v2;
	_ =	sdelay $0x2  }
0x39: {  	v8 =	vadd.s32 v9, v8;
	v9, _, _ =	vpop (xrf0)  }
0x3a: {  	v8 =	vadd.s32 v9, v8  }
0x3b: {  	v9 =	vsel vm0, v8, v3;
	_ =	sdelay $0x3  }
0x3c: {  	v10 =	vor.u32 s20, v1  }
0x3d: {  	v8 =	vmpcnt.ones.xlane vm0;
	[tilespmem:v9+s12+$0x0] =	vst.idx.msk $0xffff, v10  }
0x3e: {  	[tilespmem:v9+s13+$0x0] =	vst.idx.msk $0xffff, v7  }
0x3f: {  	v8 =	vadd.s32 v6, v8;
	v6 =	vld [tilespmem:s19+$0x0]  }
0x40: {  	s20 =	simm.s32 $0x10;
	s21 =	simm.s32 $0x0;
	v7 =	vmov v8  }
.LBB2_6:
0x41: {  	p2 =	sne.s32 s20, $0x7F0;
	_ =	sdelay $0x2  }
0x42: {  	vm0 =	veq.s32 v5, v6  }
0x43: {  	v9 =	vsel vm0, $0x1, v2;
	v10 =	vmpcnt.ones.xlane vm0  }
0x44: {  	(xrf0) =	vadd.scan.msk.s32 $0xffff, v9  }
0x45: {  	v8 =	vadd.s32 v8, v10;
	_ =	sdelay $0x3  }
0x46: {  	v9 =	vsel vm0, $0xFFFFFFFF, v2  }
0x47: {  	v9 =	vadd.s32 v9, v7;
	v7 =	vmov v8;
	v10, _, _ =	vpop (xrf0)  }
0x48: {  	v9 =	vadd.s32 v10, v9  }
0x49: {  	vm1 =	vlt.s32 v9, $0x100  }
0x4a: {  	vm0 =	vmand vm0, vm1  }
0x4b: {  	v9 =	vsel vm0, v9, v3;
	_ =	sdelay $0x3  }
.Ltmp4:
0x4c: {  	v10 =	vor.u32 s19, v1;
	s19 =	smov.u32 s20;
	(pc) =	sbr.rel @p2 .LBB2_6-.Ltmp4, $4  }
0x4d: {  	[tilespmem:v9+s12+$0x0] =	vst.idx.msk $0xffff, v10  }
0x4e: {  	s21 =	sadd.s32 $0x10, s21;
	[tilespmem:v9+s13+$0x0] =	vst.idx.msk $0xffff, v6  }
0x4f: {  	v6 =	vld [tilespmem:s21+$0x0]  }
0x50: {  	s20 =	sadd.s32 $0x10, s20  }
0x51: {  	_ =	sdelay $0x2  }
0x52: {  	vm0 =	veq.s32 v5, v6  }
0x53: {  	v5 =	vsel vm0, $0x1, v2  }
0x54: {  	(xrf0) =	vadd.scan.msk.s32 $0xffff, v5;
	_ =	sdelay $0x4  }
0x55: {  	v5 =	vsel vm0, $0xFFFFFFFF, v2  }
0x56: {  	v5 =	vadd.s32 v5, v7;
	v7, _, _ =	vpop (xrf0)  }
0x57: {  	v5 =	vadd.s32 v7, v5  }
0x58: {  	vm1 =	vlt.s32 v5, $0x100  }
0x59: {  	vm0 =	vmand vm0, vm1  }
0x5a: {  	v5 =	vsel vm0, v5, v3;
	_ =	sdelay $0x1  }
.Ltmp5:
0x5b: {  	_ = 	snop;
	(pc) =	sbr.rel @p1 .LBB2_9-.Ltmp5, $4  }
0x5c: {  	_ = 	snop  }
0x5d: {  	v7 =	vor.u32 s19, v1  }
0x5e: {  	[tilespmem:v5+s12+$0x0] =	vst.idx.msk $0xffff, v7  }
0x5f: {  	[tilespmem:v5+s13+$0x0] =	vst.idx.msk $0xffff, v6  }
0x60: {  	[tilespmem:$0xC80] =	vst v4  }
0x61: {  	[tilespmem:$0xC90] =	vst v4  }
0x62: {  	[tilespmem:$0xCA0] =	vst v4  }
0x63: {  	[tilespmem:$0xCB0] =	vst v4  }
0x64: {  	[tilespmem:$0xCC0] =	vst v4  }
0x65: {  	[tilespmem:$0xCD0] =	vst v4  }
0x66: {  	[tilespmem:$0xCE0] =	vst v4  }
0x67: {  	[tilespmem:$0xCF0] =	vst v4  }
0x68: {  	[tilespmem:$0xD00] =	vst v4  }
0x69: {  	[tilespmem:$0xD10] =	vst v4  }
0x6a: {  	[tilespmem:$0xD20] =	vst v4  }
0x6b: {  	[tilespmem:$0xD30] =	vst v4  }
0x6c: {  	[tilespmem:$0xD40] =	vst v4  }
0x6d: {  	[tilespmem:$0xD50] =	vst v4  }
0x6e: {  	[tilespmem:$0xD60] =	vst v4  }
0x6f: {  	[tilespmem:$0xD70] =	vst v4  }
0x70: {  	[tilespmem:$0xD80] =	vst v4  }
0x71: {  	[tilespmem:$0xD90] =	vst v4  }
0x72: {  	[tilespmem:$0xDA0] =	vst v4  }
0x73: {  	[tilespmem:$0xDB0] =	vst v4  }
0x74: {  	[tilespmem:$0xDC0] =	vst v4  }
0x75: {  	[tilespmem:$0xDD0] =	vst v4  }
0x76: {  	[tilespmem:$0xDE0] =	vst v4  }
0x77: {  	[tilespmem:$0xDF0] =	vst v4  }
0x78: {  	[tilespmem:$0xE00] =	vst v4  }
0x79: {  	[tilespmem:$0xE10] =	vst v4  }
0x7a: {  	[tilespmem:$0xE20] =	vst v4  }
0x7b: {  	[tilespmem:$0xE30] =	vst v4  }
0x7c: {  	[tilespmem:$0xE40] =	vst v4  }
0x7d: {  	[tilespmem:$0xE50] =	vst v4  }
0x7e: {  	[tilespmem:$0xE60] =	vst v4  }
0x7f: {  	[tilespmem:$0xE70] =	vst v4  }
0x80: {  	[tilespmem:$0xE80] =	vst v4  }
0x81: {  	[tilespmem:$0xE90] =	vst v4  }
0x82: {  	[tilespmem:$0xEA0] =	vst v4  }
0x83: {  	[tilespmem:$0xEB0] =	vst v4  }
0x84: {  	[tilespmem:$0xEC0] =	vst v4  }
0x85: {  	[tilespmem:$0xED0] =	vst v4  }
0x86: {  	[tilespmem:$0xEE0] =	vst v4  }
0x87: {  	[tilespmem:$0xEF0] =	vst v4  }
0x88: {  	[tilespmem:$0xF00] =	vst v4  }
0x89: {  	[tilespmem:$0xF10] =	vst v4  }
0x8a: {  	[tilespmem:$0xF20] =	vst v4  }
0x8b: {  	[tilespmem:$0xF30] =	vst v4  }
0x8c: {  	[tilespmem:$0xF40] =	vst v4  }
0x8d: {  	[tilespmem:$0xF50] =	vst v4  }
0x8e: {  	[tilespmem:$0xF60] =	vst v4  }
0x8f: {  	[tilespmem:$0xF70] =	vst v4  }
0x90: {  	[tilespmem:$0xF80] =	vst v4  }
0x91: {  	[tilespmem:$0xF90] =	vst v4  }
0x92: {  	[tilespmem:$0xFA0] =	vst v4  }
0x93: {  	[tilespmem:$0xFB0] =	vst v4  }
0x94: {  	[tilespmem:$0xFC0] =	vst v4  }
0x95: {  	[tilespmem:$0xFD0] =	vst v4  }
0x96: {  	[tilespmem:$0xFE0] =	vst v4  }
0x97: {  	[tilespmem:$0xFF0] =	vst v4  }
0x98: {  	[tilespmem:$0x1000] =	vst v4  }
0x99: {  	[tilespmem:$0x1010] =	vst v4  }
0x9a: {  	[tilespmem:$0x1020] =	vst v4  }
0x9b: {  	[tilespmem:$0x1030] =	vst v4  }
0x9c: {  	[tilespmem:$0x1040] =	vst v4  }
0x9d: {  	[tilespmem:$0x1050] =	vst v4  }
0x9e: {  	[tilespmem:$0x1060] =	vst v4  }
0x9f: {  	[tilespmem:$0x1070] =	vst v4  }
0xa0: {  	[tilespmem:$0x1080] =	vst v4  }
0xa1: {  	[tilespmem:$0x1090] =	vst v4  }
0xa2: {  	[tilespmem:$0x10A0] =	vst v4  }
0xa3: {  	[tilespmem:$0x10B0] =	vst v4  }
0xa4: {  	[tilespmem:$0x10C0] =	vst v4  }
0xa5: {  	[tilespmem:$0x10D0] =	vst v4  }
0xa6: {  	[tilespmem:$0x10E0] =	vst v4  }
0xa7: {  	[tilespmem:$0x10F0] =	vst v4  }
0xa8: {  	[tilespmem:$0x1100] =	vst v4  }
0xa9: {  	[tilespmem:$0x1110] =	vst v4  }
0xaa: {  	[tilespmem:$0x1120] =	vst v4  }
0xab: {  	[tilespmem:$0x1130] =	vst v4  }
0xac: {  	[tilespmem:$0x1140] =	vst v4  }
0xad: {  	[tilespmem:$0x1150] =	vst v4  }
0xae: {  	[tilespmem:$0x1160] =	vst v4  }
0xaf: {  	[tilespmem:$0x1170] =	vst v4  }
0xb0: {  	[tilespmem:$0x1180] =	vst v4  }
0xb1: {  	[tilespmem:$0x1190] =	vst v4  }
0xb2: {  	[tilespmem:$0x11A0] =	vst v4  }
0xb3: {  	[tilespmem:$0x11B0] =	vst v4  }
0xb4: {  	[tilespmem:$0x11C0] =	vst v4  }
0xb5: {  	[tilespmem:$0x11D0] =	vst v4  }
0xb6: {  	[tilespmem:$0x11E0] =	vst v4  }
0xb7: {  	[tilespmem:$0x11F0] =	vst v4  }
0xb8: {  	[tilespmem:$0x1200] =	vst v4  }
0xb9: {  	[tilespmem:$0x1210] =	vst v4  }
0xba: {  	[tilespmem:$0x1220] =	vst v4  }
0xbb: {  	[tilespmem:$0x1230] =	vst v4  }
0xbc: {  	[tilespmem:$0x1240] =	vst v4  }
0xbd: {  	[tilespmem:$0x1250] =	vst v4  }
0xbe: {  	[tilespmem:$0x1260] =	vst v4  }
0xbf: {  	[tilespmem:$0x1270] =	vst v4  }
0xc0: {  	[tilespmem:$0x1280] =	vst v4  }
0xc1: {  	[tilespmem:$0x1290] =	vst v4  }
0xc2: {  	[tilespmem:$0x12A0] =	vst v4  }
0xc3: {  	[tilespmem:$0x12B0] =	vst v4  }
0xc4: {  	[tilespmem:$0x12C0] =	vst v4  }
0xc5: {  	[tilespmem:$0x12D0] =	vst v4  }
0xc6: {  	[tilespmem:$0x12E0] =	vst v4  }
0xc7: {  	[tilespmem:$0x12F0] =	vst v4  }
0xc8: {  	[tilespmem:$0x1300] =	vst v4  }
0xc9: {  	[tilespmem:$0x1310] =	vst v4  }
0xca: {  	[tilespmem:$0x1320] =	vst v4  }
0xcb: {  	[tilespmem:$0x1330] =	vst v4  }
0xcc: {  	[tilespmem:$0x1340] =	vst v4  }
0xcd: {  	[tilespmem:$0x1350] =	vst v4  }
0xce: {  	[tilespmem:$0x1360] =	vst v4  }
0xcf: {  	[tilespmem:$0x1370] =	vst v4  }
0xd0: {  	[tilespmem:$0x1380] =	vst v4  }
0xd1: {  	[tilespmem:$0x1390] =	vst v4  }
0xd2: {  	[tilespmem:$0x13A0] =	vst v4  }
0xd3: {  	[tilespmem:$0x13B0] =	vst v4  }
0xd4: {  	[tilespmem:$0x13C0] =	vst v4  }
0xd5: {  	[tilespmem:$0x13D0] =	vst v4  }
0xd6: {  	[tilespmem:$0x13E0] =	vst v4  }
0xd7: {  	[tilespmem:$0x13F0] =	vst v4  }
0xd8: {  	[tilespmem:$0x1400] =	vst v4  }
0xd9: {  	[tilespmem:$0x1410] =	vst v4  }
0xda: {  	[tilespmem:$0x1420] =	vst v4  }
0xdb: {  	[tilespmem:$0x1430] =	vst v4  }
0xdc: {  	[tilespmem:$0x1440] =	vst v4  }
0xdd: {  	[tilespmem:$0x1450] =	vst v4  }
0xde: {  	[tilespmem:$0x1460] =	vst v4  }
0xdf: {  	[tilespmem:$0x1470] =	vst v4  }
0xe0: {  	[spmem:s1] =	stream.linear.scatter [tilespmem:s14], [sflag:$0x1], $0x800, $0x38;
	[tilespmem:$0x1500] =	vst v63  }
0xe1: {  	_ =	swait.ge [sflag:s10], $0x800  }
0xe2: {  	[sflag:s10] =	ssyncset.done $0x0  }
0xe3: {  	[sflag:s10] =	ssyncadd.s32 $0xFFFFF800  }
.LBB2_9:
0xe4: {  	[bflag:$0x0] =	sbarrier.arrive $0xFFFF  }
0xe5: {  	v5 =	vld [tilespmem:$0x880]  }
0xe6: {  	v6 =	vld [tilespmem:$0x890]  }
0xe7: {  	v7 =	vld [tilespmem:$0x8A0]  }
0xe8: {  	v8 =	vld [tilespmem:$0x8B0]  }
0xe9: {  	v9 =	vld [tilespmem:$0x8C0]  }
0xea: {  	[tilespmem:$0xA00] =	vst v5;
	v5 =	vld [tilespmem:$0x8D0]  }
0xeb: {  	[tilespmem:$0xA10] =	vst v6;
	v6 =	vld [tilespmem:$0x8E0]  }
0xec: {  	[tilespmem:$0xA20] =	vst v7;
	v7 =	vld [tilespmem:$0x8F0]  }
0xed: {  	[tilespmem:$0xA30] =	vst v8  }
0xee: {  	[tilespmem:$0xA40] =	vst v9  }
0xef: {  	[tilespmem:$0xA50] =	vst v5  }
0xf0: {  	[tilespmem:$0xA60] =	vst v6  }
0xf1: {  	[tilespmem:$0xA70] =	vst v7  }
0xf2: {  	[spmem:s1] =	stream.indirect.scatter.add.f32 [tilespmem:s13], [sflag:$0x1], $0x1, s15, s8, $0xb8;
	[tilespmem:$0x1500] =	vst v63  }
0xf3: {  	_ =	swait.ge [sflag:s10], $0x80  }
0xf4: {  	[sflag:s10] =	ssyncset.done $0x0  }
0xf5: {  	[sflag:s10] =	ssyncadd.s32 $0xFFFFFF80  }
0xf6: {  	v5 =	vld [tilespmem:$0x900]  }
0xf7: {  	v6 =	vld [tilespmem:$0x910]  }
0xf8: {  	v7 =	vld [tilespmem:$0x920]  }
0xf9: {  	v47 =	vld [tilespmem:$0x930]  }
0xfa: {  	v48 =	vld [tilespmem:$0x940]  }
0xfb: {  	[tilespmem:$0xA80] =	vst v5;
	v5 =	vld [tilespmem:$0x950]  }
0xfc: {  	[tilespmem:$0xA90] =	vst v6;
	v6 =	vld [tilespmem:$0x960]  }
0xfd: {  	[tilespmem:$0xAA0] =	vst v7;
	v7 =	vld [tilespmem:$0x970]  }
0xfe: {  	[tilespmem:$0xAB0] =	vst v47  }
0xff: {  	[tilespmem:$0xAC0] =	vst v48  }
0x100: {  	[tilespmem:$0xAD0] =	vst v5  }
0x101: {  	[tilespmem:$0xAE0] =	vst v6  }
0x102: {  	[tilespmem:$0xAF0] =	vst v7  }
0x103: {  	[spmem:s1] =	stream.indirect.scatter.add.f32 [tilespmem:s17], [sflag:$0x1], $0x1, s16, s8, $0xb8;
	[tilespmem:$0x1500] =	vst v63  }
0x104: {  	_ =	swait.ge [sflag:s10], $0x80  }
0x105: {  	[sflag:s10] =	ssyncset.done $0x0  }
0x106: {  	[sflag:s10] =	ssyncadd.s32 $0xFFFFFF80  }
0x107: {  	[bflag:$0x0] =	sbarrier.arrive $0xFFFF  }
0x108: {  	[tilespmem:s2], [sflag:$0x1] =	stream.linear.gather [spmem:s1], $0x800, $0x38;
	[tilespmem:$0x1500] =	vst v63  }
0x109: {  	_ =	swait.ge [sflag:s10], $0x800  }
0x10a: {  	[sflag:s10] =	ssyncset.done $0x0  }
0x10b: {  	[sflag:s10] =	ssyncadd.s32 $0xFFFFF800  }
0x10c: {  	v5 =	vld [tilespmem:$0x880];
	_ =	sdelay $0x7  }
0x10d: {  	v6 =	vld.idx.msk [tilespmem:v5+s2+$0x0], $0xffff;
	_ =	sdelay $0x4  }
0x10e: {  	v6 =	vadd.f32 $9.999999960e-13, v6;
	_ =	sdelay $0x1  }
0x10f: {  	(erf) = vrcp.f32 v6;
	_ =	sdelay $0x3  }
0x110: {  	v7 =	vld [tilespmem:$0x890]  }
0x111: {  	v6 =	vld [tilespmem:$0xB00];
	_ =	sdelay $0x3  }
0x112: {  	v49 =	vpop (erf)  }
0x113: {  	v5 =	vadd.s32 v0, v5;
	v6 =	vmul.f32 v49, v6  }
0x114: {  	[tilespmem:$0x880] =	vst v5  }
0x115: {  	[tilespmem:$0xB00] =	vst v6  }
0x116: {  	v5 =	vld.idx.msk [tilespmem:v7+s2+$0x0], $0xffff;
	_ =	sdelay $0x4  }
0x117: {  	v5 =	vadd.f32 $9.999999960e-13, v5;
	_ =	sdelay $0x1  }
0x118: {  	(erf) = vrcp.f32 v5;
	_ =	sdelay $0x4  }
0x119: {  	v5 =	vld [tilespmem:$0xB10]  }
0x11a: {  	v6 =	vld [tilespmem:$0x8A0];
	_ =	sdelay $0x2  }
0x11b: {  	v50 =	vpop (erf)  }
0x11c: {  	v5 =	vmul.f32 v50, v5;
	_ =	sdelay $0x1  }
0x11d: {  	[tilespmem:$0xB10] =	vst v5;
	v5 =	vadd.s32 v0, v7  }
0x11e: {  	[tilespmem:$0x890] =	vst v5  }
0x11f: {  	v5 =	vld.idx.msk [tilespmem:v6+s2+$0x0], $0xffff;
	_ =	sdelay $0x4  }
0x120: {  	v5 =	vadd.f32 $9.999999960e-13, v5;
	_ =	sdelay $0x1  }
0x121: {  	(erf) = vrcp.f32 v5;
	_ =	sdelay $0x4  }
0x122: {  	v5 =	vld [tilespmem:$0xB20]  }
0x123: {  	v7 =	vld [tilespmem:$0x8B0];
	_ =	sdelay $0x2  }
0x124: {  	v51 =	vpop (erf)  }
0x125: {  	v5 =	vmul.f32 v51, v5;
	_ =	sdelay $0x1  }
0x126: {  	[tilespmem:$0xB20] =	vst v5;
	v5 =	vadd.s32 v0, v6  }
0x127: {  	[tilespmem:$0x8A0] =	vst v5  }
0x128: {  	v5 =	vld.idx.msk [tilespmem:v7+s2+$0x0], $0xffff;
	_ =	sdelay $0x4  }
0x129: {  	v5 =	vadd.f32 $9.999999960e-13, v5;
	_ =	sdelay $0x1  }
0x12a: {  	(erf) = vrcp.f32 v5;
	_ =	sdelay $0x4  }
0x12b: {  	v5 =	vld [tilespmem:$0xB30]  }
0x12c: {  	v6 =	vld [tilespmem:$0x8C0];
	_ =	sdelay $0x2  }
0x12d: {  	v52 =	vpop (erf)  }
0x12e: {  	v5 =	vmul.f32 v52, v5;
	_ =	sdelay $0x1  }
0x12f: {  	[tilespmem:$0xB30] =	vst v5;
	v5 =	vadd.s32 v0, v7  }
0x130: {  	[tilespmem:$0x8B0] =	vst v5  }
0x131: {  	v5 =	vld.idx.msk [tilespmem:v6+s2+$0x0], $0xffff;
	_ =	sdelay $0x4  }
0x132: {  	v5 =	vadd.f32 $9.999999960e-13, v5;
	_ =	sdelay $0x1  }
0x133: {  	(erf) = vrcp.f32 v5;
	_ =	sdelay $0x4  }
0x134: {  	v5 =	vld [tilespmem:$0xB40]  }
0x135: {  	v7 =	vld [tilespmem:$0x8D0];
	_ =	sdelay $0x2  }
0x136: {  	v53 =	vpop (erf)  }
0x137: {  	v5 =	vmul.f32 v53, v5;
	_ =	sdelay $0x1  }
0x138: {  	[tilespmem:$0xB40] =	vst v5;
	v5 =	vadd.s32 v0, v6  }
0x139: {  	[tilespmem:$0x8C0] =	vst v5  }
0x13a: {  	v5 =	vld.idx.msk [tilespmem:v7+s2+$0x0], $0xffff;
	_ =	sdelay $0x4  }
0x13b: {  	v5 =	vadd.f32 $9.999999960e-13, v5;
	_ =	sdelay $0x1  }
0x13c: {  	(erf) = vrcp.f32 v5;
	_ =	sdelay $0x4  }
0x13d: {  	v5 =	vld [tilespmem:$0xB50]  }
0x13e: {  	v6 =	vld [tilespmem:$0x8E0];
	_ =	sdelay $0x2  }
0x13f: {  	v54 =	vpop (erf)  }
0x140: {  	v5 =	vmul.f32 v54, v5;
	_ =	sdelay $0x1  }
0x141: {  	[tilespmem:$0xB50] =	vst v5;
	v5 =	vadd.s32 v0, v7  }
0x142: {  	[tilespmem:$0x8D0] =	vst v5  }
0x143: {  	v5 =	vld.idx.msk [tilespmem:v6+s2+$0x0], $0xffff;
	_ =	sdelay $0x4  }
0x144: {  	v5 =	vadd.f32 $9.999999960e-13, v5;
	_ =	sdelay $0x1  }
0x145: {  	(erf) = vrcp.f32 v5;
	_ =	sdelay $0x4  }
0x146: {  	v5 =	vld [tilespmem:$0xB60]  }
0x147: {  	v7 =	vld [tilespmem:$0x8F0];
	_ =	sdelay $0x2  }
0x148: {  	v55 =	vpop (erf)  }
0x149: {  	v5 =	vmul.f32 v55, v5;
	_ =	sdelay $0x1  }
0x14a: {  	[tilespmem:$0xB60] =	vst v5;
	v5 =	vadd.s32 v0, v6  }
0x14b: {  	[tilespmem:$0x8E0] =	vst v5  }
0x14c: {  	v5 =	vld.idx.msk [tilespmem:v7+s2+$0x0], $0xffff;
	_ =	sdelay $0x4  }
0x14d: {  	v5 =	vadd.f32 $9.999999960e-13, v5;
	_ =	sdelay $0x1  }
0x14e: {  	(erf) = vrcp.f32 v5;
	_ =	sdelay $0x4  }
0x14f: {  	v5 =	vld [tilespmem:$0xB70]  }
0x150: {  	v6 =	vld [tilespmem:$0x900];
	_ =	sdelay $0x2  }
0x151: {  	v56 =	vpop (erf)  }
0x152: {  	v5 =	vmul.f32 v56, v5;
	_ =	sdelay $0x1  }
0x153: {  	[tilespmem:$0xB70] =	vst v5;
	v5 =	vadd.s32 v0, v7  }
0x154: {  	[tilespmem:$0x8F0] =	vst v5  }
0x155: {  	v5 =	vld.idx.msk [tilespmem:v6+s2+$0x0], $0xffff;
	_ =	sdelay $0x4  }
0x156: {  	v5 =	vadd.f32 $9.999999960e-13, v5;
	_ =	sdelay $0x1  }
0x157: {  	(erf) = vrcp.f32 v5;
	_ =	sdelay $0x4  }
0x158: {  	v5 =	vld [tilespmem:$0xB80]  }
0x159: {  	v7 =	vld [tilespmem:$0x910];
	_ =	sdelay $0x2  }
0x15a: {  	v57 =	vpop (erf)  }
0x15b: {  	v5 =	vmul.f32 v57, v5;
	_ =	sdelay $0x1  }
0x15c: {  	[tilespmem:$0xB80] =	vst v5;
	v5 =	vadd.s32 v0, v6  }
0x15d: {  	[tilespmem:$0x900] =	vst v5  }
0x15e: {  	v5 =	vld.idx.msk [tilespmem:v7+s2+$0x0], $0xffff;
	_ =	sdelay $0x4  }
0x15f: {  	v5 =	vadd.f32 $9.999999960e-13, v5;
	_ =	sdelay $0x1  }
0x160: {  	(erf) = vrcp.f32 v5;
	_ =	sdelay $0x4  }
0x161: {  	v5 =	vld [tilespmem:$0xB90]  }
0x162: {  	v6 =	vld [tilespmem:$0x920];
	_ =	sdelay $0x2  }
0x163: {  	v58 =	vpop (erf)  }
0x164: {  	v5 =	vmul.f32 v58, v5;
	_ =	sdelay $0x1  }
0x165: {  	[tilespmem:$0xB90] =	vst v5;
	v5 =	vadd.s32 v0, v7  }
0x166: {  	[tilespmem:$0x910] =	vst v5  }
0x167: {  	v5 =	vld.idx.msk [tilespmem:v6+s2+$0x0], $0xffff;
	_ =	sdelay $0x4  }
0x168: {  	v5 =	vadd.f32 $9.999999960e-13, v5;
	_ =	sdelay $0x1  }
0x169: {  	(erf) = vrcp.f32 v5;
	_ =	sdelay $0x4  }
0x16a: {  	v5 =	vld [tilespmem:$0xBA0]  }
0x16b: {  	v7 =	vld [tilespmem:$0x930];
	_ =	sdelay $0x2  }
0x16c: {  	v59 =	vpop (erf)  }
0x16d: {  	v5 =	vmul.f32 v59, v5;
	_ =	sdelay $0x1  }
0x16e: {  	[tilespmem:$0xBA0] =	vst v5;
	v5 =	vadd.s32 v0, v6  }
0x16f: {  	[tilespmem:$0x920] =	vst v5  }
0x170: {  	v5 =	vld.idx.msk [tilespmem:v7+s2+$0x0], $0xffff;
	_ =	sdelay $0x4  }
0x171: {  	v5 =	vadd.f32 $9.999999960e-13, v5;
	_ =	sdelay $0x1  }
0x172: {  	(erf) = vrcp.f32 v5;
	_ =	sdelay $0x4  }
0x173: {  	v5 =	vld [tilespmem:$0xBB0]  }
0x174: {  	v6 =	vld [tilespmem:$0x940];
	_ =	sdelay $0x2  }
0x175: {  	v60 =	vpop (erf)  }
0x176: {  	v5 =	vmul.f32 v60, v5;
	_ =	sdelay $0x1  }
0x177: {  	[tilespmem:$0xBB0] =	vst v5;
	v5 =	vadd.s32 v0, v7  }
0x178: {  	[tilespmem:$0x930] =	vst v5  }
0x179: {  	v5 =	vld.idx.msk [tilespmem:v6+s2+$0x0], $0xffff;
	_ =	sdelay $0x4  }
0x17a: {  	v5 =	vadd.f32 $9.999999960e-13, v5;
	_ =	sdelay $0x1  }
0x17b: {  	(erf) = vrcp.f32 v5;
	_ =	sdelay $0x4  }
0x17c: {  	v5 =	vld [tilespmem:$0xBC0]  }
0x17d: {  	v7 =	vld [tilespmem:$0x950];
	_ =	sdelay $0x2  }
0x17e: {  	v61 =	vpop (erf)  }
0x17f: {  	v5 =	vmul.f32 v61, v5;
	_ =	sdelay $0x1  }
0x180: {  	[tilespmem:$0xBC0] =	vst v5;
	v5 =	vadd.s32 v0, v6  }
0x181: {  	[tilespmem:$0x940] =	vst v5  }
0x182: {  	v5 =	vld.idx.msk [tilespmem:v7+s2+$0x0], $0xffff;
	_ =	sdelay $0x4  }
0x183: {  	v5 =	vadd.f32 $9.999999960e-13, v5;
	_ =	sdelay $0x1  }
0x184: {  	(erf) = vrcp.f32 v5;
	_ =	sdelay $0x4  }
0x185: {  	v5 =	vld [tilespmem:$0xBD0]  }
0x186: {  	v6 =	vld [tilespmem:$0x960];
	_ =	sdelay $0x2  }
0x187: {  	v62 =	vpop (erf)  }
0x188: {  	v5 =	vmul.f32 v62, v5;
	_ =	sdelay $0x1  }
0x189: {  	[tilespmem:$0xBD0] =	vst v5;
	v5 =	vadd.s32 v0, v7  }
0x18a: {  	[tilespmem:$0x950] =	vst v5  }
0x18b: {  	v5 =	vld.idx.msk [tilespmem:v6+s2+$0x0], $0xffff;
	_ =	sdelay $0x4  }
0x18c: {  	v5 =	vadd.f32 $9.999999960e-13, v5;
	_ =	sdelay $0x1  }
0x18d: {  	(erf) = vrcp.f32 v5;
	_ =	sdelay $0x4  }
0x18e: {  	v5 =	vld [tilespmem:$0xBE0]  }
0x18f: {  	v7 =	vld [tilespmem:$0x970];
	_ =	sdelay $0x2  }
0x190: {  	v63 =	vpop (erf)  }
0x191: {  	v5 =	vmul.f32 v63, v5;
	_ =	sdelay $0x1  }
0x192: {  	[tilespmem:$0xBE0] =	vst v5;
	v5 =	vadd.s32 v0, v6  }
0x193: {  	[tilespmem:$0x960] =	vst v5  }
0x194: {  	v5 =	vld.idx.msk [tilespmem:v7+s2+$0x0], $0xffff;
	_ =	sdelay $0x4  }
0x195: {  	v5 =	vadd.f32 $9.999999960e-13, v5;
	_ =	sdelay $0x1  }
0x196: {  	(erf) = vrcp.f32 v5;
	_ =	sdelay $0x4  }
0x197: {  	v5 =	vld [tilespmem:$0xBF0];
	_ =	sdelay $0x3  }
0x198: {  	v6 =	vpop (erf)  }
0x199: {  	v5 =	vmul.f32 v6, v5;
	_ =	sdelay $0x1  }
0x19a: {  	[tilespmem:$0xBF0] =	vst v5;
	v5 =	vadd.s32 v0, v7  }
0x19b: {  	[tilespmem:$0x970] =	vst v5  }
0x19c: {  	[hbm4b:s5+s2] =	stream.linear.scatter [tilespmem:s12], [sflag:$0x1], $0x100, $0x38;
	[tilespmem:$0x1500] =	vst v63  }
0x19d: {  	_ =	swait.ge [sflag:s10], $0x100  }
0x19e: {  	[sflag:s10] =	ssyncset.done $0x0  }
.Ltmp6:
0x19f: {  	[sflag:s10] =	ssyncadd.s32 $0xFFFFFF00;
	(pc) =	sbr.rel .LBB2_10-.Ltmp6, $4  }
0x1a0: {  	[hbm4b:s6+s2] =	stream.linear.scatter [tilespmem:s13], [sflag:$0x1], $0x100, $0x38;
	[tilespmem:$0x1500] =	vst v63  }
0x1a1: {  	_ =	swait.ge [sflag:s10], $0x100  }
0x1a2: {  	[sflag:s10] =	ssyncset.done $0x0  }
0x1a3: {  	[sflag:s10] =	ssyncadd.s32 $0xFFFFFF00  }
.LBB2_11:
0x1a4: {  	_ =	sfence.sel $0x180000  }
0x1a5: {  	[bflag:$0x0] =	sbarrier.arrive $0xFFFF  }
0x1a6: {  	_ =	strace $0x90000047  }
0x1a7: {  	s0 =	sadd.s32 @!p1 $0x100000, s0;
	[bflag:$0x2] =	sbarrier.arrive $0xFFFF  }
0x1a8: {  	[sflag:s0] =	ssyncadd.tile.s32 @!p1 $0x1;
	_ =	shalt  }
.Lfunc_end2:
_tile_overlayer_lowered:
.L_overlay_start_2:
0x1a9: {  	(tag) =	ssettag $0x2  }
0x1aa: {  	s0 =	rddreg [dreg:$0x0];
	s2 =	stileid.u32  }
0x1ab: {  	s1 =	rddreg [dreg:$0x1];
	p0 =	sne.s32 s2, $0x0  }
0x1ac: {  	s3 =	rddreg [dreg:$0x2];
	[bflag:$0x3] =	sbarrier.arrive $0xFFFF;
	s2 =	simm.s32 @!p0 $0x1C01  }
0x1ad: {  	[timem:s3], [sflag:s2] =	dma.local @!p0 [hbm:s0], s1  }
0x1ae: {  	s0 =	simm.s32 @!p0 $0x1  }
0x1af: {  	_ =	swait.ge @!p0 [sflag:s0], s1  }
0x1b0: {  	s1 =	ssub.s32 @!p0 $0x0, s1;
	[sflag:s0] =	ssyncset.done @!p0 $0x0  }
0x1b1: {  	[sflag:s0] =	ssyncadd.s32 @!p0 s1  }
0x1b2: {  	[bflag:$0x3] =	sbarrier.arrive $0xFFFF  }
0x1b3: {  	_ =	shalt  }

</sc_bundles>
